<compile_context>
chip_gen: v7x
topology: tpu7x:2x2x1
jax: 0.10.2.dev20260603
libtpu: 0.0.44.dev20260713+nightly
codegen_flags: <defaults>
</compile_context>

<pallas_src>
import functools

import jax
import jax.numpy as jnp
from jax import lax
from jax.experimental import pallas as pl
from jax.experimental.pallas import tpu as pltpu
from jax.experimental.pallas import tpu_sc as plsc

NC = 2
NS = 16
NW = NC * NS
CH = 128


def _sc_degree(dst2d, zeros128, ones128, n_sh, nr):
    zr = n_sh // NS
    d = ones128.shape[1]
    mesh = plsc.VectorSubcoreMesh(core_axis_name="c", subcore_axis_name="s")

    @functools.partial(
        pl.kernel,
        out_type=jax.ShapeDtypeStruct((NC, n_sh, d), jnp.float32),
        mesh=mesh,
        scratch_types=[
            pltpu.VMEM((nr, 4, CH // 4), jnp.int32),
            pltpu.VMEM((CH // 4, d), jnp.float32),
            pltpu.VMEM_SHARED((n_sh, d), jnp.float32),
        ],
    )
    def deg_kernel(dst_hbm, z_hbm, ones_hbm, out_hbm, dst_v, ones_v, deg_sh):
        cid = lax.axis_index("c")
        sid = lax.axis_index("s")
        w = cid * NS + sid
        pltpu.sync_copy(z_hbm, deg_sh.at[pl.ds(sid * zr, zr)])
        pltpu.sync_copy(ones_hbm, ones_v)
        pltpu.sync_copy(dst_hbm.at[pl.ds(w * nr, nr)], dst_v)
        plsc.subcore_barrier()

        @pl.loop(0, 4 * nr)
        def _(q):
            pltpu.sync_copy(ones_v, deg_sh.at[dst_v.at[q // 4, q % 4]],
                            add=True)

        plsc.subcore_barrier()
        pltpu.sync_copy(deg_sh.at[pl.ds(sid * zr, zr)],
                        out_hbm.at[cid].at[pl.ds(sid * zr, zr)])

    return deg_kernel(dst2d, zeros128, ones128)


def _sc_aggregate(y, src2d, dst3d, zeros128, n_sh, nr):
    d = y.shape[1]
    zr = n_sh // NS
    mesh = plsc.VectorSubcoreMesh(core_axis_name="c", subcore_axis_name="s")

    rb = 4
    chr_ = 32
    sub = CH // chr_
    sr = 8
    nr1 = (2 * nr) // 5 // sr * sr
    nr0 = 2 * nr - nr1
    assert nr0 % sr == 0 and nr1 % sr == 0 and nr0 > 0
    nsub = sr * sub
    assert nsub % rb == 0

    @functools.partial(
        pl.kernel,
        out_type=jax.ShapeDtypeStruct((NC, n_sh, d), jnp.float32),
        mesh=mesh,
        scratch_types=[
            pltpu.VMEM((sr, CH), jnp.int32),
            pltpu.VMEM((sr, sub, chr_), jnp.int32),
            pltpu.VMEM((rb * chr_, d), jnp.float32),
            pltpu.VMEM_SHARED((n_sh, d), jnp.float32),
            pltpu.SemaphoreType.DMA,
        ],
    )
    def agg_kernel(y_hbm, src_hbm, dst_hbm, z_hbm, out_hbm,
                   src_v, dst_v, rings, acc_sh, sem):
        cid = lax.axis_index("c")
        sid = lax.axis_index("s")

        def buf(b):
            return rings.at[pl.ds(b * chr_, chr_)]

        def gather(k, b):
            pltpu.async_copy(
                y_hbm.at[src_v.at[k // sub, pl.ds((k % sub) * chr_, chr_)]],
                buf(b), sem)

        def run_edges(row0, nrows):
            @pl.loop(0, nrows // sr)
            def _(st):
                base = pl.multiple_of(row0 + st * sr, 8)
                pltpu.sync_copy(src_hbm.at[pl.ds(base, sr)], src_v)
                pltpu.sync_copy(dst_hbm.at[pl.ds(base, sr)], dst_v)
                for b in range(rb):
                    gather(b, b)

                @pl.loop(0, nsub, step=rb)
                def _(j):
                    for b in range(rb):
                        k = j + b
                        pltpu.make_async_copy(
                            y_hbm.at[dst_v.at[0, 0]], buf(b), sem).wait()
                        pltpu.sync_copy(
                            buf(b), acc_sh.at[dst_v.at[k // sub, k % sub]],
                            add=True)

                        @pl.when(k + rb < nsub)
                        def _():
                            gather(k + rb, b)

        pltpu.sync_copy(z_hbm, acc_sh.at[pl.ds(sid * zr, zr)])
        plsc.subcore_barrier()

        @pl.when(cid == 0)
        def _():
            run_edges(sid * nr0, nr0)

        @pl.when(cid == 1)
        def _():
            run_edges(NS * nr0 + sid * nr1, nr1)

        plsc.subcore_barrier()
        pltpu.sync_copy(acc_sh.at[pl.ds(sid * zr, zr)],
                        out_hbm.at[cid].at[pl.ds(sid * zr, zr)])

    return agg_kernel(y, src2d, dst3d, zeros128)


def _dinv_block(dg):
    deg = dg[0] + dg[1] + 1.0
    return lax.rsqrt(deg)


def _tc_matmul(x, w):
    n = x.shape[0]
    bn = 2000 if n % 2000 == 0 else n

    def body(x_ref, w_ref, o_ref):
        o_ref[...] = lax.dot_general(
            x_ref[...], w_ref[...], (((1,), (0,)), ((), ())),
            precision=lax.Precision.DEFAULT,
            preferred_element_type=jnp.float32)

    return pl.pallas_call(
        body,
        grid=(n // bn,),
        in_specs=[pl.BlockSpec((bn, x.shape[1]), lambda i: (i, 0)),
                  pl.BlockSpec(w.shape, lambda i: (0, 0))],
        out_specs=pl.BlockSpec((bn, w.shape[1]), lambda i: (i, 0)),
        out_shape=jax.ShapeDtypeStruct((n, w.shape[1]), jnp.float32),
    )(x, w)


def _tc_scale(xw, deg_p, n):
    d = xw.shape[1]
    bn = 2000 if n % 2000 == 0 else n

    def body(xw_ref, dg_ref, o_ref):
        o_ref[...] = xw_ref[...] * _dinv_block(dg_ref[...])

    return pl.pallas_call(
        body,
        grid=(n // bn,),
        in_specs=[pl.BlockSpec((bn, d), lambda i: (i, 0)),
                  pl.BlockSpec((2, bn, d), lambda i: (0, i, 0))],
        out_specs=pl.BlockSpec((bn, d), lambda i: (i, 0)),
        out_shape=jax.ShapeDtypeStruct((n, d), jnp.float32),
    )(xw, deg_p)


def _tc_mid(acc_p, y1, deg_p, b1, w2, n):
    d = y1.shape[1]
    bn = 2000 if n % 2000 == 0 else n

    def body(a_ref, y_ref, dg_ref, b_ref, w_ref, o_ref):
        dinv = _dinv_block(dg_ref[...])
        a = a_ref[0] + a_ref[1] + y_ref[...]
        h = jnp.maximum(dinv * a + b_ref[...], 0.0)
        o_ref[...] = dinv * lax.dot_general(
            h, w_ref[...], (((1,), (0,)), ((), ())),
            precision=lax.Precision.DEFAULT,
            preferred_element_type=jnp.float32)

    return pl.pallas_call(
        body,
        grid=(n // bn,),
        in_specs=[pl.BlockSpec((2, bn, d), lambda i: (0, i, 0)),
                  pl.BlockSpec((bn, d), lambda i: (i, 0)),
                  pl.BlockSpec((2, bn, d), lambda i: (0, i, 0)),
                  pl.BlockSpec((1, d), lambda i: (0, 0)),
                  pl.BlockSpec(w2.shape, lambda i: (0, 0))],
        out_specs=pl.BlockSpec((bn, d), lambda i: (i, 0)),
        out_shape=jax.ShapeDtypeStruct((n, d), jnp.float32),
    )(acc_p, y1, deg_p, b1, w2)


def _tc_out(acc_p, y2, deg_p, b2, n):
    d = y2.shape[1]
    bn = 2000 if n % 2000 == 0 else n

    def body(a_ref, y_ref, dg_ref, b_ref, o_ref):
        dinv = _dinv_block(dg_ref[...])
        o_ref[...] = dinv * (a_ref[0] + a_ref[1] + y_ref[...]) + b_ref[...]

    return pl.pallas_call(
        body,
        grid=(n // bn,),
        in_specs=[pl.BlockSpec((2, bn, d), lambda i: (0, i, 0)),
                  pl.BlockSpec((bn, d), lambda i: (i, 0)),
                  pl.BlockSpec((2, bn, d), lambda i: (0, i, 0)),
                  pl.BlockSpec((1, d), lambda i: (0, 0))],
        out_specs=pl.BlockSpec((bn, d), lambda i: (i, 0)),
        out_shape=jax.ShapeDtypeStruct((n, d), jnp.float32),
    )(acc_p, y2, deg_p, b2)


def kernel(x, edge_index, W1, b1, W2, b2):
    n = x.shape[0]
    e = edge_index.shape[1]
    src = edge_index[0].astype(jnp.int32)
    dst = edge_index[1].astype(jnp.int32)

    epw = -(-e // (NW * CH * 8)) * CH * 8
    nr = epw // CH
    e_pad = epw * NW
    pad = e_pad - e
    src_p = jnp.concatenate([src, jnp.zeros((pad,), jnp.int32)])
    dst_p = jnp.concatenate([dst, jnp.full((pad,), n, jnp.int32)])
    src2d = src_p.reshape(e_pad // CH, CH)
    dst3d = dst_p.reshape(e_pad // CH, 4, CH // 4)
    dst2d = dst3d

    n_sh = -(-(n + 1) // (NS * 8)) * NS * 8
    zr = n_sh // NS
    zeros128 = jnp.zeros((zr, W1.shape[1]), jnp.float32)
    ones128 = jnp.ones((CH // 4, W1.shape[1]), jnp.float32)
    b1r = b1.reshape(1, -1)
    b2r = b2.reshape(1, -1)

    deg_p = _sc_degree(dst2d, zeros128, ones128, n_sh, nr)
    xw1 = _tc_matmul(x, W1)
    y1 = _tc_scale(xw1, deg_p, n)
    acc1 = _sc_aggregate(y1, src2d, dst3d, zeros128, n_sh, nr)
    y2 = _tc_mid(acc1, y1, deg_p, b1r, W2, n)
    acc2 = _sc_aggregate(y2, src2d, dst3d, zeros128, n_sh, nr)
    return _tc_out(acc2, y2, deg_p, b2r, n)

# --- scband reference (transcript-rebuilt; emitter-appended) ---
"""Pipeline reference for scband-gcn-28157805592771 (READ-ONLY COPY).

The authoritative reference and input builder live on the scoring server;
editing this copy changes nothing except your own understanding.
"""

import jax, jax.numpy as jnp
import numpy as np

N = 10000
E = 320000
INDIM = 128
HIDIM = 128
OUTDIM = 128


def gcn_conv(x, W, b, src, dst, n_nodes):
    # GCNConv: linear transform, then symmetric-normalized propagation with self-loops
    xw = x @ W
    loop = jnp.arange(n_nodes, dtype=src.dtype)
    src2 = jnp.concatenate([src, loop])
    dst2 = jnp.concatenate([dst, loop])
    deg = jnp.zeros((n_nodes,), dtype=xw.dtype).at[dst2].add(1.0)
    dinv = jnp.where(deg > 0, jax.lax.rsqrt(deg), 0.0)
    norm = dinv[src2] * dinv[dst2]
    msgs = xw[src2] * norm[:, None]
    out = jax.ops.segment_sum(msgs, dst2, num_segments=n_nodes)
    return out + b


def setup_inputs(seed: int = 0) -> dict:
    key = jax.random.key(seed)
    k1, k2, k3, k4, k5 = jax.random.split(key, 5)
    x = jax.random.normal(k1, (N, INDIM), dtype=jnp.float32)
    edge_index = jax.random.randint(k2, (2, E), 0, N, dtype=jnp.int64)
    s1 = float(np.sqrt(6.0 / (INDIM + HIDIM)))
    s2 = float(np.sqrt(6.0 / (HIDIM + OUTDIM)))
    W1 = jax.random.uniform(k3, (INDIM, HIDIM), dtype=jnp.float32, minval=-s1, maxval=s1)
    b1 = jnp.zeros((HIDIM,), dtype=jnp.float32)
    W2 = jax.random.uniform(k4, (HIDIM, OUTDIM), dtype=jnp.float32, minval=-s2, maxval=s2)
    b2 = jnp.zeros((OUTDIM,), dtype=jnp.float32)
    return {"x": x, "edge_index": edge_index, "W1": W1, "b1": b1, "W2": W2, "b2": b2}


def reference(x, edge_index, W1, b1, W2, b2):
    src = edge_index[0]
    dst = edge_index[1]
    n_nodes = x.shape[0]
    h = gcn_conv(x, W1, b1, src, dst, n_nodes)
    h = jax.nn.relu(h)
    h = gcn_conv(h, W2, b2, src, dst, n_nodes)
    return h

if __name__ == "__main__":
    import jax
    _d = setup_inputs()
    print(jax.jit(kernel)(*tuple(_d.values())))

</pallas_src>

<mosaic_0001>
#map = affine_map<(d0, d1) -> (0, 0)>
#map1 = affine_map<(d0, d1) -> (0, 0, 0)>
module attributes {stable_mosaic.version = 14 : i64} {
  func.func @agg_kernel(%arg0: i32, %arg1: i32, %arg2: memref<10000x128xf32, #tpu.memory_space<hbm>>, %arg3: memref<2560x128xi32, #tpu.memory_space<hbm>>, %arg4: memref<2560x4x32xi32, #tpu.memory_space<hbm>>, %arg5: memref<632x128xf32, #tpu.memory_space<hbm>>, %arg6: memref<2x10112x128xf32, #tpu.memory_space<hbm>>, %arg7: memref<8x128xi32, #tpu.memory_space<vmem>>, %arg8: memref<8x4x32xi32, #tpu.memory_space<vmem>>, %arg9: memref<128x128xf32, #tpu.memory_space<vmem>>, %arg10: memref<10112x128xf32, #tpu.memory_space<vmem_shared>>, %arg11: memref<!tpu.dma_semaphore, #tpu.memory_space<semaphore_mem>>) attributes {dimension_semantics = [#tpu.dimension_semantics<core_parallel>, #tpu.dimension_semantics<subcore_parallel>], iteration_bounds = array<i64: 2, 16>, scalar_prefetch = 0 : i64, scratch_operands = 5 : i64, tpu.core_type = #tpu.core_type<sc_vector_subcore>, window_params = [{transform_indices = #map}, {transform_indices = #map}, {transform_indices = #map1}, {transform_indices = #map}, {transform_indices = #map1}]} {
    %mul3A = arith.constant 632 : i32
    %mul3A_0 = arith.muli %arg1, %mul3A : i32
    "tpu.region"() ({
      %run_scoped3A = tpu.sem_alloc : memref<!tpu.dma_semaphore, #tpu.memory_space<semaphore_mem>>
      %dma_start3A = arith.constant 0 : i32
      %dma_start3A_13 = tpu.memref_slice %arg10[%mul3A_0, %dma_start3A] : memref<10112x128xf32, #tpu.memory_space<vmem_shared>> -> memref<632x128xf32, #tpu.memory_space<vmem_shared>>
      tpu.enqueue_dma source(%arg5 : memref<632x128xf32, #tpu.memory_space<hbm>>) target(%dma_start3A_13 : memref<632x128xf32, #tpu.memory_space<vmem_shared>>) target_semaphore(%run_scoped3A : memref<!tpu.dma_semaphore, #tpu.memory_space<semaphore_mem>>)
      %dma_wait3A = arith.constant 0 : i32
      %dma_wait3A_14 = tpu.memref_slice %arg10[%mul3A_0, %dma_wait3A] : memref<10112x128xf32, #tpu.memory_space<vmem_shared>> -> memref<632x128xf32, #tpu.memory_space<vmem_shared>>
      tpu.wait_dma2 semaphore(%run_scoped3A : memref<!tpu.dma_semaphore, #tpu.memory_space<semaphore_mem>>) src(%arg5 : memref<632x128xf32, #tpu.memory_space<hbm>>) dst(%dma_wait3A_14 : memref<632x128xf32, #tpu.memory_space<vmem_shared>>)
      tpu.yield
    }) : () -> ()
    %barrier3A = arith.constant 0 : index
    tpu.barrier barrier_id(%barrier3A)
    %eq3A = arith.constant 0 : i32
    %eq3A_1 = arith.cmpi eq, %arg0, %eq3A : i32
    %convert_element_type3A = arith.extui %eq3A_1 : i1 to i32
    %cond3A = arith.constant 0 : i32
    %cond3A_2 = arith.cmpi ne, %convert_element_type3A, %cond3A : i32
    scf.if %cond3A_2 {
      %mul3A_13 = arith.constant 128 : i32
      %mul3A_14 = arith.muli %arg1, %mul3A_13 : i32
      %scan3A = arith.constant 0 : i32
      %scan3A_15 = arith.constant 16 : i32
      %scan3A_16 = arith.addi %scan3A, %scan3A_15 : i32
      %scan3A_17 = arith.constant 1 : i32
      scf.for %scan3A_19 = %scan3A to %scan3A_16 step %scan3A_17  : i32 {
        %mul3A_20 = arith.constant 1 : i32
        %mul3A_21 = arith.muli %scan3A_19, %mul3A_20 : i32
        %add3A = arith.constant 0 : i32
        %add3A_22 = arith.addi %add3A, %mul3A_21 : i32
        %mul3A_23 = arith.constant 8 : i32
        %mul3A_24 = arith.muli %add3A_22, %mul3A_23 : i32
        %add3A_25 = arith.addi %mul3A_14, %mul3A_24 : i32
        %multiple_of3A = tpu.assume_multiple %add3A_25, 8 : i32
        "tpu.region"() ({
          %run_scoped3A = tpu.sem_alloc : memref<!tpu.dma_semaphore, #tpu.memory_space<semaphore_mem>>
          %dma_start3A_70 = arith.constant 0 : i32
          %dma_start3A_71 = tpu.memref_slice %arg3[%multiple_of3A, %dma_start3A_70] : memref<2560x128xi32, #tpu.memory_space<hbm>> -> memref<8x128xi32, #tpu.memory_space<hbm>>
          %dma_start3A_72 = arith.constant 0 : i32
          %dma_start3A_73 = tpu.memref_slice %arg3[%multiple_of3A, %dma_start3A_72] : memref<2560x128xi32, #tpu.memory_space<hbm>> -> memref<8x128xi32, #tpu.memory_space<hbm>>
          tpu.enqueue_dma source(%dma_start3A_73 : memref<8x128xi32, #tpu.memory_space<hbm>>) target(%arg7 : memref<8x128xi32, #tpu.memory_space<vmem>>) target_semaphore(%run_scoped3A : memref<!tpu.dma_semaphore, #tpu.memory_space<semaphore_mem>>)
          %dma_wait3A = arith.constant 0 : i32
          %dma_wait3A_74 = tpu.memref_slice %arg3[%multiple_of3A, %dma_wait3A] : memref<2560x128xi32, #tpu.memory_space<hbm>> -> memref<8x128xi32, #tpu.memory_space<hbm>>
          %dma_wait3A_75 = arith.constant 0 : i32
          %dma_wait3A_76 = tpu.memref_slice %arg3[%multiple_of3A, %dma_wait3A_75] : memref<2560x128xi32, #tpu.memory_space<hbm>> -> memref<8x128xi32, #tpu.memory_space<hbm>>
          tpu.wait_dma2 semaphore(%run_scoped3A : memref<!tpu.dma_semaphore, #tpu.memory_space<semaphore_mem>>) src(%dma_wait3A_76 : memref<8x128xi32, #tpu.memory_space<hbm>>) dst(%arg7 : memref<8x128xi32, #tpu.memory_space<vmem>>)
          tpu.yield
        }) : () -> ()
        "tpu.region"() ({
          %run_scoped3A = tpu.sem_alloc : memref<!tpu.dma_semaphore, #tpu.memory_space<semaphore_mem>>
          %dma_start3A_70 = arith.constant 0 : i32
          %dma_start3A_71 = arith.constant 0 : i32
          %dma_start3A_72 = tpu.memref_slice %arg4[%multiple_of3A, %dma_start3A_70, %dma_start3A_71] : memref<2560x4x32xi32, #tpu.memory_space<hbm>> -> memref<8x4x32xi32, #tpu.memory_space<hbm>>
          %dma_start3A_73 = arith.constant 0 : i32
          %dma_start3A_74 = arith.constant 0 : i32
          %dma_start3A_75 = tpu.memref_slice %arg4[%multiple_of3A, %dma_start3A_73, %dma_start3A_74] : memref<2560x4x32xi32, #tpu.memory_space<hbm>> -> memref<8x4x32xi32, #tpu.memory_space<hbm>>
          tpu.enqueue_dma source(%dma_start3A_75 : memref<8x4x32xi32, #tpu.memory_space<hbm>>) target(%arg8 : memref<8x4x32xi32, #tpu.memory_space<vmem>>) target_semaphore(%run_scoped3A : memref<!tpu.dma_semaphore, #tpu.memory_space<semaphore_mem>>)
          %dma_wait3A = arith.constant 0 : i32
          %dma_wait3A_76 = arith.constant 0 : i32
          %dma_wait3A_77 = tpu.memref_slice %arg4[%multiple_of3A, %dma_wait3A, %dma_wait3A_76] : memref<2560x4x32xi32, #tpu.memory_space<hbm>> -> memref<8x4x32xi32, #tpu.memory_space<hbm>>
          %dma_wait3A_78 = arith.constant 0 : i32
          %dma_wait3A_79 = arith.constant 0 : i32
          %dma_wait3A_80 = tpu.memref_slice %arg4[%multiple_of3A, %dma_wait3A_78, %dma_wait3A_79] : memref<2560x4x32xi32, #tpu.memory_space<hbm>> -> memref<8x4x32xi32, #tpu.memory_space<hbm>>
          tpu.wait_dma2 semaphore(%run_scoped3A : memref<!tpu.dma_semaphore, #tpu.memory_space<semaphore_mem>>) src(%dma_wait3A_80 : memref<8x4x32xi32, #tpu.memory_space<hbm>>) dst(%arg8 : memref<8x4x32xi32, #tpu.memory_space<vmem>>)
          tpu.yield
        }) : () -> ()
        %dma_start3A = arith.constant 0 : i32
        %dma_start3A_26 = arith.constant 0 : i32
        %dma_start3A_27 = arith.constant 0 : i32
        %dma_start3A_28 = tpu.memref_slice %arg9[%dma_start3A_26, %dma_start3A_27] : memref<128x128xf32, #tpu.memory_space<vmem>> -> memref<32x128xf32, #tpu.memory_space<vmem>>
        %dma_start3A_29 = arith.constant 0 : i32
        %dma_start3A_30 = tpu.memref_slice %arg7[%dma_start3A, %dma_start3A_29] : memref<8x128xi32, #tpu.memory_space<vmem>> -> memref<1x32xi32, #tpu.memory_space<vmem>>
        %dma_start3A_31 = tpu.memref_squeeze %dma_start3A_30 : memref<1x32xi32, #tpu.memory_space<vmem>> -> memref<32xi32, #tpu.memory_space<vmem>>
        %dma_start3A_32 = arith.constant 0 : i32
        %dma_start3A_33 = arith.constant 0 : i32
        %dma_start3A_34 = tpu.memref_slice %arg2[%dma_start3A_32, %dma_start3A_33] : memref<10000x128xf32, #tpu.memory_space<hbm>> -> memref<10000x128xf32, #tpu.memory_space<hbm>>
        tpu.enqueue_indirect_dma source(%dma_start3A_34 : memref<10000x128xf32, #tpu.memory_space<hbm>>) target(%dma_start3A_28 : memref<32x128xf32, #tpu.memory_space<vmem>>) offsets(%dma_start3A_31 : memref<32xi32, #tpu.memory_space<vmem>>) semaphore(%arg11 : memref<!tpu.dma_semaphore, #tpu.memory_space<semaphore_mem>>)
        %dma_start3A_35 = arith.constant 0 : i32
        %dma_start3A_36 = arith.constant 32 : i32
        %dma_start3A_37 = arith.constant 0 : i32
        %dma_start3A_38 = tpu.memref_slice %arg9[%dma_start3A_36, %dma_start3A_37] : memref<128x128xf32, #tpu.memory_space<vmem>> -> memref<32x128xf32, #tpu.memory_space<vmem>>
        %dma_start3A_39 = arith.constant 32 : i32
        %dma_start3A_40 = tpu.memref_slice %arg7[%dma_start3A_35, %dma_start3A_39] : memref<8x128xi32, #tpu.memory_space<vmem>> -> memref<1x32xi32, #tpu.memory_space<vmem>>
        %dma_start3A_41 = tpu.memref_squeeze %dma_start3A_40 : memref<1x32xi32, #tpu.memory_space<vmem>> -> memref<32xi32, #tpu.memory_space<vmem>>
        %dma_start3A_42 = arith.constant 0 : i32
        %dma_start3A_43 = arith.constant 0 : i32
        %dma_start3A_44 = tpu.memref_slice %arg2[%dma_start3A_42, %dma_start3A_43] : memref<10000x128xf32, #tpu.memory_space<hbm>> -> memref<10000x128xf32, #tpu.memory_space<hbm>>
        tpu.enqueue_indirect_dma source(%dma_start3A_44 : memref<10000x128xf32, #tpu.memory_space<hbm>>) target(%dma_start3A_38 : memref<32x128xf32, #tpu.memory_space<vmem>>) offsets(%dma_start3A_41 : memref<32xi32, #tpu.memory_space<vmem>>) semaphore(%arg11 : memref<!tpu.dma_semaphore, #tpu.memory_space<semaphore_mem>>)
        %dma_start3A_45 = arith.constant 0 : i32
        %dma_start3A_46 = arith.constant 64 : i32
        %dma_start3A_47 = arith.constant 0 : i32
        %dma_start3A_48 = tpu.memref_slice %arg9[%dma_start3A_46, %dma_start3A_47] : memref<128x128xf32, #tpu.memory_space<vmem>> -> memref<32x128xf32, #tpu.memory_space<vmem>>
        %dma_start3A_49 = arith.constant 64 : i32
        %dma_start3A_50 = tpu.memref_slice %arg7[%dma_start3A_45, %dma_start3A_49] : memref<8x128xi32, #tpu.memory_space<vmem>> -> memref<1x32xi32, #tpu.memory_space<vmem>>
        %dma_start3A_51 = tpu.memref_squeeze %dma_start3A_50 : memref<1x32xi32, #tpu.memory_space<vmem>> -> memref<32xi32, #tpu.memory_space<vmem>>
        %dma_start3A_52 = arith.constant 0 : i32
        %dma_start3A_53 = arith.constant 0 : i32
        %dma_start3A_54 = tpu.memref_slice %arg2[%dma_start3A_52, %dma_start3A_53] : memref<10000x128xf32, #tpu.memory_space<hbm>> -> memref<10000x128xf32, #tpu.memory_space<hbm>>
        tpu.enqueue_indirect_dma source(%dma_start3A_54 : memref<10000x128xf32, #tpu.memory_space<hbm>>) target(%dma_start3A_48 : memref<32x128xf32, #tpu.memory_space<vmem>>) offsets(%dma_start3A_51 : memref<32xi32, #tpu.memory_space<vmem>>) semaphore(%arg11 : memref<!tpu.dma_semaphore, #tpu.memory_space<semaphore_mem>>)
        %dma_start3A_55 = arith.constant 0 : i32
        %dma_start3A_56 = arith.constant 96 : i32
        %dma_start3A_57 = arith.constant 0 : i32
        %dma_start3A_58 = tpu.memref_slice %arg9[%dma_start3A_56, %dma_start3A_57] : memref<128x128xf32, #tpu.memory_space<vmem>> -> memref<32x128xf32, #tpu.memory_space<vmem>>
        %dma_start3A_59 = arith.constant 96 : i32
        %dma_start3A_60 = tpu.memref_slice %arg7[%dma_start3A_55, %dma_start3A_59] : memref<8x128xi32, #tpu.memory_space<vmem>> -> memref<1x32xi32, #tpu.memory_space<vmem>>
        %dma_start3A_61 = tpu.memref_squeeze %dma_start3A_60 : memref<1x32xi32, #tpu.memory_space<vmem>> -> memref<32xi32, #tpu.memory_space<vmem>>
        %dma_start3A_62 = arith.constant 0 : i32
        %dma_start3A_63 = arith.constant 0 : i32
        %dma_start3A_64 = tpu.memref_slice %arg2[%dma_start3A_62, %dma_start3A_63] : memref<10000x128xf32, #tpu.memory_space<hbm>> -> memref<10000x128xf32, #tpu.memory_space<hbm>>
        tpu.enqueue_indirect_dma source(%dma_start3A_64 : memref<10000x128xf32, #tpu.memory_space<hbm>>) target(%dma_start3A_58 : memref<32x128xf32, #tpu.memory_space<vmem>>) offsets(%dma_start3A_61 : memref<32xi32, #tpu.memory_space<vmem>>) semaphore(%arg11 : memref<!tpu.dma_semaphore, #tpu.memory_space<semaphore_mem>>)
        %scan3A_65 = arith.constant 0 : i32
        %scan3A_66 = arith.constant 8 : i32
        %scan3A_67 = arith.addi %scan3A_65, %scan3A_66 : i32
        %scan3A_68 = arith.constant 1 : i32
        scf.for %scan3A_70 = %scan3A_65 to %scan3A_67 step %scan3A_68  : i32 {
          %mul3A_71 = arith.constant 4 : i32
          %mul3A_72 = arith.muli %scan3A_70, %mul3A_71 : i32
          %add3A_73 = arith.constant 0 : i32
          %add3A_74 = arith.addi %add3A_73, %mul3A_72 : i32
          %add3A_75 = arith.constant 0 : i32
          %add3A_76 = arith.addi %add3A_74, %add3A_75 : i32
          %dma_wait3A = arith.constant 0 : i32
          %dma_wait3A_77 = arith.constant 0 : i32
          %dma_wait3A_78 = arith.constant 0 : i32
          %dma_wait3A_79 = arith.constant 0 : i32
          %dma_wait3A_80 = tpu.memref_slice %arg9[%dma_wait3A_78, %dma_wait3A_79] : memref<128x128xf32, #tpu.memory_space<vmem>> -> memref<32x128xf32, #tpu.memory_space<vmem>>
          %dma_wait3A_81 = arith.constant 0 : i32
          %dma_wait3A_82 = tpu.memref_slice %arg8[%dma_wait3A, %dma_wait3A_77, %dma_wait3A_81] : memref<8x4x32xi32, #tpu.memory_space<vmem>> -> memref<1x1x32xi32, #tpu.memory_space<vmem>>
          %dma_wait3A_83 = tpu.memref_squeeze %dma_wait3A_82 : memref<1x1x32xi32, #tpu.memory_space<vmem>> -> memref<32xi32, #tpu.memory_space<vmem>>
          %dma_wait3A_84 = arith.constant 0 : i32
          %dma_wait3A_85 = arith.constant 0 : i32
          %dma_wait3A_86 = tpu.memref_slice %arg2[%dma_wait3A_84, %dma_wait3A_85] : memref<10000x128xf32, #tpu.memory_space<hbm>> -> memref<10000x128xf32, #tpu.memory_space<hbm>>
          tpu.wait_indirect_dma semaphore(%arg11 : memref<!tpu.dma_semaphore, #tpu.memory_space<semaphore_mem>>) src(%dma_wait3A_86 : memref<10000x128xf32, #tpu.memory_space<hbm>>) dst(%dma_wait3A_80 : memref<32x128xf32, #tpu.memory_space<vmem>>)
          %jit3A = arith.constant 4 : i32
          %div3A = arith.divsi %add3A_76, %jit3A : i32
          %sign3A = arith.constant 0 : i32
          %sign3A_87 = arith.cmpi sgt, %add3A_76, %sign3A : i32
          %sign3A_88 = arith.extui %sign3A_87 : i1 to i32
          %sign3A_89 = arith.constant 0 : i32
          %sign3A_90 = arith.cmpi slt, %add3A_76, %sign3A_89 : i32
          %sign3A_91 = arith.extui %sign3A_90 : i1 to i32
          %sign3A_92 = arith.subi %sign3A_88, %sign3A_91 : i32
          %sign3A_93 = arith.constant 0 : i32
          %sign3A_94 = arith.cmpi sgt, %jit3A, %sign3A_93 : i32
          %sign3A_95 = arith.extui %sign3A_94 : i1 to i32
          %sign3A_96 = arith.constant 0 : i32
          %sign3A_97 = arith.cmpi slt, %jit3A, %sign3A_96 : i32
          %sign3A_98 = arith.extui %sign3A_97 : i1 to i32
          %sign3A_99 = arith.subi %sign3A_95, %sign3A_98 : i32
          %ne3A = arith.cmpi ne, %sign3A_92, %sign3A_99 : i32
          %rem3A = arith.remsi %add3A_76, %jit3A : i32
          %ne3A_100 = arith.constant 0 : i32
          %ne3A_101 = arith.cmpi ne, %rem3A, %ne3A_100 : i32
          %and3A = arith.andi %ne3A, %ne3A_101 : i1
          %sub3A = arith.constant 1 : i32
          %sub3A_102 = arith.subi %div3A, %sub3A : i32
          %select_n3A = arith.select %and3A, %sub3A_102, %div3A : i32
          %jit3A_103 = arith.constant 4 : i32
          %eq3A_104 = arith.constant 0 : i32
          %eq3A_105 = arith.cmpi eq, %jit3A_103, %eq3A_104 : i32
          %jit3A_106 = arith.constant 1 : i32
          %select_n3A_107 = arith.select %eq3A_105, %jit3A_106, %jit3A_103 : i32
          %rem3A_108 = arith.remsi %add3A_76, %select_n3A_107 : i32
          %ne3A_109 = arith.constant 0 : i32
          %ne3A_110 = arith.cmpi ne, %rem3A_108, %ne3A_109 : i32
          %lt3A = arith.constant 0 : i32
          %lt3A_111 = arith.cmpi slt, %rem3A_108, %lt3A : i32
          %lt3A_112 = arith.constant 0 : i32
          %lt3A_113 = arith.cmpi slt, %select_n3A_107, %lt3A_112 : i32
          %ne3A_114 = arith.xori %lt3A_111, %lt3A_113 : i1
          %and3A_115 = arith.andi %ne3A_114, %ne3A_110 : i1
          %add3A_116 = arith.addi %rem3A_108, %select_n3A_107 : i32
          %select_n3A_117 = arith.select %and3A_115, %add3A_116, %rem3A_108 : i32
          "tpu.region"() ({
            %run_scoped3A = tpu.sem_alloc : memref<!tpu.dma_semaphore, #tpu.memory_space<semaphore_mem>>
            %dma_start3A_305 = arith.constant 0 : i32
            %dma_start3A_306 = arith.constant 0 : i32
            %dma_start3A_307 = tpu.memref_slice %arg9[%dma_start3A_305, %dma_start3A_306] : memref<128x128xf32, #tpu.memory_space<vmem>> -> memref<32x128xf32, #tpu.memory_space<vmem>>
            %dma_start3A_308 = arith.constant 0 : i32
            %dma_start3A_309 = tpu.memref_slice %arg8[%select_n3A, %select_n3A_117, %dma_start3A_308] : memref<8x4x32xi32, #tpu.memory_space<vmem>> -> memref<1x1x32xi32, #tpu.memory_space<vmem>>
            %dma_start3A_310 = tpu.memref_squeeze %dma_start3A_309 : memref<1x1x32xi32, #tpu.memory_space<vmem>> -> memref<32xi32, #tpu.memory_space<vmem>>
            %dma_start3A_311 = arith.constant 0 : i32
            %dma_start3A_312 = arith.constant 0 : i32
            %dma_start3A_313 = tpu.memref_slice %arg10[%dma_start3A_311, %dma_start3A_312] : memref<10112x128xf32, #tpu.memory_space<vmem_shared>> -> memref<10112x128xf32, #tpu.memory_space<vmem_shared>>
            tpu.enqueue_indirect_dma source(%dma_start3A_307 : memref<32x128xf32, #tpu.memory_space<vmem>>) target(%dma_start3A_313 : memref<10112x128xf32, #tpu.memory_space<vmem_shared>>) offsets(%dma_start3A_310 : memref<32xi32, #tpu.memory_space<vmem>>) semaphore(%run_scoped3A : memref<!tpu.dma_semaphore, #tpu.memory_space<semaphore_mem>>) {add = true}
            %dma_wait3A_314 = arith.constant 0 : i32
            %dma_wait3A_315 = arith.constant 0 : i32
            %dma_wait3A_316 = tpu.memref_slice %arg9[%dma_wait3A_314, %dma_wait3A_315] : memref<128x128xf32, #tpu.memory_space<vmem>> -> memref<32x128xf32, #tpu.memory_space<vmem>>
            %dma_wait3A_317 = arith.constant 0 : i32
            %dma_wait3A_318 = tpu.memref_slice %arg8[%select_n3A, %select_n3A_117, %dma_wait3A_317] : memref<8x4x32xi32, #tpu.memory_space<vmem>> -> memref<1x1x32xi32, #tpu.memory_space<vmem>>
            %dma_wait3A_319 = tpu.memref_squeeze %dma_wait3A_318 : memref<1x1x32xi32, #tpu.memory_space<vmem>> -> memref<32xi32, #tpu.memory_space<vmem>>
            %dma_wait3A_320 = arith.constant 0 : i32
            %dma_wait3A_321 = arith.constant 0 : i32
            %dma_wait3A_322 = tpu.memref_slice %arg10[%dma_wait3A_320, %dma_wait3A_321] : memref<10112x128xf32, #tpu.memory_space<vmem_shared>> -> memref<10112x128xf32, #tpu.memory_space<vmem_shared>>
            tpu.wait_indirect_dma semaphore(%run_scoped3A : memref<!tpu.dma_semaphore, #tpu.memory_space<semaphore_mem>>) src(%dma_wait3A_316 : memref<32x128xf32, #tpu.memory_space<vmem>>) dst(%dma_wait3A_322 : memref<10112x128xf32, #tpu.memory_space<vmem_shared>>)
            tpu.yield
          }) : () -> ()
          %add3A_118 = arith.constant 4 : i32
          %add3A_119 = arith.addi %add3A_76, %add3A_118 : i32
          %lt3A_120 = arith.constant 32 : i32
          %lt3A_121 = arith.cmpi slt, %add3A_119, %lt3A_120 : i32
          %convert_element_type3A_122 = arith.extui %lt3A_121 : i1 to i32
          %cond3A_123 = arith.constant 0 : i32
          %cond3A_124 = arith.cmpi ne, %convert_element_type3A_122, %cond3A_123 : i32
          scf.if %cond3A_124 {
            %add3A_305 = arith.constant 4 : i32
            %add3A_306 = arith.addi %add3A_76, %add3A_305 : i32
            %jit3A_307 = arith.constant 4 : i32
            %div3A_308 = arith.divsi %add3A_306, %jit3A_307 : i32
            %sign3A_309 = arith.constant 0 : i32
            %sign3A_310 = arith.cmpi sgt, %add3A_306, %sign3A_309 : i32
            %sign3A_311 = arith.extui %sign3A_310 : i1 to i32
            %sign3A_312 = arith.constant 0 : i32
            %sign3A_313 = arith.cmpi slt, %add3A_306, %sign3A_312 : i32
            %sign3A_314 = arith.extui %sign3A_313 : i1 to i32
            %sign3A_315 = arith.subi %sign3A_311, %sign3A_314 : i32
            %sign3A_316 = arith.constant 0 : i32
            %sign3A_317 = arith.cmpi sgt, %jit3A_307, %sign3A_316 : i32
            %sign3A_318 = arith.extui %sign3A_317 : i1 to i32
            %sign3A_319 = arith.constant 0 : i32
            %sign3A_320 = arith.cmpi slt, %jit3A_307, %sign3A_319 : i32
            %sign3A_321 = arith.extui %sign3A_320 : i1 to i32
            %sign3A_322 = arith.subi %sign3A_318, %sign3A_321 : i32
            %ne3A_323 = arith.cmpi ne, %sign3A_315, %sign3A_322 : i32
            %rem3A_324 = arith.remsi %add3A_306, %jit3A_307 : i32
            %ne3A_325 = arith.constant 0 : i32
            %ne3A_326 = arith.cmpi ne, %rem3A_324, %ne3A_325 : i32
            %and3A_327 = arith.andi %ne3A_323, %ne3A_326 : i1
            %sub3A_328 = arith.constant 1 : i32
            %sub3A_329 = arith.subi %div3A_308, %sub3A_328 : i32
            %select_n3A_330 = arith.select %and3A_327, %sub3A_329, %div3A_308 : i32
            %jit3A_331 = arith.constant 4 : i32
            %eq3A_332 = arith.constant 0 : i32
            %eq3A_333 = arith.cmpi eq, %jit3A_331, %eq3A_332 : i32
            %jit3A_334 = arith.constant 1 : i32
            %select_n3A_335 = arith.select %eq3A_333, %jit3A_334, %jit3A_331 : i32
            %rem3A_336 = arith.remsi %add3A_306, %select_n3A_335 : i32
            %ne3A_337 = arith.constant 0 : i32
            %ne3A_338 = arith.cmpi ne, %rem3A_336, %ne3A_337 : i32
            %lt3A_339 = arith.constant 0 : i32
            %lt3A_340 = arith.cmpi slt, %rem3A_336, %lt3A_339 : i32
            %lt3A_341 = arith.constant 0 : i32
            %lt3A_342 = arith.cmpi slt, %select_n3A_335, %lt3A_341 : i32
            %ne3A_343 = arith.xori %lt3A_340, %lt3A_342 : i1
            %and3A_344 = arith.andi %ne3A_343, %ne3A_338 : i1
            %add3A_345 = arith.addi %rem3A_336, %select_n3A_335 : i32
            %select_n3A_346 = arith.select %and3A_344, %add3A_345, %rem3A_336 : i32
            %mul3A_347 = arith.constant 32 : i32
            %mul3A_348 = arith.muli %select_n3A_346, %mul3A_347 : i32
            %dma_start3A_349 = arith.constant 0 : i32
            %dma_start3A_350 = arith.constant 0 : i32
            %dma_start3A_351 = tpu.memref_slice %arg9[%dma_start3A_349, %dma_start3A_350] : memref<128x128xf32, #tpu.memory_space<vmem>> -> memref<32x128xf32, #tpu.memory_space<vmem>>
            %dma_start3A_352 = tpu.memref_slice %arg7[%select_n3A_330, %mul3A_348] : memref<8x128xi32, #tpu.memory_space<vmem>> -> memref<1x32xi32, #tpu.memory_space<vmem>>
            %dma_start3A_353 = tpu.memref_squeeze %dma_start3A_352 : memref<1x32xi32, #tpu.memory_space<vmem>> -> memref<32xi32, #tpu.memory_space<vmem>>
            %dma_start3A_354 = arith.constant 0 : i32
            %dma_start3A_355 = arith.constant 0 : i32
            %dma_start3A_356 = tpu.memref_slice %arg2[%dma_start3A_354, %dma_start3A_355] : memref<10000x128xf32, #tpu.memory_space<hbm>> -> memref<10000x128xf32, #tpu.memory_space<hbm>>
            tpu.enqueue_indirect_dma source(%dma_start3A_356 : memref<10000x128xf32, #tpu.memory_space<hbm>>) target(%dma_start3A_351 : memref<32x128xf32, #tpu.memory_space<vmem>>) offsets(%dma_start3A_353 : memref<32xi32, #tpu.memory_space<vmem>>) semaphore(%arg11 : memref<!tpu.dma_semaphore, #tpu.memory_space<semaphore_mem>>)
          } else {
          }
          %add3A_125 = arith.constant 1 : i32
          %add3A_126 = arith.addi %add3A_74, %add3A_125 : i32
          %dma_wait3A_127 = arith.constant 0 : i32
          %dma_wait3A_128 = arith.constant 0 : i32
          %dma_wait3A_129 = arith.constant 32 : i32
          %dma_wait3A_130 = arith.constant 0 : i32
          %dma_wait3A_131 = tpu.memref_slice %arg9[%dma_wait3A_129, %dma_wait3A_130] : memref<128x128xf32, #tpu.memory_space<vmem>> -> memref<32x128xf32, #tpu.memory_space<vmem>>
          %dma_wait3A_132 = arith.constant 0 : i32
          %dma_wait3A_133 = tpu.memref_slice %arg8[%dma_wait3A_127, %dma_wait3A_128, %dma_wait3A_132] : memref<8x4x32xi32, #tpu.memory_space<vmem>> -> memref<1x1x32xi32, #tpu.memory_space<vmem>>
          %dma_wait3A_134 = tpu.memref_squeeze %dma_wait3A_133 : memref<1x1x32xi32, #tpu.memory_space<vmem>> -> memref<32xi32, #tpu.memory_space<vmem>>
          %dma_wait3A_135 = arith.constant 0 : i32
          %dma_wait3A_136 = arith.constant 0 : i32
          %dma_wait3A_137 = tpu.memref_slice %arg2[%dma_wait3A_135, %dma_wait3A_136] : memref<10000x128xf32, #tpu.memory_space<hbm>> -> memref<10000x128xf32, #tpu.memory_space<hbm>>
          tpu.wait_indirect_dma semaphore(%arg11 : memref<!tpu.dma_semaphore, #tpu.memory_space<semaphore_mem>>) src(%dma_wait3A_137 : memref<10000x128xf32, #tpu.memory_space<hbm>>) dst(%dma_wait3A_131 : memref<32x128xf32, #tpu.memory_space<vmem>>)
          %jit3A_138 = arith.constant 4 : i32
          %div3A_139 = arith.divsi %add3A_126, %jit3A_138 : i32
          %sign3A_140 = arith.constant 0 : i32
          %sign3A_141 = arith.cmpi sgt, %add3A_126, %sign3A_140 : i32
          %sign3A_142 = arith.extui %sign3A_141 : i1 to i32
          %sign3A_143 = arith.constant 0 : i32
          %sign3A_144 = arith.cmpi slt, %add3A_126, %sign3A_143 : i32
          %sign3A_145 = arith.extui %sign3A_144 : i1 to i32
          %sign3A_146 = arith.subi %sign3A_142, %sign3A_145 : i32
          %sign3A_147 = arith.constant 0 : i32
          %sign3A_148 = arith.cmpi sgt, %jit3A_138, %sign3A_147 : i32
          %sign3A_149 = arith.extui %sign3A_148 : i1 to i32
          %sign3A_150 = arith.constant 0 : i32
          %sign3A_151 = arith.cmpi slt, %jit3A_138, %sign3A_150 : i32
          %sign3A_152 = arith.extui %sign3A_151 : i1 to i32
          %sign3A_153 = arith.subi %sign3A_149, %sign3A_152 : i32
          %ne3A_154 = arith.cmpi ne, %sign3A_146, %sign3A_153 : i32
          %rem3A_155 = arith.remsi %add3A_126, %jit3A_138 : i32
          %ne3A_156 = arith.constant 0 : i32
          %ne3A_157 = arith.cmpi ne, %rem3A_155, %ne3A_156 : i32
          %and3A_158 = arith.andi %ne3A_154, %ne3A_157 : i1
          %sub3A_159 = arith.constant 1 : i32
          %sub3A_160 = arith.subi %div3A_139, %sub3A_159 : i32
          %select_n3A_161 = arith.select %and3A_158, %sub3A_160, %div3A_139 : i32
          %jit3A_162 = arith.constant 4 : i32
          %eq3A_163 = arith.constant 0 : i32
          %eq3A_164 = arith.cmpi eq, %jit3A_162, %eq3A_163 : i32
          %jit3A_165 = arith.constant 1 : i32
          %select_n3A_166 = arith.select %eq3A_164, %jit3A_165, %jit3A_162 : i32
          %rem3A_167 = arith.remsi %add3A_126, %select_n3A_166 : i32
          %ne3A_168 = arith.constant 0 : i32
          %ne3A_169 = arith.cmpi ne, %rem3A_167, %ne3A_168 : i32
          %lt3A_170 = arith.constant 0 : i32
          %lt3A_171 = arith.cmpi slt, %rem3A_167, %lt3A_170 : i32
          %lt3A_172 = arith.constant 0 : i32
          %lt3A_173 = arith.cmpi slt, %select_n3A_166, %lt3A_172 : i32
          %ne3A_174 = arith.xori %lt3A_171, %lt3A_173 : i1
          %and3A_175 = arith.andi %ne3A_174, %ne3A_169 : i1
          %add3A_176 = arith.addi %rem3A_167, %select_n3A_166 : i32
          %select_n3A_177 = arith.select %and3A_175, %add3A_176, %rem3A_167 : i32
          "tpu.region"() ({
            %run_scoped3A = tpu.sem_alloc : memref<!tpu.dma_semaphore, #tpu.memory_space<semaphore_mem>>
            %dma_start3A_305 = arith.constant 32 : i32
            %dma_start3A_306 = arith.constant 0 : i32
            %dma_start3A_307 = tpu.memref_slice %arg9[%dma_start3A_305, %dma_start3A_306] : memref<128x128xf32, #tpu.memory_space<vmem>> -> memref<32x128xf32, #tpu.memory_space<vmem>>
            %dma_start3A_308 = arith.constant 0 : i32
            %dma_start3A_309 = tpu.memref_slice %arg8[%select_n3A_161, %select_n3A_177, %dma_start3A_308] : memref<8x4x32xi32, #tpu.memory_space<vmem>> -> memref<1x1x32xi32, #tpu.memory_space<vmem>>
            %dma_start3A_310 = tpu.memref_squeeze %dma_start3A_309 : memref<1x1x32xi32, #tpu.memory_space<vmem>> -> memref<32xi32, #tpu.memory_space<vmem>>
            %dma_start3A_311 = arith.constant 0 : i32
            %dma_start3A_312 = arith.constant 0 : i32
            %dma_start3A_313 = tpu.memref_slice %arg10[%dma_start3A_311, %dma_start3A_312] : memref<10112x128xf32, #tpu.memory_space<vmem_shared>> -> memref<10112x128xf32, #tpu.memory_space<vmem_shared>>
            tpu.enqueue_indirect_dma source(%dma_start3A_307 : memref<32x128xf32, #tpu.memory_space<vmem>>) target(%dma_start3A_313 : memref<10112x128xf32, #tpu.memory_space<vmem_shared>>) offsets(%dma_start3A_310 : memref<32xi32, #tpu.memory_space<vmem>>) semaphore(%run_scoped3A : memref<!tpu.dma_semaphore, #tpu.memory_space<semaphore_mem>>) {add = true}
            %dma_wait3A_314 = arith.constant 32 : i32
            %dma_wait3A_315 = arith.constant 0 : i32
            %dma_wait3A_316 = tpu.memref_slice %arg9[%dma_wait3A_314, %dma_wait3A_315] : memref<128x128xf32, #tpu.memory_space<vmem>> -> memref<32x128xf32, #tpu.memory_space<vmem>>
            %dma_wait3A_317 = arith.constant 0 : i32
            %dma_wait3A_318 = tpu.memref_slice %arg8[%select_n3A_161, %select_n3A_177, %dma_wait3A_317] : memref<8x4x32xi32, #tpu.memory_space<vmem>> -> memref<1x1x32xi32, #tpu.memory_space<vmem>>
            %dma_wait3A_319 = tpu.memref_squeeze %dma_wait3A_318 : memref<1x1x32xi32, #tpu.memory_space<vmem>> -> memref<32xi32, #tpu.memory_space<vmem>>
            %dma_wait3A_320 = arith.constant 0 : i32
            %dma_wait3A_321 = arith.constant 0 : i32
            %dma_wait3A_322 = tpu.memref_slice %arg10[%dma_wait3A_320, %dma_wait3A_321] : memref<10112x128xf32, #tpu.memory_space<vmem_shared>> -> memref<10112x128xf32, #tpu.memory_space<vmem_shared>>
            tpu.wait_indirect_dma semaphore(%run_scoped3A : memref<!tpu.dma_semaphore, #tpu.memory_space<semaphore_mem>>) src(%dma_wait3A_316 : memref<32x128xf32, #tpu.memory_space<vmem>>) dst(%dma_wait3A_322 : memref<10112x128xf32, #tpu.memory_space<vmem_shared>>)
            tpu.yield
          }) : () -> ()
          %add3A_178 = arith.constant 4 : i32
          %add3A_179 = arith.addi %add3A_126, %add3A_178 : i32
          %lt3A_180 = arith.constant 32 : i32
          %lt3A_181 = arith.cmpi slt, %add3A_179, %lt3A_180 : i32
          %convert_element_type3A_182 = arith.extui %lt3A_181 : i1 to i32
          %cond3A_183 = arith.constant 0 : i32
          %cond3A_184 = arith.cmpi ne, %convert_element_type3A_182, %cond3A_183 : i32
          scf.if %cond3A_184 {
            %add3A_305 = arith.constant 4 : i32
            %add3A_306 = arith.addi %add3A_126, %add3A_305 : i32
            %jit3A_307 = arith.constant 4 : i32
            %div3A_308 = arith.divsi %add3A_306, %jit3A_307 : i32
            %sign3A_309 = arith.constant 0 : i32
            %sign3A_310 = arith.cmpi sgt, %add3A_306, %sign3A_309 : i32
            %sign3A_311 = arith.extui %sign3A_310 : i1 to i32
            %sign3A_312 = arith.constant 0 : i32
            %sign3A_313 = arith.cmpi slt, %add3A_306, %sign3A_312 : i32
            %sign3A_314 = arith.extui %sign3A_313 : i1 to i32
            %sign3A_315 = arith.subi %sign3A_311, %sign3A_314 : i32
            %sign3A_316 = arith.constant 0 : i32
            %sign3A_317 = arith.cmpi sgt, %jit3A_307, %sign3A_316 : i32
            %sign3A_318 = arith.extui %sign3A_317 : i1 to i32
            %sign3A_319 = arith.constant 0 : i32
            %sign3A_320 = arith.cmpi slt, %jit3A_307, %sign3A_319 : i32
            %sign3A_321 = arith.extui %sign3A_320 : i1 to i32
            %sign3A_322 = arith.subi %sign3A_318, %sign3A_321 : i32
            %ne3A_323 = arith.cmpi ne, %sign3A_315, %sign3A_322 : i32
            %rem3A_324 = arith.remsi %add3A_306, %jit3A_307 : i32
            %ne3A_325 = arith.constant 0 : i32
            %ne3A_326 = arith.cmpi ne, %rem3A_324, %ne3A_325 : i32
            %and3A_327 = arith.andi %ne3A_323, %ne3A_326 : i1
            %sub3A_328 = arith.constant 1 : i32
            %sub3A_329 = arith.subi %div3A_308, %sub3A_328 : i32
            %select_n3A_330 = arith.select %and3A_327, %sub3A_329, %div3A_308 : i32
            %jit3A_331 = arith.constant 4 : i32
            %eq3A_332 = arith.constant 0 : i32
            %eq3A_333 = arith.cmpi eq, %jit3A_331, %eq3A_332 : i32
            %jit3A_334 = arith.constant 1 : i32
            %select_n3A_335 = arith.select %eq3A_333, %jit3A_334, %jit3A_331 : i32
            %rem3A_336 = arith.remsi %add3A_306, %select_n3A_335 : i32
            %ne3A_337 = arith.constant 0 : i32
            %ne3A_338 = arith.cmpi ne, %rem3A_336, %ne3A_337 : i32
            %lt3A_339 = arith.constant 0 : i32
            %lt3A_340 = arith.cmpi slt, %rem3A_336, %lt3A_339 : i32
            %lt3A_341 = arith.constant 0 : i32
            %lt3A_342 = arith.cmpi slt, %select_n3A_335, %lt3A_341 : i32
            %ne3A_343 = arith.xori %lt3A_340, %lt3A_342 : i1
            %and3A_344 = arith.andi %ne3A_343, %ne3A_338 : i1
            %add3A_345 = arith.addi %rem3A_336, %select_n3A_335 : i32
            %select_n3A_346 = arith.select %and3A_344, %add3A_345, %rem3A_336 : i32
            %mul3A_347 = arith.constant 32 : i32
            %mul3A_348 = arith.muli %select_n3A_346, %mul3A_347 : i32
            %dma_start3A_349 = arith.constant 32 : i32
            %dma_start3A_350 = arith.constant 0 : i32
            %dma_start3A_351 = tpu.memref_slice %arg9[%dma_start3A_349, %dma_start3A_350] : memref<128x128xf32, #tpu.memory_space<vmem>> -> memref<32x128xf32, #tpu.memory_space<vmem>>
            %dma_start3A_352 = tpu.memref_slice %arg7[%select_n3A_330, %mul3A_348] : memref<8x128xi32, #tpu.memory_space<vmem>> -> memref<1x32xi32, #tpu.memory_space<vmem>>
            %dma_start3A_353 = tpu.memref_squeeze %dma_start3A_352 : memref<1x32xi32, #tpu.memory_space<vmem>> -> memref<32xi32, #tpu.memory_space<vmem>>
            %dma_start3A_354 = arith.constant 0 : i32
            %dma_start3A_355 = arith.constant 0 : i32
            %dma_start3A_356 = tpu.memref_slice %arg2[%dma_start3A_354, %dma_start3A_355] : memref<10000x128xf32, #tpu.memory_space<hbm>> -> memref<10000x128xf32, #tpu.memory_space<hbm>>
            tpu.enqueue_indirect_dma source(%dma_start3A_356 : memref<10000x128xf32, #tpu.memory_space<hbm>>) target(%dma_start3A_351 : memref<32x128xf32, #tpu.memory_space<vmem>>) offsets(%dma_start3A_353 : memref<32xi32, #tpu.memory_space<vmem>>) semaphore(%arg11 : memref<!tpu.dma_semaphore, #tpu.memory_space<semaphore_mem>>)
          } else {
          }
          %add3A_185 = arith.constant 2 : i32
          %add3A_186 = arith.addi %add3A_74, %add3A_185 : i32
          %dma_wait3A_187 = arith.constant 0 : i32
          %dma_wait3A_188 = arith.constant 0 : i32
          %dma_wait3A_189 = arith.constant 64 : i32
          %dma_wait3A_190 = arith.constant 0 : i32
          %dma_wait3A_191 = tpu.memref_slice %arg9[%dma_wait3A_189, %dma_wait3A_190] : memref<128x128xf32, #tpu.memory_space<vmem>> -> memref<32x128xf32, #tpu.memory_space<vmem>>
          %dma_wait3A_192 = arith.constant 0 : i32
          %dma_wait3A_193 = tpu.memref_slice %arg8[%dma_wait3A_187, %dma_wait3A_188, %dma_wait3A_192] : memref<8x4x32xi32, #tpu.memory_space<vmem>> -> memref<1x1x32xi32, #tpu.memory_space<vmem>>
          %dma_wait3A_194 = tpu.memref_squeeze %dma_wait3A_193 : memref<1x1x32xi32, #tpu.memory_space<vmem>> -> memref<32xi32, #tpu.memory_space<vmem>>
          %dma_wait3A_195 = arith.constant 0 : i32
          %dma_wait3A_196 = arith.constant 0 : i32
          %dma_wait3A_197 = tpu.memref_slice %arg2[%dma_wait3A_195, %dma_wait3A_196] : memref<10000x128xf32, #tpu.memory_space<hbm>> -> memref<10000x128xf32, #tpu.memory_space<hbm>>
          tpu.wait_indirect_dma semaphore(%arg11 : memref<!tpu.dma_semaphore, #tpu.memory_space<semaphore_mem>>) src(%dma_wait3A_197 : memref<10000x128xf32, #tpu.memory_space<hbm>>) dst(%dma_wait3A_191 : memref<32x128xf32, #tpu.memory_space<vmem>>)
          %jit3A_198 = arith.constant 4 : i32
          %div3A_199 = arith.divsi %add3A_186, %jit3A_198 : i32
          %sign3A_200 = arith.constant 0 : i32
          %sign3A_201 = arith.cmpi sgt, %add3A_186, %sign3A_200 : i32
          %sign3A_202 = arith.extui %sign3A_201 : i1 to i32
          %sign3A_203 = arith.constant 0 : i32
          %sign3A_204 = arith.cmpi slt, %add3A_186, %sign3A_203 : i32
          %sign3A_205 = arith.extui %sign3A_204 : i1 to i32
          %sign3A_206 = arith.subi %sign3A_202, %sign3A_205 : i32
          %sign3A_207 = arith.constant 0 : i32
          %sign3A_208 = arith.cmpi sgt, %jit3A_198, %sign3A_207 : i32
          %sign3A_209 = arith.extui %sign3A_208 : i1 to i32
          %sign3A_210 = arith.constant 0 : i32
          %sign3A_211 = arith.cmpi slt, %jit3A_198, %sign3A_210 : i32
          %sign3A_212 = arith.extui %sign3A_211 : i1 to i32
          %sign3A_213 = arith.subi %sign3A_209, %sign3A_212 : i32
          %ne3A_214 = arith.cmpi ne, %sign3A_206, %sign3A_213 : i32
          %rem3A_215 = arith.remsi %add3A_186, %jit3A_198 : i32
          %ne3A_216 = arith.constant 0 : i32
          %ne3A_217 = arith.cmpi ne, %rem3A_215, %ne3A_216 : i32
          %and3A_218 = arith.andi %ne3A_214, %ne3A_217 : i1
          %sub3A_219 = arith.constant 1 : i32
          %sub3A_220 = arith.subi %div3A_199, %sub3A_219 : i32
          %select_n3A_221 = arith.select %and3A_218, %sub3A_220, %div3A_199 : i32
          %jit3A_222 = arith.constant 4 : i32
          %eq3A_223 = arith.constant 0 : i32
          %eq3A_224 = arith.cmpi eq, %jit3A_222, %eq3A_223 : i32
          %jit3A_225 = arith.constant 1 : i32
          %select_n3A_226 = arith.select %eq3A_224, %jit3A_225, %jit3A_222 : i32
          %rem3A_227 = arith.remsi %add3A_186, %select_n3A_226 : i32
          %ne3A_228 = arith.constant 0 : i32
          %ne3A_229 = arith.cmpi ne, %rem3A_227, %ne3A_228 : i32
          %lt3A_230 = arith.constant 0 : i32
          %lt3A_231 = arith.cmpi slt, %rem3A_227, %lt3A_230 : i32
          %lt3A_232 = arith.constant 0 : i32
          %lt3A_233 = arith.cmpi slt, %select_n3A_226, %lt3A_232 : i32
          %ne3A_234 = arith.xori %lt3A_231, %lt3A_233 : i1
          %and3A_235 = arith.andi %ne3A_234, %ne3A_229 : i1
          %add3A_236 = arith.addi %rem3A_227, %select_n3A_226 : i32
          %select_n3A_237 = arith.select %and3A_235, %add3A_236, %rem3A_227 : i32
          "tpu.region"() ({
            %run_scoped3A = tpu.sem_alloc : memref<!tpu.dma_semaphore, #tpu.memory_space<semaphore_mem>>
            %dma_start3A_305 = arith.constant 64 : i32
            %dma_start3A_306 = arith.constant 0 : i32
            %dma_start3A_307 = tpu.memref_slice %arg9[%dma_start3A_305, %dma_start3A_306] : memref<128x128xf32, #tpu.memory_space<vmem>> -> memref<32x128xf32, #tpu.memory_space<vmem>>
            %dma_start3A_308 = arith.constant 0 : i32
            %dma_start3A_309 = tpu.memref_slice %arg8[%select_n3A_221, %select_n3A_237, %dma_start3A_308] : memref<8x4x32xi32, #tpu.memory_space<vmem>> -> memref<1x1x32xi32, #tpu.memory_space<vmem>>
            %dma_start3A_310 = tpu.memref_squeeze %dma_start3A_309 : memref<1x1x32xi32, #tpu.memory_space<vmem>> -> memref<32xi32, #tpu.memory_space<vmem>>
            %dma_start3A_311 = arith.constant 0 : i32
            %dma_start3A_312 = arith.constant 0 : i32
            %dma_start3A_313 = tpu.memref_slice %arg10[%dma_start3A_311, %dma_start3A_312] : memref<10112x128xf32, #tpu.memory_space<vmem_shared>> -> memref<10112x128xf32, #tpu.memory_space<vmem_shared>>
            tpu.enqueue_indirect_dma source(%dma_start3A_307 : memref<32x128xf32, #tpu.memory_space<vmem>>) target(%dma_start3A_313 : memref<10112x128xf32, #tpu.memory_space<vmem_shared>>) offsets(%dma_start3A_310 : memref<32xi32, #tpu.memory_space<vmem>>) semaphore(%run_scoped3A : memref<!tpu.dma_semaphore, #tpu.memory_space<semaphore_mem>>) {add = true}
            %dma_wait3A_314 = arith.constant 64 : i32
            %dma_wait3A_315 = arith.constant 0 : i32
            %dma_wait3A_316 = tpu.memref_slice %arg9[%dma_wait3A_314, %dma_wait3A_315] : memref<128x128xf32, #tpu.memory_space<vmem>> -> memref<32x128xf32, #tpu.memory_space<vmem>>
            %dma_wait3A_317 = arith.constant 0 : i32
            %dma_wait3A_318 = tpu.memref_slice %arg8[%select_n3A_221, %select_n3A_237, %dma_wait3A_317] : memref<8x4x32xi32, #tpu.memory_space<vmem>> -> memref<1x1x32xi32, #tpu.memory_space<vmem>>
            %dma_wait3A_319 = tpu.memref_squeeze %dma_wait3A_318 : memref<1x1x32xi32, #tpu.memory_space<vmem>> -> memref<32xi32, #tpu.memory_space<vmem>>
            %dma_wait3A_320 = arith.constant 0 : i32
            %dma_wait3A_321 = arith.constant 0 : i32
            %dma_wait3A_322 = tpu.memref_slice %arg10[%dma_wait3A_320, %dma_wait3A_321] : memref<10112x128xf32, #tpu.memory_space<vmem_shared>> -> memref<10112x128xf32, #tpu.memory_space<vmem_shared>>
            tpu.wait_indirect_dma semaphore(%run_scoped3A : memref<!tpu.dma_semaphore, #tpu.memory_space<semaphore_mem>>) src(%dma_wait3A_316 : memref<32x128xf32, #tpu.memory_space<vmem>>) dst(%dma_wait3A_322 : memref<10112x128xf32, #tpu.memory_space<vmem_shared>>)
            tpu.yield
          }) : () -> ()
          %add3A_238 = arith.constant 4 : i32
          %add3A_239 = arith.addi %add3A_186, %add3A_238 : i32
          %lt3A_240 = arith.constant 32 : i32
          %lt3A_241 = arith.cmpi slt, %add3A_239, %lt3A_240 : i32
          %convert_element_type3A_242 = arith.extui %lt3A_241 : i1 to i32
          %cond3A_243 = arith.constant 0 : i32
          %cond3A_244 = arith.cmpi ne, %convert_element_type3A_242, %cond3A_243 : i32
          scf.if %cond3A_244 {
            %add3A_305 = arith.constant 4 : i32
            %add3A_306 = arith.addi %add3A_186, %add3A_305 : i32
            %jit3A_307 = arith.constant 4 : i32
            %div3A_308 = arith.divsi %add3A_306, %jit3A_307 : i32
            %sign3A_309 = arith.constant 0 : i32
            %sign3A_310 = arith.cmpi sgt, %add3A_306, %sign3A_309 : i32
            %sign3A_311 = arith.extui %sign3A_310 : i1 to i32
            %sign3A_312 = arith.constant 0 : i32
            %sign3A_313 = arith.cmpi slt, %add3A_306, %sign3A_312 : i32
            %sign3A_314 = arith.extui %sign3A_313 : i1 to i32
            %sign3A_315 = arith.subi %sign3A_311, %sign3A_314 : i32
            %sign3A_316 = arith.constant 0 : i32
            %sign3A_317 = arith.cmpi sgt, %jit3A_307, %sign3A_316 : i32
            %sign3A_318 = arith.extui %sign3A_317 : i1 to i32
            %sign3A_319 = arith.constant 0 : i32
            %sign3A_320 = arith.cmpi slt, %jit3A_307, %sign3A_319 : i32
            %sign3A_321 = arith.extui %sign3A_320 : i1 to i32
            %sign3A_322 = arith.subi %sign3A_318, %sign3A_321 : i32
            %ne3A_323 = arith.cmpi ne, %sign3A_315, %sign3A_322 : i32
            %rem3A_324 = arith.remsi %add3A_306, %jit3A_307 : i32
            %ne3A_325 = arith.constant 0 : i32
            %ne3A_326 = arith.cmpi ne, %rem3A_324, %ne3A_325 : i32
            %and3A_327 = arith.andi %ne3A_323, %ne3A_326 : i1
            %sub3A_328 = arith.constant 1 : i32
            %sub3A_329 = arith.subi %div3A_308, %sub3A_328 : i32
            %select_n3A_330 = arith.select %and3A_327, %sub3A_329, %div3A_308 : i32
            %jit3A_331 = arith.constant 4 : i32
            %eq3A_332 = arith.constant 0 : i32
            %eq3A_333 = arith.cmpi eq, %jit3A_331, %eq3A_332 : i32
            %jit3A_334 = arith.constant 1 : i32
            %select_n3A_335 = arith.select %eq3A_333, %jit3A_334, %jit3A_331 : i32
            %rem3A_336 = arith.remsi %add3A_306, %select_n3A_335 : i32
            %ne3A_337 = arith.constant 0 : i32
            %ne3A_338 = arith.cmpi ne, %rem3A_336, %ne3A_337 : i32
            %lt3A_339 = arith.constant 0 : i32
            %lt3A_340 = arith.cmpi slt, %rem3A_336, %lt3A_339 : i32
            %lt3A_341 = arith.constant 0 : i32
            %lt3A_342 = arith.cmpi slt, %select_n3A_335, %lt3A_341 : i32
            %ne3A_343 = arith.xori %lt3A_340, %lt3A_342 : i1
            %and3A_344 = arith.andi %ne3A_343, %ne3A_338 : i1
            %add3A_345 = arith.addi %rem3A_336, %select_n3A_335 : i32
            %select_n3A_346 = arith.select %and3A_344, %add3A_345, %rem3A_336 : i32
            %mul3A_347 = arith.constant 32 : i32
            %mul3A_348 = arith.muli %select_n3A_346, %mul3A_347 : i32
            %dma_start3A_349 = arith.constant 64 : i32
            %dma_start3A_350 = arith.constant 0 : i32
            %dma_start3A_351 = tpu.memref_slice %arg9[%dma_start3A_349, %dma_start3A_350] : memref<128x128xf32, #tpu.memory_space<vmem>> -> memref<32x128xf32, #tpu.memory_space<vmem>>
            %dma_start3A_352 = tpu.memref_slice %arg7[%select_n3A_330, %mul3A_348] : memref<8x128xi32, #tpu.memory_space<vmem>> -> memref<1x32xi32, #tpu.memory_space<vmem>>
            %dma_start3A_353 = tpu.memref_squeeze %dma_start3A_352 : memref<1x32xi32, #tpu.memory_space<vmem>> -> memref<32xi32, #tpu.memory_space<vmem>>
            %dma_start3A_354 = arith.constant 0 : i32
            %dma_start3A_355 = arith.constant 0 : i32
            %dma_start3A_356 = tpu.memref_slice %arg2[%dma_start3A_354, %dma_start3A_355] : memref<10000x128xf32, #tpu.memory_space<hbm>> -> memref<10000x128xf32, #tpu.memory_space<hbm>>
            tpu.enqueue_indirect_dma source(%dma_start3A_356 : memref<10000x128xf32, #tpu.memory_space<hbm>>) target(%dma_start3A_351 : memref<32x128xf32, #tpu.memory_space<vmem>>) offsets(%dma_start3A_353 : memref<32xi32, #tpu.memory_space<vmem>>) semaphore(%arg11 : memref<!tpu.dma_semaphore, #tpu.memory_space<semaphore_mem>>)
          } else {
          }
          %add3A_245 = arith.constant 3 : i32
          %add3A_246 = arith.addi %add3A_74, %add3A_245 : i32
          %dma_wait3A_247 = arith.constant 0 : i32
          %dma_wait3A_248 = arith.constant 0 : i32
          %dma_wait3A_249 = arith.constant 96 : i32
          %dma_wait3A_250 = arith.constant 0 : i32
          %dma_wait3A_251 = tpu.memref_slice %arg9[%dma_wait3A_249, %dma_wait3A_250] : memref<128x128xf32, #tpu.memory_space<vmem>> -> memref<32x128xf32, #tpu.memory_space<vmem>>
          %dma_wait3A_252 = arith.constant 0 : i32
          %dma_wait3A_253 = tpu.memref_slice %arg8[%dma_wait3A_247, %dma_wait3A_248, %dma_wait3A_252] : memref<8x4x32xi32, #tpu.memory_space<vmem>> -> memref<1x1x32xi32, #tpu.memory_space<vmem>>
          %dma_wait3A_254 = tpu.memref_squeeze %dma_wait3A_253 : memref<1x1x32xi32, #tpu.memory_space<vmem>> -> memref<32xi32, #tpu.memory_space<vmem>>
          %dma_wait3A_255 = arith.constant 0 : i32
          %dma_wait3A_256 = arith.constant 0 : i32
          %dma_wait3A_257 = tpu.memref_slice %arg2[%dma_wait3A_255, %dma_wait3A_256] : memref<10000x128xf32, #tpu.memory_space<hbm>> -> memref<10000x128xf32, #tpu.memory_space<hbm>>
          tpu.wait_indirect_dma semaphore(%arg11 : memref<!tpu.dma_semaphore, #tpu.memory_space<semaphore_mem>>) src(%dma_wait3A_257 : memref<10000x128xf32, #tpu.memory_space<hbm>>) dst(%dma_wait3A_251 : memref<32x128xf32, #tpu.memory_space<vmem>>)
          %jit3A_258 = arith.constant 4 : i32
          %div3A_259 = arith.divsi %add3A_246, %jit3A_258 : i32
          %sign3A_260 = arith.constant 0 : i32
          %sign3A_261 = arith.cmpi sgt, %add3A_246, %sign3A_260 : i32
          %sign3A_262 = arith.extui %sign3A_261 : i1 to i32
          %sign3A_263 = arith.constant 0 : i32
          %sign3A_264 = arith.cmpi slt, %add3A_246, %sign3A_263 : i32
          %sign3A_265 = arith.extui %sign3A_264 : i1 to i32
          %sign3A_266 = arith.subi %sign3A_262, %sign3A_265 : i32
          %sign3A_267 = arith.constant 0 : i32
          %sign3A_268 = arith.cmpi sgt, %jit3A_258, %sign3A_267 : i32
          %sign3A_269 = arith.extui %sign3A_268 : i1 to i32
          %sign3A_270 = arith.constant 0 : i32
          %sign3A_271 = arith.cmpi slt, %jit3A_258, %sign3A_270 : i32
          %sign3A_272 = arith.extui %sign3A_271 : i1 to i32
          %sign3A_273 = arith.subi %sign3A_269, %sign3A_272 : i32
          %ne3A_274 = arith.cmpi ne, %sign3A_266, %sign3A_273 : i32
          %rem3A_275 = arith.remsi %add3A_246, %jit3A_258 : i32
          %ne3A_276 = arith.constant 0 : i32
          %ne3A_277 = arith.cmpi ne, %rem3A_275, %ne3A_276 : i32
          %and3A_278 = arith.andi %ne3A_274, %ne3A_277 : i1
          %sub3A_279 = arith.constant 1 : i32
          %sub3A_280 = arith.subi %div3A_259, %sub3A_279 : i32
          %select_n3A_281 = arith.select %and3A_278, %sub3A_280, %div3A_259 : i32
          %jit3A_282 = arith.constant 4 : i32
          %eq3A_283 = arith.constant 0 : i32
          %eq3A_284 = arith.cmpi eq, %jit3A_282, %eq3A_283 : i32
          %jit3A_285 = arith.constant 1 : i32
          %select_n3A_286 = arith.select %eq3A_284, %jit3A_285, %jit3A_282 : i32
          %rem3A_287 = arith.remsi %add3A_246, %select_n3A_286 : i32
          %ne3A_288 = arith.constant 0 : i32
          %ne3A_289 = arith.cmpi ne, %rem3A_287, %ne3A_288 : i32
          %lt3A_290 = arith.constant 0 : i32
          %lt3A_291 = arith.cmpi slt, %rem3A_287, %lt3A_290 : i32
          %lt3A_292 = arith.constant 0 : i32
          %lt3A_293 = arith.cmpi slt, %select_n3A_286, %lt3A_292 : i32
          %ne3A_294 = arith.xori %lt3A_291, %lt3A_293 : i1
          %and3A_295 = arith.andi %ne3A_294, %ne3A_289 : i1
          %add3A_296 = arith.addi %rem3A_287, %select_n3A_286 : i32
          %select_n3A_297 = arith.select %and3A_295, %add3A_296, %rem3A_287 : i32
          "tpu.region"() ({
            %run_scoped3A = tpu.sem_alloc : memref<!tpu.dma_semaphore, #tpu.memory_space<semaphore_mem>>
            %dma_start3A_305 = arith.constant 96 : i32
            %dma_start3A_306 = arith.constant 0 : i32
            %dma_start3A_307 = tpu.memref_slice %arg9[%dma_start3A_305, %dma_start3A_306] : memref<128x128xf32, #tpu.memory_space<vmem>> -> memref<32x128xf32, #tpu.memory_space<vmem>>
            %dma_start3A_308 = arith.constant 0 : i32
            %dma_start3A_309 = tpu.memref_slice %arg8[%select_n3A_281, %select_n3A_297, %dma_start3A_308] : memref<8x4x32xi32, #tpu.memory_space<vmem>> -> memref<1x1x32xi32, #tpu.memory_space<vmem>>
            %dma_start3A_310 = tpu.memref_squeeze %dma_start3A_309 : memref<1x1x32xi32, #tpu.memory_space<vmem>> -> memref<32xi32, #tpu.memory_space<vmem>>
            %dma_start3A_311 = arith.constant 0 : i32
            %dma_start3A_312 = arith.constant 0 : i32
            %dma_start3A_313 = tpu.memref_slice %arg10[%dma_start3A_311, %dma_start3A_312] : memref<10112x128xf32, #tpu.memory_space<vmem_shared>> -> memref<10112x128xf32, #tpu.memory_space<vmem_shared>>
            tpu.enqueue_indirect_dma source(%dma_start3A_307 : memref<32x128xf32, #tpu.memory_space<vmem>>) target(%dma_start3A_313 : memref<10112x128xf32, #tpu.memory_space<vmem_shared>>) offsets(%dma_start3A_310 : memref<32xi32, #tpu.memory_space<vmem>>) semaphore(%run_scoped3A : memref<!tpu.dma_semaphore, #tpu.memory_space<semaphore_mem>>) {add = true}
            %dma_wait3A_314 = arith.constant 96 : i32
            %dma_wait3A_315 = arith.constant 0 : i32
            %dma_wait3A_316 = tpu.memref_slice %arg9[%dma_wait3A_314, %dma_wait3A_315] : memref<128x128xf32, #tpu.memory_space<vmem>> -> memref<32x128xf32, #tpu.memory_space<vmem>>
            %dma_wait3A_317 = arith.constant 0 : i32
            %dma_wait3A_318 = tpu.memref_slice %arg8[%select_n3A_281, %select_n3A_297, %dma_wait3A_317] : memref<8x4x32xi32, #tpu.memory_space<vmem>> -> memref<1x1x32xi32, #tpu.memory_space<vmem>>
            %dma_wait3A_319 = tpu.memref_squeeze %dma_wait3A_318 : memref<1x1x32xi32, #tpu.memory_space<vmem>> -> memref<32xi32, #tpu.memory_space<vmem>>
            %dma_wait3A_320 = arith.constant 0 : i32
            %dma_wait3A_321 = arith.constant 0 : i32
            %dma_wait3A_322 = tpu.memref_slice %arg10[%dma_wait3A_320, %dma_wait3A_321] : memref<10112x128xf32, #tpu.memory_space<vmem_shared>> -> memref<10112x128xf32, #tpu.memory_space<vmem_shared>>
            tpu.wait_indirect_dma semaphore(%run_scoped3A : memref<!tpu.dma_semaphore, #tpu.memory_space<semaphore_mem>>) src(%dma_wait3A_316 : memref<32x128xf32, #tpu.memory_space<vmem>>) dst(%dma_wait3A_322 : memref<10112x128xf32, #tpu.memory_space<vmem_shared>>)
            tpu.yield
          }) : () -> ()
          %add3A_298 = arith.constant 4 : i32
          %add3A_299 = arith.addi %add3A_246, %add3A_298 : i32
          %lt3A_300 = arith.constant 32 : i32
          %lt3A_301 = arith.cmpi slt, %add3A_299, %lt3A_300 : i32
          %convert_element_type3A_302 = arith.extui %lt3A_301 : i1 to i32
          %cond3A_303 = arith.constant 0 : i32
          %cond3A_304 = arith.cmpi ne, %convert_element_type3A_302, %cond3A_303 : i32
          scf.if %cond3A_304 {
            %add3A_305 = arith.constant 4 : i32
            %add3A_306 = arith.addi %add3A_246, %add3A_305 : i32
            %jit3A_307 = arith.constant 4 : i32
            %div3A_308 = arith.divsi %add3A_306, %jit3A_307 : i32
            %sign3A_309 = arith.constant 0 : i32
            %sign3A_310 = arith.cmpi sgt, %add3A_306, %sign3A_309 : i32
            %sign3A_311 = arith.extui %sign3A_310 : i1 to i32
            %sign3A_312 = arith.constant 0 : i32
            %sign3A_313 = arith.cmpi slt, %add3A_306, %sign3A_312 : i32
            %sign3A_314 = arith.extui %sign3A_313 : i1 to i32
            %sign3A_315 = arith.subi %sign3A_311, %sign3A_314 : i32
            %sign3A_316 = arith.constant 0 : i32
            %sign3A_317 = arith.cmpi sgt, %jit3A_307, %sign3A_316 : i32
            %sign3A_318 = arith.extui %sign3A_317 : i1 to i32
            %sign3A_319 = arith.constant 0 : i32
            %sign3A_320 = arith.cmpi slt, %jit3A_307, %sign3A_319 : i32
            %sign3A_321 = arith.extui %sign3A_320 : i1 to i32
            %sign3A_322 = arith.subi %sign3A_318, %sign3A_321 : i32
            %ne3A_323 = arith.cmpi ne, %sign3A_315, %sign3A_322 : i32
            %rem3A_324 = arith.remsi %add3A_306, %jit3A_307 : i32
            %ne3A_325 = arith.constant 0 : i32
            %ne3A_326 = arith.cmpi ne, %rem3A_324, %ne3A_325 : i32
            %and3A_327 = arith.andi %ne3A_323, %ne3A_326 : i1
            %sub3A_328 = arith.constant 1 : i32
            %sub3A_329 = arith.subi %div3A_308, %sub3A_328 : i32
            %select_n3A_330 = arith.select %and3A_327, %sub3A_329, %div3A_308 : i32
            %jit3A_331 = arith.constant 4 : i32
            %eq3A_332 = arith.constant 0 : i32
            %eq3A_333 = arith.cmpi eq, %jit3A_331, %eq3A_332 : i32
            %jit3A_334 = arith.constant 1 : i32
            %select_n3A_335 = arith.select %eq3A_333, %jit3A_334, %jit3A_331 : i32
            %rem3A_336 = arith.remsi %add3A_306, %select_n3A_335 : i32
            %ne3A_337 = arith.constant 0 : i32
            %ne3A_338 = arith.cmpi ne, %rem3A_336, %ne3A_337 : i32
            %lt3A_339 = arith.constant 0 : i32
            %lt3A_340 = arith.cmpi slt, %rem3A_336, %lt3A_339 : i32
            %lt3A_341 = arith.constant 0 : i32
            %lt3A_342 = arith.cmpi slt, %select_n3A_335, %lt3A_341 : i32
            %ne3A_343 = arith.xori %lt3A_340, %lt3A_342 : i1
            %and3A_344 = arith.andi %ne3A_343, %ne3A_338 : i1
            %add3A_345 = arith.addi %rem3A_336, %select_n3A_335 : i32
            %select_n3A_346 = arith.select %and3A_344, %add3A_345, %rem3A_336 : i32
            %mul3A_347 = arith.constant 32 : i32
            %mul3A_348 = arith.muli %select_n3A_346, %mul3A_347 : i32
            %dma_start3A_349 = arith.constant 96 : i32
            %dma_start3A_350 = arith.constant 0 : i32
            %dma_start3A_351 = tpu.memref_slice %arg9[%dma_start3A_349, %dma_start3A_350] : memref<128x128xf32, #tpu.memory_space<vmem>> -> memref<32x128xf32, #tpu.memory_space<vmem>>
            %dma_start3A_352 = tpu.memref_slice %arg7[%select_n3A_330, %mul3A_348] : memref<8x128xi32, #tpu.memory_space<vmem>> -> memref<1x32xi32, #tpu.memory_space<vmem>>
            %dma_start3A_353 = tpu.memref_squeeze %dma_start3A_352 : memref<1x32xi32, #tpu.memory_space<vmem>> -> memref<32xi32, #tpu.memory_space<vmem>>
            %dma_start3A_354 = arith.constant 0 : i32
            %dma_start3A_355 = arith.constant 0 : i32
            %dma_start3A_356 = tpu.memref_slice %arg2[%dma_start3A_354, %dma_start3A_355] : memref<10000x128xf32, #tpu.memory_space<hbm>> -> memref<10000x128xf32, #tpu.memory_space<hbm>>
            tpu.enqueue_indirect_dma source(%dma_start3A_356 : memref<10000x128xf32, #tpu.memory_space<hbm>>) target(%dma_start3A_351 : memref<32x128xf32, #tpu.memory_space<vmem>>) offsets(%dma_start3A_353 : memref<32xi32, #tpu.memory_space<vmem>>) semaphore(%arg11 : memref<!tpu.dma_semaphore, #tpu.memory_space<semaphore_mem>>)
          } else {
          }
        }
        %scan3A_69 = arith.constant 8 : i32
      }
      %scan3A_18 = arith.constant 16 : i32
    } else {
    }
    %eq3A_3 = arith.constant 1 : i32
    %eq3A_4 = arith.cmpi eq, %arg0, %eq3A_3 : i32
    %convert_element_type3A_5 = arith.extui %eq3A_4 : i1 to i32
    %cond3A_6 = arith.constant 0 : i32
    %cond3A_7 = arith.cmpi ne, %convert_element_type3A_5, %cond3A_6 : i32
    scf.if %cond3A_7 {
      %mul3A_13 = arith.constant 32 : i32
      %mul3A_14 = arith.muli %arg1, %mul3A_13 : i32
      %add3A = arith.constant 2048 : i32
      %add3A_15 = arith.addi %add3A, %mul3A_14 : i32
      %scan3A = arith.constant 0 : i32
      %scan3A_16 = arith.constant 4 : i32
      %scan3A_17 = arith.addi %scan3A, %scan3A_16 : i32
      %scan3A_18 = arith.constant 1 : i32
      scf.for %scan3A_20 = %scan3A to %scan3A_17 step %scan3A_18  : i32 {
        %mul3A_21 = arith.constant 1 : i32
        %mul3A_22 = arith.muli %scan3A_20, %mul3A_21 : i32
        %add3A_23 = arith.constant 0 : i32
        %add3A_24 = arith.addi %add3A_23, %mul3A_22 : i32
        %mul3A_25 = arith.constant 8 : i32
        %mul3A_26 = arith.muli %add3A_24, %mul3A_25 : i32
        %add3A_27 = arith.addi %add3A_15, %mul3A_26 : i32
        %multiple_of3A = tpu.assume_multiple %add3A_27, 8 : i32
        "tpu.region"() ({
          %run_scoped3A = tpu.sem_alloc : memref<!tpu.dma_semaphore, #tpu.memory_space<semaphore_mem>>
          %dma_start3A_72 = arith.constant 0 : i32
          %dma_start3A_73 = tpu.memref_slice %arg3[%multiple_of3A, %dma_start3A_72] : memref<2560x128xi32, #tpu.memory_space<hbm>> -> memref<8x128xi32, #tpu.memory_space<hbm>>
          %dma_start3A_74 = arith.constant 0 : i32
          %dma_start3A_75 = tpu.memref_slice %arg3[%multiple_of3A, %dma_start3A_74] : memref<2560x128xi32, #tpu.memory_space<hbm>> -> memref<8x128xi32, #tpu.memory_space<hbm>>
          tpu.enqueue_dma source(%dma_start3A_75 : memref<8x128xi32, #tpu.memory_space<hbm>>) target(%arg7 : memref<8x128xi32, #tpu.memory_space<vmem>>) target_semaphore(%run_scoped3A : memref<!tpu.dma_semaphore, #tpu.memory_space<semaphore_mem>>)
          %dma_wait3A = arith.constant 0 : i32
          %dma_wait3A_76 = tpu.memref_slice %arg3[%multiple_of3A, %dma_wait3A] : memref<2560x128xi32, #tpu.memory_space<hbm>> -> memref<8x128xi32, #tpu.memory_space<hbm>>
          %dma_wait3A_77 = arith.constant 0 : i32
          %dma_wait3A_78 = tpu.memref_slice %arg3[%multiple_of3A, %dma_wait3A_77] : memref<2560x128xi32, #tpu.memory_space<hbm>> -> memref<8x128xi32, #tpu.memory_space<hbm>>
          tpu.wait_dma2 semaphore(%run_scoped3A : memref<!tpu.dma_semaphore, #tpu.memory_space<semaphore_mem>>) src(%dma_wait3A_78 : memref<8x128xi32, #tpu.memory_space<hbm>>) dst(%arg7 : memref<8x128xi32, #tpu.memory_space<vmem>>)
          tpu.yield
        }) : () -> ()
        "tpu.region"() ({
          %run_scoped3A = tpu.sem_alloc : memref<!tpu.dma_semaphore, #tpu.memory_space<semaphore_mem>>
          %dma_start3A_72 = arith.constant 0 : i32
          %dma_start3A_73 = arith.constant 0 : i32
          %dma_start3A_74 = tpu.memref_slice %arg4[%multiple_of3A, %dma_start3A_72, %dma_start3A_73] : memref<2560x4x32xi32, #tpu.memory_space<hbm>> -> memref<8x4x32xi32, #tpu.memory_space<hbm>>
          %dma_start3A_75 = arith.constant 0 : i32
          %dma_start3A_76 = arith.constant 0 : i32
          %dma_start3A_77 = tpu.memref_slice %arg4[%multiple_of3A, %dma_start3A_75, %dma_start3A_76] : memref<2560x4x32xi32, #tpu.memory_space<hbm>> -> memref<8x4x32xi32, #tpu.memory_space<hbm>>
          tpu.enqueue_dma source(%dma_start3A_77 : memref<8x4x32xi32, #tpu.memory_space<hbm>>) target(%arg8 : memref<8x4x32xi32, #tpu.memory_space<vmem>>) target_semaphore(%run_scoped3A : memref<!tpu.dma_semaphore, #tpu.memory_space<semaphore_mem>>)
          %dma_wait3A = arith.constant 0 : i32
          %dma_wait3A_78 = arith.constant 0 : i32
          %dma_wait3A_79 = tpu.memref_slice %arg4[%multiple_of3A, %dma_wait3A, %dma_wait3A_78] : memref<2560x4x32xi32, #tpu.memory_space<hbm>> -> memref<8x4x32xi32, #tpu.memory_space<hbm>>
          %dma_wait3A_80 = arith.constant 0 : i32
          %dma_wait3A_81 = arith.constant 0 : i32
          %dma_wait3A_82 = tpu.memref_slice %arg4[%multiple_of3A, %dma_wait3A_80, %dma_wait3A_81] : memref<2560x4x32xi32, #tpu.memory_space<hbm>> -> memref<8x4x32xi32, #tpu.memory_space<hbm>>
          tpu.wait_dma2 semaphore(%run_scoped3A : memref<!tpu.dma_semaphore, #tpu.memory_space<semaphore_mem>>) src(%dma_wait3A_82 : memref<8x4x32xi32, #tpu.memory_space<hbm>>) dst(%arg8 : memref<8x4x32xi32, #tpu.memory_space<vmem>>)
          tpu.yield
        }) : () -> ()
        %dma_start3A = arith.constant 0 : i32
        %dma_start3A_28 = arith.constant 0 : i32
        %dma_start3A_29 = arith.constant 0 : i32
        %dma_start3A_30 = tpu.memref_slice %arg9[%dma_start3A_28, %dma_start3A_29] : memref<128x128xf32, #tpu.memory_space<vmem>> -> memref<32x128xf32, #tpu.memory_space<vmem>>
        %dma_start3A_31 = arith.constant 0 : i32
        %dma_start3A_32 = tpu.memref_slice %arg7[%dma_start3A, %dma_start3A_31] : memref<8x128xi32, #tpu.memory_space<vmem>> -> memref<1x32xi32, #tpu.memory_space<vmem>>
        %dma_start3A_33 = tpu.memref_squeeze %dma_start3A_32 : memref<1x32xi32, #tpu.memory_space<vmem>> -> memref<32xi32, #tpu.memory_space<vmem>>
        %dma_start3A_34 = arith.constant 0 : i32
        %dma_start3A_35 = arith.constant 0 : i32
        %dma_start3A_36 = tpu.memref_slice %arg2[%dma_start3A_34, %dma_start3A_35] : memref<10000x128xf32, #tpu.memory_space<hbm>> -> memref<10000x128xf32, #tpu.memory_space<hbm>>
        tpu.enqueue_indirect_dma source(%dma_start3A_36 : memref<10000x128xf32, #tpu.memory_space<hbm>>) target(%dma_start3A_30 : memref<32x128xf32, #tpu.memory_space<vmem>>) offsets(%dma_start3A_33 : memref<32xi32, #tpu.memory_space<vmem>>) semaphore(%arg11 : memref<!tpu.dma_semaphore, #tpu.memory_space<semaphore_mem>>)
        %dma_start3A_37 = arith.constant 0 : i32
        %dma_start3A_38 = arith.constant 32 : i32
        %dma_start3A_39 = arith.constant 0 : i32
        %dma_start3A_40 = tpu.memref_slice %arg9[%dma_start3A_38, %dma_start3A_39] : memref<128x128xf32, #tpu.memory_space<vmem>> -> memref<32x128xf32, #tpu.memory_space<vmem>>
        %dma_start3A_41 = arith.constant 32 : i32
        %dma_start3A_42 = tpu.memref_slice %arg7[%dma_start3A_37, %dma_start3A_41] : memref<8x128xi32, #tpu.memory_space<vmem>> -> memref<1x32xi32, #tpu.memory_space<vmem>>
        %dma_start3A_43 = tpu.memref_squeeze %dma_start3A_42 : memref<1x32xi32, #tpu.memory_space<vmem>> -> memref<32xi32, #tpu.memory_space<vmem>>
        %dma_start3A_44 = arith.constant 0 : i32
        %dma_start3A_45 = arith.constant 0 : i32
        %dma_start3A_46 = tpu.memref_slice %arg2[%dma_start3A_44, %dma_start3A_45] : memref<10000x128xf32, #tpu.memory_space<hbm>> -> memref<10000x128xf32, #tpu.memory_space<hbm>>
        tpu.enqueue_indirect_dma source(%dma_start3A_46 : memref<10000x128xf32, #tpu.memory_space<hbm>>) target(%dma_start3A_40 : memref<32x128xf32, #tpu.memory_space<vmem>>) offsets(%dma_start3A_43 : memref<32xi32, #tpu.memory_space<vmem>>) semaphore(%arg11 : memref<!tpu.dma_semaphore, #tpu.memory_space<semaphore_mem>>)
        %dma_start3A_47 = arith.constant 0 : i32
        %dma_start3A_48 = arith.constant 64 : i32
        %dma_start3A_49 = arith.constant 0 : i32
        %dma_start3A_50 = tpu.memref_slice %arg9[%dma_start3A_48, %dma_start3A_49] : memref<128x128xf32, #tpu.memory_space<vmem>> -> memref<32x128xf32, #tpu.memory_space<vmem>>
        %dma_start3A_51 = arith.constant 64 : i32
        %dma_start3A_52 = tpu.memref_slice %arg7[%dma_start3A_47, %dma_start3A_51] : memref<8x128xi32, #tpu.memory_space<vmem>> -> memref<1x32xi32, #tpu.memory_space<vmem>>
        %dma_start3A_53 = tpu.memref_squeeze %dma_start3A_52 : memref<1x32xi32, #tpu.memory_space<vmem>> -> memref<32xi32, #tpu.memory_space<vmem>>
        %dma_start3A_54 = arith.constant 0 : i32
        %dma_start3A_55 = arith.constant 0 : i32
        %dma_start3A_56 = tpu.memref_slice %arg2[%dma_start3A_54, %dma_start3A_55] : memref<10000x128xf32, #tpu.memory_space<hbm>> -> memref<10000x128xf32, #tpu.memory_space<hbm>>
        tpu.enqueue_indirect_dma source(%dma_start3A_56 : memref<10000x128xf32, #tpu.memory_space<hbm>>) target(%dma_start3A_50 : memref<32x128xf32, #tpu.memory_space<vmem>>) offsets(%dma_start3A_53 : memref<32xi32, #tpu.memory_space<vmem>>) semaphore(%arg11 : memref<!tpu.dma_semaphore, #tpu.memory_space<semaphore_mem>>)
        %dma_start3A_57 = arith.constant 0 : i32
        %dma_start3A_58 = arith.constant 96 : i32
        %dma_start3A_59 = arith.constant 0 : i32
        %dma_start3A_60 = tpu.memref_slice %arg9[%dma_start3A_58, %dma_start3A_59] : memref<128x128xf32, #tpu.memory_space<vmem>> -> memref<32x128xf32, #tpu.memory_space<vmem>>
        %dma_start3A_61 = arith.constant 96 : i32
        %dma_start3A_62 = tpu.memref_slice %arg7[%dma_start3A_57, %dma_start3A_61] : memref<8x128xi32, #tpu.memory_space<vmem>> -> memref<1x32xi32, #tpu.memory_space<vmem>>
        %dma_start3A_63 = tpu.memref_squeeze %dma_start3A_62 : memref<1x32xi32, #tpu.memory_space<vmem>> -> memref<32xi32, #tpu.memory_space<vmem>>
        %dma_start3A_64 = arith.constant 0 : i32
        %dma_start3A_65 = arith.constant 0 : i32
        %dma_start3A_66 = tpu.memref_slice %arg2[%dma_start3A_64, %dma_start3A_65] : memref<10000x128xf32, #tpu.memory_space<hbm>> -> memref<10000x128xf32, #tpu.memory_space<hbm>>
        tpu.enqueue_indirect_dma source(%dma_start3A_66 : memref<10000x128xf32, #tpu.memory_space<hbm>>) target(%dma_start3A_60 : memref<32x128xf32, #tpu.memory_space<vmem>>) offsets(%dma_start3A_63 : memref<32xi32, #tpu.memory_space<vmem>>) semaphore(%arg11 : memref<!tpu.dma_semaphore, #tpu.memory_space<semaphore_mem>>)
        %scan3A_67 = arith.constant 0 : i32
        %scan3A_68 = arith.constant 8 : i32
        %scan3A_69 = arith.addi %scan3A_67, %scan3A_68 : i32
        %scan3A_70 = arith.constant 1 : i32
        scf.for %scan3A_72 = %scan3A_67 to %scan3A_69 step %scan3A_70  : i32 {
          %mul3A_73 = arith.constant 4 : i32
          %mul3A_74 = arith.muli %scan3A_72, %mul3A_73 : i32
          %add3A_75 = arith.constant 0 : i32
          %add3A_76 = arith.addi %add3A_75, %mul3A_74 : i32
          %add3A_77 = arith.constant 0 : i32
          %add3A_78 = arith.addi %add3A_76, %add3A_77 : i32
          %dma_wait3A = arith.constant 0 : i32
          %dma_wait3A_79 = arith.constant 0 : i32
          %dma_wait3A_80 = arith.constant 0 : i32
          %dma_wait3A_81 = arith.constant 0 : i32
          %dma_wait3A_82 = tpu.memref_slice %arg9[%dma_wait3A_80, %dma_wait3A_81] : memref<128x128xf32, #tpu.memory_space<vmem>> -> memref<32x128xf32, #tpu.memory_space<vmem>>
          %dma_wait3A_83 = arith.constant 0 : i32
          %dma_wait3A_84 = tpu.memref_slice %arg8[%dma_wait3A, %dma_wait3A_79, %dma_wait3A_83] : memref<8x4x32xi32, #tpu.memory_space<vmem>> -> memref<1x1x32xi32, #tpu.memory_space<vmem>>
          %dma_wait3A_85 = tpu.memref_squeeze %dma_wait3A_84 : memref<1x1x32xi32, #tpu.memory_space<vmem>> -> memref<32xi32, #tpu.memory_space<vmem>>
          %dma_wait3A_86 = arith.constant 0 : i32
          %dma_wait3A_87 = arith.constant 0 : i32
          %dma_wait3A_88 = tpu.memref_slice %arg2[%dma_wait3A_86, %dma_wait3A_87] : memref<10000x128xf32, #tpu.memory_space<hbm>> -> memref<10000x128xf32, #tpu.memory_space<hbm>>
          tpu.wait_indirect_dma semaphore(%arg11 : memref<!tpu.dma_semaphore, #tpu.memory_space<semaphore_mem>>) src(%dma_wait3A_88 : memref<10000x128xf32, #tpu.memory_space<hbm>>) dst(%dma_wait3A_82 : memref<32x128xf32, #tpu.memory_space<vmem>>)
          %jit3A = arith.constant 4 : i32
          %div3A = arith.divsi %add3A_78, %jit3A : i32
          %sign3A = arith.constant 0 : i32
          %sign3A_89 = arith.cmpi sgt, %add3A_78, %sign3A : i32
          %sign3A_90 = arith.extui %sign3A_89 : i1 to i32
          %sign3A_91 = arith.constant 0 : i32
          %sign3A_92 = arith.cmpi slt, %add3A_78, %sign3A_91 : i32
          %sign3A_93 = arith.extui %sign3A_92 : i1 to i32
          %sign3A_94 = arith.subi %sign3A_90, %sign3A_93 : i32
          %sign3A_95 = arith.constant 0 : i32
          %sign3A_96 = arith.cmpi sgt, %jit3A, %sign3A_95 : i32
          %sign3A_97 = arith.extui %sign3A_96 : i1 to i32
          %sign3A_98 = arith.constant 0 : i32
          %sign3A_99 = arith.cmpi slt, %jit3A, %sign3A_98 : i32
          %sign3A_100 = arith.extui %sign3A_99 : i1 to i32
          %sign3A_101 = arith.subi %sign3A_97, %sign3A_100 : i32
          %ne3A = arith.cmpi ne, %sign3A_94, %sign3A_101 : i32
          %rem3A = arith.remsi %add3A_78, %jit3A : i32
          %ne3A_102 = arith.constant 0 : i32
          %ne3A_103 = arith.cmpi ne, %rem3A, %ne3A_102 : i32
          %and3A = arith.andi %ne3A, %ne3A_103 : i1
          %sub3A = arith.constant 1 : i32
          %sub3A_104 = arith.subi %div3A, %sub3A : i32
          %select_n3A = arith.select %and3A, %sub3A_104, %div3A : i32
          %jit3A_105 = arith.constant 4 : i32
          %eq3A_106 = arith.constant 0 : i32
          %eq3A_107 = arith.cmpi eq, %jit3A_105, %eq3A_106 : i32
          %jit3A_108 = arith.constant 1 : i32
          %select_n3A_109 = arith.select %eq3A_107, %jit3A_108, %jit3A_105 : i32
          %rem3A_110 = arith.remsi %add3A_78, %select_n3A_109 : i32
          %ne3A_111 = arith.constant 0 : i32
          %ne3A_112 = arith.cmpi ne, %rem3A_110, %ne3A_111 : i32
          %lt3A = arith.constant 0 : i32
          %lt3A_113 = arith.cmpi slt, %rem3A_110, %lt3A : i32
          %lt3A_114 = arith.constant 0 : i32
          %lt3A_115 = arith.cmpi slt, %select_n3A_109, %lt3A_114 : i32
          %ne3A_116 = arith.xori %lt3A_113, %lt3A_115 : i1
          %and3A_117 = arith.andi %ne3A_116, %ne3A_112 : i1
          %add3A_118 = arith.addi %rem3A_110, %select_n3A_109 : i32
          %select_n3A_119 = arith.select %and3A_117, %add3A_118, %rem3A_110 : i32
          "tpu.region"() ({
            %run_scoped3A = tpu.sem_alloc : memref<!tpu.dma_semaphore, #tpu.memory_space<semaphore_mem>>
            %dma_start3A_307 = arith.constant 0 : i32
            %dma_start3A_308 = arith.constant 0 : i32
            %dma_start3A_309 = tpu.memref_slice %arg9[%dma_start3A_307, %dma_start3A_308] : memref<128x128xf32, #tpu.memory_space<vmem>> -> memref<32x128xf32, #tpu.memory_space<vmem>>
            %dma_start3A_310 = arith.constant 0 : i32
            %dma_start3A_311 = tpu.memref_slice %arg8[%select_n3A, %select_n3A_119, %dma_start3A_310] : memref<8x4x32xi32, #tpu.memory_space<vmem>> -> memref<1x1x32xi32, #tpu.memory_space<vmem>>
            %dma_start3A_312 = tpu.memref_squeeze %dma_start3A_311 : memref<1x1x32xi32, #tpu.memory_space<vmem>> -> memref<32xi32, #tpu.memory_space<vmem>>
            %dma_start3A_313 = arith.constant 0 : i32
            %dma_start3A_314 = arith.constant 0 : i32
            %dma_start3A_315 = tpu.memref_slice %arg10[%dma_start3A_313, %dma_start3A_314] : memref<10112x128xf32, #tpu.memory_space<vmem_shared>> -> memref<10112x128xf32, #tpu.memory_space<vmem_shared>>
            tpu.enqueue_indirect_dma source(%dma_start3A_309 : memref<32x128xf32, #tpu.memory_space<vmem>>) target(%dma_start3A_315 : memref<10112x128xf32, #tpu.memory_space<vmem_shared>>) offsets(%dma_start3A_312 : memref<32xi32, #tpu.memory_space<vmem>>) semaphore(%run_scoped3A : memref<!tpu.dma_semaphore, #tpu.memory_space<semaphore_mem>>) {add = true}
            %dma_wait3A_316 = arith.constant 0 : i32
            %dma_wait3A_317 = arith.constant 0 : i32
            %dma_wait3A_318 = tpu.memref_slice %arg9[%dma_wait3A_316, %dma_wait3A_317] : memref<128x128xf32, #tpu.memory_space<vmem>> -> memref<32x128xf32, #tpu.memory_space<vmem>>
            %dma_wait3A_319 = arith.constant 0 : i32
            %dma_wait3A_320 = tpu.memref_slice %arg8[%select_n3A, %select_n3A_119, %dma_wait3A_319] : memref<8x4x32xi32, #tpu.memory_space<vmem>> -> memref<1x1x32xi32, #tpu.memory_space<vmem>>
            %dma_wait3A_321 = tpu.memref_squeeze %dma_wait3A_320 : memref<1x1x32xi32, #tpu.memory_space<vmem>> -> memref<32xi32, #tpu.memory_space<vmem>>
            %dma_wait3A_322 = arith.constant 0 : i32
            %dma_wait3A_323 = arith.constant 0 : i32
            %dma_wait3A_324 = tpu.memref_slice %arg10[%dma_wait3A_322, %dma_wait3A_323] : memref<10112x128xf32, #tpu.memory_space<vmem_shared>> -> memref<10112x128xf32, #tpu.memory_space<vmem_shared>>
            tpu.wait_indirect_dma semaphore(%run_scoped3A : memref<!tpu.dma_semaphore, #tpu.memory_space<semaphore_mem>>) src(%dma_wait3A_318 : memref<32x128xf32, #tpu.memory_space<vmem>>) dst(%dma_wait3A_324 : memref<10112x128xf32, #tpu.memory_space<vmem_shared>>)
            tpu.yield
          }) : () -> ()
          %add3A_120 = arith.constant 4 : i32
          %add3A_121 = arith.addi %add3A_78, %add3A_120 : i32
          %lt3A_122 = arith.constant 32 : i32
          %lt3A_123 = arith.cmpi slt, %add3A_121, %lt3A_122 : i32
          %convert_element_type3A_124 = arith.extui %lt3A_123 : i1 to i32
          %cond3A_125 = arith.constant 0 : i32
          %cond3A_126 = arith.cmpi ne, %convert_element_type3A_124, %cond3A_125 : i32
          scf.if %cond3A_126 {
            %add3A_307 = arith.constant 4 : i32
            %add3A_308 = arith.addi %add3A_78, %add3A_307 : i32
            %jit3A_309 = arith.constant 4 : i32
            %div3A_310 = arith.divsi %add3A_308, %jit3A_309 : i32
            %sign3A_311 = arith.constant 0 : i32
            %sign3A_312 = arith.cmpi sgt, %add3A_308, %sign3A_311 : i32
            %sign3A_313 = arith.extui %sign3A_312 : i1 to i32
            %sign3A_314 = arith.constant 0 : i32
            %sign3A_315 = arith.cmpi slt, %add3A_308, %sign3A_314 : i32
            %sign3A_316 = arith.extui %sign3A_315 : i1 to i32
            %sign3A_317 = arith.subi %sign3A_313, %sign3A_316 : i32
            %sign3A_318 = arith.constant 0 : i32
            %sign3A_319 = arith.cmpi sgt, %jit3A_309, %sign3A_318 : i32
            %sign3A_320 = arith.extui %sign3A_319 : i1 to i32
            %sign3A_321 = arith.constant 0 : i32
            %sign3A_322 = arith.cmpi slt, %jit3A_309, %sign3A_321 : i32
            %sign3A_323 = arith.extui %sign3A_322 : i1 to i32
            %sign3A_324 = arith.subi %sign3A_320, %sign3A_323 : i32
            %ne3A_325 = arith.cmpi ne, %sign3A_317, %sign3A_324 : i32
            %rem3A_326 = arith.remsi %add3A_308, %jit3A_309 : i32
            %ne3A_327 = arith.constant 0 : i32
            %ne3A_328 = arith.cmpi ne, %rem3A_326, %ne3A_327 : i32
            %and3A_329 = arith.andi %ne3A_325, %ne3A_328 : i1
            %sub3A_330 = arith.constant 1 : i32
            %sub3A_331 = arith.subi %div3A_310, %sub3A_330 : i32
            %select_n3A_332 = arith.select %and3A_329, %sub3A_331, %div3A_310 : i32
            %jit3A_333 = arith.constant 4 : i32
            %eq3A_334 = arith.constant 0 : i32
            %eq3A_335 = arith.cmpi eq, %jit3A_333, %eq3A_334 : i32
            %jit3A_336 = arith.constant 1 : i32
            %select_n3A_337 = arith.select %eq3A_335, %jit3A_336, %jit3A_333 : i32
            %rem3A_338 = arith.remsi %add3A_308, %select_n3A_337 : i32
            %ne3A_339 = arith.constant 0 : i32
            %ne3A_340 = arith.cmpi ne, %rem3A_338, %ne3A_339 : i32
            %lt3A_341 = arith.constant 0 : i32
            %lt3A_342 = arith.cmpi slt, %rem3A_338, %lt3A_341 : i32
            %lt3A_343 = arith.constant 0 : i32
            %lt3A_344 = arith.cmpi slt, %select_n3A_337, %lt3A_343 : i32
            %ne3A_345 = arith.xori %lt3A_342, %lt3A_344 : i1
            %and3A_346 = arith.andi %ne3A_345, %ne3A_340 : i1
            %add3A_347 = arith.addi %rem3A_338, %select_n3A_337 : i32
            %select_n3A_348 = arith.select %and3A_346, %add3A_347, %rem3A_338 : i32
            %mul3A_349 = arith.constant 32 : i32
            %mul3A_350 = arith.muli %select_n3A_348, %mul3A_349 : i32
            %dma_start3A_351 = arith.constant 0 : i32
            %dma_start3A_352 = arith.constant 0 : i32
            %dma_start3A_353 = tpu.memref_slice %arg9[%dma_start3A_351, %dma_start3A_352] : memref<128x128xf32, #tpu.memory_space<vmem>> -> memref<32x128xf32, #tpu.memory_space<vmem>>
            %dma_start3A_354 = tpu.memref_slice %arg7[%select_n3A_332, %mul3A_350] : memref<8x128xi32, #tpu.memory_space<vmem>> -> memref<1x32xi32, #tpu.memory_space<vmem>>
            %dma_start3A_355 = tpu.memref_squeeze %dma_start3A_354 : memref<1x32xi32, #tpu.memory_space<vmem>> -> memref<32xi32, #tpu.memory_space<vmem>>
            %dma_start3A_356 = arith.constant 0 : i32
            %dma_start3A_357 = arith.constant 0 : i32
            %dma_start3A_358 = tpu.memref_slice %arg2[%dma_start3A_356, %dma_start3A_357] : memref<10000x128xf32, #tpu.memory_space<hbm>> -> memref<10000x128xf32, #tpu.memory_space<hbm>>
            tpu.enqueue_indirect_dma source(%dma_start3A_358 : memref<10000x128xf32, #tpu.memory_space<hbm>>) target(%dma_start3A_353 : memref<32x128xf32, #tpu.memory_space<vmem>>) offsets(%dma_start3A_355 : memref<32xi32, #tpu.memory_space<vmem>>) semaphore(%arg11 : memref<!tpu.dma_semaphore, #tpu.memory_space<semaphore_mem>>)
          } else {
          }
          %add3A_127 = arith.constant 1 : i32
          %add3A_128 = arith.addi %add3A_76, %add3A_127 : i32
          %dma_wait3A_129 = arith.constant 0 : i32
          %dma_wait3A_130 = arith.constant 0 : i32
          %dma_wait3A_131 = arith.constant 32 : i32
          %dma_wait3A_132 = arith.constant 0 : i32
          %dma_wait3A_133 = tpu.memref_slice %arg9[%dma_wait3A_131, %dma_wait3A_132] : memref<128x128xf32, #tpu.memory_space<vmem>> -> memref<32x128xf32, #tpu.memory_space<vmem>>
          %dma_wait3A_134 = arith.constant 0 : i32
          %dma_wait3A_135 = tpu.memref_slice %arg8[%dma_wait3A_129, %dma_wait3A_130, %dma_wait3A_134] : memref<8x4x32xi32, #tpu.memory_space<vmem>> -> memref<1x1x32xi32, #tpu.memory_space<vmem>>
          %dma_wait3A_136 = tpu.memref_squeeze %dma_wait3A_135 : memref<1x1x32xi32, #tpu.memory_space<vmem>> -> memref<32xi32, #tpu.memory_space<vmem>>
          %dma_wait3A_137 = arith.constant 0 : i32
          %dma_wait3A_138 = arith.constant 0 : i32
          %dma_wait3A_139 = tpu.memref_slice %arg2[%dma_wait3A_137, %dma_wait3A_138] : memref<10000x128xf32, #tpu.memory_space<hbm>> -> memref<10000x128xf32, #tpu.memory_space<hbm>>
          tpu.wait_indirect_dma semaphore(%arg11 : memref<!tpu.dma_semaphore, #tpu.memory_space<semaphore_mem>>) src(%dma_wait3A_139 : memref<10000x128xf32, #tpu.memory_space<hbm>>) dst(%dma_wait3A_133 : memref<32x128xf32, #tpu.memory_space<vmem>>)
          %jit3A_140 = arith.constant 4 : i32
          %div3A_141 = arith.divsi %add3A_128, %jit3A_140 : i32
          %sign3A_142 = arith.constant 0 : i32
          %sign3A_143 = arith.cmpi sgt, %add3A_128, %sign3A_142 : i32
          %sign3A_144 = arith.extui %sign3A_143 : i1 to i32
          %sign3A_145 = arith.constant 0 : i32
          %sign3A_146 = arith.cmpi slt, %add3A_128, %sign3A_145 : i32
          %sign3A_147 = arith.extui %sign3A_146 : i1 to i32
          %sign3A_148 = arith.subi %sign3A_144, %sign3A_147 : i32
          %sign3A_149 = arith.constant 0 : i32
          %sign3A_150 = arith.cmpi sgt, %jit3A_140, %sign3A_149 : i32
          %sign3A_151 = arith.extui %sign3A_150 : i1 to i32
          %sign3A_152 = arith.constant 0 : i32
          %sign3A_153 = arith.cmpi slt, %jit3A_140, %sign3A_152 : i32
          %sign3A_154 = arith.extui %sign3A_153 : i1 to i32
          %sign3A_155 = arith.subi %sign3A_151, %sign3A_154 : i32
          %ne3A_156 = arith.cmpi ne, %sign3A_148, %sign3A_155 : i32
          %rem3A_157 = arith.remsi %add3A_128, %jit3A_140 : i32
          %ne3A_158 = arith.constant 0 : i32
          %ne3A_159 = arith.cmpi ne, %rem3A_157, %ne3A_158 : i32
          %and3A_160 = arith.andi %ne3A_156, %ne3A_159 : i1
          %sub3A_161 = arith.constant 1 : i32
          %sub3A_162 = arith.subi %div3A_141, %sub3A_161 : i32
          %select_n3A_163 = arith.select %and3A_160, %sub3A_162, %div3A_141 : i32
          %jit3A_164 = arith.constant 4 : i32
          %eq3A_165 = arith.constant 0 : i32
          %eq3A_166 = arith.cmpi eq, %jit3A_164, %eq3A_165 : i32
          %jit3A_167 = arith.constant 1 : i32
          %select_n3A_168 = arith.select %eq3A_166, %jit3A_167, %jit3A_164 : i32
          %rem3A_169 = arith.remsi %add3A_128, %select_n3A_168 : i32
          %ne3A_170 = arith.constant 0 : i32
          %ne3A_171 = arith.cmpi ne, %rem3A_169, %ne3A_170 : i32
          %lt3A_172 = arith.constant 0 : i32
          %lt3A_173 = arith.cmpi slt, %rem3A_169, %lt3A_172 : i32
          %lt3A_174 = arith.constant 0 : i32
          %lt3A_175 = arith.cmpi slt, %select_n3A_168, %lt3A_174 : i32
          %ne3A_176 = arith.xori %lt3A_173, %lt3A_175 : i1
          %and3A_177 = arith.andi %ne3A_176, %ne3A_171 : i1
          %add3A_178 = arith.addi %rem3A_169, %select_n3A_168 : i32
          %select_n3A_179 = arith.select %and3A_177, %add3A_178, %rem3A_169 : i32
          "tpu.region"() ({
            %run_scoped3A = tpu.sem_alloc : memref<!tpu.dma_semaphore, #tpu.memory_space<semaphore_mem>>
            %dma_start3A_307 = arith.constant 32 : i32
            %dma_start3A_308 = arith.constant 0 : i32
            %dma_start3A_309 = tpu.memref_slice %arg9[%dma_start3A_307, %dma_start3A_308] : memref<128x128xf32, #tpu.memory_space<vmem>> -> memref<32x128xf32, #tpu.memory_space<vmem>>
            %dma_start3A_310 = arith.constant 0 : i32
            %dma_start3A_311 = tpu.memref_slice %arg8[%select_n3A_163, %select_n3A_179, %dma_start3A_310] : memref<8x4x32xi32, #tpu.memory_space<vmem>> -> memref<1x1x32xi32, #tpu.memory_space<vmem>>
            %dma_start3A_312 = tpu.memref_squeeze %dma_start3A_311 : memref<1x1x32xi32, #tpu.memory_space<vmem>> -> memref<32xi32, #tpu.memory_space<vmem>>
            %dma_start3A_313 = arith.constant 0 : i32
            %dma_start3A_314 = arith.constant 0 : i32
            %dma_start3A_315 = tpu.memref_slice %arg10[%dma_start3A_313, %dma_start3A_314] : memref<10112x128xf32, #tpu.memory_space<vmem_shared>> -> memref<10112x128xf32, #tpu.memory_space<vmem_shared>>
            tpu.enqueue_indirect_dma source(%dma_start3A_309 : memref<32x128xf32, #tpu.memory_space<vmem>>) target(%dma_start3A_315 : memref<10112x128xf32, #tpu.memory_space<vmem_shared>>) offsets(%dma_start3A_312 : memref<32xi32, #tpu.memory_space<vmem>>) semaphore(%run_scoped3A : memref<!tpu.dma_semaphore, #tpu.memory_space<semaphore_mem>>) {add = true}
            %dma_wait3A_316 = arith.constant 32 : i32
            %dma_wait3A_317 = arith.constant 0 : i32
            %dma_wait3A_318 = tpu.memref_slice %arg9[%dma_wait3A_316, %dma_wait3A_317] : memref<128x128xf32, #tpu.memory_space<vmem>> -> memref<32x128xf32, #tpu.memory_space<vmem>>
            %dma_wait3A_319 = arith.constant 0 : i32
            %dma_wait3A_320 = tpu.memref_slice %arg8[%select_n3A_163, %select_n3A_179, %dma_wait3A_319] : memref<8x4x32xi32, #tpu.memory_space<vmem>> -> memref<1x1x32xi32, #tpu.memory_space<vmem>>
            %dma_wait3A_321 = tpu.memref_squeeze %dma_wait3A_320 : memref<1x1x32xi32, #tpu.memory_space<vmem>> -> memref<32xi32, #tpu.memory_space<vmem>>
            %dma_wait3A_322 = arith.constant 0 : i32
            %dma_wait3A_323 = arith.constant 0 : i32
            %dma_wait3A_324 = tpu.memref_slice %arg10[%dma_wait3A_322, %dma_wait3A_323] : memref<10112x128xf32, #tpu.memory_space<vmem_shared>> -> memref<10112x128xf32, #tpu.memory_space<vmem_shared>>
            tpu.wait_indirect_dma semaphore(%run_scoped3A : memref<!tpu.dma_semaphore, #tpu.memory_space<semaphore_mem>>) src(%dma_wait3A_318 : memref<32x128xf32, #tpu.memory_space<vmem>>) dst(%dma_wait3A_324 : memref<10112x128xf32, #tpu.memory_space<vmem_shared>>)
            tpu.yield
          }) : () -> ()
          %add3A_180 = arith.constant 4 : i32
          %add3A_181 = arith.addi %add3A_128, %add3A_180 : i32
          %lt3A_182 = arith.constant 32 : i32
          %lt3A_183 = arith.cmpi slt, %add3A_181, %lt3A_182 : i32
          %convert_element_type3A_184 = arith.extui %lt3A_183 : i1 to i32
          %cond3A_185 = arith.constant 0 : i32
          %cond3A_186 = arith.cmpi ne, %convert_element_type3A_184, %cond3A_185 : i32
          scf.if %cond3A_186 {
            %add3A_307 = arith.constant 4 : i32
            %add3A_308 = arith.addi %add3A_128, %add3A_307 : i32
            %jit3A_309 = arith.constant 4 : i32
            %div3A_310 = arith.divsi %add3A_308, %jit3A_309 : i32
            %sign3A_311 = arith.constant 0 : i32
            %sign3A_312 = arith.cmpi sgt, %add3A_308, %sign3A_311 : i32
            %sign3A_313 = arith.extui %sign3A_312 : i1 to i32
            %sign3A_314 = arith.constant 0 : i32
            %sign3A_315 = arith.cmpi slt, %add3A_308, %sign3A_314 : i32
            %sign3A_316 = arith.extui %sign3A_315 : i1 to i32
            %sign3A_317 = arith.subi %sign3A_313, %sign3A_316 : i32
            %sign3A_318 = arith.constant 0 : i32
            %sign3A_319 = arith.cmpi sgt, %jit3A_309, %sign3A_318 : i32
            %sign3A_320 = arith.extui %sign3A_319 : i1 to i32
            %sign3A_321 = arith.constant 0 : i32
            %sign3A_322 = arith.cmpi slt, %jit3A_309, %sign3A_321 : i32
            %sign3A_323 = arith.extui %sign3A_322 : i1 to i32
            %sign3A_324 = arith.subi %sign3A_320, %sign3A_323 : i32
            %ne3A_325 = arith.cmpi ne, %sign3A_317, %sign3A_324 : i32
            %rem3A_326 = arith.remsi %add3A_308, %jit3A_309 : i32
            %ne3A_327 = arith.constant 0 : i32
            %ne3A_328 = arith.cmpi ne, %rem3A_326, %ne3A_327 : i32
            %and3A_329 = arith.andi %ne3A_325, %ne3A_328 : i1
            %sub3A_330 = arith.constant 1 : i32
            %sub3A_331 = arith.subi %div3A_310, %sub3A_330 : i32
            %select_n3A_332 = arith.select %and3A_329, %sub3A_331, %div3A_310 : i32
            %jit3A_333 = arith.constant 4 : i32
            %eq3A_334 = arith.constant 0 : i32
            %eq3A_335 = arith.cmpi eq, %jit3A_333, %eq3A_334 : i32
            %jit3A_336 = arith.constant 1 : i32
            %select_n3A_337 = arith.select %eq3A_335, %jit3A_336, %jit3A_333 : i32
            %rem3A_338 = arith.remsi %add3A_308, %select_n3A_337 : i32
            %ne3A_339 = arith.constant 0 : i32
            %ne3A_340 = arith.cmpi ne, %rem3A_338, %ne3A_339 : i32
            %lt3A_341 = arith.constant 0 : i32
            %lt3A_342 = arith.cmpi slt, %rem3A_338, %lt3A_341 : i32
            %lt3A_343 = arith.constant 0 : i32
            %lt3A_344 = arith.cmpi slt, %select_n3A_337, %lt3A_343 : i32
            %ne3A_345 = arith.xori %lt3A_342, %lt3A_344 : i1
            %and3A_346 = arith.andi %ne3A_345, %ne3A_340 : i1
            %add3A_347 = arith.addi %rem3A_338, %select_n3A_337 : i32
            %select_n3A_348 = arith.select %and3A_346, %add3A_347, %rem3A_338 : i32
            %mul3A_349 = arith.constant 32 : i32
            %mul3A_350 = arith.muli %select_n3A_348, %mul3A_349 : i32
            %dma_start3A_351 = arith.constant 32 : i32
            %dma_start3A_352 = arith.constant 0 : i32
            %dma_start3A_353 = tpu.memref_slice %arg9[%dma_start3A_351, %dma_start3A_352] : memref<128x128xf32, #tpu.memory_space<vmem>> -> memref<32x128xf32, #tpu.memory_space<vmem>>
            %dma_start3A_354 = tpu.memref_slice %arg7[%select_n3A_332, %mul3A_350] : memref<8x128xi32, #tpu.memory_space<vmem>> -> memref<1x32xi32, #tpu.memory_space<vmem>>
            %dma_start3A_355 = tpu.memref_squeeze %dma_start3A_354 : memref<1x32xi32, #tpu.memory_space<vmem>> -> memref<32xi32, #tpu.memory_space<vmem>>
            %dma_start3A_356 = arith.constant 0 : i32
            %dma_start3A_357 = arith.constant 0 : i32
            %dma_start3A_358 = tpu.memref_slice %arg2[%dma_start3A_356, %dma_start3A_357] : memref<10000x128xf32, #tpu.memory_space<hbm>> -> memref<10000x128xf32, #tpu.memory_space<hbm>>
            tpu.enqueue_indirect_dma source(%dma_start3A_358 : memref<10000x128xf32, #tpu.memory_space<hbm>>) target(%dma_start3A_353 : memref<32x128xf32, #tpu.memory_space<vmem>>) offsets(%dma_start3A_355 : memref<32xi32, #tpu.memory_space<vmem>>) semaphore(%arg11 : memref<!tpu.dma_semaphore, #tpu.memory_space<semaphore_mem>>)
          } else {
          }
          %add3A_187 = arith.constant 2 : i32
          %add3A_188 = arith.addi %add3A_76, %add3A_187 : i32
          %dma_wait3A_189 = arith.constant 0 : i32
          %dma_wait3A_190 = arith.constant 0 : i32
          %dma_wait3A_191 = arith.constant 64 : i32
          %dma_wait3A_192 = arith.constant 0 : i32
          %dma_wait3A_193 = tpu.memref_slice %arg9[%dma_wait3A_191, %dma_wait3A_192] : memref<128x128xf32, #tpu.memory_space<vmem>> -> memref<32x128xf32, #tpu.memory_space<vmem>>
          %dma_wait3A_194 = arith.constant 0 : i32
          %dma_wait3A_195 = tpu.memref_slice %arg8[%dma_wait3A_189, %dma_wait3A_190, %dma_wait3A_194] : memref<8x4x32xi32, #tpu.memory_space<vmem>> -> memref<1x1x32xi32, #tpu.memory_space<vmem>>
          %dma_wait3A_196 = tpu.memref_squeeze %dma_wait3A_195 : memref<1x1x32xi32, #tpu.memory_space<vmem>> -> memref<32xi32, #tpu.memory_space<vmem>>
          %dma_wait3A_197 = arith.constant 0 : i32
          %dma_wait3A_198 = arith.constant 0 : i32
          %dma_wait3A_199 = tpu.memref_slice %arg2[%dma_wait3A_197, %dma_wait3A_198] : memref<10000x128xf32, #tpu.memory_space<hbm>> -> memref<10000x128xf32, #tpu.memory_space<hbm>>
          tpu.wait_indirect_dma semaphore(%arg11 : memref<!tpu.dma_semaphore, #tpu.memory_space<semaphore_mem>>) src(%dma_wait3A_199 : memref<10000x128xf32, #tpu.memory_space<hbm>>) dst(%dma_wait3A_193 : memref<32x128xf32, #tpu.memory_space<vmem>>)
          %jit3A_200 = arith.constant 4 : i32
          %div3A_201 = arith.divsi %add3A_188, %jit3A_200 : i32
          %sign3A_202 = arith.constant 0 : i32
          %sign3A_203 = arith.cmpi sgt, %add3A_188, %sign3A_202 : i32
          %sign3A_204 = arith.extui %sign3A_203 : i1 to i32
          %sign3A_205 = arith.constant 0 : i32
          %sign3A_206 = arith.cmpi slt, %add3A_188, %sign3A_205 : i32
          %sign3A_207 = arith.extui %sign3A_206 : i1 to i32
          %sign3A_208 = arith.subi %sign3A_204, %sign3A_207 : i32
          %sign3A_209 = arith.constant 0 : i32
          %sign3A_210 = arith.cmpi sgt, %jit3A_200, %sign3A_209 : i32
          %sign3A_211 = arith.extui %sign3A_210 : i1 to i32
          %sign3A_212 = arith.constant 0 : i32
          %sign3A_213 = arith.cmpi slt, %jit3A_200, %sign3A_212 : i32
          %sign3A_214 = arith.extui %sign3A_213 : i1 to i32
          %sign3A_215 = arith.subi %sign3A_211, %sign3A_214 : i32
          %ne3A_216 = arith.cmpi ne, %sign3A_208, %sign3A_215 : i32
          %rem3A_217 = arith.remsi %add3A_188, %jit3A_200 : i32
          %ne3A_218 = arith.constant 0 : i32
          %ne3A_219 = arith.cmpi ne, %rem3A_217, %ne3A_218 : i32
          %and3A_220 = arith.andi %ne3A_216, %ne3A_219 : i1
          %sub3A_221 = arith.constant 1 : i32
          %sub3A_222 = arith.subi %div3A_201, %sub3A_221 : i32
          %select_n3A_223 = arith.select %and3A_220, %sub3A_222, %div3A_201 : i32
          %jit3A_224 = arith.constant 4 : i32
          %eq3A_225 = arith.constant 0 : i32
          %eq3A_226 = arith.cmpi eq, %jit3A_224, %eq3A_225 : i32
          %jit3A_227 = arith.constant 1 : i32
          %select_n3A_228 = arith.select %eq3A_226, %jit3A_227, %jit3A_224 : i32
          %rem3A_229 = arith.remsi %add3A_188, %select_n3A_228 : i32
          %ne3A_230 = arith.constant 0 : i32
          %ne3A_231 = arith.cmpi ne, %rem3A_229, %ne3A_230 : i32
          %lt3A_232 = arith.constant 0 : i32
          %lt3A_233 = arith.cmpi slt, %rem3A_229, %lt3A_232 : i32
          %lt3A_234 = arith.constant 0 : i32
          %lt3A_235 = arith.cmpi slt, %select_n3A_228, %lt3A_234 : i32
          %ne3A_236 = arith.xori %lt3A_233, %lt3A_235 : i1
          %and3A_237 = arith.andi %ne3A_236, %ne3A_231 : i1
          %add3A_238 = arith.addi %rem3A_229, %select_n3A_228 : i32
          %select_n3A_239 = arith.select %and3A_237, %add3A_238, %rem3A_229 : i32
          "tpu.region"() ({
            %run_scoped3A = tpu.sem_alloc : memref<!tpu.dma_semaphore, #tpu.memory_space<semaphore_mem>>
            %dma_start3A_307 = arith.constant 64 : i32
            %dma_start3A_308 = arith.constant 0 : i32
            %dma_start3A_309 = tpu.memref_slice %arg9[%dma_start3A_307, %dma_start3A_308] : memref<128x128xf32, #tpu.memory_space<vmem>> -> memref<32x128xf32, #tpu.memory_space<vmem>>
            %dma_start3A_310 = arith.constant 0 : i32
            %dma_start3A_311 = tpu.memref_slice %arg8[%select_n3A_223, %select_n3A_239, %dma_start3A_310] : memref<8x4x32xi32, #tpu.memory_space<vmem>> -> memref<1x1x32xi32, #tpu.memory_space<vmem>>
            %dma_start3A_312 = tpu.memref_squeeze %dma_start3A_311 : memref<1x1x32xi32, #tpu.memory_space<vmem>> -> memref<32xi32, #tpu.memory_space<vmem>>
            %dma_start3A_313 = arith.constant 0 : i32
            %dma_start3A_314 = arith.constant 0 : i32
            %dma_start3A_315 = tpu.memref_slice %arg10[%dma_start3A_313, %dma_start3A_314] : memref<10112x128xf32, #tpu.memory_space<vmem_shared>> -> memref<10112x128xf32, #tpu.memory_space<vmem_shared>>
            tpu.enqueue_indirect_dma source(%dma_start3A_309 : memref<32x128xf32, #tpu.memory_space<vmem>>) target(%dma_start3A_315 : memref<10112x128xf32, #tpu.memory_space<vmem_shared>>) offsets(%dma_start3A_312 : memref<32xi32, #tpu.memory_space<vmem>>) semaphore(%run_scoped3A : memref<!tpu.dma_semaphore, #tpu.memory_space<semaphore_mem>>) {add = true}
            %dma_wait3A_316 = arith.constant 64 : i32
            %dma_wait3A_317 = arith.constant 0 : i32
            %dma_wait3A_318 = tpu.memref_slice %arg9[%dma_wait3A_316, %dma_wait3A_317] : memref<128x128xf32, #tpu.memory_space<vmem>> -> memref<32x128xf32, #tpu.memory_space<vmem>>
            %dma_wait3A_319 = arith.constant 0 : i32
            %dma_wait3A_320 = tpu.memref_slice %arg8[%select_n3A_223, %select_n3A_239, %dma_wait3A_319] : memref<8x4x32xi32, #tpu.memory_space<vmem>> -> memref<1x1x32xi32, #tpu.memory_space<vmem>>
            %dma_wait3A_321 = tpu.memref_squeeze %dma_wait3A_320 : memref<1x1x32xi32, #tpu.memory_space<vmem>> -> memref<32xi32, #tpu.memory_space<vmem>>
            %dma_wait3A_322 = arith.constant 0 : i32
            %dma_wait3A_323 = arith.constant 0 : i32
            %dma_wait3A_324 = tpu.memref_slice %arg10[%dma_wait3A_322, %dma_wait3A_323] : memref<10112x128xf32, #tpu.memory_space<vmem_shared>> -> memref<10112x128xf32, #tpu.memory_space<vmem_shared>>
            tpu.wait_indirect_dma semaphore(%run_scoped3A : memref<!tpu.dma_semaphore, #tpu.memory_space<semaphore_mem>>) src(%dma_wait3A_318 : memref<32x128xf32, #tpu.memory_space<vmem>>) dst(%dma_wait3A_324 : memref<10112x128xf32, #tpu.memory_space<vmem_shared>>)
            tpu.yield
          }) : () -> ()
          %add3A_240 = arith.constant 4 : i32
          %add3A_241 = arith.addi %add3A_188, %add3A_240 : i32
          %lt3A_242 = arith.constant 32 : i32
          %lt3A_243 = arith.cmpi slt, %add3A_241, %lt3A_242 : i32
          %convert_element_type3A_244 = arith.extui %lt3A_243 : i1 to i32
          %cond3A_245 = arith.constant 0 : i32
          %cond3A_246 = arith.cmpi ne, %convert_element_type3A_244, %cond3A_245 : i32
          scf.if %cond3A_246 {
            %add3A_307 = arith.constant 4 : i32
            %add3A_308 = arith.addi %add3A_188, %add3A_307 : i32
            %jit3A_309 = arith.constant 4 : i32
            %div3A_310 = arith.divsi %add3A_308, %jit3A_309 : i32
            %sign3A_311 = arith.constant 0 : i32
            %sign3A_312 = arith.cmpi sgt, %add3A_308, %sign3A_311 : i32
            %sign3A_313 = arith.extui %sign3A_312 : i1 to i32
            %sign3A_314 = arith.constant 0 : i32
            %sign3A_315 = arith.cmpi slt, %add3A_308, %sign3A_314 : i32
            %sign3A_316 = arith.extui %sign3A_315 : i1 to i32
            %sign3A_317 = arith.subi %sign3A_313, %sign3A_316 : i32
            %sign3A_318 = arith.constant 0 : i32
            %sign3A_319 = arith.cmpi sgt, %jit3A_309, %sign3A_318 : i32
            %sign3A_320 = arith.extui %sign3A_319 : i1 to i32
            %sign3A_321 = arith.constant 0 : i32
            %sign3A_322 = arith.cmpi slt, %jit3A_309, %sign3A_321 : i32
            %sign3A_323 = arith.extui %sign3A_322 : i1 to i32
            %sign3A_324 = arith.subi %sign3A_320, %sign3A_323 : i32
            %ne3A_325 = arith.cmpi ne, %sign3A_317, %sign3A_324 : i32
            %rem3A_326 = arith.remsi %add3A_308, %jit3A_309 : i32
            %ne3A_327 = arith.constant 0 : i32
            %ne3A_328 = arith.cmpi ne, %rem3A_326, %ne3A_327 : i32
            %and3A_329 = arith.andi %ne3A_325, %ne3A_328 : i1
            %sub3A_330 = arith.constant 1 : i32
            %sub3A_331 = arith.subi %div3A_310, %sub3A_330 : i32
            %select_n3A_332 = arith.select %and3A_329, %sub3A_331, %div3A_310 : i32
            %jit3A_333 = arith.constant 4 : i32
            %eq3A_334 = arith.constant 0 : i32
            %eq3A_335 = arith.cmpi eq, %jit3A_333, %eq3A_334 : i32
            %jit3A_336 = arith.constant 1 : i32
            %select_n3A_337 = arith.select %eq3A_335, %jit3A_336, %jit3A_333 : i32
            %rem3A_338 = arith.remsi %add3A_308, %select_n3A_337 : i32
            %ne3A_339 = arith.constant 0 : i32
            %ne3A_340 = arith.cmpi ne, %rem3A_338, %ne3A_339 : i32
            %lt3A_341 = arith.constant 0 : i32
            %lt3A_342 = arith.cmpi slt, %rem3A_338, %lt3A_341 : i32
            %lt3A_343 = arith.constant 0 : i32
            %lt3A_344 = arith.cmpi slt, %select_n3A_337, %lt3A_343 : i32
            %ne3A_345 = arith.xori %lt3A_342, %lt3A_344 : i1
            %and3A_346 = arith.andi %ne3A_345, %ne3A_340 : i1
            %add3A_347 = arith.addi %rem3A_338, %select_n3A_337 : i32
            %select_n3A_348 = arith.select %and3A_346, %add3A_347, %rem3A_338 : i32
            %mul3A_349 = arith.constant 32 : i32
            %mul3A_350 = arith.muli %select_n3A_348, %mul3A_349 : i32
            %dma_start3A_351 = arith.constant 64 : i32
            %dma_start3A_352 = arith.constant 0 : i32
            %dma_start3A_353 = tpu.memref_slice %arg9[%dma_start3A_351, %dma_start3A_352] : memref<128x128xf32, #tpu.memory_space<vmem>> -> memref<32x128xf32, #tpu.memory_space<vmem>>
            %dma_start3A_354 = tpu.memref_slice %arg7[%select_n3A_332, %mul3A_350] : memref<8x128xi32, #tpu.memory_space<vmem>> -> memref<1x32xi32, #tpu.memory_space<vmem>>
            %dma_start3A_355 = tpu.memref_squeeze %dma_start3A_354 : memref<1x32xi32, #tpu.memory_space<vmem>> -> memref<32xi32, #tpu.memory_space<vmem>>
            %dma_start3A_356 = arith.constant 0 : i32
            %dma_start3A_357 = arith.constant 0 : i32
            %dma_start3A_358 = tpu.memref_slice %arg2[%dma_start3A_356, %dma_start3A_357] : memref<10000x128xf32, #tpu.memory_space<hbm>> -> memref<10000x128xf32, #tpu.memory_space<hbm>>
            tpu.enqueue_indirect_dma source(%dma_start3A_358 : memref<10000x128xf32, #tpu.memory_space<hbm>>) target(%dma_start3A_353 : memref<32x128xf32, #tpu.memory_space<vmem>>) offsets(%dma_start3A_355 : memref<32xi32, #tpu.memory_space<vmem>>) semaphore(%arg11 : memref<!tpu.dma_semaphore, #tpu.memory_space<semaphore_mem>>)
          } else {
          }
          %add3A_247 = arith.constant 3 : i32
          %add3A_248 = arith.addi %add3A_76, %add3A_247 : i32
          %dma_wait3A_249 = arith.constant 0 : i32
          %dma_wait3A_250 = arith.constant 0 : i32
          %dma_wait3A_251 = arith.constant 96 : i32
          %dma_wait3A_252 = arith.constant 0 : i32
          %dma_wait3A_253 = tpu.memref_slice %arg9[%dma_wait3A_251, %dma_wait3A_252] : memref<128x128xf32, #tpu.memory_space<vmem>> -> memref<32x128xf32, #tpu.memory_space<vmem>>
          %dma_wait3A_254 = arith.constant 0 : i32
          %dma_wait3A_255 = tpu.memref_slice %arg8[%dma_wait3A_249, %dma_wait3A_250, %dma_wait3A_254] : memref<8x4x32xi32, #tpu.memory_space<vmem>> -> memref<1x1x32xi32, #tpu.memory_space<vmem>>
          %dma_wait3A_256 = tpu.memref_squeeze %dma_wait3A_255 : memref<1x1x32xi32, #tpu.memory_space<vmem>> -> memref<32xi32, #tpu.memory_space<vmem>>
          %dma_wait3A_257 = arith.constant 0 : i32
          %dma_wait3A_258 = arith.constant 0 : i32
          %dma_wait3A_259 = tpu.memref_slice %arg2[%dma_wait3A_257, %dma_wait3A_258] : memref<10000x128xf32, #tpu.memory_space<hbm>> -> memref<10000x128xf32, #tpu.memory_space<hbm>>
          tpu.wait_indirect_dma semaphore(%arg11 : memref<!tpu.dma_semaphore, #tpu.memory_space<semaphore_mem>>) src(%dma_wait3A_259 : memref<10000x128xf32, #tpu.memory_space<hbm>>) dst(%dma_wait3A_253 : memref<32x128xf32, #tpu.memory_space<vmem>>)
          %jit3A_260 = arith.constant 4 : i32
          %div3A_261 = arith.divsi %add3A_248, %jit3A_260 : i32
          %sign3A_262 = arith.constant 0 : i32
          %sign3A_263 = arith.cmpi sgt, %add3A_248, %sign3A_262 : i32
          %sign3A_264 = arith.extui %sign3A_263 : i1 to i32
          %sign3A_265 = arith.constant 0 : i32
          %sign3A_266 = arith.cmpi slt, %add3A_248, %sign3A_265 : i32
          %sign3A_267 = arith.extui %sign3A_266 : i1 to i32
          %sign3A_268 = arith.subi %sign3A_264, %sign3A_267 : i32
          %sign3A_269 = arith.constant 0 : i32
          %sign3A_270 = arith.cmpi sgt, %jit3A_260, %sign3A_269 : i32
          %sign3A_271 = arith.extui %sign3A_270 : i1 to i32
          %sign3A_272 = arith.constant 0 : i32
          %sign3A_273 = arith.cmpi slt, %jit3A_260, %sign3A_272 : i32
          %sign3A_274 = arith.extui %sign3A_273 : i1 to i32
          %sign3A_275 = arith.subi %sign3A_271, %sign3A_274 : i32
          %ne3A_276 = arith.cmpi ne, %sign3A_268, %sign3A_275 : i32
          %rem3A_277 = arith.remsi %add3A_248, %jit3A_260 : i32
          %ne3A_278 = arith.constant 0 : i32
          %ne3A_279 = arith.cmpi ne, %rem3A_277, %ne3A_278 : i32
          %and3A_280 = arith.andi %ne3A_276, %ne3A_279 : i1
          %sub3A_281 = arith.constant 1 : i32
          %sub3A_282 = arith.subi %div3A_261, %sub3A_281 : i32
          %select_n3A_283 = arith.select %and3A_280, %sub3A_282, %div3A_261 : i32
          %jit3A_284 = arith.constant 4 : i32
          %eq3A_285 = arith.constant 0 : i32
          %eq3A_286 = arith.cmpi eq, %jit3A_284, %eq3A_285 : i32
          %jit3A_287 = arith.constant 1 : i32
          %select_n3A_288 = arith.select %eq3A_286, %jit3A_287, %jit3A_284 : i32
          %rem3A_289 = arith.remsi %add3A_248, %select_n3A_288 : i32
          %ne3A_290 = arith.constant 0 : i32
          %ne3A_291 = arith.cmpi ne, %rem3A_289, %ne3A_290 : i32
          %lt3A_292 = arith.constant 0 : i32
          %lt3A_293 = arith.cmpi slt, %rem3A_289, %lt3A_292 : i32
          %lt3A_294 = arith.constant 0 : i32
          %lt3A_295 = arith.cmpi slt, %select_n3A_288, %lt3A_294 : i32
          %ne3A_296 = arith.xori %lt3A_293, %lt3A_295 : i1
          %and3A_297 = arith.andi %ne3A_296, %ne3A_291 : i1
          %add3A_298 = arith.addi %rem3A_289, %select_n3A_288 : i32
          %select_n3A_299 = arith.select %and3A_297, %add3A_298, %rem3A_289 : i32
          "tpu.region"() ({
            %run_scoped3A = tpu.sem_alloc : memref<!tpu.dma_semaphore, #tpu.memory_space<semaphore_mem>>
            %dma_start3A_307 = arith.constant 96 : i32
            %dma_start3A_308 = arith.constant 0 : i32
            %dma_start3A_309 = tpu.memref_slice %arg9[%dma_start3A_307, %dma_start3A_308] : memref<128x128xf32, #tpu.memory_space<vmem>> -> memref<32x128xf32, #tpu.memory_space<vmem>>
            %dma_start3A_310 = arith.constant 0 : i32
            %dma_start3A_311 = tpu.memref_slice %arg8[%select_n3A_283, %select_n3A_299, %dma_start3A_310] : memref<8x4x32xi32, #tpu.memory_space<vmem>> -> memref<1x1x32xi32, #tpu.memory_space<vmem>>
            %dma_start3A_312 = tpu.memref_squeeze %dma_start3A_311 : memref<1x1x32xi32, #tpu.memory_space<vmem>> -> memref<32xi32, #tpu.memory_space<vmem>>
            %dma_start3A_313 = arith.constant 0 : i32
            %dma_start3A_314 = arith.constant 0 : i32
            %dma_start3A_315 = tpu.memref_slice %arg10[%dma_start3A_313, %dma_start3A_314] : memref<10112x128xf32, #tpu.memory_space<vmem_shared>> -> memref<10112x128xf32, #tpu.memory_space<vmem_shared>>
            tpu.enqueue_indirect_dma source(%dma_start3A_309 : memref<32x128xf32, #tpu.memory_space<vmem>>) target(%dma_start3A_315 : memref<10112x128xf32, #tpu.memory_space<vmem_shared>>) offsets(%dma_start3A_312 : memref<32xi32, #tpu.memory_space<vmem>>) semaphore(%run_scoped3A : memref<!tpu.dma_semaphore, #tpu.memory_space<semaphore_mem>>) {add = true}
            %dma_wait3A_316 = arith.constant 96 : i32
            %dma_wait3A_317 = arith.constant 0 : i32
            %dma_wait3A_318 = tpu.memref_slice %arg9[%dma_wait3A_316, %dma_wait3A_317] : memref<128x128xf32, #tpu.memory_space<vmem>> -> memref<32x128xf32, #tpu.memory_space<vmem>>
            %dma_wait3A_319 = arith.constant 0 : i32
            %dma_wait3A_320 = tpu.memref_slice %arg8[%select_n3A_283, %select_n3A_299, %dma_wait3A_319] : memref<8x4x32xi32, #tpu.memory_space<vmem>> -> memref<1x1x32xi32, #tpu.memory_space<vmem>>
            %dma_wait3A_321 = tpu.memref_squeeze %dma_wait3A_320 : memref<1x1x32xi32, #tpu.memory_space<vmem>> -> memref<32xi32, #tpu.memory_space<vmem>>
            %dma_wait3A_322 = arith.constant 0 : i32
            %dma_wait3A_323 = arith.constant 0 : i32
            %dma_wait3A_324 = tpu.memref_slice %arg10[%dma_wait3A_322, %dma_wait3A_323] : memref<10112x128xf32, #tpu.memory_space<vmem_shared>> -> memref<10112x128xf32, #tpu.memory_space<vmem_shared>>
            tpu.wait_indirect_dma semaphore(%run_scoped3A : memref<!tpu.dma_semaphore, #tpu.memory_space<semaphore_mem>>) src(%dma_wait3A_318 : memref<32x128xf32, #tpu.memory_space<vmem>>) dst(%dma_wait3A_324 : memref<10112x128xf32, #tpu.memory_space<vmem_shared>>)
            tpu.yield
          }) : () -> ()
          %add3A_300 = arith.constant 4 : i32
          %add3A_301 = arith.addi %add3A_248, %add3A_300 : i32
          %lt3A_302 = arith.constant 32 : i32
          %lt3A_303 = arith.cmpi slt, %add3A_301, %lt3A_302 : i32
          %convert_element_type3A_304 = arith.extui %lt3A_303 : i1 to i32
          %cond3A_305 = arith.constant 0 : i32
          %cond3A_306 = arith.cmpi ne, %convert_element_type3A_304, %cond3A_305 : i32
          scf.if %cond3A_306 {
            %add3A_307 = arith.constant 4 : i32
            %add3A_308 = arith.addi %add3A_248, %add3A_307 : i32
            %jit3A_309 = arith.constant 4 : i32
            %div3A_310 = arith.divsi %add3A_308, %jit3A_309 : i32
            %sign3A_311 = arith.constant 0 : i32
            %sign3A_312 = arith.cmpi sgt, %add3A_308, %sign3A_311 : i32
            %sign3A_313 = arith.extui %sign3A_312 : i1 to i32
            %sign3A_314 = arith.constant 0 : i32
            %sign3A_315 = arith.cmpi slt, %add3A_308, %sign3A_314 : i32
            %sign3A_316 = arith.extui %sign3A_315 : i1 to i32
            %sign3A_317 = arith.subi %sign3A_313, %sign3A_316 : i32
            %sign3A_318 = arith.constant 0 : i32
            %sign3A_319 = arith.cmpi sgt, %jit3A_309, %sign3A_318 : i32
            %sign3A_320 = arith.extui %sign3A_319 : i1 to i32
            %sign3A_321 = arith.constant 0 : i32
            %sign3A_322 = arith.cmpi slt, %jit3A_309, %sign3A_321 : i32
            %sign3A_323 = arith.extui %sign3A_322 : i1 to i32
            %sign3A_324 = arith.subi %sign3A_320, %sign3A_323 : i32
            %ne3A_325 = arith.cmpi ne, %sign3A_317, %sign3A_324 : i32
            %rem3A_326 = arith.remsi %add3A_308, %jit3A_309 : i32
            %ne3A_327 = arith.constant 0 : i32
            %ne3A_328 = arith.cmpi ne, %rem3A_326, %ne3A_327 : i32
            %and3A_329 = arith.andi %ne3A_325, %ne3A_328 : i1
            %sub3A_330 = arith.constant 1 : i32
            %sub3A_331 = arith.subi %div3A_310, %sub3A_330 : i32
            %select_n3A_332 = arith.select %and3A_329, %sub3A_331, %div3A_310 : i32
            %jit3A_333 = arith.constant 4 : i32
            %eq3A_334 = arith.constant 0 : i32
            %eq3A_335 = arith.cmpi eq, %jit3A_333, %eq3A_334 : i32
            %jit3A_336 = arith.constant 1 : i32
            %select_n3A_337 = arith.select %eq3A_335, %jit3A_336, %jit3A_333 : i32
            %rem3A_338 = arith.remsi %add3A_308, %select_n3A_337 : i32
            %ne3A_339 = arith.constant 0 : i32
            %ne3A_340 = arith.cmpi ne, %rem3A_338, %ne3A_339 : i32
            %lt3A_341 = arith.constant 0 : i32
            %lt3A_342 = arith.cmpi slt, %rem3A_338, %lt3A_341 : i32
            %lt3A_343 = arith.constant 0 : i32
            %lt3A_344 = arith.cmpi slt, %select_n3A_337, %lt3A_343 : i32
            %ne3A_345 = arith.xori %lt3A_342, %lt3A_344 : i1
            %and3A_346 = arith.andi %ne3A_345, %ne3A_340 : i1
            %add3A_347 = arith.addi %rem3A_338, %select_n3A_337 : i32
            %select_n3A_348 = arith.select %and3A_346, %add3A_347, %rem3A_338 : i32
            %mul3A_349 = arith.constant 32 : i32
            %mul3A_350 = arith.muli %select_n3A_348, %mul3A_349 : i32
            %dma_start3A_351 = arith.constant 96 : i32
            %dma_start3A_352 = arith.constant 0 : i32
            %dma_start3A_353 = tpu.memref_slice %arg9[%dma_start3A_351, %dma_start3A_352] : memref<128x128xf32, #tpu.memory_space<vmem>> -> memref<32x128xf32, #tpu.memory_space<vmem>>
            %dma_start3A_354 = tpu.memref_slice %arg7[%select_n3A_332, %mul3A_350] : memref<8x128xi32, #tpu.memory_space<vmem>> -> memref<1x32xi32, #tpu.memory_space<vmem>>
            %dma_start3A_355 = tpu.memref_squeeze %dma_start3A_354 : memref<1x32xi32, #tpu.memory_space<vmem>> -> memref<32xi32, #tpu.memory_space<vmem>>
            %dma_start3A_356 = arith.constant 0 : i32
            %dma_start3A_357 = arith.constant 0 : i32
            %dma_start3A_358 = tpu.memref_slice %arg2[%dma_start3A_356, %dma_start3A_357] : memref<10000x128xf32, #tpu.memory_space<hbm>> -> memref<10000x128xf32, #tpu.memory_space<hbm>>
            tpu.enqueue_indirect_dma source(%dma_start3A_358 : memref<10000x128xf32, #tpu.memory_space<hbm>>) target(%dma_start3A_353 : memref<32x128xf32, #tpu.memory_space<vmem>>) offsets(%dma_start3A_355 : memref<32xi32, #tpu.memory_space<vmem>>) semaphore(%arg11 : memref<!tpu.dma_semaphore, #tpu.memory_space<semaphore_mem>>)
          } else {
          }
        }
        %scan3A_71 = arith.constant 8 : i32
      }
      %scan3A_19 = arith.constant 4 : i32
    } else {
    }
    %barrier3A_8 = arith.constant 0 : index
    tpu.barrier barrier_id(%barrier3A_8)
    %mul3A_9 = arith.constant 632 : i32
    %mul3A_10 = arith.muli %arg1, %mul3A_9 : i32
    %mul3A_11 = arith.constant 632 : i32
    %mul3A_12 = arith.muli %arg1, %mul3A_11 : i32
    "tpu.region"() ({
      %run_scoped3A = tpu.sem_alloc : memref<!tpu.dma_semaphore, #tpu.memory_space<semaphore_mem>>
      %dma_start3A = arith.constant 0 : i32
      %dma_start3A_13 = arith.constant 0 : i32
      %dma_start3A_14 = tpu.memref_slice %arg6[%arg0, %dma_start3A, %dma_start3A_13] : memref<2x10112x128xf32, #tpu.memory_space<hbm>> -> memref<1x10112x128xf32, #tpu.memory_space<hbm>>
      %dma_start3A_15 = tpu.memref_squeeze %dma_start3A_14 : memref<1x10112x128xf32, #tpu.memory_space<hbm>> -> memref<10112x128xf32, #tpu.memory_space<hbm>>
      %dma_start3A_16 = arith.constant 0 : i32
      %dma_start3A_17 = tpu.memref_slice %dma_start3A_15[%mul3A_12, %dma_start3A_16] : memref<10112x128xf32, #tpu.memory_space<hbm>> -> memref<632x128xf32, #tpu.memory_space<hbm>>
      %dma_start3A_18 = arith.constant 0 : i32
      %dma_start3A_19 = tpu.memref_slice %arg10[%mul3A_10, %dma_start3A_18] : memref<10112x128xf32, #tpu.memory_space<vmem_shared>> -> memref<632x128xf32, #tpu.memory_space<vmem_shared>>
      tpu.enqueue_dma source(%dma_start3A_19 : memref<632x128xf32, #tpu.memory_space<vmem_shared>>) target(%dma_start3A_17 : memref<632x128xf32, #tpu.memory_space<hbm>>) target_semaphore(%run_scoped3A : memref<!tpu.dma_semaphore, #tpu.memory_space<semaphore_mem>>)
      %dma_wait3A = arith.constant 0 : i32
      %dma_wait3A_20 = arith.constant 0 : i32
      %dma_wait3A_21 = tpu.memref_slice %arg6[%arg0, %dma_wait3A, %dma_wait3A_20] : memref<2x10112x128xf32, #tpu.memory_space<hbm>> -> memref<1x10112x128xf32, #tpu.memory_space<hbm>>
      %dma_wait3A_22 = tpu.memref_squeeze %dma_wait3A_21 : memref<1x10112x128xf32, #tpu.memory_space<hbm>> -> memref<10112x128xf32, #tpu.memory_space<hbm>>
      %dma_wait3A_23 = arith.constant 0 : i32
      %dma_wait3A_24 = tpu.memref_slice %dma_wait3A_22[%mul3A_12, %dma_wait3A_23] : memref<10112x128xf32, #tpu.memory_space<hbm>> -> memref<632x128xf32, #tpu.memory_space<hbm>>
      %dma_wait3A_25 = arith.constant 0 : i32
      %dma_wait3A_26 = tpu.memref_slice %arg10[%mul3A_10, %dma_wait3A_25] : memref<10112x128xf32, #tpu.memory_space<vmem_shared>> -> memref<632x128xf32, #tpu.memory_space<vmem_shared>>
      tpu.wait_dma2 semaphore(%run_scoped3A : memref<!tpu.dma_semaphore, #tpu.memory_space<semaphore_mem>>) src(%dma_wait3A_26 : memref<632x128xf32, #tpu.memory_space<vmem_shared>>) dst(%dma_wait3A_24 : memref<632x128xf32, #tpu.memory_space<hbm>>)
      tpu.yield
    }) : () -> ()
    return
  }
}

#map = affine_map<(d0, d1) -> (0, 0)>
#map1 = affine_map<(d0, d1) -> (0, 0, 0)>
module attributes {stable_mosaic.version = 14 : i64} {
  func.func @agg_kernel(%arg0: i32, %arg1: i32, %arg2: memref<10000x128xf32, #tpu.memory_space<hbm>>, %arg3: memref<2560x128xi32, #tpu.memory_space<hbm>>, %arg4: memref<2560x4x32xi32, #tpu.memory_space<hbm>>, %arg5: memref<632x128xf32, #tpu.memory_space<hbm>>, %arg6: memref<2x10112x128xf32, #tpu.memory_space<hbm>>, %arg7: memref<8x128xi32, #tpu.memory_space<vmem>>, %arg8: memref<8x4x32xi32, #tpu.memory_space<vmem>>, %arg9: memref<128x128xf32, #tpu.memory_space<vmem>>, %arg10: memref<10112x128xf32, #tpu.memory_space<vmem_shared>>, %arg11: memref<!tpu.dma_semaphore, #tpu.memory_space<semaphore_mem>>) attributes {dimension_semantics = [#tpu.dimension_semantics<core_parallel>, #tpu.dimension_semantics<subcore_parallel>], iteration_bounds = array<i64: 2, 16>, scalar_prefetch = 0 : i64, scratch_operands = 5 : i64, tpu.core_type = #tpu.core_type<sc_vector_subcore>, window_params = [{transform_indices = #map}, {transform_indices = #map}, {transform_indices = #map1}, {transform_indices = #map}, {transform_indices = #map1}]} {
    %mul3A = arith.constant 632 : i32
    %mul3A_0 = arith.muli %arg1, %mul3A : i32
    "tpu.region"() ({
      %run_scoped3A = tpu.sem_alloc : memref<!tpu.dma_semaphore, #tpu.memory_space<semaphore_mem>>
      %dma_start3A = arith.constant 0 : i32
      %dma_start3A_13 = tpu.memref_slice %arg10[%mul3A_0, %dma_start3A] : memref<10112x128xf32, #tpu.memory_space<vmem_shared>> -> memref<632x128xf32, #tpu.memory_space<vmem_shared>>
      tpu.enqueue_dma source(%arg5 : memref<632x128xf32, #tpu.memory_space<hbm>>) target(%dma_start3A_13 : memref<632x128xf32, #tpu.memory_space<vmem_shared>>) target_semaphore(%run_scoped3A : memref<!tpu.dma_semaphore, #tpu.memory_space<semaphore_mem>>)
      %dma_wait3A = arith.constant 0 : i32
      %dma_wait3A_14 = tpu.memref_slice %arg10[%mul3A_0, %dma_wait3A] : memref<10112x128xf32, #tpu.memory_space<vmem_shared>> -> memref<632x128xf32, #tpu.memory_space<vmem_shared>>
      tpu.wait_dma2 semaphore(%run_scoped3A : memref<!tpu.dma_semaphore, #tpu.memory_space<semaphore_mem>>) src(%arg5 : memref<632x128xf32, #tpu.memory_space<hbm>>) dst(%dma_wait3A_14 : memref<632x128xf32, #tpu.memory_space<vmem_shared>>)
      tpu.yield
    }) : () -> ()
    %barrier3A = arith.constant 0 : index
    tpu.barrier barrier_id(%barrier3A)
    %eq3A = arith.constant 0 : i32
    %eq3A_1 = arith.cmpi eq, %arg0, %eq3A : i32
    %convert_element_type3A = arith.extui %eq3A_1 : i1 to i32
    %cond3A = arith.constant 0 : i32
    %cond3A_2 = arith.cmpi ne, %convert_element_type3A, %cond3A : i32
    scf.if %cond3A_2 {
      %mul3A_13 = arith.constant 128 : i32
      %mul3A_14 = arith.muli %arg1, %mul3A_13 : i32
      %scan3A = arith.constant 0 : i32
      %scan3A_15 = arith.constant 16 : i32
      %scan3A_16 = arith.addi %scan3A, %scan3A_15 : i32
      %scan3A_17 = arith.constant 1 : i32
      scf.for %scan3A_19 = %scan3A to %scan3A_16 step %scan3A_17  : i32 {
        %mul3A_20 = arith.constant 1 : i32
        %mul3A_21 = arith.muli %scan3A_19, %mul3A_20 : i32
        %add3A = arith.constant 0 : i32
        %add3A_22 = arith.addi %add3A, %mul3A_21 : i32
        %mul3A_23 = arith.constant 8 : i32
        %mul3A_24 = arith.muli %add3A_22, %mul3A_23 : i32
        %add3A_25 = arith.addi %mul3A_14, %mul3A_24 : i32
        %multiple_of3A = tpu.assume_multiple %add3A_25, 8 : i32
        "tpu.region"() ({
          %run_scoped3A = tpu.sem_alloc : memref<!tpu.dma_semaphore, #tpu.memory_space<semaphore_mem>>
          %dma_start3A_70 = arith.constant 0 : i32
          %dma_start3A_71 = tpu.memref_slice %arg3[%multiple_of3A, %dma_start3A_70] : memref<2560x128xi32, #tpu.memory_space<hbm>> -> memref<8x128xi32, #tpu.memory_space<hbm>>
          %dma_start3A_72 = arith.constant 0 : i32
          %dma_start3A_73 = tpu.memref_slice %arg3[%multiple_of3A, %dma_start3A_72] : memref<2560x128xi32, #tpu.memory_space<hbm>> -> memref<8x128xi32, #tpu.memory_space<hbm>>
          tpu.enqueue_dma source(%dma_start3A_73 : memref<8x128xi32, #tpu.memory_space<hbm>>) target(%arg7 : memref<8x128xi32, #tpu.memory_space<vmem>>) target_semaphore(%run_scoped3A : memref<!tpu.dma_semaphore, #tpu.memory_space<semaphore_mem>>)
          %dma_wait3A = arith.constant 0 : i32
          %dma_wait3A_74 = tpu.memref_slice %arg3[%multiple_of3A, %dma_wait3A] : memref<2560x128xi32, #tpu.memory_space<hbm>> -> memref<8x128xi32, #tpu.memory_space<hbm>>
          %dma_wait3A_75 = arith.constant 0 : i32
          %dma_wait3A_76 = tpu.memref_slice %arg3[%multiple_of3A, %dma_wait3A_75] : memref<2560x128xi32, #tpu.memory_space<hbm>> -> memref<8x128xi32, #tpu.memory_space<hbm>>
          tpu.wait_dma2 semaphore(%run_scoped3A : memref<!tpu.dma_semaphore, #tpu.memory_space<semaphore_mem>>) src(%dma_wait3A_76 : memref<8x128xi32, #tpu.memory_space<hbm>>) dst(%arg7 : memref<8x128xi32, #tpu.memory_space<vmem>>)
          tpu.yield
        }) : () -> ()
        "tpu.region"() ({
          %run_scoped3A = tpu.sem_alloc : memref<!tpu.dma_semaphore, #tpu.memory_space<semaphore_mem>>
          %dma_start3A_70 = arith.constant 0 : i32
          %dma_start3A_71 = arith.constant 0 : i32
          %dma_start3A_72 = tpu.memref_slice %arg4[%multiple_of3A, %dma_start3A_70, %dma_start3A_71] : memref<2560x4x32xi32, #tpu.memory_space<hbm>> -> memref<8x4x32xi32, #tpu.memory_space<hbm>>
          %dma_start3A_73 = arith.constant 0 : i32
          %dma_start3A_74 = arith.constant 0 : i32
          %dma_start3A_75 = tpu.memref_slice %arg4[%multiple_of3A, %dma_start3A_73, %dma_start3A_74] : memref<2560x4x32xi32, #tpu.memory_space<hbm>> -> memref<8x4x32xi32, #tpu.memory_space<hbm>>
          tpu.enqueue_dma source(%dma_start3A_75 : memref<8x4x32xi32, #tpu.memory_space<hbm>>) target(%arg8 : memref<8x4x32xi32, #tpu.memory_space<vmem>>) target_semaphore(%run_scoped3A : memref<!tpu.dma_semaphore, #tpu.memory_space<semaphore_mem>>)
          %dma_wait3A = arith.constant 0 : i32
          %dma_wait3A_76 = arith.constant 0 : i32
          %dma_wait3A_77 = tpu.memref_slice %arg4[%multiple_of3A, %dma_wait3A, %dma_wait3A_76] : memref<2560x4x32xi32, #tpu.memory_space<hbm>> -> memref<8x4x32xi32, #tpu.memory_space<hbm>>
          %dma_wait3A_78 = arith.constant 0 : i32
          %dma_wait3A_79 = arith.constant 0 : i32
          %dma_wait3A_80 = tpu.memref_slice %arg4[%multiple_of3A, %dma_wait3A_78, %dma_wait3A_79] : memref<2560x4x32xi32, #tpu.memory_space<hbm>> -> memref<8x4x32xi32, #tpu.memory_space<hbm>>
          tpu.wait_dma2 semaphore(%run_scoped3A : memref<!tpu.dma_semaphore, #tpu.memory_space<semaphore_mem>>) src(%dma_wait3A_80 : memref<8x4x32xi32, #tpu.memory_space<hbm>>) dst(%arg8 : memref<8x4x32xi32, #tpu.memory_space<vmem>>)
          tpu.yield
        }) : () -> ()
        %dma_start3A = arith.constant 0 : i32
        %dma_start3A_26 = arith.constant 0 : i32
        %dma_start3A_27 = arith.constant 0 : i32
        %dma_start3A_28 = tpu.memref_slice %arg9[%dma_start3A_26, %dma_start3A_27] : memref<128x128xf32, #tpu.memory_space<vmem>> -> memref<32x128xf32, #tpu.memory_space<vmem>>
        %dma_start3A_29 = arith.constant 0 : i32
        %dma_start3A_30 = tpu.memref_slice %arg7[%dma_start3A, %dma_start3A_29] : memref<8x128xi32, #tpu.memory_space<vmem>> -> memref<1x32xi32, #tpu.memory_space<vmem>>
        %dma_start3A_31 = tpu.memref_squeeze %dma_start3A_30 : memref<1x32xi32, #tpu.memory_space<vmem>> -> memref<32xi32, #tpu.memory_space<vmem>>
        %dma_start3A_32 = arith.constant 0 : i32
        %dma_start3A_33 = arith.constant 0 : i32
        %dma_start3A_34 = tpu.memref_slice %arg2[%dma_start3A_32, %dma_start3A_33] : memref<10000x128xf32, #tpu.memory_space<hbm>> -> memref<10000x128xf32, #tpu.memory_space<hbm>>
        tpu.enqueue_indirect_dma source(%dma_start3A_34 : memref<10000x128xf32, #tpu.memory_space<hbm>>) target(%dma_start3A_28 : memref<32x128xf32, #tpu.memory_space<vmem>>) offsets(%dma_start3A_31 : memref<32xi32, #tpu.memory_space<vmem>>) semaphore(%arg11 : memref<!tpu.dma_semaphore, #tpu.memory_space<semaphore_mem>>)
        %dma_start3A_35 = arith.constant 0 : i32
        %dma_start3A_36 = arith.constant 32 : i32
        %dma_start3A_37 = arith.constant 0 : i32
        %dma_start3A_38 = tpu.memref_slice %arg9[%dma_start3A_36, %dma_start3A_37] : memref<128x128xf32, #tpu.memory_space<vmem>> -> memref<32x128xf32, #tpu.memory_space<vmem>>
        %dma_start3A_39 = arith.constant 32 : i32
        %dma_start3A_40 = tpu.memref_slice %arg7[%dma_start3A_35, %dma_start3A_39] : memref<8x128xi32, #tpu.memory_space<vmem>> -> memref<1x32xi32, #tpu.memory_space<vmem>>
        %dma_start3A_41 = tpu.memref_squeeze %dma_start3A_40 : memref<1x32xi32, #tpu.memory_space<vmem>> -> memref<32xi32, #tpu.memory_space<vmem>>
        %dma_start3A_42 = arith.constant 0 : i32
        %dma_start3A_43 = arith.constant 0 : i32
        %dma_start3A_44 = tpu.memref_slice %arg2[%dma_start3A_42, %dma_start3A_43] : memref<10000x128xf32, #tpu.memory_space<hbm>> -> memref<10000x128xf32, #tpu.memory_space<hbm>>
        tpu.enqueue_indirect_dma source(%dma_start3A_44 : memref<10000x128xf32, #tpu.memory_space<hbm>>) target(%dma_start3A_38 : memref<32x128xf32, #tpu.memory_space<vmem>>) offsets(%dma_start3A_41 : memref<32xi32, #tpu.memory_space<vmem>>) semaphore(%arg11 : memref<!tpu.dma_semaphore, #tpu.memory_space<semaphore_mem>>)
        %dma_start3A_45 = arith.constant 0 : i32
        %dma_start3A_46 = arith.constant 64 : i32
        %dma_start3A_47 = arith.constant 0 : i32
        %dma_start3A_48 = tpu.memref_slice %arg9[%dma_start3A_46, %dma_start3A_47] : memref<128x128xf32, #tpu.memory_space<vmem>> -> memref<32x128xf32, #tpu.memory_space<vmem>>
        %dma_start3A_49 = arith.constant 64 : i32
        %dma_start3A_50 = tpu.memref_slice %arg7[%dma_start3A_45, %dma_start3A_49] : memref<8x128xi32, #tpu.memory_space<vmem>> -> memref<1x32xi32, #tpu.memory_space<vmem>>
        %dma_start3A_51 = tpu.memref_squeeze %dma_start3A_50 : memref<1x32xi32, #tpu.memory_space<vmem>> -> memref<32xi32, #tpu.memory_space<vmem>>
        %dma_start3A_52 = arith.constant 0 : i32
        %dma_start3A_53 = arith.constant 0 : i32
        %dma_start3A_54 = tpu.memref_slice %arg2[%dma_start3A_52, %dma_start3A_53] : memref<10000x128xf32, #tpu.memory_space<hbm>> -> memref<10000x128xf32, #tpu.memory_space<hbm>>
        tpu.enqueue_indirect_dma source(%dma_start3A_54 : memref<10000x128xf32, #tpu.memory_space<hbm>>) target(%dma_start3A_48 : memref<32x128xf32, #tpu.memory_space<vmem>>) offsets(%dma_start3A_51 : memref<32xi32, #tpu.memory_space<vmem>>) semaphore(%arg11 : memref<!tpu.dma_semaphore, #tpu.memory_space<semaphore_mem>>)
        %dma_start3A_55 = arith.constant 0 : i32
        %dma_start3A_56 = arith.constant 96 : i32
        %dma_start3A_57 = arith.constant 0 : i32
        %dma_start3A_58 = tpu.memref_slice %arg9[%dma_start3A_56, %dma_start3A_57] : memref<128x128xf32, #tpu.memory_space<vmem>> -> memref<32x128xf32, #tpu.memory_space<vmem>>
        %dma_start3A_59 = arith.constant 96 : i32
        %dma_start3A_60 = tpu.memref_slice %arg7[%dma_start3A_55, %dma_start3A_59] : memref<8x128xi32, #tpu.memory_space<vmem>> -> memref<1x32xi32, #tpu.memory_space<vmem>>
        %dma_start3A_61 = tpu.memref_squeeze %dma_start3A_60 : memref<1x32xi32, #tpu.memory_space<vmem>> -> memref<32xi32, #tpu.memory_space<vmem>>
        %dma_start3A_62 = arith.constant 0 : i32
        %dma_start3A_63 = arith.constant 0 : i32
        %dma_start3A_64 = tpu.memref_slice %arg2[%dma_start3A_62, %dma_start3A_63] : memref<10000x128xf32, #tpu.memory_space<hbm>> -> memref<10000x128xf32, #tpu.memory_space<hbm>>
        tpu.enqueue_indirect_dma source(%dma_start3A_64 : memref<10000x128xf32, #tpu.memory_space<hbm>>) target(%dma_start3A_58 : memref<32x128xf32, #tpu.memory_space<vmem>>) offsets(%dma_start3A_61 : memref<32xi32, #tpu.memory_space<vmem>>) semaphore(%arg11 : memref<!tpu.dma_semaphore, #tpu.memory_space<semaphore_mem>>)
        %scan3A_65 = arith.constant 0 : i32
        %scan3A_66 = arith.constant 8 : i32
        %scan3A_67 = arith.addi %scan3A_65, %scan3A_66 : i32
        %scan3A_68 = arith.constant 1 : i32
        scf.for %scan3A_70 = %scan3A_65 to %scan3A_67 step %scan3A_68  : i32 {
          %mul3A_71 = arith.constant 4 : i32
          %mul3A_72 = arith.muli %scan3A_70, %mul3A_71 : i32
          %add3A_73 = arith.constant 0 : i32
          %add3A_74 = arith.addi %add3A_73, %mul3A_72 : i32
          %add3A_75 = arith.constant 0 : i32
          %add3A_76 = arith.addi %add3A_74, %add3A_75 : i32
          %dma_wait3A = arith.constant 0 : i32
          %dma_wait3A_77 = arith.constant 0 : i32
          %dma_wait3A_78 = arith.constant 0 : i32
          %dma_wait3A_79 = arith.constant 0 : i32
          %dma_wait3A_80 = tpu.memref_slice %arg9[%dma_wait3A_78, %dma_wait3A_79] : memref<128x128xf32, #tpu.memory_space<vmem>> -> memref<32x128xf32, #tpu.memory_space<vmem>>
          %dma_wait3A_81 = arith.constant 0 : i32
          %dma_wait3A_82 = tpu.memref_slice %arg8[%dma_wait3A, %dma_wait3A_77, %dma_wait3A_81] : memref<8x4x32xi32, #tpu.memory_space<vmem>> -> memref<1x1x32xi32, #tpu.memory_space<vmem>>
          %dma_wait3A_83 = tpu.memref_squeeze %dma_wait3A_82 : memref<1x1x32xi32, #tpu.memory_space<vmem>> -> memref<32xi32, #tpu.memory_space<vmem>>
          %dma_wait3A_84 = arith.constant 0 : i32
          %dma_wait3A_85 = arith.constant 0 : i32
          %dma_wait3A_86 = tpu.memref_slice %arg2[%dma_wait3A_84, %dma_wait3A_85] : memref<10000x128xf32, #tpu.memory_space<hbm>> -> memref<10000x128xf32, #tpu.memory_space<hbm>>
          tpu.wait_indirect_dma semaphore(%arg11 : memref<!tpu.dma_semaphore, #tpu.memory_space<semaphore_mem>>) src(%dma_wait3A_86 : memref<10000x128xf32, #tpu.memory_space<hbm>>) dst(%dma_wait3A_80 : memref<32x128xf32, #tpu.memory_space<vmem>>)
          %jit3A = arith.constant 4 : i32
          %div3A = arith.divsi %add3A_76, %jit3A : i32
          %sign3A = arith.constant 0 : i32
          %sign3A_87 = arith.cmpi sgt, %add3A_76, %sign3A : i32
          %sign3A_88 = arith.extui %sign3A_87 : i1 to i32
          %sign3A_89 = arith.constant 0 : i32
          %sign3A_90 = arith.cmpi slt, %add3A_76, %sign3A_89 : i32
          %sign3A_91 = arith.extui %sign3A_90 : i1 to i32
          %sign3A_92 = arith.subi %sign3A_88, %sign3A_91 : i32
          %sign3A_93 = arith.constant 0 : i32
          %sign3A_94 = arith.cmpi sgt, %jit3A, %sign3A_93 : i32
          %sign3A_95 = arith.extui %sign3A_94 : i1 to i32
          %sign3A_96 = arith.constant 0 : i32
          %sign3A_97 = arith.cmpi slt, %jit3A, %sign3A_96 : i32
          %sign3A_98 = arith.extui %sign3A_97 : i1 to i32
          %sign3A_99 = arith.subi %sign3A_95, %sign3A_98 : i32
          %ne3A = arith.cmpi ne, %sign3A_92, %sign3A_99 : i32
          %rem3A = arith.remsi %add3A_76, %jit3A : i32
          %ne3A_100 = arith.constant 0 : i32
          %ne3A_101 = arith.cmpi ne, %rem3A, %ne3A_100 : i32
          %and3A = arith.andi %ne3A, %ne3A_101 : i1
          %sub3A = arith.constant 1 : i32
          %sub3A_102 = arith.subi %div3A, %sub3A : i32
          %select_n3A = arith.select %and3A, %sub3A_102, %div3A : i32
          %jit3A_103 = arith.constant 4 : i32
          %eq3A_104 = arith.constant 0 : i32
          %eq3A_105 = arith.cmpi eq, %jit3A_103, %eq3A_104 : i32
          %jit3A_106 = arith.constant 1 : i32
          %select_n3A_107 = arith.select %eq3A_105, %jit3A_106, %jit3A_103 : i32
          %rem3A_108 = arith.remsi %add3A_76, %select_n3A_107 : i32
          %ne3A_109 = arith.constant 0 : i32
          %ne3A_110 = arith.cmpi ne, %rem3A_108, %ne3A_109 : i32
          %lt3A = arith.constant 0 : i32
          %lt3A_111 = arith.cmpi slt, %rem3A_108, %lt3A : i32
          %lt3A_112 = arith.constant 0 : i32
          %lt3A_113 = arith.cmpi slt, %select_n3A_107, %lt3A_112 : i32
          %ne3A_114 = arith.xori %lt3A_111, %lt3A_113 : i1
          %and3A_115 = arith.andi %ne3A_114, %ne3A_110 : i1
          %add3A_116 = arith.addi %rem3A_108, %select_n3A_107 : i32
          %select_n3A_117 = arith.select %and3A_115, %add3A_116, %rem3A_108 : i32
          "tpu.region"() ({
            %run_scoped3A = tpu.sem_alloc : memref<!tpu.dma_semaphore, #tpu.memory_space<semaphore_mem>>
            %dma_start3A_305 = arith.constant 0 : i32
            %dma_start3A_306 = arith.constant 0 : i32
            %dma_start3A_307 = tpu.memref_slice %arg9[%dma_start3A_305, %dma_start3A_306] : memref<128x128xf32, #tpu.memory_space<vmem>> -> memref<32x128xf32, #tpu.memory_space<vmem>>
            %dma_start3A_308 = arith.constant 0 : i32
            %dma_start3A_309 = tpu.memref_slice %arg8[%select_n3A, %select_n3A_117, %dma_start3A_308] : memref<8x4x32xi32, #tpu.memory_space<vmem>> -> memref<1x1x32xi32, #tpu.memory_space<vmem>>
            %dma_start3A_310 = tpu.memref_squeeze %dma_start3A_309 : memref<1x1x32xi32, #tpu.memory_space<vmem>> -> memref<32xi32, #tpu.memory_space<vmem>>
            %dma_start3A_311 = arith.constant 0 : i32
            %dma_start3A_312 = arith.constant 0 : i32
            %dma_start3A_313 = tpu.memref_slice %arg10[%dma_start3A_311, %dma_start3A_312] : memref<10112x128xf32, #tpu.memory_space<vmem_shared>> -> memref<10112x128xf32, #tpu.memory_space<vmem_shared>>
            tpu.enqueue_indirect_dma source(%dma_start3A_307 : memref<32x128xf32, #tpu.memory_space<vmem>>) target(%dma_start3A_313 : memref<10112x128xf32, #tpu.memory_space<vmem_shared>>) offsets(%dma_start3A_310 : memref<32xi32, #tpu.memory_space<vmem>>) semaphore(%run_scoped3A : memref<!tpu.dma_semaphore, #tpu.memory_space<semaphore_mem>>) {add = true}
            %dma_wait3A_314 = arith.constant 0 : i32
            %dma_wait3A_315 = arith.constant 0 : i32
            %dma_wait3A_316 = tpu.memref_slice %arg9[%dma_wait3A_314, %dma_wait3A_315] : memref<128x128xf32, #tpu.memory_space<vmem>> -> memref<32x128xf32, #tpu.memory_space<vmem>>
            %dma_wait3A_317 = arith.constant 0 : i32
            %dma_wait3A_318 = tpu.memref_slice %arg8[%select_n3A, %select_n3A_117, %dma_wait3A_317] : memref<8x4x32xi32, #tpu.memory_space<vmem>> -> memref<1x1x32xi32, #tpu.memory_space<vmem>>
            %dma_wait3A_319 = tpu.memref_squeeze %dma_wait3A_318 : memref<1x1x32xi32, #tpu.memory_space<vmem>> -> memref<32xi32, #tpu.memory_space<vmem>>
            %dma_wait3A_320 = arith.constant 0 : i32
            %dma_wait3A_321 = arith.constant 0 : i32
            %dma_wait3A_322 = tpu.memref_slice %arg10[%dma_wait3A_320, %dma_wait3A_321] : memref<10112x128xf32, #tpu.memory_space<vmem_shared>> -> memref<10112x128xf32, #tpu.memory_space<vmem_shared>>
            tpu.wait_indirect_dma semaphore(%run_scoped3A : memref<!tpu.dma_semaphore, #tpu.memory_space<semaphore_mem>>) src(%dma_wait3A_316 : memref<32x128xf32, #tpu.memory_space<vmem>>) dst(%dma_wait3A_322 : memref<10112x128xf32, #tpu.memory_space<vmem_shared>>)
            tpu.yield
          }) : () -> ()
          %add3A_118 = arith.constant 4 : i32
          %add3A_119 = arith.addi %add3A_76, %add3A_118 : i32
          %lt3A_120 = arith.constant 32 : i32
          %lt3A_121 = arith.cmpi slt, %add3A_119, %lt3A_120 : i32
          %convert_element_type3A_122 = arith.extui %lt3A_121 : i1 to i32
          %cond3A_123 = arith.constant 0 : i32
          %cond3A_124 = arith.cmpi ne, %convert_element_type3A_122, %cond3A_123 : i32
          scf.if %cond3A_124 {
            %add3A_305 = arith.constant 4 : i32
            %add3A_306 = arith.addi %add3A_76, %add3A_305 : i32
            %jit3A_307 = arith.constant 4 : i32
            %div3A_308 = arith.divsi %add3A_306, %jit3A_307 : i32
            %sign3A_309 = arith.constant 0 : i32
            %sign3A_310 = arith.cmpi sgt, %add3A_306, %sign3A_309 : i32
            %sign3A_311 = arith.extui %sign3A_310 : i1 to i32
            %sign3A_312 = arith.constant 0 : i32
            %sign3A_313 = arith.cmpi slt, %add3A_306, %sign3A_312 : i32
            %sign3A_314 = arith.extui %sign3A_313 : i1 to i32
            %sign3A_315 = arith.subi %sign3A_311, %sign3A_314 : i32
            %sign3A_316 = arith.constant 0 : i32
            %sign3A_317 = arith.cmpi sgt, %jit3A_307, %sign3A_316 : i32
            %sign3A_318 = arith.extui %sign3A_317 : i1 to i32
            %sign3A_319 = arith.constant 0 : i32
            %sign3A_320 = arith.cmpi slt, %jit3A_307, %sign3A_319 : i32
            %sign3A_321 = arith.extui %sign3A_320 : i1 to i32
            %sign3A_322 = arith.subi %sign3A_318, %sign3A_321 : i32
            %ne3A_323 = arith.cmpi ne, %sign3A_315, %sign3A_322 : i32
            %rem3A_324 = arith.remsi %add3A_306, %jit3A_307 : i32
            %ne3A_325 = arith.constant 0 : i32
            %ne3A_326 = arith.cmpi ne, %rem3A_324, %ne3A_325 : i32
            %and3A_327 = arith.andi %ne3A_323, %ne3A_326 : i1
            %sub3A_328 = arith.constant 1 : i32
            %sub3A_329 = arith.subi %div3A_308, %sub3A_328 : i32
            %select_n3A_330 = arith.select %and3A_327, %sub3A_329, %div3A_308 : i32
            %jit3A_331 = arith.constant 4 : i32
            %eq3A_332 = arith.constant 0 : i32
            %eq3A_333 = arith.cmpi eq, %jit3A_331, %eq3A_332 : i32
            %jit3A_334 = arith.constant 1 : i32
            %select_n3A_335 = arith.select %eq3A_333, %jit3A_334, %jit3A_331 : i32
            %rem3A_336 = arith.remsi %add3A_306, %select_n3A_335 : i32
            %ne3A_337 = arith.constant 0 : i32
            %ne3A_338 = arith.cmpi ne, %rem3A_336, %ne3A_337 : i32
            %lt3A_339 = arith.constant 0 : i32
            %lt3A_340 = arith.cmpi slt, %rem3A_336, %lt3A_339 : i32
            %lt3A_341 = arith.constant 0 : i32
            %lt3A_342 = arith.cmpi slt, %select_n3A_335, %lt3A_341 : i32
            %ne3A_343 = arith.xori %lt3A_340, %lt3A_342 : i1
            %and3A_344 = arith.andi %ne3A_343, %ne3A_338 : i1
            %add3A_345 = arith.addi %rem3A_336, %select_n3A_335 : i32
            %select_n3A_346 = arith.select %and3A_344, %add3A_345, %rem3A_336 : i32
            %mul3A_347 = arith.constant 32 : i32
            %mul3A_348 = arith.muli %select_n3A_346, %mul3A_347 : i32
            %dma_start3A_349 = arith.constant 0 : i32
            %dma_start3A_350 = arith.constant 0 : i32
            %dma_start3A_351 = tpu.memref_slice %arg9[%dma_start3A_349, %dma_start3A_350] : memref<128x128xf32, #tpu.memory_space<vmem>> -> memref<32x128xf32, #tpu.memory_space<vmem>>
            %dma_start3A_352 = tpu.memref_slice %arg7[%select_n3A_330, %mul3A_348] : memref<8x128xi32, #tpu.memory_space<vmem>> -> memref<1x32xi32, #tpu.memory_space<vmem>>
            %dma_start3A_353 = tpu.memref_squeeze %dma_start3A_352 : memref<1x32xi32, #tpu.memory_space<vmem>> -> memref<32xi32, #tpu.memory_space<vmem>>
            %dma_start3A_354 = arith.constant 0 : i32
            %dma_start3A_355 = arith.constant 0 : i32
            %dma_start3A_356 = tpu.memref_slice %arg2[%dma_start3A_354, %dma_start3A_355] : memref<10000x128xf32, #tpu.memory_space<hbm>> -> memref<10000x128xf32, #tpu.memory_space<hbm>>
            tpu.enqueue_indirect_dma source(%dma_start3A_356 : memref<10000x128xf32, #tpu.memory_space<hbm>>) target(%dma_start3A_351 : memref<32x128xf32, #tpu.memory_space<vmem>>) offsets(%dma_start3A_353 : memref<32xi32, #tpu.memory_space<vmem>>) semaphore(%arg11 : memref<!tpu.dma_semaphore, #tpu.memory_space<semaphore_mem>>)
          } else {
          }
          %add3A_125 = arith.constant 1 : i32
          %add3A_126 = arith.addi %add3A_74, %add3A_125 : i32
          %dma_wait3A_127 = arith.constant 0 : i32
          %dma_wait3A_128 = arith.constant 0 : i32
          %dma_wait3A_129 = arith.constant 32 : i32
          %dma_wait3A_130 = arith.constant 0 : i32
          %dma_wait3A_131 = tpu.memref_slice %arg9[%dma_wait3A_129, %dma_wait3A_130] : memref<128x128xf32, #tpu.memory_space<vmem>> -> memref<32x128xf32, #tpu.memory_space<vmem>>
          %dma_wait3A_132 = arith.constant 0 : i32
          %dma_wait3A_133 = tpu.memref_slice %arg8[%dma_wait3A_127, %dma_wait3A_128, %dma_wait3A_132] : memref<8x4x32xi32, #tpu.memory_space<vmem>> -> memref<1x1x32xi32, #tpu.memory_space<vmem>>
          %dma_wait3A_134 = tpu.memref_squeeze %dma_wait3A_133 : memref<1x1x32xi32, #tpu.memory_space<vmem>> -> memref<32xi32, #tpu.memory_space<vmem>>
          %dma_wait3A_135 = arith.constant 0 : i32
          %dma_wait3A_136 = arith.constant 0 : i32
          %dma_wait3A_137 = tpu.memref_slice %arg2[%dma_wait3A_135, %dma_wait3A_136] : memref<10000x128xf32, #tpu.memory_space<hbm>> -> memref<10000x128xf32, #tpu.memory_space<hbm>>
          tpu.wait_indirect_dma semaphore(%arg11 : memref<!tpu.dma_semaphore, #tpu.memory_space<semaphore_mem>>) src(%dma_wait3A_137 : memref<10000x128xf32, #tpu.memory_space<hbm>>) dst(%dma_wait3A_131 : memref<32x128xf32, #tpu.memory_space<vmem>>)
          %jit3A_138 = arith.constant 4 : i32
          %div3A_139 = arith.divsi %add3A_126, %jit3A_138 : i32
          %sign3A_140 = arith.constant 0 : i32
          %sign3A_141 = arith.cmpi sgt, %add3A_126, %sign3A_140 : i32
          %sign3A_142 = arith.extui %sign3A_141 : i1 to i32
          %sign3A_143 = arith.constant 0 : i32
          %sign3A_144 = arith.cmpi slt, %add3A_126, %sign3A_143 : i32
          %sign3A_145 = arith.extui %sign3A_144 : i1 to i32
          %sign3A_146 = arith.subi %sign3A_142, %sign3A_145 : i32
          %sign3A_147 = arith.constant 0 : i32
          %sign3A_148 = arith.cmpi sgt, %jit3A_138, %sign3A_147 : i32
          %sign3A_149 = arith.extui %sign3A_148 : i1 to i32
          %sign3A_150 = arith.constant 0 : i32
          %sign3A_151 = arith.cmpi slt, %jit3A_138, %sign3A_150 : i32
          %sign3A_152 = arith.extui %sign3A_151 : i1 to i32
          %sign3A_153 = arith.subi %sign3A_149, %sign3A_152 : i32
          %ne3A_154 = arith.cmpi ne, %sign3A_146, %sign3A_153 : i32
          %rem3A_155 = arith.remsi %add3A_126, %jit3A_138 : i32
          %ne3A_156 = arith.constant 0 : i32
          %ne3A_157 = arith.cmpi ne, %rem3A_155, %ne3A_156 : i32
          %and3A_158 = arith.andi %ne3A_154, %ne3A_157 : i1
          %sub3A_159 = arith.constant 1 : i32
          %sub3A_160 = arith.subi %div3A_139, %sub3A_159 : i32
          %select_n3A_161 = arith.select %and3A_158, %sub3A_160, %div3A_139 : i32
          %jit3A_162 = arith.constant 4 : i32
          %eq3A_163 = arith.constant 0 : i32
          %eq3A_164 = arith.cmpi eq, %jit3A_162, %eq3A_163 : i32
          %jit3A_165 = arith.constant 1 : i32
          %select_n3A_166 = arith.select %eq3A_164, %jit3A_165, %jit3A_162 : i32
          %rem3A_167 = arith.remsi %add3A_126, %select_n3A_166 : i32
          %ne3A_168 = arith.constant 0 : i32
          %ne3A_169 = arith.cmpi ne, %rem3A_167, %ne3A_168 : i32
          %lt3A_170 = arith.constant 0 : i32
          %lt3A_171 = arith.cmpi slt, %rem3A_167, %lt3A_170 : i32
          %lt3A_172 = arith.constant 0 : i32
          %lt3A_173 = arith.cmpi slt, %select_n3A_166, %lt3A_172 : i32
          %ne3A_174 = arith.xori %lt3A_171, %lt3A_173 : i1
          %and3A_175 = arith.andi %ne3A_174, %ne3A_169 : i1
          %add3A_176 = arith.addi %rem3A_167, %select_n3A_166 : i32
          %select_n3A_177 = arith.select %and3A_175, %add3A_176, %rem3A_167 : i32
          "tpu.region"() ({
            %run_scoped3A = tpu.sem_alloc : memref<!tpu.dma_semaphore, #tpu.memory_space<semaphore_mem>>
            %dma_start3A_305 = arith.constant 32 : i32
            %dma_start3A_306 = arith.constant 0 : i32
            %dma_start3A_307 = tpu.memref_slice %arg9[%dma_start3A_305, %dma_start3A_306] : memref<128x128xf32, #tpu.memory_space<vmem>> -> memref<32x128xf32, #tpu.memory_space<vmem>>
            %dma_start3A_308 = arith.constant 0 : i32
            %dma_start3A_309 = tpu.memref_slice %arg8[%select_n3A_161, %select_n3A_177, %dma_start3A_308] : memref<8x4x32xi32, #tpu.memory_space<vmem>> -> memref<1x1x32xi32, #tpu.memory_space<vmem>>
            %dma_start3A_310 = tpu.memref_squeeze %dma_start3A_309 : memref<1x1x32xi32, #tpu.memory_space<vmem>> -> memref<32xi32, #tpu.memory_space<vmem>>
            %dma_start3A_311 = arith.constant 0 : i32
            %dma_start3A_312 = arith.constant 0 : i32
            %dma_start3A_313 = tpu.memref_slice %arg10[%dma_start3A_311, %dma_start3A_312] : memref<10112x128xf32, #tpu.memory_space<vmem_shared>> -> memref<10112x128xf32, #tpu.memory_space<vmem_shared>>
            tpu.enqueue_indirect_dma source(%dma_start3A_307 : memref<32x128xf32, #tpu.memory_space<vmem>>) target(%dma_start3A_313 : memref<10112x128xf32, #tpu.memory_space<vmem_shared>>) offsets(%dma_start3A_310 : memref<32xi32, #tpu.memory_space<vmem>>) semaphore(%run_scoped3A : memref<!tpu.dma_semaphore, #tpu.memory_space<semaphore_mem>>) {add = true}
            %dma_wait3A_314 = arith.constant 32 : i32
            %dma_wait3A_315 = arith.constant 0 : i32
            %dma_wait3A_316 = tpu.memref_slice %arg9[%dma_wait3A_314, %dma_wait3A_315] : memref<128x128xf32, #tpu.memory_space<vmem>> -> memref<32x128xf32, #tpu.memory_space<vmem>>
            %dma_wait3A_317 = arith.constant 0 : i32
            %dma_wait3A_318 = tpu.memref_slice %arg8[%select_n3A_161, %select_n3A_177, %dma_wait3A_317] : memref<8x4x32xi32, #tpu.memory_space<vmem>> -> memref<1x1x32xi32, #tpu.memory_space<vmem>>
            %dma_wait3A_319 = tpu.memref_squeeze %dma_wait3A_318 : memref<1x1x32xi32, #tpu.memory_space<vmem>> -> memref<32xi32, #tpu.memory_space<vmem>>
            %dma_wait3A_320 = arith.constant 0 : i32
            %dma_wait3A_321 = arith.constant 0 : i32
            %dma_wait3A_322 = tpu.memref_slice %arg10[%dma_wait3A_320, %dma_wait3A_321] : memref<10112x128xf32, #tpu.memory_space<vmem_shared>> -> memref<10112x128xf32, #tpu.memory_space<vmem_shared>>
            tpu.wait_indirect_dma semaphore(%run_scoped3A : memref<!tpu.dma_semaphore, #tpu.memory_space<semaphore_mem>>) src(%dma_wait3A_316 : memref<32x128xf32, #tpu.memory_space<vmem>>) dst(%dma_wait3A_322 : memref<10112x128xf32, #tpu.memory_space<vmem_shared>>)
            tpu.yield
          }) : () -> ()
          %add3A_178 = arith.constant 4 : i32
          %add3A_179 = arith.addi %add3A_126, %add3A_178 : i32
          %lt3A_180 = arith.constant 32 : i32
          %lt3A_181 = arith.cmpi slt, %add3A_179, %lt3A_180 : i32
          %convert_element_type3A_182 = arith.extui %lt3A_181 : i1 to i32
          %cond3A_183 = arith.constant 0 : i32
          %cond3A_184 = arith.cmpi ne, %convert_element_type3A_182, %cond3A_183 : i32
          scf.if %cond3A_184 {
            %add3A_305 = arith.constant 4 : i32
            %add3A_306 = arith.addi %add3A_126, %add3A_305 : i32
            %jit3A_307 = arith.constant 4 : i32
            %div3A_308 = arith.divsi %add3A_306, %jit3A_307 : i32
            %sign3A_309 = arith.constant 0 : i32
            %sign3A_310 = arith.cmpi sgt, %add3A_306, %sign3A_309 : i32
            %sign3A_311 = arith.extui %sign3A_310 : i1 to i32
            %sign3A_312 = arith.constant 0 : i32
            %sign3A_313 = arith.cmpi slt, %add3A_306, %sign3A_312 : i32
            %sign3A_314 = arith.extui %sign3A_313 : i1 to i32
            %sign3A_315 = arith.subi %sign3A_311, %sign3A_314 : i32
            %sign3A_316 = arith.constant 0 : i32
            %sign3A_317 = arith.cmpi sgt, %jit3A_307, %sign3A_316 : i32
            %sign3A_318 = arith.extui %sign3A_317 : i1 to i32
            %sign3A_319 = arith.constant 0 : i32
            %sign3A_320 = arith.cmpi slt, %jit3A_307, %sign3A_319 : i32
            %sign3A_321 = arith.extui %sign3A_320 : i1 to i32
            %sign3A_322 = arith.subi %sign3A_318, %sign3A_321 : i32
            %ne3A_323 = arith.cmpi ne, %sign3A_315, %sign3A_322 : i32
            %rem3A_324 = arith.remsi %add3A_306, %jit3A_307 : i32
            %ne3A_325 = arith.constant 0 : i32
            %ne3A_326 = arith.cmpi ne, %rem3A_324, %ne3A_325 : i32
            %and3A_327 = arith.andi %ne3A_323, %ne3A_326 : i1
            %sub3A_328 = arith.constant 1 : i32
            %sub3A_329 = arith.subi %div3A_308, %sub3A_328 : i32
            %select_n3A_330 = arith.select %and3A_327, %sub3A_329, %div3A_308 : i32
            %jit3A_331 = arith.constant 4 : i32
            %eq3A_332 = arith.constant 0 : i32
            %eq3A_333 = arith.cmpi eq, %jit3A_331, %eq3A_332 : i32
            %jit3A_334 = arith.constant 1 : i32
            %select_n3A_335 = arith.select %eq3A_333, %jit3A_334, %jit3A_331 : i32
            %rem3A_336 = arith.remsi %add3A_306, %select_n3A_335 : i32
            %ne3A_337 = arith.constant 0 : i32
            %ne3A_338 = arith.cmpi ne, %rem3A_336, %ne3A_337 : i32
            %lt3A_339 = arith.constant 0 : i32
            %lt3A_340 = arith.cmpi slt, %rem3A_336, %lt3A_339 : i32
            %lt3A_341 = arith.constant 0 : i32
            %lt3A_342 = arith.cmpi slt, %select_n3A_335, %lt3A_341 : i32
            %ne3A_343 = arith.xori %lt3A_340, %lt3A_342 : i1
            %and3A_344 = arith.andi %ne3A_343, %ne3A_338 : i1
            %add3A_345 = arith.addi %rem3A_336, %select_n3A_335 : i32
            %select_n3A_346 = arith.select %and3A_344, %add3A_345, %rem3A_336 : i32
            %mul3A_347 = arith.constant 32 : i32
            %mul3A_348 = arith.muli %select_n3A_346, %mul3A_347 : i32
            %dma_start3A_349 = arith.constant 32 : i32
            %dma_start3A_350 = arith.constant 0 : i32
            %dma_start3A_351 = tpu.memref_slice %arg9[%dma_start3A_349, %dma_start3A_350] : memref<128x128xf32, #tpu.memory_space<vmem>> -> memref<32x128xf32, #tpu.memory_space<vmem>>
            %dma_start3A_352 = tpu.memref_slice %arg7[%select_n3A_330, %mul3A_348] : memref<8x128xi32, #tpu.memory_space<vmem>> -> memref<1x32xi32, #tpu.memory_space<vmem>>
            %dma_start3A_353 = tpu.memref_squeeze %dma_start3A_352 : memref<1x32xi32, #tpu.memory_space<vmem>> -> memref<32xi32, #tpu.memory_space<vmem>>
            %dma_start3A_354 = arith.constant 0 : i32
            %dma_start3A_355 = arith.constant 0 : i32
            %dma_start3A_356 = tpu.memref_slice %arg2[%dma_start3A_354, %dma_start3A_355] : memref<10000x128xf32, #tpu.memory_space<hbm>> -> memref<10000x128xf32, #tpu.memory_space<hbm>>
            tpu.enqueue_indirect_dma source(%dma_start3A_356 : memref<10000x128xf32, #tpu.memory_space<hbm>>) target(%dma_start3A_351 : memref<32x128xf32, #tpu.memory_space<vmem>>) offsets(%dma_start3A_353 : memref<32xi32, #tpu.memory_space<vmem>>) semaphore(%arg11 : memref<!tpu.dma_semaphore, #tpu.memory_space<semaphore_mem>>)
          } else {
          }
          %add3A_185 = arith.constant 2 : i32
          %add3A_186 = arith.addi %add3A_74, %add3A_185 : i32
          %dma_wait3A_187 = arith.constant 0 : i32
          %dma_wait3A_188 = arith.constant 0 : i32
          %dma_wait3A_189 = arith.constant 64 : i32
          %dma_wait3A_190 = arith.constant 0 : i32
          %dma_wait3A_191 = tpu.memref_slice %arg9[%dma_wait3A_189, %dma_wait3A_190] : memref<128x128xf32, #tpu.memory_space<vmem>> -> memref<32x128xf32, #tpu.memory_space<vmem>>
          %dma_wait3A_192 = arith.constant 0 : i32
          %dma_wait3A_193 = tpu.memref_slice %arg8[%dma_wait3A_187, %dma_wait3A_188, %dma_wait3A_192] : memref<8x4x32xi32, #tpu.memory_space<vmem>> -> memref<1x1x32xi32, #tpu.memory_space<vmem>>
          %dma_wait3A_194 = tpu.memref_squeeze %dma_wait3A_193 : memref<1x1x32xi32, #tpu.memory_space<vmem>> -> memref<32xi32, #tpu.memory_space<vmem>>
          %dma_wait3A_195 = arith.constant 0 : i32
          %dma_wait3A_196 = arith.constant 0 : i32
          %dma_wait3A_197 = tpu.memref_slice %arg2[%dma_wait3A_195, %dma_wait3A_196] : memref<10000x128xf32, #tpu.memory_space<hbm>> -> memref<10000x128xf32, #tpu.memory_space<hbm>>
          tpu.wait_indirect_dma semaphore(%arg11 : memref<!tpu.dma_semaphore, #tpu.memory_space<semaphore_mem>>) src(%dma_wait3A_197 : memref<10000x128xf32, #tpu.memory_space<hbm>>) dst(%dma_wait3A_191 : memref<32x128xf32, #tpu.memory_space<vmem>>)
          %jit3A_198 = arith.constant 4 : i32
          %div3A_199 = arith.divsi %add3A_186, %jit3A_198 : i32
          %sign3A_200 = arith.constant 0 : i32
          %sign3A_201 = arith.cmpi sgt, %add3A_186, %sign3A_200 : i32
          %sign3A_202 = arith.extui %sign3A_201 : i1 to i32
          %sign3A_203 = arith.constant 0 : i32
          %sign3A_204 = arith.cmpi slt, %add3A_186, %sign3A_203 : i32
          %sign3A_205 = arith.extui %sign3A_204 : i1 to i32
          %sign3A_206 = arith.subi %sign3A_202, %sign3A_205 : i32
          %sign3A_207 = arith.constant 0 : i32
          %sign3A_208 = arith.cmpi sgt, %jit3A_198, %sign3A_207 : i32
          %sign3A_209 = arith.extui %sign3A_208 : i1 to i32
          %sign3A_210 = arith.constant 0 : i32
          %sign3A_211 = arith.cmpi slt, %jit3A_198, %sign3A_210 : i32
          %sign3A_212 = arith.extui %sign3A_211 : i1 to i32
          %sign3A_213 = arith.subi %sign3A_209, %sign3A_212 : i32
          %ne3A_214 = arith.cmpi ne, %sign3A_206, %sign3A_213 : i32
          %rem3A_215 = arith.remsi %add3A_186, %jit3A_198 : i32
          %ne3A_216 = arith.constant 0 : i32
          %ne3A_217 = arith.cmpi ne, %rem3A_215, %ne3A_216 : i32
          %and3A_218 = arith.andi %ne3A_214, %ne3A_217 : i1
          %sub3A_219 = arith.constant 1 : i32
          %sub3A_220 = arith.subi %div3A_199, %sub3A_219 : i32
          %select_n3A_221 = arith.select %and3A_218, %sub3A_220, %div3A_199 : i32
          %jit3A_222 = arith.constant 4 : i32
          %eq3A_223 = arith.constant 0 : i32
          %eq3A_224 = arith.cmpi eq, %jit3A_222, %eq3A_223 : i32
          %jit3A_225 = arith.constant 1 : i32
          %select_n3A_226 = arith.select %eq3A_224, %jit3A_225, %jit3A_222 : i32
          %rem3A_227 = arith.remsi %add3A_186, %select_n3A_226 : i32
          %ne3A_228 = arith.constant 0 : i32
          %ne3A_229 = arith.cmpi ne, %rem3A_227, %ne3A_228 : i32
          %lt3A_230 = arith.constant 0 : i32
          %lt3A_231 = arith.cmpi slt, %rem3A_227, %lt3A_230 : i32
          %lt3A_232 = arith.constant 0 : i32
          %lt3A_233 = arith.cmpi slt, %select_n3A_226, %lt3A_232 : i32
          %ne3A_234 = arith.xori %lt3A_231, %lt3A_233 : i1
          %and3A_235 = arith.andi %ne3A_234, %ne3A_229 : i1
          %add3A_236 = arith.addi %rem3A_227, %select_n3A_226 : i32
          %select_n3A_237 = arith.select %and3A_235, %add3A_236, %rem3A_227 : i32
          "tpu.region"() ({
            %run_scoped3A = tpu.sem_alloc : memref<!tpu.dma_semaphore, #tpu.memory_space<semaphore_mem>>
            %dma_start3A_305 = arith.constant 64 : i32
            %dma_start3A_306 = arith.constant 0 : i32
            %dma_start3A_307 = tpu.memref_slice %arg9[%dma_start3A_305, %dma_start3A_306] : memref<128x128xf32, #tpu.memory_space<vmem>> -> memref<32x128xf32, #tpu.memory_space<vmem>>
            %dma_start3A_308 = arith.constant 0 : i32
            %dma_start3A_309 = tpu.memref_slice %arg8[%select_n3A_221, %select_n3A_237, %dma_start3A_308] : memref<8x4x32xi32, #tpu.memory_space<vmem>> -> memref<1x1x32xi32, #tpu.memory_space<vmem>>
            %dma_start3A_310 = tpu.memref_squeeze %dma_start3A_309 : memref<1x1x32xi32, #tpu.memory_space<vmem>> -> memref<32xi32, #tpu.memory_space<vmem>>
            %dma_start3A_311 = arith.constant 0 : i32
            %dma_start3A_312 = arith.constant 0 : i32
            %dma_start3A_313 = tpu.memref_slice %arg10[%dma_start3A_311, %dma_start3A_312] : memref<10112x128xf32, #tpu.memory_space<vmem_shared>> -> memref<10112x128xf32, #tpu.memory_space<vmem_shared>>
            tpu.enqueue_indirect_dma source(%dma_start3A_307 : memref<32x128xf32, #tpu.memory_space<vmem>>) target(%dma_start3A_313 : memref<10112x128xf32, #tpu.memory_space<vmem_shared>>) offsets(%dma_start3A_310 : memref<32xi32, #tpu.memory_space<vmem>>) semaphore(%run_scoped3A : memref<!tpu.dma_semaphore, #tpu.memory_space<semaphore_mem>>) {add = true}
            %dma_wait3A_314 = arith.constant 64 : i32
            %dma_wait3A_315 = arith.constant 0 : i32
            %dma_wait3A_316 = tpu.memref_slice %arg9[%dma_wait3A_314, %dma_wait3A_315] : memref<128x128xf32, #tpu.memory_space<vmem>> -> memref<32x128xf32, #tpu.memory_space<vmem>>
            %dma_wait3A_317 = arith.constant 0 : i32
            %dma_wait3A_318 = tpu.memref_slice %arg8[%select_n3A_221, %select_n3A_237, %dma_wait3A_317] : memref<8x4x32xi32, #tpu.memory_space<vmem>> -> memref<1x1x32xi32, #tpu.memory_space<vmem>>
            %dma_wait3A_319 = tpu.memref_squeeze %dma_wait3A_318 : memref<1x1x32xi32, #tpu.memory_space<vmem>> -> memref<32xi32, #tpu.memory_space<vmem>>
            %dma_wait3A_320 = arith.constant 0 : i32
            %dma_wait3A_321 = arith.constant 0 : i32
            %dma_wait3A_322 = tpu.memref_slice %arg10[%dma_wait3A_320, %dma_wait3A_321] : memref<10112x128xf32, #tpu.memory_space<vmem_shared>> -> memref<10112x128xf32, #tpu.memory_space<vmem_shared>>
            tpu.wait_indirect_dma semaphore(%run_scoped3A : memref<!tpu.dma_semaphore, #tpu.memory_space<semaphore_mem>>) src(%dma_wait3A_316 : memref<32x128xf32, #tpu.memory_space<vmem>>) dst(%dma_wait3A_322 : memref<10112x128xf32, #tpu.memory_space<vmem_shared>>)
            tpu.yield
          }) : () -> ()
          %add3A_238 = arith.constant 4 : i32
          %add3A_239 = arith.addi %add3A_186, %add3A_238 : i32
          %lt3A_240 = arith.constant 32 : i32
          %lt3A_241 = arith.cmpi slt, %add3A_239, %lt3A_240 : i32
          %convert_element_type3A_242 = arith.extui %lt3A_241 : i1 to i32
          %cond3A_243 = arith.constant 0 : i32
          %cond3A_244 = arith.cmpi ne, %convert_element_type3A_242, %cond3A_243 : i32
          scf.if %cond3A_244 {
            %add3A_305 = arith.constant 4 : i32
            %add3A_306 = arith.addi %add3A_186, %add3A_305 : i32
            %jit3A_307 = arith.constant 4 : i32
            %div3A_308 = arith.divsi %add3A_306, %jit3A_307 : i32
            %sign3A_309 = arith.constant 0 : i32
            %sign3A_310 = arith.cmpi sgt, %add3A_306, %sign3A_309 : i32
            %sign3A_311 = arith.extui %sign3A_310 : i1 to i32
            %sign3A_312 = arith.constant 0 : i32
            %sign3A_313 = arith.cmpi slt, %add3A_306, %sign3A_312 : i32
            %sign3A_314 = arith.extui %sign3A_313 : i1 to i32
            %sign3A_315 = arith.subi %sign3A_311, %sign3A_314 : i32
            %sign3A_316 = arith.constant 0 : i32
            %sign3A_317 = arith.cmpi sgt, %jit3A_307, %sign3A_316 : i32
            %sign3A_318 = arith.extui %sign3A_317 : i1 to i32
            %sign3A_319 = arith.constant 0 : i32
            %sign3A_320 = arith.cmpi slt, %jit3A_307, %sign3A_319 : i32
            %sign3A_321 = arith.extui %sign3A_320 : i1 to i32
            %sign3A_322 = arith.subi %sign3A_318, %sign3A_321 : i32
            %ne3A_323 = arith.cmpi ne, %sign3A_315, %sign3A_322 : i32
            %rem3A_324 = arith.remsi %add3A_306, %jit3A_307 : i32
            %ne3A_325 = arith.constant 0 : i32
            %ne3A_326 = arith.cmpi ne, %rem3A_324, %ne3A_325 : i32
            %and3A_327 = arith.andi %ne3A_323, %ne3A_326 : i1
            %sub3A_328 = arith.constant 1 : i32
            %sub3A_329 = arith.subi %div3A_308, %sub3A_328 : i32
            %select_n3A_330 = arith.select %and3A_327, %sub3A_329, %div3A_308 : i32
            %jit3A_331 = arith.constant 4 : i32
            %eq3A_332 = arith.constant 0 : i32
            %eq3A_333 = arith.cmpi eq, %jit3A_331, %eq3A_332 : i32
            %jit3A_334 = arith.constant 1 : i32
            %select_n3A_335 = arith.select %eq3A_333, %jit3A_334, %jit3A_331 : i32
            %rem3A_336 = arith.remsi %add3A_306, %select_n3A_335 : i32
            %ne3A_337 = arith.constant 0 : i32
            %ne3A_338 = arith.cmpi ne, %rem3A_336, %ne3A_337 : i32
            %lt3A_339 = arith.constant 0 : i32
            %lt3A_340 = arith.cmpi slt, %rem3A_336, %lt3A_339 : i32
            %lt3A_341 = arith.constant 0 : i32
            %lt3A_342 = arith.cmpi slt, %select_n3A_335, %lt3A_341 : i32
            %ne3A_343 = arith.xori %lt3A_340, %lt3A_342 : i1
            %and3A_344 = arith.andi %ne3A_343, %ne3A_338 : i1
            %add3A_345 = arith.addi %rem3A_336, %select_n3A_335 : i32
            %select_n3A_346 = arith.select %and3A_344, %add3A_345, %rem3A_336 : i32
            %mul3A_347 = arith.constant 32 : i32
            %mul3A_348 = arith.muli %select_n3A_346, %mul3A_347 : i32
            %dma_start3A_349 = arith.constant 64 : i32
            %dma_start3A_350 = arith.constant 0 : i32
            %dma_start3A_351 = tpu.memref_slice %arg9[%dma_start3A_349, %dma_start3A_350] : memref<128x128xf32, #tpu.memory_space<vmem>> -> memref<32x128xf32, #tpu.memory_space<vmem>>
            %dma_start3A_352 = tpu.memref_slice %arg7[%select_n3A_330, %mul3A_348] : memref<8x128xi32, #tpu.memory_space<vmem>> -> memref<1x32xi32, #tpu.memory_space<vmem>>
            %dma_start3A_353 = tpu.memref_squeeze %dma_start3A_352 : memref<1x32xi32, #tpu.memory_space<vmem>> -> memref<32xi32, #tpu.memory_space<vmem>>
            %dma_start3A_354 = arith.constant 0 : i32
            %dma_start3A_355 = arith.constant 0 : i32
            %dma_start3A_356 = tpu.memref_slice %arg2[%dma_start3A_354, %dma_start3A_355] : memref<10000x128xf32, #tpu.memory_space<hbm>> -> memref<10000x128xf32, #tpu.memory_space<hbm>>
            tpu.enqueue_indirect_dma source(%dma_start3A_356 : memref<10000x128xf32, #tpu.memory_space<hbm>>) target(%dma_start3A_351 : memref<32x128xf32, #tpu.memory_space<vmem>>) offsets(%dma_start3A_353 : memref<32xi32, #tpu.memory_space<vmem>>) semaphore(%arg11 : memref<!tpu.dma_semaphore, #tpu.memory_space<semaphore_mem>>)
          } else {
          }
          %add3A_245 = arith.constant 3 : i32
          %add3A_246 = arith.addi %add3A_74, %add3A_245 : i32
          %dma_wait3A_247 = arith.constant 0 : i32
          %dma_wait3A_248 = arith.constant 0 : i32
          %dma_wait3A_249 = arith.constant 96 : i32
          %dma_wait3A_250 = arith.constant 0 : i32
          %dma_wait3A_251 = tpu.memref_slice %arg9[%dma_wait3A_249, %dma_wait3A_250] : memref<128x128xf32, #tpu.memory_space<vmem>> -> memref<32x128xf32, #tpu.memory_space<vmem>>
          %dma_wait3A_252 = arith.constant 0 : i32
          %dma_wait3A_253 = tpu.memref_slice %arg8[%dma_wait3A_247, %dma_wait3A_248, %dma_wait3A_252] : memref<8x4x32xi32, #tpu.memory_space<vmem>> -> memref<1x1x32xi32, #tpu.memory_space<vmem>>
          %dma_wait3A_254 = tpu.memref_squeeze %dma_wait3A_253 : memref<1x1x32xi32, #tpu.memory_space<vmem>> -> memref<32xi32, #tpu.memory_space<vmem>>
          %dma_wait3A_255 = arith.constant 0 : i32
          %dma_wait3A_256 = arith.constant 0 : i32
          %dma_wait3A_257 = tpu.memref_slice %arg2[%dma_wait3A_255, %dma_wait3A_256] : memref<10000x128xf32, #tpu.memory_space<hbm>> -> memref<10000x128xf32, #tpu.memory_space<hbm>>
          tpu.wait_indirect_dma semaphore(%arg11 : memref<!tpu.dma_semaphore, #tpu.memory_space<semaphore_mem>>) src(%dma_wait3A_257 : memref<10000x128xf32, #tpu.memory_space<hbm>>) dst(%dma_wait3A_251 : memref<32x128xf32, #tpu.memory_space<vmem>>)
          %jit3A_258 = arith.constant 4 : i32
          %div3A_259 = arith.divsi %add3A_246, %jit3A_258 : i32
          %sign3A_260 = arith.constant 0 : i32
          %sign3A_261 = arith.cmpi sgt, %add3A_246, %sign3A_260 : i32
          %sign3A_262 = arith.extui %sign3A_261 : i1 to i32
          %sign3A_263 = arith.constant 0 : i32
          %sign3A_264 = arith.cmpi slt, %add3A_246, %sign3A_263 : i32
          %sign3A_265 = arith.extui %sign3A_264 : i1 to i32
          %sign3A_266 = arith.subi %sign3A_262, %sign3A_265 : i32
          %sign3A_267 = arith.constant 0 : i32
          %sign3A_268 = arith.cmpi sgt, %jit3A_258, %sign3A_267 : i32
          %sign3A_269 = arith.extui %sign3A_268 : i1 to i32
          %sign3A_270 = arith.constant 0 : i32
          %sign3A_271 = arith.cmpi slt, %jit3A_258, %sign3A_270 : i32
          %sign3A_272 = arith.extui %sign3A_271 : i1 to i32
          %sign3A_273 = arith.subi %sign3A_269, %sign3A_272 : i32
          %ne3A_274 = arith.cmpi ne, %sign3A_266, %sign3A_273 : i32
          %rem3A_275 = arith.remsi %add3A_246, %jit3A_258 : i32
          %ne3A_276 = arith.constant 0 : i32
          %ne3A_277 = arith.cmpi ne, %rem3A_275, %ne3A_276 : i32
          %and3A_278 = arith.andi %ne3A_274, %ne3A_277 : i1
          %sub3A_279 = arith.constant 1 : i32
          %sub3A_280 = arith.subi %div3A_259, %sub3A_279 : i32
          %select_n3A_281 = arith.select %and3A_278, %sub3A_280, %div3A_259 : i32
          %jit3A_282 = arith.constant 4 : i32
          %eq3A_283 = arith.constant 0 : i32
          %eq3A_284 = arith.cmpi eq, %jit3A_282, %eq3A_283 : i32
          %jit3A_285 = arith.constant 1 : i32
          %select_n3A_286 = arith.select %eq3A_284, %jit3A_285, %jit3A_282 : i32
          %rem3A_287 = arith.remsi %add3A_246, %select_n3A_286 : i32
          %ne3A_288 = arith.constant 0 : i32
          %ne3A_289 = arith.cmpi ne, %rem3A_287, %ne3A_288 : i32
          %lt3A_290 = arith.constant 0 : i32
          %lt3A_291 = arith.cmpi slt, %rem3A_287, %lt3A_290 : i32
          %lt3A_292 = arith.constant 0 : i32
          %lt3A_293 = arith.cmpi slt, %select_n3A_286, %lt3A_292 : i32
          %ne3A_294 = arith.xori %lt3A_291, %lt3A_293 : i1
          %and3A_295 = arith.andi %ne3A_294, %ne3A_289 : i1
          %add3A_296 = arith.addi %rem3A_287, %select_n3A_286 : i32
          %select_n3A_297 = arith.select %and3A_295, %add3A_296, %rem3A_287 : i32
          "tpu.region"() ({
            %run_scoped3A = tpu.sem_alloc : memref<!tpu.dma_semaphore, #tpu.memory_space<semaphore_mem>>
            %dma_start3A_305 = arith.constant 96 : i32
            %dma_start3A_306 = arith.constant 0 : i32
            %dma_start3A_307 = tpu.memref_slice %arg9[%dma_start3A_305, %dma_start3A_306] : memref<128x128xf32, #tpu.memory_space<vmem>> -> memref<32x128xf32, #tpu.memory_space<vmem>>
            %dma_start3A_308 = arith.constant 0 : i32
            %dma_start3A_309 = tpu.memref_slice %arg8[%select_n3A_281, %select_n3A_297, %dma_start3A_308] : memref<8x4x32xi32, #tpu.memory_space<vmem>> -> memref<1x1x32xi32, #tpu.memory_space<vmem>>
            %dma_start3A_310 = tpu.memref_squeeze %dma_start3A_309 : memref<1x1x32xi32, #tpu.memory_space<vmem>> -> memref<32xi32, #tpu.memory_space<vmem>>
            %dma_start3A_311 = arith.constant 0 : i32
            %dma_start3A_312 = arith.constant 0 : i32
            %dma_start3A_313 = tpu.memref_slice %arg10[%dma_start3A_311, %dma_start3A_312] : memref<10112x128xf32, #tpu.memory_space<vmem_shared>> -> memref<10112x128xf32, #tpu.memory_space<vmem_shared>>
            tpu.enqueue_indirect_dma source(%dma_start3A_307 : memref<32x128xf32, #tpu.memory_space<vmem>>) target(%dma_start3A_313 : memref<10112x128xf32, #tpu.memory_space<vmem_shared>>) offsets(%dma_start3A_310 : memref<32xi32, #tpu.memory_space<vmem>>) semaphore(%run_scoped3A : memref<!tpu.dma_semaphore, #tpu.memory_space<semaphore_mem>>) {add = true}
            %dma_wait3A_314 = arith.constant 96 : i32
            %dma_wait3A_315 = arith.constant 0 : i32
            %dma_wait3A_316 = tpu.memref_slice %arg9[%dma_wait3A_314, %dma_wait3A_315] : memref<128x128xf32, #tpu.memory_space<vmem>> -> memref<32x128xf32, #tpu.memory_space<vmem>>
            %dma_wait3A_317 = arith.constant 0 : i32
            %dma_wait3A_318 = tpu.memref_slice %arg8[%select_n3A_281, %select_n3A_297, %dma_wait3A_317] : memref<8x4x32xi32, #tpu.memory_space<vmem>> -> memref<1x1x32xi32, #tpu.memory_space<vmem>>
            %dma_wait3A_319 = tpu.memref_squeeze %dma_wait3A_318 : memref<1x1x32xi32, #tpu.memory_space<vmem>> -> memref<32xi32, #tpu.memory_space<vmem>>
            %dma_wait3A_320 = arith.constant 0 : i32
            %dma_wait3A_321 = arith.constant 0 : i32
            %dma_wait3A_322 = tpu.memref_slice %arg10[%dma_wait3A_320, %dma_wait3A_321] : memref<10112x128xf32, #tpu.memory_space<vmem_shared>> -> memref<10112x128xf32, #tpu.memory_space<vmem_shared>>
            tpu.wait_indirect_dma semaphore(%run_scoped3A : memref<!tpu.dma_semaphore, #tpu.memory_space<semaphore_mem>>) src(%dma_wait3A_316 : memref<32x128xf32, #tpu.memory_space<vmem>>) dst(%dma_wait3A_322 : memref<10112x128xf32, #tpu.memory_space<vmem_shared>>)
            tpu.yield
          }) : () -> ()
          %add3A_298 = arith.constant 4 : i32
          %add3A_299 = arith.addi %add3A_246, %add3A_298 : i32
          %lt3A_300 = arith.constant 32 : i32
          %lt3A_301 = arith.cmpi slt, %add3A_299, %lt3A_300 : i32
          %convert_element_type3A_302 = arith.extui %lt3A_301 : i1 to i32
          %cond3A_303 = arith.constant 0 : i32
          %cond3A_304 = arith.cmpi ne, %convert_element_type3A_302, %cond3A_303 : i32
          scf.if %cond3A_304 {
            %add3A_305 = arith.constant 4 : i32
            %add3A_306 = arith.addi %add3A_246, %add3A_305 : i32
            %jit3A_307 = arith.constant 4 : i32
            %div3A_308 = arith.divsi %add3A_306, %jit3A_307 : i32
            %sign3A_309 = arith.constant 0 : i32
            %sign3A_310 = arith.cmpi sgt, %add3A_306, %sign3A_309 : i32
            %sign3A_311 = arith.extui %sign3A_310 : i1 to i32
            %sign3A_312 = arith.constant 0 : i32
            %sign3A_313 = arith.cmpi slt, %add3A_306, %sign3A_312 : i32
            %sign3A_314 = arith.extui %sign3A_313 : i1 to i32
            %sign3A_315 = arith.subi %sign3A_311, %sign3A_314 : i32
            %sign3A_316 = arith.constant 0 : i32
            %sign3A_317 = arith.cmpi sgt, %jit3A_307, %sign3A_316 : i32
            %sign3A_318 = arith.extui %sign3A_317 : i1 to i32
            %sign3A_319 = arith.constant 0 : i32
            %sign3A_320 = arith.cmpi slt, %jit3A_307, %sign3A_319 : i32
            %sign3A_321 = arith.extui %sign3A_320 : i1 to i32
            %sign3A_322 = arith.subi %sign3A_318, %sign3A_321 : i32
            %ne3A_323 = arith.cmpi ne, %sign3A_315, %sign3A_322 : i32
            %rem3A_324 = arith.remsi %add3A_306, %jit3A_307 : i32
            %ne3A_325 = arith.constant 0 : i32
            %ne3A_326 = arith.cmpi ne, %rem3A_324, %ne3A_325 : i32
            %and3A_327 = arith.andi %ne3A_323, %ne3A_326 : i1
            %sub3A_328 = arith.constant 1 : i32
            %sub3A_329 = arith.subi %div3A_308, %sub3A_328 : i32
            %select_n3A_330 = arith.select %and3A_327, %sub3A_329, %div3A_308 : i32
            %jit3A_331 = arith.constant 4 : i32
            %eq3A_332 = arith.constant 0 : i32
            %eq3A_333 = arith.cmpi eq, %jit3A_331, %eq3A_332 : i32
            %jit3A_334 = arith.constant 1 : i32
            %select_n3A_335 = arith.select %eq3A_333, %jit3A_334, %jit3A_331 : i32
            %rem3A_336 = arith.remsi %add3A_306, %select_n3A_335 : i32
            %ne3A_337 = arith.constant 0 : i32
            %ne3A_338 = arith.cmpi ne, %rem3A_336, %ne3A_337 : i32
            %lt3A_339 = arith.constant 0 : i32
            %lt3A_340 = arith.cmpi slt, %rem3A_336, %lt3A_339 : i32
            %lt3A_341 = arith.constant 0 : i32
            %lt3A_342 = arith.cmpi slt, %select_n3A_335, %lt3A_341 : i32
            %ne3A_343 = arith.xori %lt3A_340, %lt3A_342 : i1
            %and3A_344 = arith.andi %ne3A_343, %ne3A_338 : i1
            %add3A_345 = arith.addi %rem3A_336, %select_n3A_335 : i32
            %select_n3A_346 = arith.select %and3A_344, %add3A_345, %rem3A_336 : i32
            %mul3A_347 = arith.constant 32 : i32
            %mul3A_348 = arith.muli %select_n3A_346, %mul3A_347 : i32
            %dma_start3A_349 = arith.constant 96 : i32
            %dma_start3A_350 = arith.constant 0 : i32
            %dma_start3A_351 = tpu.memref_slice %arg9[%dma_start3A_349, %dma_start3A_350] : memref<128x128xf32, #tpu.memory_space<vmem>> -> memref<32x128xf32, #tpu.memory_space<vmem>>
            %dma_start3A_352 = tpu.memref_slice %arg7[%select_n3A_330, %mul3A_348] : memref<8x128xi32, #tpu.memory_space<vmem>> -> memref<1x32xi32, #tpu.memory_space<vmem>>
            %dma_start3A_353 = tpu.memref_squeeze %dma_start3A_352 : memref<1x32xi32, #tpu.memory_space<vmem>> -> memref<32xi32, #tpu.memory_space<vmem>>
            %dma_start3A_354 = arith.constant 0 : i32
            %dma_start3A_355 = arith.constant 0 : i32
            %dma_start3A_356 = tpu.memref_slice %arg2[%dma_start3A_354, %dma_start3A_355] : memref<10000x128xf32, #tpu.memory_space<hbm>> -> memref<10000x128xf32, #tpu.memory_space<hbm>>
            tpu.enqueue_indirect_dma source(%dma_start3A_356 : memref<10000x128xf32, #tpu.memory_space<hbm>>) target(%dma_start3A_351 : memref<32x128xf32, #tpu.memory_space<vmem>>) offsets(%dma_start3A_353 : memref<32xi32, #tpu.memory_space<vmem>>) semaphore(%arg11 : memref<!tpu.dma_semaphore, #tpu.memory_space<semaphore_mem>>)
          } else {
          }
        }
        %scan3A_69 = arith.constant 8 : i32
      }
      %scan3A_18 = arith.constant 16 : i32
    } else {
    }
    %eq3A_3 = arith.constant 1 : i32
    %eq3A_4 = arith.cmpi eq, %arg0, %eq3A_3 : i32
    %convert_element_type3A_5 = arith.extui %eq3A_4 : i1 to i32
    %cond3A_6 = arith.constant 0 : i32
    %cond3A_7 = arith.cmpi ne, %convert_element_type3A_5, %cond3A_6 : i32
    scf.if %cond3A_7 {
      %mul3A_13 = arith.constant 32 : i32
      %mul3A_14 = arith.muli %arg1, %mul3A_13 : i32
      %add3A = arith.constant 2048 : i32
      %add3A_15 = arith.addi %add3A, %mul3A_14 : i32
      %scan3A = arith.constant 0 : i32
      %scan3A_16 = arith.constant 4 : i32
      %scan3A_17 = arith.addi %scan3A, %scan3A_16 : i32
      %scan3A_18 = arith.constant 1 : i32
      scf.for %scan3A_20 = %scan3A to %scan3A_17 step %scan3A_18  : i32 {
        %mul3A_21 = arith.constant 1 : i32
        %mul3A_22 = arith.muli %scan3A_20, %mul3A_21 : i32
        %add3A_23 = arith.constant 0 : i32
        %add3A_24 = arith.addi %add3A_23, %mul3A_22 : i32
        %mul3A_25 = arith.constant 8 : i32
        %mul3A_26 = arith.muli %add3A_24, %mul3A_25 : i32
        %add3A_27 = arith.addi %add3A_15, %mul3A_26 : i32
        %multiple_of3A = tpu.assume_multiple %add3A_27, 8 : i32
        "tpu.region"() ({
          %run_scoped3A = tpu.sem_alloc : memref<!tpu.dma_semaphore, #tpu.memory_space<semaphore_mem>>
          %dma_start3A_72 = arith.constant 0 : i32
          %dma_start3A_73 = tpu.memref_slice %arg3[%multiple_of3A, %dma_start3A_72] : memref<2560x128xi32, #tpu.memory_space<hbm>> -> memref<8x128xi32, #tpu.memory_space<hbm>>
          %dma_start3A_74 = arith.constant 0 : i32
          %dma_start3A_75 = tpu.memref_slice %arg3[%multiple_of3A, %dma_start3A_74] : memref<2560x128xi32, #tpu.memory_space<hbm>> -> memref<8x128xi32, #tpu.memory_space<hbm>>
          tpu.enqueue_dma source(%dma_start3A_75 : memref<8x128xi32, #tpu.memory_space<hbm>>) target(%arg7 : memref<8x128xi32, #tpu.memory_space<vmem>>) target_semaphore(%run_scoped3A : memref<!tpu.dma_semaphore, #tpu.memory_space<semaphore_mem>>)
          %dma_wait3A = arith.constant 0 : i32
          %dma_wait3A_76 = tpu.memref_slice %arg3[%multiple_of3A, %dma_wait3A] : memref<2560x128xi32, #tpu.memory_space<hbm>> -> memref<8x128xi32, #tpu.memory_space<hbm>>
          %dma_wait3A_77 = arith.constant 0 : i32
          %dma_wait3A_78 = tpu.memref_slice %arg3[%multiple_of3A, %dma_wait3A_77] : memref<2560x128xi32, #tpu.memory_space<hbm>> -> memref<8x128xi32, #tpu.memory_space<hbm>>
          tpu.wait_dma2 semaphore(%run_scoped3A : memref<!tpu.dma_semaphore, #tpu.memory_space<semaphore_mem>>) src(%dma_wait3A_78 : memref<8x128xi32, #tpu.memory_space<hbm>>) dst(%arg7 : memref<8x128xi32, #tpu.memory_space<vmem>>)
          tpu.yield
        }) : () -> ()
        "tpu.region"() ({
          %run_scoped3A = tpu.sem_alloc : memref<!tpu.dma_semaphore, #tpu.memory_space<semaphore_mem>>
          %dma_start3A_72 = arith.constant 0 : i32
          %dma_start3A_73 = arith.constant 0 : i32
          %dma_start3A_74 = tpu.memref_slice %arg4[%multiple_of3A, %dma_start3A_72, %dma_start3A_73] : memref<2560x4x32xi32, #tpu.memory_space<hbm>> -> memref<8x4x32xi32, #tpu.memory_space<hbm>>
          %dma_start3A_75 = arith.constant 0 : i32
          %dma_start3A_76 = arith.constant 0 : i32
          %dma_start3A_77 = tpu.memref_slice %arg4[%multiple_of3A, %dma_start3A_75, %dma_start3A_76] : memref<2560x4x32xi32, #tpu.memory_space<hbm>> -> memref<8x4x32xi32, #tpu.memory_space<hbm>>
          tpu.enqueue_dma source(%dma_start3A_77 : memref<8x4x32xi32, #tpu.memory_space<hbm>>) target(%arg8 : memref<8x4x32xi32, #tpu.memory_space<vmem>>) target_semaphore(%run_scoped3A : memref<!tpu.dma_semaphore, #tpu.memory_space<semaphore_mem>>)
          %dma_wait3A = arith.constant 0 : i32
          %dma_wait3A_78 = arith.constant 0 : i32
          %dma_wait3A_79 = tpu.memref_slice %arg4[%multiple_of3A, %dma_wait3A, %dma_wait3A_78] : memref<2560x4x32xi32, #tpu.memory_space<hbm>> -> memref<8x4x32xi32, #tpu.memory_space<hbm>>
          %dma_wait3A_80 = arith.constant 0 : i32
          %dma_wait3A_81 = arith.constant 0 : i32
          %dma_wait3A_82 = tpu.memref_slice %arg4[%multiple_of3A, %dma_wait3A_80, %dma_wait3A_81] : memref<2560x4x32xi32, #tpu.memory_space<hbm>> -> memref<8x4x32xi32, #tpu.memory_space<hbm>>
          tpu.wait_dma2 semaphore(%run_scoped3A : memref<!tpu.dma_semaphore, #tpu.memory_space<semaphore_mem>>) src(%dma_wait3A_82 : memref<8x4x32xi32, #tpu.memory_space<hbm>>) dst(%arg8 : memref<8x4x32xi32, #tpu.memory_space<vmem>>)
          tpu.yield
        }) : () -> ()
        %dma_start3A = arith.constant 0 : i32
        %dma_start3A_28 = arith.constant 0 : i32
        %dma_start3A_29 = arith.constant 0 : i32
        %dma_start3A_30 = tpu.memref_slice %arg9[%dma_start3A_28, %dma_start3A_29] : memref<128x128xf32, #tpu.memory_space<vmem>> -> memref<32x128xf32, #tpu.memory_space<vmem>>
        %dma_start3A_31 = arith.constant 0 : i32
        %dma_start3A_32 = tpu.memref_slice %arg7[%dma_start3A, %dma_start3A_31] : memref<8x128xi32, #tpu.memory_space<vmem>> -> memref<1x32xi32, #tpu.memory_space<vmem>>
        %dma_start3A_33 = tpu.memref_squeeze %dma_start3A_32 : memref<1x32xi32, #tpu.memory_space<vmem>> -> memref<32xi32, #tpu.memory_space<vmem>>
        %dma_start3A_34 = arith.constant 0 : i32
        %dma_start3A_35 = arith.constant 0 : i32
        %dma_start3A_36 = tpu.memref_slice %arg2[%dma_start3A_34, %dma_start3A_35] : memref<10000x128xf32, #tpu.memory_space<hbm>> -> memref<10000x128xf32, #tpu.memory_space<hbm>>
        tpu.enqueue_indirect_dma source(%dma_start3A_36 : memref<10000x128xf32, #tpu.memory_space<hbm>>) target(%dma_start3A_30 : memref<32x128xf32, #tpu.memory_space<vmem>>) offsets(%dma_start3A_33 : memref<32xi32, #tpu.memory_space<vmem>>) semaphore(%arg11 : memref<!tpu.dma_semaphore, #tpu.memory_space<semaphore_mem>>)
        %dma_start3A_37 = arith.constant 0 : i32
        %dma_start3A_38 = arith.constant 32 : i32
        %dma_start3A_39 = arith.constant 0 : i32
        %dma_start3A_40 = tpu.memref_slice %arg9[%dma_start3A_38, %dma_start3A_39] : memref<128x128xf32, #tpu.memory_space<vmem>> -> memref<32x128xf32, #tpu.memory_space<vmem>>
        %dma_start3A_41 = arith.constant 32 : i32
        %dma_start3A_42 = tpu.memref_slice %arg7[%dma_start3A_37, %dma_start3A_41] : memref<8x128xi32, #tpu.memory_space<vmem>> -> memref<1x32xi32, #tpu.memory_space<vmem>>
        %dma_start3A_43 = tpu.memref_squeeze %dma_start3A_42 : memref<1x32xi32, #tpu.memory_space<vmem>> -> memref<32xi32, #tpu.memory_space<vmem>>
        %dma_start3A_44 = arith.constant 0 : i32
        %dma_start3A_45 = arith.constant 0 : i32
        %dma_start3A_46 = tpu.memref_slice %arg2[%dma_start3A_44, %dma_start3A_45] : memref<10000x128xf32, #tpu.memory_space<hbm>> -> memref<10000x128xf32, #tpu.memory_space<hbm>>
        tpu.enqueue_indirect_dma source(%dma_start3A_46 : memref<10000x128xf32, #tpu.memory_space<hbm>>) target(%dma_start3A_40 : memref<32x128xf32, #tpu.memory_space<vmem>>) offsets(%dma_start3A_43 : memref<32xi32, #tpu.memory_space<vmem>>) semaphore(%arg11 : memref<!tpu.dma_semaphore, #tpu.memory_space<semaphore_mem>>)
        %dma_start3A_47 = arith.constant 0 : i32
        %dma_start3A_48 = arith.constant 64 : i32
        %dma_start3A_49 = arith.constant 0 : i32
        %dma_start3A_50 = tpu.memref_slice %arg9[%dma_start3A_48, %dma_start3A_49] : memref<128x128xf32, #tpu.memory_space<vmem>> -> memref<32x128xf32, #tpu.memory_space<vmem>>
        %dma_start3A_51 = arith.constant 64 : i32
        %dma_start3A_52 = tpu.memref_slice %arg7[%dma_start3A_47, %dma_start3A_51] : memref<8x128xi32, #tpu.memory_space<vmem>> -> memref<1x32xi32, #tpu.memory_space<vmem>>
        %dma_start3A_53 = tpu.memref_squeeze %dma_start3A_52 : memref<1x32xi32, #tpu.memory_space<vmem>> -> memref<32xi32, #tpu.memory_space<vmem>>
        %dma_start3A_54 = arith.constant 0 : i32
        %dma_start3A_55 = arith.constant 0 : i32
        %dma_start3A_56 = tpu.memref_slice %arg2[%dma_start3A_54, %dma_start3A_55] : memref<10000x128xf32, #tpu.memory_space<hbm>> -> memref<10000x128xf32, #tpu.memory_space<hbm>>
        tpu.enqueue_indirect_dma source(%dma_start3A_56 : memref<10000x128xf32, #tpu.memory_space<hbm>>) target(%dma_start3A_50 : memref<32x128xf32, #tpu.memory_space<vmem>>) offsets(%dma_start3A_53 : memref<32xi32, #tpu.memory_space<vmem>>) semaphore(%arg11 : memref<!tpu.dma_semaphore, #tpu.memory_space<semaphore_mem>>)
        %dma_start3A_57 = arith.constant 0 : i32
        %dma_start3A_58 = arith.constant 96 : i32
        %dma_start3A_59 = arith.constant 0 : i32
        %dma_start3A_60 = tpu.memref_slice %arg9[%dma_start3A_58, %dma_start3A_59] : memref<128x128xf32, #tpu.memory_space<vmem>> -> memref<32x128xf32, #tpu.memory_space<vmem>>
        %dma_start3A_61 = arith.constant 96 : i32
        %dma_start3A_62 = tpu.memref_slice %arg7[%dma_start3A_57, %dma_start3A_61] : memref<8x128xi32, #tpu.memory_space<vmem>> -> memref<1x32xi32, #tpu.memory_space<vmem>>
        %dma_start3A_63 = tpu.memref_squeeze %dma_start3A_62 : memref<1x32xi32, #tpu.memory_space<vmem>> -> memref<32xi32, #tpu.memory_space<vmem>>
        %dma_start3A_64 = arith.constant 0 : i32
        %dma_start3A_65 = arith.constant 0 : i32
        %dma_start3A_66 = tpu.memref_slice %arg2[%dma_start3A_64, %dma_start3A_65] : memref<10000x128xf32, #tpu.memory_space<hbm>> -> memref<10000x128xf32, #tpu.memory_space<hbm>>
        tpu.enqueue_indirect_dma source(%dma_start3A_66 : memref<10000x128xf32, #tpu.memory_space<hbm>>) target(%dma_start3A_60 : memref<32x128xf32, #tpu.memory_space<vmem>>) offsets(%dma_start3A_63 : memref<32xi32, #tpu.memory_space<vmem>>) semaphore(%arg11 : memref<!tpu.dma_semaphore, #tpu.memory_space<semaphore_mem>>)
        %scan3A_67 = arith.constant 0 : i32
        %scan3A_68 = arith.constant 8 : i32
        %scan3A_69 = arith.addi %scan3A_67, %scan3A_68 : i32
        %scan3A_70 = arith.constant 1 : i32
        scf.for %scan3A_72 = %scan3A_67 to %scan3A_69 step %scan3A_70  : i32 {
          %mul3A_73 = arith.constant 4 : i32
          %mul3A_74 = arith.muli %scan3A_72, %mul3A_73 : i32
          %add3A_75 = arith.constant 0 : i32
          %add3A_76 = arith.addi %add3A_75, %mul3A_74 : i32
          %add3A_77 = arith.constant 0 : i32
          %add3A_78 = arith.addi %add3A_76, %add3A_77 : i32
          %dma_wait3A = arith.constant 0 : i32
          %dma_wait3A_79 = arith.constant 0 : i32
          %dma_wait3A_80 = arith.constant 0 : i32
          %dma_wait3A_81 = arith.constant 0 : i32
          %dma_wait3A_82 = tpu.memref_slice %arg9[%dma_wait3A_80, %dma_wait3A_81] : memref<128x128xf32, #tpu.memory_space<vmem>> -> memref<32x128xf32, #tpu.memory_space<vmem>>
          %dma_wait3A_83 = arith.constant 0 : i32
          %dma_wait3A_84 = tpu.memref_slice %arg8[%dma_wait3A, %dma_wait3A_79, %dma_wait3A_83] : memref<8x4x32xi32, #tpu.memory_space<vmem>> -> memref<1x1x32xi32, #tpu.memory_space<vmem>>
          %dma_wait3A_85 = tpu.memref_squeeze %dma_wait3A_84 : memref<1x1x32xi32, #tpu.memory_space<vmem>> -> memref<32xi32, #tpu.memory_space<vmem>>
          %dma_wait3A_86 = arith.constant 0 : i32
          %dma_wait3A_87 = arith.constant 0 : i32
          %dma_wait3A_88 = tpu.memref_slice %arg2[%dma_wait3A_86, %dma_wait3A_87] : memref<10000x128xf32, #tpu.memory_space<hbm>> -> memref<10000x128xf32, #tpu.memory_space<hbm>>
          tpu.wait_indirect_dma semaphore(%arg11 : memref<!tpu.dma_semaphore, #tpu.memory_space<semaphore_mem>>) src(%dma_wait3A_88 : memref<10000x128xf32, #tpu.memory_space<hbm>>) dst(%dma_wait3A_82 : memref<32x128xf32, #tpu.memory_space<vmem>>)
          %jit3A = arith.constant 4 : i32
          %div3A = arith.divsi %add3A_78, %jit3A : i32
          %sign3A = arith.constant 0 : i32
          %sign3A_89 = arith.cmpi sgt, %add3A_78, %sign3A : i32
          %sign3A_90 = arith.extui %sign3A_89 : i1 to i32
          %sign3A_91 = arith.constant 0 : i32
          %sign3A_92 = arith.cmpi slt, %add3A_78, %sign3A_91 : i32
          %sign3A_93 = arith.extui %sign3A_92 : i1 to i32
          %sign3A_94 = arith.subi %sign3A_90, %sign3A_93 : i32
          %sign3A_95 = arith.constant 0 : i32
          %sign3A_96 = arith.cmpi sgt, %jit3A, %sign3A_95 : i32
          %sign3A_97 = arith.extui %sign3A_96 : i1 to i32
          %sign3A_98 = arith.constant 0 : i32
          %sign3A_99 = arith.cmpi slt, %jit3A, %sign3A_98 : i32
          %sign3A_100 = arith.extui %sign3A_99 : i1 to i32
          %sign3A_101 = arith.subi %sign3A_97, %sign3A_100 : i32
          %ne3A = arith.cmpi ne, %sign3A_94, %sign3A_101 : i32
          %rem3A = arith.remsi %add3A_78, %jit3A : i32
          %ne3A_102 = arith.constant 0 : i32
          %ne3A_103 = arith.cmpi ne, %rem3A, %ne3A_102 : i32
          %and3A = arith.andi %ne3A, %ne3A_103 : i1
          %sub3A = arith.constant 1 : i32
          %sub3A_104 = arith.subi %div3A, %sub3A : i32
          %select_n3A = arith.select %and3A, %sub3A_104, %div3A : i32
          %jit3A_105 = arith.constant 4 : i32
          %eq3A_106 = arith.constant 0 : i32
          %eq3A_107 = arith.cmpi eq, %jit3A_105, %eq3A_106 : i32
          %jit3A_108 = arith.constant 1 : i32
          %select_n3A_109 = arith.select %eq3A_107, %jit3A_108, %jit3A_105 : i32
          %rem3A_110 = arith.remsi %add3A_78, %select_n3A_109 : i32
          %ne3A_111 = arith.constant 0 : i32
          %ne3A_112 = arith.cmpi ne, %rem3A_110, %ne3A_111 : i32
          %lt3A = arith.constant 0 : i32
          %lt3A_113 = arith.cmpi slt, %rem3A_110, %lt3A : i32
          %lt3A_114 = arith.constant 0 : i32
          %lt3A_115 = arith.cmpi slt, %select_n3A_109, %lt3A_114 : i32
          %ne3A_116 = arith.xori %lt3A_113, %lt3A_115 : i1
          %and3A_117 = arith.andi %ne3A_116, %ne3A_112 : i1
          %add3A_118 = arith.addi %rem3A_110, %select_n3A_109 : i32
          %select_n3A_119 = arith.select %and3A_117, %add3A_118, %rem3A_110 : i32
          "tpu.region"() ({
            %run_scoped3A = tpu.sem_alloc : memref<!tpu.dma_semaphore, #tpu.memory_space<semaphore_mem>>
            %dma_start3A_307 = arith.constant 0 : i32
            %dma_start3A_308 = arith.constant 0 : i32
            %dma_start3A_309 = tpu.memref_slice %arg9[%dma_start3A_307, %dma_start3A_308] : memref<128x128xf32, #tpu.memory_space<vmem>> -> memref<32x128xf32, #tpu.memory_space<vmem>>
            %dma_start3A_310 = arith.constant 0 : i32
            %dma_start3A_311 = tpu.memref_slice %arg8[%select_n3A, %select_n3A_119, %dma_start3A_310] : memref<8x4x32xi32, #tpu.memory_space<vmem>> -> memref<1x1x32xi32, #tpu.memory_space<vmem>>
            %dma_start3A_312 = tpu.memref_squeeze %dma_start3A_311 : memref<1x1x32xi32, #tpu.memory_space<vmem>> -> memref<32xi32, #tpu.memory_space<vmem>>
            %dma_start3A_313 = arith.constant 0 : i32
            %dma_start3A_314 = arith.constant 0 : i32
            %dma_start3A_315 = tpu.memref_slice %arg10[%dma_start3A_313, %dma_start3A_314] : memref<10112x128xf32, #tpu.memory_space<vmem_shared>> -> memref<10112x128xf32, #tpu.memory_space<vmem_shared>>
            tpu.enqueue_indirect_dma source(%dma_start3A_309 : memref<32x128xf32, #tpu.memory_space<vmem>>) target(%dma_start3A_315 : memref<10112x128xf32, #tpu.memory_space<vmem_shared>>) offsets(%dma_start3A_312 : memref<32xi32, #tpu.memory_space<vmem>>) semaphore(%run_scoped3A : memref<!tpu.dma_semaphore, #tpu.memory_space<semaphore_mem>>) {add = true}
            %dma_wait3A_316 = arith.constant 0 : i32
            %dma_wait3A_317 = arith.constant 0 : i32
            %dma_wait3A_318 = tpu.memref_slice %arg9[%dma_wait3A_316, %dma_wait3A_317] : memref<128x128xf32, #tpu.memory_space<vmem>> -> memref<32x128xf32, #tpu.memory_space<vmem>>
            %dma_wait3A_319 = arith.constant 0 : i32
            %dma_wait3A_320 = tpu.memref_slice %arg8[%select_n3A, %select_n3A_119, %dma_wait3A_319] : memref<8x4x32xi32, #tpu.memory_space<vmem>> -> memref<1x1x32xi32, #tpu.memory_space<vmem>>
            %dma_wait3A_321 = tpu.memref_squeeze %dma_wait3A_320 : memref<1x1x32xi32, #tpu.memory_space<vmem>> -> memref<32xi32, #tpu.memory_space<vmem>>
            %dma_wait3A_322 = arith.constant 0 : i32
            %dma_wait3A_323 = arith.constant 0 : i32
            %dma_wait3A_324 = tpu.memref_slice %arg10[%dma_wait3A_322, %dma_wait3A_323] : memref<10112x128xf32, #tpu.memory_space<vmem_shared>> -> memref<10112x128xf32, #tpu.memory_space<vmem_shared>>
            tpu.wait_indirect_dma semaphore(%run_scoped3A : memref<!tpu.dma_semaphore, #tpu.memory_space<semaphore_mem>>) src(%dma_wait3A_318 : memref<32x128xf32, #tpu.memory_space<vmem>>) dst(%dma_wait3A_324 : memref<10112x128xf32, #tpu.memory_space<vmem_shared>>)
            tpu.yield
          }) : () -> ()
          %add3A_120 = arith.constant 4 : i32
          %add3A_121 = arith.addi %add3A_78, %add3A_120 : i32
          %lt3A_122 = arith.constant 32 : i32
          %lt3A_123 = arith.cmpi slt, %add3A_121, %lt3A_122 : i32
          %convert_element_type3A_124 = arith.extui %lt3A_123 : i1 to i32
          %cond3A_125 = arith.constant 0 : i32
          %cond3A_126 = arith.cmpi ne, %convert_element_type3A_124, %cond3A_125 : i32
          scf.if %cond3A_126 {
            %add3A_307 = arith.constant 4 : i32
            %add3A_308 = arith.addi %add3A_78, %add3A_307 : i32
            %jit3A_309 = arith.constant 4 : i32
            %div3A_310 = arith.divsi %add3A_308, %jit3A_309 : i32
            %sign3A_311 = arith.constant 0 : i32
            %sign3A_312 = arith.cmpi sgt, %add3A_308, %sign3A_311 : i32
            %sign3A_313 = arith.extui %sign3A_312 : i1 to i32
            %sign3A_314 = arith.constant 0 : i32
            %sign3A_315 = arith.cmpi slt, %add3A_308, %sign3A_314 : i32
            %sign3A_316 = arith.extui %sign3A_315 : i1 to i32
            %sign3A_317 = arith.subi %sign3A_313, %sign3A_316 : i32
            %sign3A_318 = arith.constant 0 : i32
            %sign3A_319 = arith.cmpi sgt, %jit3A_309, %sign3A_318 : i32
            %sign3A_320 = arith.extui %sign3A_319 : i1 to i32
            %sign3A_321 = arith.constant 0 : i32
            %sign3A_322 = arith.cmpi slt, %jit3A_309, %sign3A_321 : i32
            %sign3A_323 = arith.extui %sign3A_322 : i1 to i32
            %sign3A_324 = arith.subi %sign3A_320, %sign3A_323 : i32
            %ne3A_325 = arith.cmpi ne, %sign3A_317, %sign3A_324 : i32
            %rem3A_326 = arith.remsi %add3A_308, %jit3A_309 : i32
            %ne3A_327 = arith.constant 0 : i32
            %ne3A_328 = arith.cmpi ne, %rem3A_326, %ne3A_327 : i32
            %and3A_329 = arith.andi %ne3A_325, %ne3A_328 : i1
            %sub3A_330 = arith.constant 1 : i32
            %sub3A_331 = arith.subi %div3A_310, %sub3A_330 : i32
            %select_n3A_332 = arith.select %and3A_329, %sub3A_331, %div3A_310 : i32
            %jit3A_333 = arith.constant 4 : i32
            %eq3A_334 = arith.constant 0 : i32
            %eq3A_335 = arith.cmpi eq, %jit3A_333, %eq3A_334 : i32
            %jit3A_336 = arith.constant 1 : i32
            %select_n3A_337 = arith.select %eq3A_335, %jit3A_336, %jit3A_333 : i32
            %rem3A_338 = arith.remsi %add3A_308, %select_n3A_337 : i32
            %ne3A_339 = arith.constant 0 : i32
            %ne3A_340 = arith.cmpi ne, %rem3A_338, %ne3A_339 : i32
            %lt3A_341 = arith.constant 0 : i32
            %lt3A_342 = arith.cmpi slt, %rem3A_338, %lt3A_341 : i32
            %lt3A_343 = arith.constant 0 : i32
            %lt3A_344 = arith.cmpi slt, %select_n3A_337, %lt3A_343 : i32
            %ne3A_345 = arith.xori %lt3A_342, %lt3A_344 : i1
            %and3A_346 = arith.andi %ne3A_345, %ne3A_340 : i1
            %add3A_347 = arith.addi %rem3A_338, %select_n3A_337 : i32
            %select_n3A_348 = arith.select %and3A_346, %add3A_347, %rem3A_338 : i32
            %mul3A_349 = arith.constant 32 : i32
            %mul3A_350 = arith.muli %select_n3A_348, %mul3A_349 : i32
            %dma_start3A_351 = arith.constant 0 : i32
            %dma_start3A_352 = arith.constant 0 : i32
            %dma_start3A_353 = tpu.memref_slice %arg9[%dma_start3A_351, %dma_start3A_352] : memref<128x128xf32, #tpu.memory_space<vmem>> -> memref<32x128xf32, #tpu.memory_space<vmem>>
            %dma_start3A_354 = tpu.memref_slice %arg7[%select_n3A_332, %mul3A_350] : memref<8x128xi32, #tpu.memory_space<vmem>> -> memref<1x32xi32, #tpu.memory_space<vmem>>
            %dma_start3A_355 = tpu.memref_squeeze %dma_start3A_354 : memref<1x32xi32, #tpu.memory_space<vmem>> -> memref<32xi32, #tpu.memory_space<vmem>>
            %dma_start3A_356 = arith.constant 0 : i32
            %dma_start3A_357 = arith.constant 0 : i32
            %dma_start3A_358 = tpu.memref_slice %arg2[%dma_start3A_356, %dma_start3A_357] : memref<10000x128xf32, #tpu.memory_space<hbm>> -> memref<10000x128xf32, #tpu.memory_space<hbm>>
            tpu.enqueue_indirect_dma source(%dma_start3A_358 : memref<10000x128xf32, #tpu.memory_space<hbm>>) target(%dma_start3A_353 : memref<32x128xf32, #tpu.memory_space<vmem>>) offsets(%dma_start3A_355 : memref<32xi32, #tpu.memory_space<vmem>>) semaphore(%arg11 : memref<!tpu.dma_semaphore, #tpu.memory_space<semaphore_mem>>)
          } else {
          }
          %add3A_127 = arith.constant 1 : i32
          %add3A_128 = arith.addi %add3A_76, %add3A_127 : i32
          %dma_wait3A_129 = arith.constant 0 : i32
          %dma_wait3A_130 = arith.constant 0 : i32
          %dma_wait3A_131 = arith.constant 32 : i32
          %dma_wait3A_132 = arith.constant 0 : i32
          %dma_wait3A_133 = tpu.memref_slice %arg9[%dma_wait3A_131, %dma_wait3A_132] : memref<128x128xf32, #tpu.memory_space<vmem>> -> memref<32x128xf32, #tpu.memory_space<vmem>>
          %dma_wait3A_134 = arith.constant 0 : i32
          %dma_wait3A_135 = tpu.memref_slice %arg8[%dma_wait3A_129, %dma_wait3A_130, %dma_wait3A_134] : memref<8x4x32xi32, #tpu.memory_space<vmem>> -> memref<1x1x32xi32, #tpu.memory_space<vmem>>
          %dma_wait3A_136 = tpu.memref_squeeze %dma_wait3A_135 : memref<1x1x32xi32, #tpu.memory_space<vmem>> -> memref<32xi32, #tpu.memory_space<vmem>>
          %dma_wait3A_137 = arith.constant 0 : i32
          %dma_wait3A_138 = arith.constant 0 : i32
          %dma_wait3A_139 = tpu.memref_slice %arg2[%dma_wait3A_137, %dma_wait3A_138] : memref<10000x128xf32, #tpu.memory_space<hbm>> -> memref<10000x128xf32, #tpu.memory_space<hbm>>
          tpu.wait_indirect_dma semaphore(%arg11 : memref<!tpu.dma_semaphore, #tpu.memory_space<semaphore_mem>>) src(%dma_wait3A_139 : memref<10000x128xf32, #tpu.memory_space<hbm>>) dst(%dma_wait3A_133 : memref<32x128xf32, #tpu.memory_space<vmem>>)
          %jit3A_140 = arith.constant 4 : i32
          %div3A_141 = arith.divsi %add3A_128, %jit3A_140 : i32
          %sign3A_142 = arith.constant 0 : i32
          %sign3A_143 = arith.cmpi sgt, %add3A_128, %sign3A_142 : i32
          %sign3A_144 = arith.extui %sign3A_143 : i1 to i32
          %sign3A_145 = arith.constant 0 : i32
          %sign3A_146 = arith.cmpi slt, %add3A_128, %sign3A_145 : i32
          %sign3A_147 = arith.extui %sign3A_146 : i1 to i32
          %sign3A_148 = arith.subi %sign3A_144, %sign3A_147 : i32
          %sign3A_149 = arith.constant 0 : i32
          %sign3A_150 = arith.cmpi sgt, %jit3A_140, %sign3A_149 : i32
          %sign3A_151 = arith.extui %sign3A_150 : i1 to i32
          %sign3A_152 = arith.constant 0 : i32
          %sign3A_153 = arith.cmpi slt, %jit3A_140, %sign3A_152 : i32
          %sign3A_154 = arith.extui %sign3A_153 : i1 to i32
          %sign3A_155 = arith.subi %sign3A_151, %sign3A_154 : i32
          %ne3A_156 = arith.cmpi ne, %sign3A_148, %sign3A_155 : i32
          %rem3A_157 = arith.remsi %add3A_128, %jit3A_140 : i32
          %ne3A_158 = arith.constant 0 : i32
          %ne3A_159 = arith.cmpi ne, %rem3A_157, %ne3A_158 : i32
          %and3A_160 = arith.andi %ne3A_156, %ne3A_159 : i1
          %sub3A_161 = arith.constant 1 : i32
          %sub3A_162 = arith.subi %div3A_141, %sub3A_161 : i32
          %select_n3A_163 = arith.select %and3A_160, %sub3A_162, %div3A_141 : i32
          %jit3A_164 = arith.constant 4 : i32
          %eq3A_165 = arith.constant 0 : i32
          %eq3A_166 = arith.cmpi eq, %jit3A_164, %eq3A_165 : i32
          %jit3A_167 = arith.constant 1 : i32
          %select_n3A_168 = arith.select %eq3A_166, %jit3A_167, %jit3A_164 : i32
          %rem3A_169 = arith.remsi %add3A_128, %select_n3A_168 : i32
          %ne3A_170 = arith.constant 0 : i32
          %ne3A_171 = arith.cmpi ne, %rem3A_169, %ne3A_170 : i32
          %lt3A_172 = arith.constant 0 : i32
          %lt3A_173 = arith.cmpi slt, %rem3A_169, %lt3A_172 : i32
          %lt3A_174 = arith.constant 0 : i32
          %lt3A_175 = arith.cmpi slt, %select_n3A_168, %lt3A_174 : i32
          %ne3A_176 = arith.xori %lt3A_173, %lt3A_175 : i1
          %and3A_177 = arith.andi %ne3A_176, %ne3A_171 : i1
          %add3A_178 = arith.addi %rem3A_169, %select_n3A_168 : i32
          %select_n3A_179 = arith.select %and3A_177, %add3A_178, %rem3A_169 : i32
          "tpu.region"() ({
            %run_scoped3A = tpu.sem_alloc : memref<!tpu.dma_semaphore, #tpu.memory_space<semaphore_mem>>
            %dma_start3A_307 = arith.constant 32 : i32
            %dma_start3A_308 = arith.constant 0 : i32
            %dma_start3A_309 = tpu.memref_slice %arg9[%dma_start3A_307, %dma_start3A_308] : memref<128x128xf32, #tpu.memory_space<vmem>> -> memref<32x128xf32, #tpu.memory_space<vmem>>
            %dma_start3A_310 = arith.constant 0 : i32
            %dma_start3A_311 = tpu.memref_slice %arg8[%select_n3A_163, %select_n3A_179, %dma_start3A_310] : memref<8x4x32xi32, #tpu.memory_space<vmem>> -> memref<1x1x32xi32, #tpu.memory_space<vmem>>
            %dma_start3A_312 = tpu.memref_squeeze %dma_start3A_311 : memref<1x1x32xi32, #tpu.memory_space<vmem>> -> memref<32xi32, #tpu.memory_space<vmem>>
            %dma_start3A_313 = arith.constant 0 : i32
            %dma_start3A_314 = arith.constant 0 : i32
            %dma_start3A_315 = tpu.memref_slice %arg10[%dma_start3A_313, %dma_start3A_314] : memref<10112x128xf32, #tpu.memory_space<vmem_shared>> -> memref<10112x128xf32, #tpu.memory_space<vmem_shared>>
            tpu.enqueue_indirect_dma source(%dma_start3A_309 : memref<32x128xf32, #tpu.memory_space<vmem>>) target(%dma_start3A_315 : memref<10112x128xf32, #tpu.memory_space<vmem_shared>>) offsets(%dma_start3A_312 : memref<32xi32, #tpu.memory_space<vmem>>) semaphore(%run_scoped3A : memref<!tpu.dma_semaphore, #tpu.memory_space<semaphore_mem>>) {add = true}
            %dma_wait3A_316 = arith.constant 32 : i32
            %dma_wait3A_317 = arith.constant 0 : i32
            %dma_wait3A_318 = tpu.memref_slice %arg9[%dma_wait3A_316, %dma_wait3A_317] : memref<128x128xf32, #tpu.memory_space<vmem>> -> memref<32x128xf32, #tpu.memory_space<vmem>>
            %dma_wait3A_319 = arith.constant 0 : i32
            %dma_wait3A_320 = tpu.memref_slice %arg8[%select_n3A_163, %select_n3A_179, %dma_wait3A_319] : memref<8x4x32xi32, #tpu.memory_space<vmem>> -> memref<1x1x32xi32, #tpu.memory_space<vmem>>
            %dma_wait3A_321 = tpu.memref_squeeze %dma_wait3A_320 : memref<1x1x32xi32, #tpu.memory_space<vmem>> -> memref<32xi32, #tpu.memory_space<vmem>>
            %dma_wait3A_322 = arith.constant 0 : i32
            %dma_wait3A_323 = arith.constant 0 : i32
            %dma_wait3A_324 = tpu.memref_slice %arg10[%dma_wait3A_322, %dma_wait3A_323] : memref<10112x128xf32, #tpu.memory_space<vmem_shared>> -> memref<10112x128xf32, #tpu.memory_space<vmem_shared>>
            tpu.wait_indirect_dma semaphore(%run_scoped3A : memref<!tpu.dma_semaphore, #tpu.memory_space<semaphore_mem>>) src(%dma_wait3A_318 : memref<32x128xf32, #tpu.memory_space<vmem>>) dst(%dma_wait3A_324 : memref<10112x128xf32, #tpu.memory_space<vmem_shared>>)
            tpu.yield
          }) : () -> ()
          %add3A_180 = arith.constant 4 : i32
          %add3A_181 = arith.addi %add3A_128, %add3A_180 : i32
          %lt3A_182 = arith.constant 32 : i32
          %lt3A_183 = arith.cmpi slt, %add3A_181, %lt3A_182 : i32
          %convert_element_type3A_184 = arith.extui %lt3A_183 : i1 to i32
          %cond3A_185 = arith.constant 0 : i32
          %cond3A_186 = arith.cmpi ne, %convert_element_type3A_184, %cond3A_185 : i32
          scf.if %cond3A_186 {
            %add3A_307 = arith.constant 4 : i32
            %add3A_308 = arith.addi %add3A_128, %add3A_307 : i32
            %jit3A_309 = arith.constant 4 : i32
            %div3A_310 = arith.divsi %add3A_308, %jit3A_309 : i32
            %sign3A_311 = arith.constant 0 : i32
            %sign3A_312 = arith.cmpi sgt, %add3A_308, %sign3A_311 : i32
            %sign3A_313 = arith.extui %sign3A_312 : i1 to i32
            %sign3A_314 = arith.constant 0 : i32
            %sign3A_315 = arith.cmpi slt, %add3A_308, %sign3A_314 : i32
            %sign3A_316 = arith.extui %sign3A_315 : i1 to i32
            %sign3A_317 = arith.subi %sign3A_313, %sign3A_316 : i32
            %sign3A_318 = arith.constant 0 : i32
            %sign3A_319 = arith.cmpi sgt, %jit3A_309, %sign3A_318 : i32
            %sign3A_320 = arith.extui %sign3A_319 : i1 to i32
            %sign3A_321 = arith.constant 0 : i32
            %sign3A_322 = arith.cmpi slt, %jit3A_309, %sign3A_321 : i32
            %sign3A_323 = arith.extui %sign3A_322 : i1 to i32
            %sign3A_324 = arith.subi %sign3A_320, %sign3A_323 : i32
            %ne3A_325 = arith.cmpi ne, %sign3A_317, %sign3A_324 : i32
            %rem3A_326 = arith.remsi %add3A_308, %jit3A_309 : i32
            %ne3A_327 = arith.constant 0 : i32
            %ne3A_328 = arith.cmpi ne, %rem3A_326, %ne3A_327 : i32
            %and3A_329 = arith.andi %ne3A_325, %ne3A_328 : i1
            %sub3A_330 = arith.constant 1 : i32
            %sub3A_331 = arith.subi %div3A_310, %sub3A_330 : i32
            %select_n3A_332 = arith.select %and3A_329, %sub3A_331, %div3A_310 : i32
            %jit3A_333 = arith.constant 4 : i32
            %eq3A_334 = arith.constant 0 : i32
            %eq3A_335 = arith.cmpi eq, %jit3A_333, %eq3A_334 : i32
            %jit3A_336 = arith.constant 1 : i32
            %select_n3A_337 = arith.select %eq3A_335, %jit3A_336, %jit3A_333 : i32
            %rem3A_338 = arith.remsi %add3A_308, %select_n3A_337 : i32
            %ne3A_339 = arith.constant 0 : i32
            %ne3A_340 = arith.cmpi ne, %rem3A_338, %ne3A_339 : i32
            %lt3A_341 = arith.constant 0 : i32
            %lt3A_342 = arith.cmpi slt, %rem3A_338, %lt3A_341 : i32
            %lt3A_343 = arith.constant 0 : i32
            %lt3A_344 = arith.cmpi slt, %select_n3A_337, %lt3A_343 : i32
            %ne3A_345 = arith.xori %lt3A_342, %lt3A_344 : i1
            %and3A_346 = arith.andi %ne3A_345, %ne3A_340 : i1
            %add3A_347 = arith.addi %rem3A_338, %select_n3A_337 : i32
            %select_n3A_348 = arith.select %and3A_346, %add3A_347, %rem3A_338 : i32
            %mul3A_349 = arith.constant 32 : i32
            %mul3A_350 = arith.muli %select_n3A_348, %mul3A_349 : i32
            %dma_start3A_351 = arith.constant 32 : i32
            %dma_start3A_352 = arith.constant 0 : i32
            %dma_start3A_353 = tpu.memref_slice %arg9[%dma_start3A_351, %dma_start3A_352] : memref<128x128xf32, #tpu.memory_space<vmem>> -> memref<32x128xf32, #tpu.memory_space<vmem>>
            %dma_start3A_354 = tpu.memref_slice %arg7[%select_n3A_332, %mul3A_350] : memref<8x128xi32, #tpu.memory_space<vmem>> -> memref<1x32xi32, #tpu.memory_space<vmem>>
            %dma_start3A_355 = tpu.memref_squeeze %dma_start3A_354 : memref<1x32xi32, #tpu.memory_space<vmem>> -> memref<32xi32, #tpu.memory_space<vmem>>
            %dma_start3A_356 = arith.constant 0 : i32
            %dma_start3A_357 = arith.constant 0 : i32
            %dma_start3A_358 = tpu.memref_slice %arg2[%dma_start3A_356, %dma_start3A_357] : memref<10000x128xf32, #tpu.memory_space<hbm>> -> memref<10000x128xf32, #tpu.memory_space<hbm>>
            tpu.enqueue_indirect_dma source(%dma_start3A_358 : memref<10000x128xf32, #tpu.memory_space<hbm>>) target(%dma_start3A_353 : memref<32x128xf32, #tpu.memory_space<vmem>>) offsets(%dma_start3A_355 : memref<32xi32, #tpu.memory_space<vmem>>) semaphore(%arg11 : memref<!tpu.dma_semaphore, #tpu.memory_space<semaphore_mem>>)
          } else {
          }
          %add3A_187 = arith.constant 2 : i32
          %add3A_188 = arith.addi %add3A_76, %add3A_187 : i32
          %dma_wait3A_189 = arith.constant 0 : i32
          %dma_wait3A_190 = arith.constant 0 : i32
          %dma_wait3A_191 = arith.constant 64 : i32
          %dma_wait3A_192 = arith.constant 0 : i32
          %dma_wait3A_193 = tpu.memref_slice %arg9[%dma_wait3A_191, %dma_wait3A_192] : memref<128x128xf32, #tpu.memory_space<vmem>> -> memref<32x128xf32, #tpu.memory_space<vmem>>
          %dma_wait3A_194 = arith.constant 0 : i32
          %dma_wait3A_195 = tpu.memref_slice %arg8[%dma_wait3A_189, %dma_wait3A_190, %dma_wait3A_194] : memref<8x4x32xi32, #tpu.memory_space<vmem>> -> memref<1x1x32xi32, #tpu.memory_space<vmem>>
          %dma_wait3A_196 = tpu.memref_squeeze %dma_wait3A_195 : memref<1x1x32xi32, #tpu.memory_space<vmem>> -> memref<32xi32, #tpu.memory_space<vmem>>
          %dma_wait3A_197 = arith.constant 0 : i32
          %dma_wait3A_198 = arith.constant 0 : i32
          %dma_wait3A_199 = tpu.memref_slice %arg2[%dma_wait3A_197, %dma_wait3A_198] : memref<10000x128xf32, #tpu.memory_space<hbm>> -> memref<10000x128xf32, #tpu.memory_space<hbm>>
          tpu.wait_indirect_dma semaphore(%arg11 : memref<!tpu.dma_semaphore, #tpu.memory_space<semaphore_mem>>) src(%dma_wait3A_199 : memref<10000x128xf32, #tpu.memory_space<hbm>>) dst(%dma_wait3A_193 : memref<32x128xf32, #tpu.memory_space<vmem>>)
          %jit3A_200 = arith.constant 4 : i32
          %div3A_201 = arith.divsi %add3A_188, %jit3A_200 : i32
          %sign3A_202 = arith.constant 0 : i32
          %sign3A_203 = arith.cmpi sgt, %add3A_188, %sign3A_202 : i32
          %sign3A_204 = arith.extui %sign3A_203 : i1 to i32
          %sign3A_205 = arith.constant 0 : i32
          %sign3A_206 = arith.cmpi slt, %add3A_188, %sign3A_205 : i32
          %sign3A_207 = arith.extui %sign3A_206 : i1 to i32
          %sign3A_208 = arith.subi %sign3A_204, %sign3A_207 : i32
          %sign3A_209 = arith.constant 0 : i32
          %sign3A_210 = arith.cmpi sgt, %jit3A_200, %sign3A_209 : i32
          %sign3A_211 = arith.extui %sign3A_210 : i1 to i32
          %sign3A_212 = arith.constant 0 : i32
          %sign3A_213 = arith.cmpi slt, %jit3A_200, %sign3A_212 : i32
          %sign3A_214 = arith.extui %sign3A_213 : i1 to i32
          %sign3A_215 = arith.subi %sign3A_211, %sign3A_214 : i32
          %ne3A_216 = arith.cmpi ne, %sign3A_208, %sign3A_215 : i32
          %rem3A_217 = arith.remsi %add3A_188, %jit3A_200 : i32
          %ne3A_218 = arith.constant 0 : i32
          %ne3A_219 = arith.cmpi ne, %rem3A_217, %ne3A_218 : i32
          %and3A_220 = arith.andi %ne3A_216, %ne3A_219 : i1
          %sub3A_221 = arith.constant 1 : i32
          %sub3A_222 = arith.subi %div3A_201, %sub3A_221 : i32
          %select_n3A_223 = arith.select %and3A_220, %sub3A_222, %div3A_201 : i32
          %jit3A_224 = arith.constant 4 : i32
          %eq3A_225 = arith.constant 0 : i32
          %eq3A_226 = arith.cmpi eq, %jit3A_224, %eq3A_225 : i32
          %jit3A_227 = arith.constant 1 : i32
          %select_n3A_228 = arith.select %eq3A_226, %jit3A_227, %jit3A_224 : i32
          %rem3A_229 = arith.remsi %add3A_188, %select_n3A_228 : i32
          %ne3A_230 = arith.constant 0 : i32
          %ne3A_231 = arith.cmpi ne, %rem3A_229, %ne3A_230 : i32
          %lt3A_232 = arith.constant 0 : i32
          %lt3A_233 = arith.cmpi slt, %rem3A_229, %lt3A_232 : i32
          %lt3A_234 = arith.constant 0 : i32
          %lt3A_235 = arith.cmpi slt, %select_n3A_228, %lt3A_234 : i32
          %ne3A_236 = arith.xori %lt3A_233, %lt3A_235 : i1
          %and3A_237 = arith.andi %ne3A_236, %ne3A_231 : i1
          %add3A_238 = arith.addi %rem3A_229, %select_n3A_228 : i32
          %select_n3A_239 = arith.select %and3A_237, %add3A_238, %rem3A_229 : i32
          "tpu.region"() ({
            %run_scoped3A = tpu.sem_alloc : memref<!tpu.dma_semaphore, #tpu.memory_space<semaphore_mem>>
            %dma_start3A_307 = arith.constant 64 : i32
            %dma_start3A_308 = arith.constant 0 : i32
            %dma_start3A_309 = tpu.memref_slice %arg9[%dma_start3A_307, %dma_start3A_308] : memref<128x128xf32, #tpu.memory_space<vmem>> -> memref<32x128xf32, #tpu.memory_space<vmem>>
            %dma_start3A_310 = arith.constant 0 : i32
            %dma_start3A_311 = tpu.memref_slice %arg8[%select_n3A_223, %select_n3A_239, %dma_start3A_310] : memref<8x4x32xi32, #tpu.memory_space<vmem>> -> memref<1x1x32xi32, #tpu.memory_space<vmem>>
            %dma_start3A_312 = tpu.memref_squeeze %dma_start3A_311 : memref<1x1x32xi32, #tpu.memory_space<vmem>> -> memref<32xi32, #tpu.memory_space<vmem>>
            %dma_start3A_313 = arith.constant 0 : i32
            %dma_start3A_314 = arith.constant 0 : i32
            %dma_start3A_315 = tpu.memref_slice %arg10[%dma_start3A_313, %dma_start3A_314] : memref<10112x128xf32, #tpu.memory_space<vmem_shared>> -> memref<10112x128xf32, #tpu.memory_space<vmem_shared>>
            tpu.enqueue_indirect_dma source(%dma_start3A_309 : memref<32x128xf32, #tpu.memory_space<vmem>>) target(%dma_start3A_315 : memref<10112x128xf32, #tpu.memory_space<vmem_shared>>) offsets(%dma_start3A_312 : memref<32xi32, #tpu.memory_space<vmem>>) semaphore(%run_scoped3A : memref<!tpu.dma_semaphore, #tpu.memory_space<semaphore_mem>>) {add = true}
            %dma_wait3A_316 = arith.constant 64 : i32
            %dma_wait3A_317 = arith.constant 0 : i32
            %dma_wait3A_318 = tpu.memref_slice %arg9[%dma_wait3A_316, %dma_wait3A_317] : memref<128x128xf32, #tpu.memory_space<vmem>> -> memref<32x128xf32, #tpu.memory_space<vmem>>
            %dma_wait3A_319 = arith.constant 0 : i32
            %dma_wait3A_320 = tpu.memref_slice %arg8[%select_n3A_223, %select_n3A_239, %dma_wait3A_319] : memref<8x4x32xi32, #tpu.memory_space<vmem>> -> memref<1x1x32xi32, #tpu.memory_space<vmem>>
            %dma_wait3A_321 = tpu.memref_squeeze %dma_wait3A_320 : memref<1x1x32xi32, #tpu.memory_space<vmem>> -> memref<32xi32, #tpu.memory_space<vmem>>
            %dma_wait3A_322 = arith.constant 0 : i32
            %dma_wait3A_323 = arith.constant 0 : i32
            %dma_wait3A_324 = tpu.memref_slice %arg10[%dma_wait3A_322, %dma_wait3A_323] : memref<10112x128xf32, #tpu.memory_space<vmem_shared>> -> memref<10112x128xf32, #tpu.memory_space<vmem_shared>>
            tpu.wait_indirect_dma semaphore(%run_scoped3A : memref<!tpu.dma_semaphore, #tpu.memory_space<semaphore_mem>>) src(%dma_wait3A_318 : memref<32x128xf32, #tpu.memory_space<vmem>>) dst(%dma_wait3A_324 : memref<10112x128xf32, #tpu.memory_space<vmem_shared>>)
            tpu.yield
          }) : () -> ()
          %add3A_240 = arith.constant 4 : i32
          %add3A_241 = arith.addi %add3A_188, %add3A_240 : i32
          %lt3A_242 = arith.constant 32 : i32
          %lt3A_243 = arith.cmpi slt, %add3A_241, %lt3A_242 : i32
          %convert_element_type3A_244 = arith.extui %lt3A_243 : i1 to i32
          %cond3A_245 = arith.constant 0 : i32
          %cond3A_246 = arith.cmpi ne, %convert_element_type3A_244, %cond3A_245 : i32
          scf.if %cond3A_246 {
            %add3A_307 = arith.constant 4 : i32
            %add3A_308 = arith.addi %add3A_188, %add3A_307 : i32
            %jit3A_309 = arith.constant 4 : i32
            %div3A_310 = arith.divsi %add3A_308, %jit3A_309 : i32
            %sign3A_311 = arith.constant 0 : i32
            %sign3A_312 = arith.cmpi sgt, %add3A_308, %sign3A_311 : i32
            %sign3A_313 = arith.extui %sign3A_312 : i1 to i32
            %sign3A_314 = arith.constant 0 : i32
            %sign3A_315 = arith.cmpi slt, %add3A_308, %sign3A_314 : i32
            %sign3A_316 = arith.extui %sign3A_315 : i1 to i32
            %sign3A_317 = arith.subi %sign3A_313, %sign3A_316 : i32
            %sign3A_318 = arith.constant 0 : i32
            %sign3A_319 = arith.cmpi sgt, %jit3A_309, %sign3A_318 : i32
            %sign3A_320 = arith.extui %sign3A_319 : i1 to i32
            %sign3A_321 = arith.constant 0 : i32
            %sign3A_322 = arith.cmpi slt, %jit3A_309, %sign3A_321 : i32
            %sign3A_323 = arith.extui %sign3A_322 : i1 to i32
            %sign3A_324 = arith.subi %sign3A_320, %sign3A_323 : i32
            %ne3A_325 = arith.cmpi ne, %sign3A_317, %sign3A_324 : i32
            %rem3A_326 = arith.remsi %add3A_308, %jit3A_309 : i32
            %ne3A_327 = arith.constant 0 : i32
            %ne3A_328 = arith.cmpi ne, %rem3A_326, %ne3A_327 : i32
            %and3A_329 = arith.andi %ne3A_325, %ne3A_328 : i1
            %sub3A_330 = arith.constant 1 : i32
            %sub3A_331 = arith.subi %div3A_310, %sub3A_330 : i32
            %select_n3A_332 = arith.select %and3A_329, %sub3A_331, %div3A_310 : i32
            %jit3A_333 = arith.constant 4 : i32
            %eq3A_334 = arith.constant 0 : i32
            %eq3A_335 = arith.cmpi eq, %jit3A_333, %eq3A_334 : i32
            %jit3A_336 = arith.constant 1 : i32
            %select_n3A_337 = arith.select %eq3A_335, %jit3A_336, %jit3A_333 : i32
            %rem3A_338 = arith.remsi %add3A_308, %select_n3A_337 : i32
            %ne3A_339 = arith.constant 0 : i32
            %ne3A_340 = arith.cmpi ne, %rem3A_338, %ne3A_339 : i32
            %lt3A_341 = arith.constant 0 : i32
            %lt3A_342 = arith.cmpi slt, %rem3A_338, %lt3A_341 : i32
            %lt3A_343 = arith.constant 0 : i32
            %lt3A_344 = arith.cmpi slt, %select_n3A_337, %lt3A_343 : i32
            %ne3A_345 = arith.xori %lt3A_342, %lt3A_344 : i1
            %and3A_346 = arith.andi %ne3A_345, %ne3A_340 : i1
            %add3A_347 = arith.addi %rem3A_338, %select_n3A_337 : i32
            %select_n3A_348 = arith.select %and3A_346, %add3A_347, %rem3A_338 : i32
            %mul3A_349 = arith.constant 32 : i32
            %mul3A_350 = arith.muli %select_n3A_348, %mul3A_349 : i32
            %dma_start3A_351 = arith.constant 64 : i32
            %dma_start3A_352 = arith.constant 0 : i32
            %dma_start3A_353 = tpu.memref_slice %arg9[%dma_start3A_351, %dma_start3A_352] : memref<128x128xf32, #tpu.memory_space<vmem>> -> memref<32x128xf32, #tpu.memory_space<vmem>>
            %dma_start3A_354 = tpu.memref_slice %arg7[%select_n3A_332, %mul3A_350] : memref<8x128xi32, #tpu.memory_space<vmem>> -> memref<1x32xi32, #tpu.memory_space<vmem>>
            %dma_start3A_355 = tpu.memref_squeeze %dma_start3A_354 : memref<1x32xi32, #tpu.memory_space<vmem>> -> memref<32xi32, #tpu.memory_space<vmem>>
            %dma_start3A_356 = arith.constant 0 : i32
            %dma_start3A_357 = arith.constant 0 : i32
            %dma_start3A_358 = tpu.memref_slice %arg2[%dma_start3A_356, %dma_start3A_357] : memref<10000x128xf32, #tpu.memory_space<hbm>> -> memref<10000x128xf32, #tpu.memory_space<hbm>>
            tpu.enqueue_indirect_dma source(%dma_start3A_358 : memref<10000x128xf32, #tpu.memory_space<hbm>>) target(%dma_start3A_353 : memref<32x128xf32, #tpu.memory_space<vmem>>) offsets(%dma_start3A_355 : memref<32xi32, #tpu.memory_space<vmem>>) semaphore(%arg11 : memref<!tpu.dma_semaphore, #tpu.memory_space<semaphore_mem>>)
          } else {
          }
          %add3A_247 = arith.constant 3 : i32
          %add3A_248 = arith.addi %add3A_76, %add3A_247 : i32
          %dma_wait3A_249 = arith.constant 0 : i32
          %dma_wait3A_250 = arith.constant 0 : i32
          %dma_wait3A_251 = arith.constant 96 : i32
          %dma_wait3A_252 = arith.constant 0 : i32
          %dma_wait3A_253 = tpu.memref_slice %arg9[%dma_wait3A_251, %dma_wait3A_252] : memref<128x128xf32, #tpu.memory_space<vmem>> -> memref<32x128xf32, #tpu.memory_space<vmem>>
          %dma_wait3A_254 = arith.constant 0 : i32
          %dma_wait3A_255 = tpu.memref_slice %arg8[%dma_wait3A_249, %dma_wait3A_250, %dma_wait3A_254] : memref<8x4x32xi32, #tpu.memory_space<vmem>> -> memref<1x1x32xi32, #tpu.memory_space<vmem>>
          %dma_wait3A_256 = tpu.memref_squeeze %dma_wait3A_255 : memref<1x1x32xi32, #tpu.memory_space<vmem>> -> memref<32xi32, #tpu.memory_space<vmem>>
          %dma_wait3A_257 = arith.constant 0 : i32
          %dma_wait3A_258 = arith.constant 0 : i32
          %dma_wait3A_259 = tpu.memref_slice %arg2[%dma_wait3A_257, %dma_wait3A_258] : memref<10000x128xf32, #tpu.memory_space<hbm>> -> memref<10000x128xf32, #tpu.memory_space<hbm>>
          tpu.wait_indirect_dma semaphore(%arg11 : memref<!tpu.dma_semaphore, #tpu.memory_space<semaphore_mem>>) src(%dma_wait3A_259 : memref<10000x128xf32, #tpu.memory_space<hbm>>) dst(%dma_wait3A_253 : memref<32x128xf32, #tpu.memory_space<vmem>>)
          %jit3A_260 = arith.constant 4 : i32
          %div3A_261 = arith.divsi %add3A_248, %jit3A_260 : i32
          %sign3A_262 = arith.constant 0 : i32
          %sign3A_263 = arith.cmpi sgt, %add3A_248, %sign3A_262 : i32
          %sign3A_264 = arith.extui %sign3A_263 : i1 to i32
          %sign3A_265 = arith.constant 0 : i32
          %sign3A_266 = arith.cmpi slt, %add3A_248, %sign3A_265 : i32
          %sign3A_267 = arith.extui %sign3A_266 : i1 to i32
          %sign3A_268 = arith.subi %sign3A_264, %sign3A_267 : i32
          %sign3A_269 = arith.constant 0 : i32
          %sign3A_270 = arith.cmpi sgt, %jit3A_260, %sign3A_269 : i32
          %sign3A_271 = arith.extui %sign3A_270 : i1 to i32
          %sign3A_272 = arith.constant 0 : i32
          %sign3A_273 = arith.cmpi slt, %jit3A_260, %sign3A_272 : i32
          %sign3A_274 = arith.extui %sign3A_273 : i1 to i32
          %sign3A_275 = arith.subi %sign3A_271, %sign3A_274 : i32
          %ne3A_276 = arith.cmpi ne, %sign3A_268, %sign3A_275 : i32
          %rem3A_277 = arith.remsi %add3A_248, %jit3A_260 : i32
          %ne3A_278 = arith.constant 0 : i32
          %ne3A_279 = arith.cmpi ne, %rem3A_277, %ne3A_278 : i32
          %and3A_280 = arith.andi %ne3A_276, %ne3A_279 : i1
          %sub3A_281 = arith.constant 1 : i32
          %sub3A_282 = arith.subi %div3A_261, %sub3A_281 : i32
          %select_n3A_283 = arith.select %and3A_280, %sub3A_282, %div3A_261 : i32
          %jit3A_284 = arith.constant 4 : i32
          %eq3A_285 = arith.constant 0 : i32
          %eq3A_286 = arith.cmpi eq, %jit3A_284, %eq3A_285 : i32
          %jit3A_287 = arith.constant 1 : i32
          %select_n3A_288 = arith.select %eq3A_286, %jit3A_287, %jit3A_284 : i32
          %rem3A_289 = arith.remsi %add3A_248, %select_n3A_288 : i32
          %ne3A_290 = arith.constant 0 : i32
          %ne3A_291 = arith.cmpi ne, %rem3A_289, %ne3A_290 : i32
          %lt3A_292 = arith.constant 0 : i32
          %lt3A_293 = arith.cmpi slt, %rem3A_289, %lt3A_292 : i32
          %lt3A_294 = arith.constant 0 : i32
          %lt3A_295 = arith.cmpi slt, %select_n3A_288, %lt3A_294 : i32
          %ne3A_296 = arith.xori %lt3A_293, %lt3A_295 : i1
          %and3A_297 = arith.andi %ne3A_296, %ne3A_291 : i1
          %add3A_298 = arith.addi %rem3A_289, %select_n3A_288 : i32
          %select_n3A_299 = arith.select %and3A_297, %add3A_298, %rem3A_289 : i32
          "tpu.region"() ({
            %run_scoped3A = tpu.sem_alloc : memref<!tpu.dma_semaphore, #tpu.memory_space<semaphore_mem>>
            %dma_start3A_307 = arith.constant 96 : i32
            %dma_start3A_308 = arith.constant 0 : i32
            %dma_start3A_309 = tpu.memref_slice %arg9[%dma_start3A_307, %dma_start3A_308] : memref<128x128xf32, #tpu.memory_space<vmem>> -> memref<32x128xf32, #tpu.memory_space<vmem>>
            %dma_start3A_310 = arith.constant 0 : i32
            %dma_start3A_311 = tpu.memref_slice %arg8[%select_n3A_283, %select_n3A_299, %dma_start3A_310] : memref<8x4x32xi32, #tpu.memory_space<vmem>> -> memref<1x1x32xi32, #tpu.memory_space<vmem>>
            %dma_start3A_312 = tpu.memref_squeeze %dma_start3A_311 : memref<1x1x32xi32, #tpu.memory_space<vmem>> -> memref<32xi32, #tpu.memory_space<vmem>>
            %dma_start3A_313 = arith.constant 0 : i32
            %dma_start3A_314 = arith.constant 0 : i32
            %dma_start3A_315 = tpu.memref_slice %arg10[%dma_start3A_313, %dma_start3A_314] : memref<10112x128xf32, #tpu.memory_space<vmem_shared>> -> memref<10112x128xf32, #tpu.memory_space<vmem_shared>>
            tpu.enqueue_indirect_dma source(%dma_start3A_309 : memref<32x128xf32, #tpu.memory_space<vmem>>) target(%dma_start3A_315 : memref<10112x128xf32, #tpu.memory_space<vmem_shared>>) offsets(%dma_start3A_312 : memref<32xi32, #tpu.memory_space<vmem>>) semaphore(%run_scoped3A : memref<!tpu.dma_semaphore, #tpu.memory_space<semaphore_mem>>) {add = true}
            %dma_wait3A_316 = arith.constant 96 : i32
            %dma_wait3A_317 = arith.constant 0 : i32
            %dma_wait3A_318 = tpu.memref_slice %arg9[%dma_wait3A_316, %dma_wait3A_317] : memref<128x128xf32, #tpu.memory_space<vmem>> -> memref<32x128xf32, #tpu.memory_space<vmem>>
            %dma_wait3A_319 = arith.constant 0 : i32
            %dma_wait3A_320 = tpu.memref_slice %arg8[%select_n3A_283, %select_n3A_299, %dma_wait3A_319] : memref<8x4x32xi32, #tpu.memory_space<vmem>> -> memref<1x1x32xi32, #tpu.memory_space<vmem>>
            %dma_wait3A_321 = tpu.memref_squeeze %dma_wait3A_320 : memref<1x1x32xi32, #tpu.memory_space<vmem>> -> memref<32xi32, #tpu.memory_space<vmem>>
            %dma_wait3A_322 = arith.constant 0 : i32
            %dma_wait3A_323 = arith.constant 0 : i32
            %dma_wait3A_324 = tpu.memref_slice %arg10[%dma_wait3A_322, %dma_wait3A_323] : memref<10112x128xf32, #tpu.memory_space<vmem_shared>> -> memref<10112x128xf32, #tpu.memory_space<vmem_shared>>
            tpu.wait_indirect_dma semaphore(%run_scoped3A : memref<!tpu.dma_semaphore, #tpu.memory_space<semaphore_mem>>) src(%dma_wait3A_318 : memref<32x128xf32, #tpu.memory_space<vmem>>) dst(%dma_wait3A_324 : memref<10112x128xf32, #tpu.memory_space<vmem_shared>>)
            tpu.yield
          }) : () -> ()
          %add3A_300 = arith.constant 4 : i32
          %add3A_301 = arith.addi %add3A_248, %add3A_300 : i32
          %lt3A_302 = arith.constant 32 : i32
          %lt3A_303 = arith.cmpi slt, %add3A_301, %lt3A_302 : i32
          %convert_element_type3A_304 = arith.extui %lt3A_303 : i1 to i32
          %cond3A_305 = arith.constant 0 : i32
          %cond3A_306 = arith.cmpi ne, %convert_element_type3A_304, %cond3A_305 : i32
          scf.if %cond3A_306 {
            %add3A_307 = arith.constant 4 : i32
            %add3A_308 = arith.addi %add3A_248, %add3A_307 : i32
            %jit3A_309 = arith.constant 4 : i32
            %div3A_310 = arith.divsi %add3A_308, %jit3A_309 : i32
            %sign3A_311 = arith.constant 0 : i32
            %sign3A_312 = arith.cmpi sgt, %add3A_308, %sign3A_311 : i32
            %sign3A_313 = arith.extui %sign3A_312 : i1 to i32
            %sign3A_314 = arith.constant 0 : i32
            %sign3A_315 = arith.cmpi slt, %add3A_308, %sign3A_314 : i32
            %sign3A_316 = arith.extui %sign3A_315 : i1 to i32
            %sign3A_317 = arith.subi %sign3A_313, %sign3A_316 : i32
            %sign3A_318 = arith.constant 0 : i32
            %sign3A_319 = arith.cmpi sgt, %jit3A_309, %sign3A_318 : i32
            %sign3A_320 = arith.extui %sign3A_319 : i1 to i32
            %sign3A_321 = arith.constant 0 : i32
            %sign3A_322 = arith.cmpi slt, %jit3A_309, %sign3A_321 : i32
            %sign3A_323 = arith.extui %sign3A_322 : i1 to i32
            %sign3A_324 = arith.subi %sign3A_320, %sign3A_323 : i32
            %ne3A_325 = arith.cmpi ne, %sign3A_317, %sign3A_324 : i32
            %rem3A_326 = arith.remsi %add3A_308, %jit3A_309 : i32
            %ne3A_327 = arith.constant 0 : i32
            %ne3A_328 = arith.cmpi ne, %rem3A_326, %ne3A_327 : i32
            %and3A_329 = arith.andi %ne3A_325, %ne3A_328 : i1
            %sub3A_330 = arith.constant 1 : i32
            %sub3A_331 = arith.subi %div3A_310, %sub3A_330 : i32
            %select_n3A_332 = arith.select %and3A_329, %sub3A_331, %div3A_310 : i32
            %jit3A_333 = arith.constant 4 : i32
            %eq3A_334 = arith.constant 0 : i32
            %eq3A_335 = arith.cmpi eq, %jit3A_333, %eq3A_334 : i32
            %jit3A_336 = arith.constant 1 : i32
            %select_n3A_337 = arith.select %eq3A_335, %jit3A_336, %jit3A_333 : i32
            %rem3A_338 = arith.remsi %add3A_308, %select_n3A_337 : i32
            %ne3A_339 = arith.constant 0 : i32
            %ne3A_340 = arith.cmpi ne, %rem3A_338, %ne3A_339 : i32
            %lt3A_341 = arith.constant 0 : i32
            %lt3A_342 = arith.cmpi slt, %rem3A_338, %lt3A_341 : i32
            %lt3A_343 = arith.constant 0 : i32
            %lt3A_344 = arith.cmpi slt, %select_n3A_337, %lt3A_343 : i32
            %ne3A_345 = arith.xori %lt3A_342, %lt3A_344 : i1
            %and3A_346 = arith.andi %ne3A_345, %ne3A_340 : i1
            %add3A_347 = arith.addi %rem3A_338, %select_n3A_337 : i32
            %select_n3A_348 = arith.select %and3A_346, %add3A_347, %rem3A_338 : i32
            %mul3A_349 = arith.constant 32 : i32
            %mul3A_350 = arith.muli %select_n3A_348, %mul3A_349 : i32
            %dma_start3A_351 = arith.constant 96 : i32
            %dma_start3A_352 = arith.constant 0 : i32
            %dma_start3A_353 = tpu.memref_slice %arg9[%dma_start3A_351, %dma_start3A_352] : memref<128x128xf32, #tpu.memory_space<vmem>> -> memref<32x128xf32, #tpu.memory_space<vmem>>
            %dma_start3A_354 = tpu.memref_slice %arg7[%select_n3A_332, %mul3A_350] : memref<8x128xi32, #tpu.memory_space<vmem>> -> memref<1x32xi32, #tpu.memory_space<vmem>>
            %dma_start3A_355 = tpu.memref_squeeze %dma_start3A_354 : memref<1x32xi32, #tpu.memory_space<vmem>> -> memref<32xi32, #tpu.memory_space<vmem>>
            %dma_start3A_356 = arith.constant 0 : i32
            %dma_start3A_357 = arith.constant 0 : i32
            %dma_start3A_358 = tpu.memref_slice %arg2[%dma_start3A_356, %dma_start3A_357] : memref<10000x128xf32, #tpu.memory_space<hbm>> -> memref<10000x128xf32, #tpu.memory_space<hbm>>
            tpu.enqueue_indirect_dma source(%dma_start3A_358 : memref<10000x128xf32, #tpu.memory_space<hbm>>) target(%dma_start3A_353 : memref<32x128xf32, #tpu.memory_space<vmem>>) offsets(%dma_start3A_355 : memref<32xi32, #tpu.memory_space<vmem>>) semaphore(%arg11 : memref<!tpu.dma_semaphore, #tpu.memory_space<semaphore_mem>>)
          } else {
          }
        }
        %scan3A_71 = arith.constant 8 : i32
      }
      %scan3A_19 = arith.constant 4 : i32
    } else {
    }
    %barrier3A_8 = arith.constant 0 : index
    tpu.barrier barrier_id(%barrier3A_8)
    %mul3A_9 = arith.constant 632 : i32
    %mul3A_10 = arith.muli %arg1, %mul3A_9 : i32
    %mul3A_11 = arith.constant 632 : i32
    %mul3A_12 = arith.muli %arg1, %mul3A_11 : i32
    "tpu.region"() ({
      %run_scoped3A = tpu.sem_alloc : memref<!tpu.dma_semaphore, #tpu.memory_space<semaphore_mem>>
      %dma_start3A = arith.constant 0 : i32
      %dma_start3A_13 = arith.constant 0 : i32
      %dma_start3A_14 = tpu.memref_slice %arg6[%arg0, %dma_start3A, %dma_start3A_13] : memref<2x10112x128xf32, #tpu.memory_space<hbm>> -> memref<1x10112x128xf32, #tpu.memory_space<hbm>>
      %dma_start3A_15 = tpu.memref_squeeze %dma_start3A_14 : memref<1x10112x128xf32, #tpu.memory_space<hbm>> -> memref<10112x128xf32, #tpu.memory_space<hbm>>
      %dma_start3A_16 = arith.constant 0 : i32
      %dma_start3A_17 = tpu.memref_slice %dma_start3A_15[%mul3A_12, %dma_start3A_16] : memref<10112x128xf32, #tpu.memory_space<hbm>> -> memref<632x128xf32, #tpu.memory_space<hbm>>
      %dma_start3A_18 = arith.constant 0 : i32
      %dma_start3A_19 = tpu.memref_slice %arg10[%mul3A_10, %dma_start3A_18] : memref<10112x128xf32, #tpu.memory_space<vmem_shared>> -> memref<632x128xf32, #tpu.memory_space<vmem_shared>>
      tpu.enqueue_dma source(%dma_start3A_19 : memref<632x128xf32, #tpu.memory_space<vmem_shared>>) target(%dma_start3A_17 : memref<632x128xf32, #tpu.memory_space<hbm>>) target_semaphore(%run_scoped3A : memref<!tpu.dma_semaphore, #tpu.memory_space<semaphore_mem>>)
      %dma_wait3A = arith.constant 0 : i32
      %dma_wait3A_20 = arith.constant 0 : i32
      %dma_wait3A_21 = tpu.memref_slice %arg6[%arg0, %dma_wait3A, %dma_wait3A_20] : memref<2x10112x128xf32, #tpu.memory_space<hbm>> -> memref<1x10112x128xf32, #tpu.memory_space<hbm>>
      %dma_wait3A_22 = tpu.memref_squeeze %dma_wait3A_21 : memref<1x10112x128xf32, #tpu.memory_space<hbm>> -> memref<10112x128xf32, #tpu.memory_space<hbm>>
      %dma_wait3A_23 = arith.constant 0 : i32
      %dma_wait3A_24 = tpu.memref_slice %dma_wait3A_22[%mul3A_12, %dma_wait3A_23] : memref<10112x128xf32, #tpu.memory_space<hbm>> -> memref<632x128xf32, #tpu.memory_space<hbm>>
      %dma_wait3A_25 = arith.constant 0 : i32
      %dma_wait3A_26 = tpu.memref_slice %arg10[%mul3A_10, %dma_wait3A_25] : memref<10112x128xf32, #tpu.memory_space<vmem_shared>> -> memref<632x128xf32, #tpu.memory_space<vmem_shared>>
      tpu.wait_dma2 semaphore(%run_scoped3A : memref<!tpu.dma_semaphore, #tpu.memory_space<semaphore_mem>>) src(%dma_wait3A_26 : memref<632x128xf32, #tpu.memory_space<vmem_shared>>) dst(%dma_wait3A_24 : memref<632x128xf32, #tpu.memory_space<hbm>>)
      tpu.yield
    }) : () -> ()
    return
  }
}

#map = affine_map<(d0, d1) -> (0, 0, 0)>
#map1 = affine_map<(d0, d1) -> (0, 0)>
module attributes {stable_mosaic.version = 14 : i64} {
  func.func @deg_kernel(%arg0: i32, %arg1: i32, %arg2: memref<2560x4x32xi32, #tpu.memory_space<hbm>>, %arg3: memref<632x128xf32, #tpu.memory_space<hbm>>, %arg4: memref<32x128xf32, #tpu.memory_space<hbm>>, %arg5: memref<2x10112x128xf32, #tpu.memory_space<hbm>>, %arg6: memref<80x4x32xi32, #tpu.memory_space<vmem>>, %arg7: memref<32x128xf32, #tpu.memory_space<vmem>>, %arg8: memref<10112x128xf32, #tpu.memory_space<vmem_shared>>) attributes {dimension_semantics = [#tpu.dimension_semantics<core_parallel>, #tpu.dimension_semantics<subcore_parallel>], iteration_bounds = array<i64: 2, 16>, scalar_prefetch = 0 : i64, scratch_operands = 3 : i64, tpu.core_type = #tpu.core_type<sc_vector_subcore>, window_params = [{transform_indices = #map}, {transform_indices = #map1}, {transform_indices = #map1}, {transform_indices = #map}]} {
    %mul3A = arith.constant 16 : i32
    %mul3A_0 = arith.muli %arg0, %mul3A : i32
    %add3A = arith.addi %mul3A_0, %arg1 : i32
    %mul3A_1 = arith.constant 632 : i32
    %mul3A_2 = arith.muli %arg1, %mul3A_1 : i32
    "tpu.region"() ({
      %run_scoped3A = tpu.sem_alloc : memref<!tpu.dma_semaphore, #tpu.memory_space<semaphore_mem>>
      %dma_start3A = arith.constant 0 : i32
      %dma_start3A_14 = tpu.memref_slice %arg8[%mul3A_2, %dma_start3A] : memref<10112x128xf32, #tpu.memory_space<vmem_shared>> -> memref<632x128xf32, #tpu.memory_space<vmem_shared>>
      tpu.enqueue_dma source(%arg3 : memref<632x128xf32, #tpu.memory_space<hbm>>) target(%dma_start3A_14 : memref<632x128xf32, #tpu.memory_space<vmem_shared>>) target_semaphore(%run_scoped3A : memref<!tpu.dma_semaphore, #tpu.memory_space<semaphore_mem>>)
      %dma_wait3A = arith.constant 0 : i32
      %dma_wait3A_15 = tpu.memref_slice %arg8[%mul3A_2, %dma_wait3A] : memref<10112x128xf32, #tpu.memory_space<vmem_shared>> -> memref<632x128xf32, #tpu.memory_space<vmem_shared>>
      tpu.wait_dma2 semaphore(%run_scoped3A : memref<!tpu.dma_semaphore, #tpu.memory_space<semaphore_mem>>) src(%arg3 : memref<632x128xf32, #tpu.memory_space<hbm>>) dst(%dma_wait3A_15 : memref<632x128xf32, #tpu.memory_space<vmem_shared>>)
      tpu.yield
    }) : () -> ()
    "tpu.region"() ({
      %run_scoped3A = tpu.sem_alloc : memref<!tpu.dma_semaphore, #tpu.memory_space<semaphore_mem>>
      tpu.enqueue_dma source(%arg4 : memref<32x128xf32, #tpu.memory_space<hbm>>) target(%arg7 : memref<32x128xf32, #tpu.memory_space<vmem>>) target_semaphore(%run_scoped3A : memref<!tpu.dma_semaphore, #tpu.memory_space<semaphore_mem>>)
      tpu.wait_dma2 semaphore(%run_scoped3A : memref<!tpu.dma_semaphore, #tpu.memory_space<semaphore_mem>>) src(%arg4 : memref<32x128xf32, #tpu.memory_space<hbm>>) dst(%arg7 : memref<32x128xf32, #tpu.memory_space<vmem>>)
      tpu.yield
    }) : () -> ()
    %mul3A_3 = arith.constant 80 : i32
    %mul3A_4 = arith.muli %add3A, %mul3A_3 : i32
    "tpu.region"() ({
      %run_scoped3A = tpu.sem_alloc : memref<!tpu.dma_semaphore, #tpu.memory_space<semaphore_mem>>
      %dma_start3A = arith.constant 0 : i32
      %dma_start3A_14 = arith.constant 0 : i32
      %dma_start3A_15 = tpu.memref_slice %arg2[%mul3A_4, %dma_start3A, %dma_start3A_14] : memref<2560x4x32xi32, #tpu.memory_space<hbm>> -> memref<80x4x32xi32, #tpu.memory_space<hbm>>
      %dma_start3A_16 = arith.constant 0 : i32
      %dma_start3A_17 = arith.constant 0 : i32
      %dma_start3A_18 = tpu.memref_slice %arg2[%mul3A_4, %dma_start3A_16, %dma_start3A_17] : memref<2560x4x32xi32, #tpu.memory_space<hbm>> -> memref<80x4x32xi32, #tpu.memory_space<hbm>>
      tpu.enqueue_dma source(%dma_start3A_18 : memref<80x4x32xi32, #tpu.memory_space<hbm>>) target(%arg6 : memref<80x4x32xi32, #tpu.memory_space<vmem>>) target_semaphore(%run_scoped3A : memref<!tpu.dma_semaphore, #tpu.memory_space<semaphore_mem>>)
      %dma_wait3A = arith.constant 0 : i32
      %dma_wait3A_19 = arith.constant 0 : i32
      %dma_wait3A_20 = tpu.memref_slice %arg2[%mul3A_4, %dma_wait3A, %dma_wait3A_19] : memref<2560x4x32xi32, #tpu.memory_space<hbm>> -> memref<80x4x32xi32, #tpu.memory_space<hbm>>
      %dma_wait3A_21 = arith.constant 0 : i32
      %dma_wait3A_22 = arith.constant 0 : i32
      %dma_wait3A_23 = tpu.memref_slice %arg2[%mul3A_4, %dma_wait3A_21, %dma_wait3A_22] : memref<2560x4x32xi32, #tpu.memory_space<hbm>> -> memref<80x4x32xi32, #tpu.memory_space<hbm>>
      tpu.wait_dma2 semaphore(%run_scoped3A : memref<!tpu.dma_semaphore, #tpu.memory_space<semaphore_mem>>) src(%dma_wait3A_23 : memref<80x4x32xi32, #tpu.memory_space<hbm>>) dst(%arg6 : memref<80x4x32xi32, #tpu.memory_space<vmem>>)
      tpu.yield
    }) : () -> ()
    %barrier3A = arith.constant 0 : index
    tpu.barrier barrier_id(%barrier3A)
    %scan3A = arith.constant 0 : i32
    %scan3A_5 = arith.constant 320 : i32
    %scan3A_6 = arith.addi %scan3A, %scan3A_5 : i32
    %scan3A_7 = arith.constant 1 : i32
    scf.for %scan3A_14 = %scan3A to %scan3A_6 step %scan3A_7  : i32 {
      %mul3A_15 = arith.constant 1 : i32
      %mul3A_16 = arith.muli %scan3A_14, %mul3A_15 : i32
      %add3A_17 = arith.constant 0 : i32
      %add3A_18 = arith.addi %add3A_17, %mul3A_16 : i32
      %jit3A = arith.constant 4 : i32
      %div3A = arith.divsi %add3A_18, %jit3A : i32
      %sign3A = arith.constant 0 : i32
      %sign3A_19 = arith.cmpi sgt, %add3A_18, %sign3A : i32
      %sign3A_20 = arith.extui %sign3A_19 : i1 to i32
      %sign3A_21 = arith.constant 0 : i32
      %sign3A_22 = arith.cmpi slt, %add3A_18, %sign3A_21 : i32
      %sign3A_23 = arith.extui %sign3A_22 : i1 to i32
      %sign3A_24 = arith.subi %sign3A_20, %sign3A_23 : i32
      %sign3A_25 = arith.constant 0 : i32
      %sign3A_26 = arith.cmpi sgt, %jit3A, %sign3A_25 : i32
      %sign3A_27 = arith.extui %sign3A_26 : i1 to i32
      %sign3A_28 = arith.constant 0 : i32
      %sign3A_29 = arith.cmpi slt, %jit3A, %sign3A_28 : i32
      %sign3A_30 = arith.extui %sign3A_29 : i1 to i32
      %sign3A_31 = arith.subi %sign3A_27, %sign3A_30 : i32
      %ne3A = arith.cmpi ne, %sign3A_24, %sign3A_31 : i32
      %rem3A = arith.remsi %add3A_18, %jit3A : i32
      %ne3A_32 = arith.constant 0 : i32
      %ne3A_33 = arith.cmpi ne, %rem3A, %ne3A_32 : i32
      %and3A = arith.andi %ne3A, %ne3A_33 : i1
      %sub3A = arith.constant 1 : i32
      %sub3A_34 = arith.subi %div3A, %sub3A : i32
      %select_n3A = arith.select %and3A, %sub3A_34, %div3A : i32
      %jit3A_35 = arith.constant 4 : i32
      %eq3A = arith.constant 0 : i32
      %eq3A_36 = arith.cmpi eq, %jit3A_35, %eq3A : i32
      %jit3A_37 = arith.constant 1 : i32
      %select_n3A_38 = arith.select %eq3A_36, %jit3A_37, %jit3A_35 : i32
      %rem3A_39 = arith.remsi %add3A_18, %select_n3A_38 : i32
      %ne3A_40 = arith.constant 0 : i32
      %ne3A_41 = arith.cmpi ne, %rem3A_39, %ne3A_40 : i32
      %lt3A = arith.constant 0 : i32
      %lt3A_42 = arith.cmpi slt, %rem3A_39, %lt3A : i32
      %lt3A_43 = arith.constant 0 : i32
      %lt3A_44 = arith.cmpi slt, %select_n3A_38, %lt3A_43 : i32
      %ne3A_45 = arith.xori %lt3A_42, %lt3A_44 : i1
      %and3A_46 = arith.andi %ne3A_45, %ne3A_41 : i1
      %add3A_47 = arith.addi %rem3A_39, %select_n3A_38 : i32
      %select_n3A_48 = arith.select %and3A_46, %add3A_47, %rem3A_39 : i32
      "tpu.region"() ({
        %run_scoped3A = tpu.sem_alloc : memref<!tpu.dma_semaphore, #tpu.memory_space<semaphore_mem>>
        %dma_start3A = arith.constant 0 : i32
        %dma_start3A_49 = tpu.memref_slice %arg6[%select_n3A, %select_n3A_48, %dma_start3A] : memref<80x4x32xi32, #tpu.memory_space<vmem>> -> memref<1x1x32xi32, #tpu.memory_space<vmem>>
        %dma_start3A_50 = tpu.memref_squeeze %dma_start3A_49 : memref<1x1x32xi32, #tpu.memory_space<vmem>> -> memref<32xi32, #tpu.memory_space<vmem>>
        %dma_start3A_51 = arith.constant 0 : i32
        %dma_start3A_52 = arith.constant 0 : i32
        %dma_start3A_53 = tpu.memref_slice %arg8[%dma_start3A_51, %dma_start3A_52] : memref<10112x128xf32, #tpu.memory_space<vmem_shared>> -> memref<10112x128xf32, #tpu.memory_space<vmem_shared>>
        tpu.enqueue_indirect_dma source(%arg7 : memref<32x128xf32, #tpu.memory_space<vmem>>) target(%dma_start3A_53 : memref<10112x128xf32, #tpu.memory_space<vmem_shared>>) offsets(%dma_start3A_50 : memref<32xi32, #tpu.memory_space<vmem>>) semaphore(%run_scoped3A : memref<!tpu.dma_semaphore, #tpu.memory_space<semaphore_mem>>) {add = true}
        %dma_wait3A = arith.constant 0 : i32
        %dma_wait3A_54 = tpu.memref_slice %arg6[%select_n3A, %select_n3A_48, %dma_wait3A] : memref<80x4x32xi32, #tpu.memory_space<vmem>> -> memref<1x1x32xi32, #tpu.memory_space<vmem>>
        %dma_wait3A_55 = tpu.memref_squeeze %dma_wait3A_54 : memref<1x1x32xi32, #tpu.memory_space<vmem>> -> memref<32xi32, #tpu.memory_space<vmem>>
        %dma_wait3A_56 = arith.constant 0 : i32
        %dma_wait3A_57 = arith.constant 0 : i32
        %dma_wait3A_58 = tpu.memref_slice %arg8[%dma_wait3A_56, %dma_wait3A_57] : memref<10112x128xf32, #tpu.memory_space<vmem_shared>> -> memref<10112x128xf32, #tpu.memory_space<vmem_shared>>
        tpu.wait_indirect_dma semaphore(%run_scoped3A : memref<!tpu.dma_semaphore, #tpu.memory_space<semaphore_mem>>) src(%arg7 : memref<32x128xf32, #tpu.memory_space<vmem>>) dst(%dma_wait3A_58 : memref<10112x128xf32, #tpu.memory_space<vmem_shared>>)
        tpu.yield
      }) : () -> ()
    }
    %scan3A_8 = arith.constant 320 : i32
    %barrier3A_9 = arith.constant 0 : index
    tpu.barrier barrier_id(%barrier3A_9)
    %mul3A_10 = arith.constant 632 : i32
    %mul3A_11 = arith.muli %arg1, %mul3A_10 : i32
    %mul3A_12 = arith.constant 632 : i32
    %mul3A_13 = arith.muli %arg1, %mul3A_12 : i32
    "tpu.region"() ({
      %run_scoped3A = tpu.sem_alloc : memref<!tpu.dma_semaphore, #tpu.memory_space<semaphore_mem>>
      %dma_start3A = arith.constant 0 : i32
      %dma_start3A_14 = arith.constant 0 : i32
      %dma_start3A_15 = tpu.memref_slice %arg5[%arg0, %dma_start3A, %dma_start3A_14] : memref<2x10112x128xf32, #tpu.memory_space<hbm>> -> memref<1x10112x128xf32, #tpu.memory_space<hbm>>
      %dma_start3A_16 = tpu.memref_squeeze %dma_start3A_15 : memref<1x10112x128xf32, #tpu.memory_space<hbm>> -> memref<10112x128xf32, #tpu.memory_space<hbm>>
      %dma_start3A_17 = arith.constant 0 : i32
      %dma_start3A_18 = tpu.memref_slice %dma_start3A_16[%mul3A_13, %dma_start3A_17] : memref<10112x128xf32, #tpu.memory_space<hbm>> -> memref<632x128xf32, #tpu.memory_space<hbm>>
      %dma_start3A_19 = arith.constant 0 : i32
      %dma_start3A_20 = tpu.memref_slice %arg8[%mul3A_11, %dma_start3A_19] : memref<10112x128xf32, #tpu.memory_space<vmem_shared>> -> memref<632x128xf32, #tpu.memory_space<vmem_shared>>
      tpu.enqueue_dma source(%dma_start3A_20 : memref<632x128xf32, #tpu.memory_space<vmem_shared>>) target(%dma_start3A_18 : memref<632x128xf32, #tpu.memory_space<hbm>>) target_semaphore(%run_scoped3A : memref<!tpu.dma_semaphore, #tpu.memory_space<semaphore_mem>>)
      %dma_wait3A = arith.constant 0 : i32
      %dma_wait3A_21 = arith.constant 0 : i32
      %dma_wait3A_22 = tpu.memref_slice %arg5[%arg0, %dma_wait3A, %dma_wait3A_21] : memref<2x10112x128xf32, #tpu.memory_space<hbm>> -> memref<1x10112x128xf32, #tpu.memory_space<hbm>>
      %dma_wait3A_23 = tpu.memref_squeeze %dma_wait3A_22 : memref<1x10112x128xf32, #tpu.memory_space<hbm>> -> memref<10112x128xf32, #tpu.memory_space<hbm>>
      %dma_wait3A_24 = arith.constant 0 : i32
      %dma_wait3A_25 = tpu.memref_slice %dma_wait3A_23[%mul3A_13, %dma_wait3A_24] : memref<10112x128xf32, #tpu.memory_space<hbm>> -> memref<632x128xf32, #tpu.memory_space<hbm>>
      %dma_wait3A_26 = arith.constant 0 : i32
      %dma_wait3A_27 = tpu.memref_slice %arg8[%mul3A_11, %dma_wait3A_26] : memref<10112x128xf32, #tpu.memory_space<vmem_shared>> -> memref<632x128xf32, #tpu.memory_space<vmem_shared>>
      tpu.wait_dma2 semaphore(%run_scoped3A : memref<!tpu.dma_semaphore, #tpu.memory_space<semaphore_mem>>) src(%dma_wait3A_27 : memref<632x128xf32, #tpu.memory_space<vmem_shared>>) dst(%dma_wait3A_25 : memref<632x128xf32, #tpu.memory_space<hbm>>)
      tpu.yield
    }) : () -> ()
    return
  }
}

module attributes {stable_mosaic.version = 14 : i64} {
  func.func @body(%arg0: i32, %arg1: memref<2000x128xf32, #tpu.memory_space<vmem>>, %arg2: memref<128x128xf32, #tpu.memory_space<vmem>>, %arg3: memref<2000x128xf32, #tpu.memory_space<vmem>>) attributes {dimension_semantics = [#tpu.dimension_semantics<arbitrary>], iteration_bounds = array<i64: 5>, scalar_prefetch = 0 : i64, scratch_operands = 0 : i64, tpu.core_type = #tpu.core_type<tc>, window_params = [{transform_indices = @transform_0, window_bounds = array<i64: 2000, 128>}, {pipeline_mode = #tpu.pipeline_mode<synchronous>, transform_indices = @transform_1, window_bounds = array<i64: 128, 128>}, {transform_indices = @transform_2, window_bounds = array<i64: 2000, 128>}]} {
    %get3A = arith.constant 0 : index
    %get3A_0 = arith.constant 0 : index
    %get3A_1 = vector.load %arg1[%get3A, %get3A_0] : memref<2000x128xf32, #tpu.memory_space<vmem>>, vector<2000x128xf32>
    %get3A_2 = arith.constant 0 : index
    %get3A_3 = arith.constant 0 : index
    %get3A_4 = vector.load %arg2[%get3A_2, %get3A_3] : memref<128x128xf32, #tpu.memory_space<vmem>>, vector<128x128xf32>
    %dot_general3A = arith.constant dense<0.000000e+00> : vector<2000x128xf32>
    %dot_general3A_5 = tpu.matmul %get3A_1, %get3A_4, %dot_general3A {dimension_numbers = #tpu.dot_dimension_numbers<[1], [0], [0], [1], [0, 0, 1, 1], [], []>, transpose_lhs_hint = false} : vector<2000x128xf32>, vector<128x128xf32>, vector<2000x128xf32> -> vector<2000x128xf32>
    %swap3A = arith.constant 0 : index
    %swap3A_6 = arith.constant 0 : index
    %swap3A_7 = vector.load %arg3[%swap3A, %swap3A_6] : memref<2000x128xf32, #tpu.memory_space<vmem>>, vector<2000x128xf32>
    tpu.vector_store %arg3[%swap3A, %swap3A_6], %dot_general3A_5 {strides = array<i32>} : memref<2000x128xf32, #tpu.memory_space<vmem>>, vector<2000x128xf32>,
    return
  }
  func.func @transform_0(%arg0: i32) -> (i32, i32) {
    %c0_i32 = arith.constant 0 : i32
    %c0_i32_0 = arith.constant 0 : i32
    return %arg0, %c0_i32 : i32, i32
  }
  func.func @transform_1(%arg0: i32) -> (i32, i32) {
    %c0_i32 = arith.constant 0 : i32
    %c0_i32_0 = arith.constant 0 : i32
    %c0_i32_1 = arith.constant 0 : i32
    return %c0_i32, %c0_i32_0 : i32, i32
  }
  func.func @transform_2(%arg0: i32) -> (i32, i32) {
    %c0_i32 = arith.constant 0 : i32
    %c0_i32_0 = arith.constant 0 : i32
    return %arg0, %c0_i32 : i32, i32
  }
}

module attributes {stable_mosaic.version = 14 : i64} {
  func.func @body(%arg0: i32, %arg1: memref<2000x128xf32, #tpu.memory_space<vmem>>, %arg2: memref<2x2000x128xf32, #tpu.memory_space<vmem>>, %arg3: memref<2000x128xf32, #tpu.memory_space<vmem>>) attributes {dimension_semantics = [#tpu.dimension_semantics<arbitrary>], iteration_bounds = array<i64: 5>, scalar_prefetch = 0 : i64, scratch_operands = 0 : i64, tpu.core_type = #tpu.core_type<tc>, window_params = [{transform_indices = @transform_0, window_bounds = array<i64: 2000, 128>}, {transform_indices = @transform_1, window_bounds = array<i64: 2, 2000, 128>}, {transform_indices = @transform_2, window_bounds = array<i64: 2000, 128>}]} {
    %get3A = arith.constant 0 : index
    %get3A_0 = arith.constant 0 : index
    %get3A_1 = vector.load %arg1[%get3A, %get3A_0] : memref<2000x128xf32, #tpu.memory_space<vmem>>, vector<2000x128xf32>
    %get3A_2 = arith.constant 0 : index
    %get3A_3 = arith.constant 0 : index
    %get3A_4 = arith.constant 0 : index
    %get3A_5 = vector.load %arg2[%get3A_2, %get3A_3, %get3A_4] : memref<2x2000x128xf32, #tpu.memory_space<vmem>>, vector<2x2000x128xf32>
    %slice3A = vector.extract_strided_slice %get3A_5 {offsets = [0, 0, 0], sizes = [1, 2000, 128], strides = [1, 1, 1]} : vector<2x2000x128xf32> to vector<1x2000x128xf32>
    %squeeze3A = vector.shape_cast %slice3A : vector<1x2000x128xf32> to vector<2000x128xf32>
    %slice3A_6 = vector.extract_strided_slice %get3A_5 {offsets = [1, 0, 0], sizes = [1, 2000, 128], strides = [1, 1, 1]} : vector<2x2000x128xf32> to vector<1x2000x128xf32>
    %squeeze3A_7 = vector.shape_cast %slice3A_6 : vector<1x2000x128xf32> to vector<2000x128xf32>
    %add3A = arith.addf %squeeze3A, %squeeze3A_7 : vector<2000x128xf32>
    %add3A_8 = arith.constant 1.000000e+00 : f32
    %add3A_9 = vector.broadcast %add3A_8 : f32 to vector<2000x128xf32>
    %add3A_10 = arith.addf %add3A, %add3A_9 : vector<2000x128xf32>
    %rsqrt3A = math.rsqrt %add3A_10 : vector<2000x128xf32>
    %mul3A = arith.mulf %get3A_1, %rsqrt3A : vector<2000x128xf32>
    %swap3A = arith.constant 0 : index
    %swap3A_11 = arith.constant 0 : index
    %swap3A_12 = vector.load %arg3[%swap3A, %swap3A_11] : memref<2000x128xf32, #tpu.memory_space<vmem>>, vector<2000x128xf32>
    tpu.vector_store %arg3[%swap3A, %swap3A_11], %mul3A {strides = array<i32>} : memref<2000x128xf32, #tpu.memory_space<vmem>>, vector<2000x128xf32>,
    return
  }
  func.func @transform_0(%arg0: i32) -> (i32, i32) {
    %c0_i32 = arith.constant 0 : i32
    %c0_i32_0 = arith.constant 0 : i32
    return %arg0, %c0_i32 : i32, i32
  }
  func.func @transform_1(%arg0: i32) -> (i32, i32, i32) {
    %c0_i32 = arith.constant 0 : i32
    %c0_i32_0 = arith.constant 0 : i32
    %c0_i32_1 = arith.constant 0 : i32
    return %c0_i32, %arg0, %c0_i32_0 : i32, i32, i32
  }
  func.func @transform_2(%arg0: i32) -> (i32, i32) {
    %c0_i32 = arith.constant 0 : i32
    %c0_i32_0 = arith.constant 0 : i32
    return %arg0, %c0_i32 : i32, i32
  }
}

module attributes {stable_mosaic.version = 14 : i64} {
  func.func @body(%arg0: i32, %arg1: memref<2x2000x128xf32, #tpu.memory_space<vmem>>, %arg2: memref<2000x128xf32, #tpu.memory_space<vmem>>, %arg3: memref<2x2000x128xf32, #tpu.memory_space<vmem>>, %arg4: memref<1x128xf32, #tpu.memory_space<vmem>>, %arg5: memref<128x128xf32, #tpu.memory_space<vmem>>, %arg6: memref<2000x128xf32, #tpu.memory_space<vmem>>) attributes {dimension_semantics = [#tpu.dimension_semantics<arbitrary>], iteration_bounds = array<i64: 5>, scalar_prefetch = 0 : i64, scratch_operands = 0 : i64, tpu.core_type = #tpu.core_type<tc>, window_params = [{transform_indices = @transform_0, window_bounds = array<i64: 2, 2000, 128>}, {transform_indices = @transform_1, window_bounds = array<i64: 2000, 128>}, {transform_indices = @transform_2, window_bounds = array<i64: 2, 2000, 128>}, {pipeline_mode = #tpu.pipeline_mode<synchronous>, transform_indices = @transform_3, window_bounds = array<i64: 1, 128>}, {pipeline_mode = #tpu.pipeline_mode<synchronous>, transform_indices = @transform_4, window_bounds = array<i64: 128, 128>}, {transform_indices = @transform_5, window_bounds = array<i64: 2000, 128>}]} {
    %get3A = arith.constant 0 : index
    %get3A_0 = arith.constant 0 : index
    %get3A_1 = arith.constant 0 : index
    %get3A_2 = vector.load %arg3[%get3A, %get3A_0, %get3A_1] : memref<2x2000x128xf32, #tpu.memory_space<vmem>>, vector<2x2000x128xf32>
    %slice3A = vector.extract_strided_slice %get3A_2 {offsets = [0, 0, 0], sizes = [1, 2000, 128], strides = [1, 1, 1]} : vector<2x2000x128xf32> to vector<1x2000x128xf32>
    %squeeze3A = vector.shape_cast %slice3A : vector<1x2000x128xf32> to vector<2000x128xf32>
    %slice3A_3 = vector.extract_strided_slice %get3A_2 {offsets = [1, 0, 0], sizes = [1, 2000, 128], strides = [1, 1, 1]} : vector<2x2000x128xf32> to vector<1x2000x128xf32>
    %squeeze3A_4 = vector.shape_cast %slice3A_3 : vector<1x2000x128xf32> to vector<2000x128xf32>
    %add3A = arith.addf %squeeze3A, %squeeze3A_4 : vector<2000x128xf32>
    %add3A_5 = arith.constant 1.000000e+00 : f32
    %add3A_6 = vector.broadcast %add3A_5 : f32 to vector<2000x128xf32>
    %add3A_7 = arith.addf %add3A, %add3A_6 : vector<2000x128xf32>
    %rsqrt3A = math.rsqrt %add3A_7 : vector<2000x128xf32>
    %get3A_8 = arith.constant 0 : index
    %get3A_9 = arith.constant 0 : index
    %get3A_10 = arith.constant 0 : index
    %get3A_11 = vector.load %arg1[%get3A_8, %get3A_9, %get3A_10] : memref<2x2000x128xf32, #tpu.memory_space<vmem>>, vector<1x2000x128xf32>
    %get3A_12 = vector.shape_cast %get3A_11 : vector<1x2000x128xf32> to vector<2000x128xf32>
    %get3A_13 = arith.constant 1 : index
    %get3A_14 = arith.constant 0 : index
    %get3A_15 = arith.constant 0 : index
    %get3A_16 = vector.load %arg1[%get3A_13, %get3A_14, %get3A_15] : memref<2x2000x128xf32, #tpu.memory_space<vmem>>, vector<1x2000x128xf32>
    %get3A_17 = vector.shape_cast %get3A_16 : vector<1x2000x128xf32> to vector<2000x128xf32>
    %add3A_18 = arith.addf %get3A_12, %get3A_17 : vector<2000x128xf32>
    %get3A_19 = arith.constant 0 : index
    %get3A_20 = arith.constant 0 : index
    %get3A_21 = vector.load %arg2[%get3A_19, %get3A_20] : memref<2000x128xf32, #tpu.memory_space<vmem>>, vector<2000x128xf32>
    %add3A_22 = arith.addf %add3A_18, %get3A_21 : vector<2000x128xf32>
    %mul3A = arith.mulf %rsqrt3A, %add3A_22 : vector<2000x128xf32>
    %get3A_23 = arith.constant 0 : index
    %get3A_24 = arith.constant 0 : index
    %get3A_25 = vector.load %arg4[%get3A_23, %get3A_24] : memref<1x128xf32, #tpu.memory_space<vmem>>, vector<1x128xf32>
    %add3A_26 = vector.broadcast %get3A_25 : vector<1x128xf32> to vector<2000x128xf32>
    %add3A_27 = arith.addf %mul3A, %add3A_26 : vector<2000x128xf32>
    %max3A = arith.constant 0.000000e+00 : f32
    %max3A_28 = vector.broadcast %max3A : f32 to vector<2000x128xf32>
    %max3A_29 = arith.maximumf %add3A_27, %max3A_28 : vector<2000x128xf32>
    %get3A_30 = arith.constant 0 : index
    %get3A_31 = arith.constant 0 : index
    %get3A_32 = vector.load %arg5[%get3A_30, %get3A_31] : memref<128x128xf32, #tpu.memory_space<vmem>>, vector<128x128xf32>
    %dot_general3A = arith.constant dense<0.000000e+00> : vector<2000x128xf32>
    %dot_general3A_33 = tpu.matmul %max3A_29, %get3A_32, %dot_general3A {dimension_numbers = #tpu.dot_dimension_numbers<[1], [0], [0], [1], [0, 0, 1, 1], [], []>, transpose_lhs_hint = false} : vector<2000x128xf32>, vector<128x128xf32>, vector<2000x128xf32> -> vector<2000x128xf32>
    %mul3A_34 = arith.mulf %rsqrt3A, %dot_general3A_33 : vector<2000x128xf32>
    %swap3A = arith.constant 0 : index
    %swap3A_35 = arith.constant 0 : index
    %swap3A_36 = vector.load %arg6[%swap3A, %swap3A_35] : memref<2000x128xf32, #tpu.memory_space<vmem>>, vector<2000x128xf32>
    tpu.vector_store %arg6[%swap3A, %swap3A_35], %mul3A_34 {strides = array<i32>} : memref<2000x128xf32, #tpu.memory_space<vmem>>, vector<2000x128xf32>,
    return
  }
  func.func @transform_0(%arg0: i32) -> (i32, i32, i32) {
    %c0_i32 = arith.constant 0 : i32
    %c0_i32_0 = arith.constant 0 : i32
    %c0_i32_1 = arith.constant 0 : i32
    return %c0_i32, %arg0, %c0_i32_0 : i32, i32, i32
  }
  func.func @transform_1(%arg0: i32) -> (i32, i32) {
    %c0_i32 = arith.constant 0 : i32
    %c0_i32_0 = arith.constant 0 : i32
    return %arg0, %c0_i32 : i32, i32
  }
  func.func @transform_2(%arg0: i32) -> (i32, i32, i32) {
    %c0_i32 = arith.constant 0 : i32
    %c0_i32_0 = arith.constant 0 : i32
    %c0_i32_1 = arith.constant 0 : i32
    return %c0_i32, %arg0, %c0_i32_0 : i32, i32, i32
  }
  func.func @transform_3(%arg0: i32) -> (i32, i32) {
    %c0_i32 = arith.constant 0 : i32
    %c0_i32_0 = arith.constant 0 : i32
    %c0_i32_1 = arith.constant 0 : i32
    return %c0_i32, %c0_i32_0 : i32, i32
  }
  func.func @transform_4(%arg0: i32) -> (i32, i32) {
    %c0_i32 = arith.constant 0 : i32
    %c0_i32_0 = arith.constant 0 : i32
    %c0_i32_1 = arith.constant 0 : i32
    return %c0_i32, %c0_i32_0 : i32, i32
  }
  func.func @transform_5(%arg0: i32) -> (i32, i32) {
    %c0_i32 = arith.constant 0 : i32
    %c0_i32_0 = arith.constant 0 : i32
    return %arg0, %c0_i32 : i32, i32
  }
}

module attributes {stable_mosaic.version = 14 : i64} {
  func.func @body(%arg0: i32, %arg1: memref<2x2000x128xf32, #tpu.memory_space<vmem>>, %arg2: memref<2000x128xf32, #tpu.memory_space<vmem>>, %arg3: memref<2x2000x128xf32, #tpu.memory_space<vmem>>, %arg4: memref<1x128xf32, #tpu.memory_space<vmem>>, %arg5: memref<2000x128xf32, #tpu.memory_space<vmem>>) attributes {dimension_semantics = [#tpu.dimension_semantics<arbitrary>], iteration_bounds = array<i64: 5>, scalar_prefetch = 0 : i64, scratch_operands = 0 : i64, tpu.core_type = #tpu.core_type<tc>, window_params = [{transform_indices = @transform_0, window_bounds = array<i64: 2, 2000, 128>}, {transform_indices = @transform_1, window_bounds = array<i64: 2000, 128>}, {transform_indices = @transform_2, window_bounds = array<i64: 2, 2000, 128>}, {pipeline_mode = #tpu.pipeline_mode<synchronous>, transform_indices = @transform_3, window_bounds = array<i64: 1, 128>}, {transform_indices = @transform_4, window_bounds = array<i64: 2000, 128>}]} {
    %get3A = arith.constant 0 : index
    %get3A_0 = arith.constant 0 : index
    %get3A_1 = arith.constant 0 : index
    %get3A_2 = vector.load %arg3[%get3A, %get3A_0, %get3A_1] : memref<2x2000x128xf32, #tpu.memory_space<vmem>>, vector<2x2000x128xf32>
    %slice3A = vector.extract_strided_slice %get3A_2 {offsets = [0, 0, 0], sizes = [1, 2000, 128], strides = [1, 1, 1]} : vector<2x2000x128xf32> to vector<1x2000x128xf32>
    %squeeze3A = vector.shape_cast %slice3A : vector<1x2000x128xf32> to vector<2000x128xf32>
    %slice3A_3 = vector.extract_strided_slice %get3A_2 {offsets = [1, 0, 0], sizes = [1, 2000, 128], strides = [1, 1, 1]} : vector<2x2000x128xf32> to vector<1x2000x128xf32>
    %squeeze3A_4 = vector.shape_cast %slice3A_3 : vector<1x2000x128xf32> to vector<2000x128xf32>
    %add3A = arith.addf %squeeze3A, %squeeze3A_4 : vector<2000x128xf32>
    %add3A_5 = arith.constant 1.000000e+00 : f32
    %add3A_6 = vector.broadcast %add3A_5 : f32 to vector<2000x128xf32>
    %add3A_7 = arith.addf %add3A, %add3A_6 : vector<2000x128xf32>
    %rsqrt3A = math.rsqrt %add3A_7 : vector<2000x128xf32>
    %get3A_8 = arith.constant 0 : index
    %get3A_9 = arith.constant 0 : index
    %get3A_10 = arith.constant 0 : index
    %get3A_11 = vector.load %arg1[%get3A_8, %get3A_9, %get3A_10] : memref<2x2000x128xf32, #tpu.memory_space<vmem>>, vector<1x2000x128xf32>
    %get3A_12 = vector.shape_cast %get3A_11 : vector<1x2000x128xf32> to vector<2000x128xf32>
    %get3A_13 = arith.constant 1 : index
    %get3A_14 = arith.constant 0 : index
    %get3A_15 = arith.constant 0 : index
    %get3A_16 = vector.load %arg1[%get3A_13, %get3A_14, %get3A_15] : memref<2x2000x128xf32, #tpu.memory_space<vmem>>, vector<1x2000x128xf32>
    %get3A_17 = vector.shape_cast %get3A_16 : vector<1x2000x128xf32> to vector<2000x128xf32>
    %add3A_18 = arith.addf %get3A_12, %get3A_17 : vector<2000x128xf32>
    %get3A_19 = arith.constant 0 : index
    %get3A_20 = arith.constant 0 : index
    %get3A_21 = vector.load %arg2[%get3A_19, %get3A_20] : memref<2000x128xf32, #tpu.memory_space<vmem>>, vector<2000x128xf32>
    %add3A_22 = arith.addf %add3A_18, %get3A_21 : vector<2000x128xf32>
    %mul3A = arith.mulf %rsqrt3A, %add3A_22 : vector<2000x128xf32>
    %get3A_23 = arith.constant 0 : index
    %get3A_24 = arith.constant 0 : index
    %get3A_25 = vector.load %arg4[%get3A_23, %get3A_24] : memref<1x128xf32, #tpu.memory_space<vmem>>, vector<1x128xf32>
    %add3A_26 = vector.broadcast %get3A_25 : vector<1x128xf32> to vector<2000x128xf32>
    %add3A_27 = arith.addf %mul3A, %add3A_26 : vector<2000x128xf32>
    %swap3A = arith.constant 0 : index
    %swap3A_28 = arith.constant 0 : index
    %swap3A_29 = vector.load %arg5[%swap3A, %swap3A_28] : memref<2000x128xf32, #tpu.memory_space<vmem>>, vector<2000x128xf32>
    tpu.vector_store %arg5[%swap3A, %swap3A_28], %add3A_27 {strides = array<i32>} : memref<2000x128xf32, #tpu.memory_space<vmem>>, vector<2000x128xf32>,
    return
  }
  func.func @transform_0(%arg0: i32) -> (i32, i32, i32) {
    %c0_i32 = arith.constant 0 : i32
    %c0_i32_0 = arith.constant 0 : i32
    %c0_i32_1 = arith.constant 0 : i32
    return %c0_i32, %arg0, %c0_i32_0 : i32, i32, i32
  }
  func.func @transform_1(%arg0: i32) -> (i32, i32) {
    %c0_i32 = arith.constant 0 : i32
    %c0_i32_0 = arith.constant 0 : i32
    return %arg0, %c0_i32 : i32, i32
  }
  func.func @transform_2(%arg0: i32) -> (i32, i32, i32) {
    %c0_i32 = arith.constant 0 : i32
    %c0_i32_0 = arith.constant 0 : i32
    %c0_i32_1 = arith.constant 0 : i32
    return %c0_i32, %arg0, %c0_i32_0 : i32, i32, i32
  }
  func.func @transform_3(%arg0: i32) -> (i32, i32) {
    %c0_i32 = arith.constant 0 : i32
    %c0_i32_0 = arith.constant 0 : i32
    %c0_i32_1 = arith.constant 0 : i32
    return %c0_i32, %c0_i32_0 : i32, i32
  }
  func.func @transform_4(%arg0: i32) -> (i32, i32) {
    %c0_i32 = arith.constant 0 : i32
    %c0_i32_0 = arith.constant 0 : i32
    return %arg0, %c0_i32 : i32, i32
  }
}

</mosaic_0001>

<sc_bundles>
// kernel: kernel.12.cloned.1.call-start
scs
__scs_entry_jumppad:
0x0: {  	(pc) =	sbr.rel $0x88, $3  }
0x1: {  	(tag) =	ssettag $0x0;
	lr =	simm.s32 $0x1  }
0x2: {  	[smem:$0x3F9B] =	sst lr;
	_ =	strace $0xD0000000  }
0x3: {  	_ = 	snop  }
0x4: {  	_ = 	snop  }
0x5: {  	_ = 	snop  }
0x6: {  	_ = 	snop  }
0x7: {  	_ = 	snop  }
__scs_overlays_trampoline_lowered:
0x8: {  	[smem:$0x3FAA] =	sst s0  }
0x9: {  	[smem:$0x3FAB] =	sst s1  }
0xa: {  	[smem:$0x3FAC] =	sst s2  }
0xb: {  	[smem:$0x3FAD] =	sst s3  }
0xc: {  	[smem:$0x3FAE] =	sst s4  }
0xd: {  	[smem:$0x3FAF] =	sst s5  }
0xe: {  	[smem:$0x3FB0] =	sst s6  }
0xf: {  	[smem:$0x3FB1] =	sst s7  }
0x10: {  	[smem:$0x3FB2] =	sst s8  }
0x11: {  	[smem:$0x3FB3] =	sst s9;
	s0 =	simm.s32 @!p0 $0x0  }
0x12: {  	s1 =	sld [smem:$0x3F99];
	s0 =	simm.s32 @p0 $0x1  }
0x13: {  	[smem:$0x3FB4] =	sst s0;
	s0 =	simm.s32 @!p1 $0x0  }
0x14: {  	s2 =	sld [smem:$0x3F98];
	s0 =	simm.s32 @p1 $0x1  }
0x15: {  	[smem:$0x3FB5] =	sst s0;
	s0 =	simm.s32 @!p2 $0x0  }
0x16: {  	s3 =	sld [smem:$0x3FDB];
	s0 =	simm.s32 @p2 $0x1  }
0x17: {  	s4 =	simm.s32 $0x1BF5;
	[smem:$0x3FB7] =	sst s0  }
0x18: {  	s0 =	sld [smem:$0x3F9A];
	_ =	swait.ge [sflag:s4], $0x0  }
0x19: {  	s7 =	sld [smem:$0x3F9B]  }
0x1a: {  	s8 =	sadd.s32 $0xFFFFE003, lr  }
0x1b: {  	s9 =	sadd.s32 $0xFFFFFEF7, lr;
	s5 =	simm.s32 $0xFFFFFFFF;
	p2 =	slt.u32 s8, $0xFFFFF086  }
0x1c: {  	p1 =	slt.u32 s9, $0xF7A;
	s5 =	simm.s32 @!p2 $0x0  }
0x1d: {  	s5 =	simm.s32 @p1 $0x1;
	p0 =	seq.s32 s7, s2  }
0x1e: {  	s7 =	smul.u32 @!p0 $0xF7A, s2;
	p2 =	seq.s32 @!p0 s5, $0x0  }
0x1f: {  	s9 =	smul.u32 $0xF7A, s1;
	s8 =	simm.s32 @!p0 $0x1BF5;
	p2 =	por !p2, p0  }
0x20: {  	[sflag:s8] =	ssyncset.s32 @!p0 $0xFFFFF086;
	s6 =	sadd.s32 @!p0 s3, s7;
	s7 =	simm.s32 @!p0 $0x108  }
0x21: {  	s3 =	sadd.s32 s3, s9;
	s6 =	sadd.s32 @!p0 $0x88, s6;
	s7 =	simm.s32 @p2 $0x1082  }
0x22: {  	[simem:s7], [sflag:s8] =	dma.local @!p0 [hbm:s6], $0xF7A  }
0x23: {  	s9 =	sor.u32 $0xD0000000, s2;
	s6 =	simm.s32 $0x108;
	_ =	swait.ge @!p0 [sflag:s8], $0x0  }
0x24: {  	s3 =	sadd.s32 $0x88, s3;
	s6 =	simm.s32 @!p1 $0x1082;
	[sflag:s4] =	ssyncset.s32 $0xFFFFF086  }
0x25: {  	[simem:s6], [sflag:s4] =	dma.local [hbm:s3], $0xF7A  }
0x26: {  	[smem:$0x3F9B] =	sst s1;
	(tag) =	ssettag s2;
	_ =	strace s9  }
0x27: {  	s1 =	sld [smem:$0x3FAB]  }
0x28: {  	s2 =	sld [smem:$0x3FAC]  }
0x29: {  	s4 =	sld [smem:$0x3FAE]  }
0x2a: {  	p0 =	seq.s32 s5, $0x0;
	s5 =	sld [smem:$0x3FAF]  }
0x2b: {  	s6 =	sld [smem:$0x3FB0]  }
0x2c: {  	s7 =	sld [smem:$0x3FB1]  }
0x2d: {  	s3 =	simm.s32 $0x108;
	s8 =	sld [smem:$0x3FB2]  }
0x2e: {  	s3 =	simm.s32 @!p0 $0x1082;
	s9 =	sld [smem:$0x3FB3]  }
0x2f: {  	lr =	sadd.s32 s0, s3;
	s0 =	sld [smem:$0x3FAA]  }
0x30: {  	s3 =	sld [smem:$0x3FAD]  }
0x31: {  	[smem:$0x3FB6] =	sst s10  }
0x32: {  	s10 =	sld [smem:$0x3FB4];
	_ =	sdelay $0x3  }
0x33: {  	p0 =	seq.s32 s10, $0x1;
	s10 =	sld [smem:$0x3FB6];
	_ =	sdelay $0x3  }
0x34: {  	[smem:$0x3FB6] =	sst s10  }
0x35: {  	s10 =	sld [smem:$0x3FB5];
	_ =	sdelay $0x3  }
0x36: {  	p1 =	seq.s32 s10, $0x1;
	s10 =	sld [smem:$0x3FB6];
	_ =	sdelay $0x3  }
0x37: {  	[smem:$0x3FB6] =	sst s10  }
0x38: {  	s10 =	sld [smem:$0x3FB7]  }
0x39: {  	_ = 	snop;
	(pc) =	sbr.ind lr, $3  }
0x3a: {  	_ = 	snop  }
0x3b: {  	_ = 	snop  }
0x3c: {  	p2 =	seq.s32 s10, $0x1;
	s10 =	sld [smem:$0x3FB6]  }
0x3d: {  	_ =	shalt  }
0x3e: {  	_ =	shalt  }
0x3f: {  	_ =	shalt  }
0x40: {  	_ =	shalt  }
0x41: {  	_ =	shalt  }
0x42: {  	_ =	shalt  }
0x43: {  	_ =	shalt  }
0x44: {  	_ =	shalt  }
0x45: {  	_ =	shalt  }
0x46: {  	_ =	shalt  }
0x47: {  	_ =	shalt  }
0x48: {  	_ =	shalt  }
0x49: {  	_ =	shalt  }
0x4a: {  	_ =	shalt  }
0x4b: {  	_ =	shalt  }
0x4c: {  	_ =	shalt  }
0x4d: {  	_ =	shalt  }
0x4e: {  	_ =	shalt  }
0x4f: {  	_ =	shalt  }
0x50: {  	_ =	shalt  }
0x51: {  	_ =	shalt  }
0x52: {  	_ =	shalt  }
0x53: {  	_ =	shalt  }
0x54: {  	_ =	shalt  }
0x55: {  	_ =	shalt  }
0x56: {  	_ =	shalt  }
0x57: {  	_ =	shalt  }
0x58: {  	_ =	shalt  }
0x59: {  	_ =	shalt  }
0x5a: {  	_ =	shalt  }
0x5b: {  	_ =	shalt  }
0x5c: {  	_ =	shalt  }
0x5d: {  	_ =	shalt  }
0x5e: {  	_ =	shalt  }
0x5f: {  	_ =	shalt  }
0x60: {  	_ =	shalt  }
0x61: {  	_ =	shalt  }
0x62: {  	_ =	shalt  }
0x63: {  	_ =	shalt  }
0x64: {  	_ =	shalt  }
0x65: {  	_ =	shalt  }
0x66: {  	_ =	shalt  }
0x67: {  	_ =	shalt  }
0x68: {  	_ =	shalt  }
0x69: {  	_ =	shalt  }
0x6a: {  	_ =	shalt  }
0x6b: {  	_ =	shalt  }
0x6c: {  	_ =	shalt  }
0x6d: {  	_ =	shalt  }
0x6e: {  	_ =	shalt  }
0x6f: {  	_ =	shalt  }
0x70: {  	_ =	shalt  }
0x71: {  	_ =	shalt  }
0x72: {  	_ =	shalt  }
0x73: {  	_ =	shalt  }
0x74: {  	_ =	shalt  }
0x75: {  	_ =	shalt  }
0x76: {  	_ =	shalt  }
0x77: {  	_ =	shalt  }
0x78: {  	_ =	shalt  }
0x79: {  	_ =	shalt  }
0x7a: {  	_ =	shalt  }
0x7b: {  	_ =	shalt  }
0x7c: {  	_ =	shalt  }
0x7d: {  	_ =	shalt  }
0x7e: {  	_ =	shalt  }
0x7f: {  	_ =	shalt  }
0x80: {  	_ =	shalt  }
0x81: {  	_ =	shalt  }
0x82: {  	_ =	shalt  }
0x83: {  	_ =	shalt  }
0x84: {  	_ =	shalt  }
0x85: {  	_ =	shalt  }
0x86: {  	_ =	shalt  }
0x87: {  	_ =	shalt  }
.Lfunc_end0:
.L_simem_size_0:
called_computation.1_lowered:
.L_overlay_start_0:
0x88: {  	s2 =	sld [smem:$0x3FD9]  }
0x89: {  	s3 =	sld [smem:$0x3FFE];
	_ =	sdelay $0x1  }
0x8a: {  	s1 =	srdreg.scid  }
0x8b: {  	s0 =	sand.u32 $0x1, s1  }
0x8c: {  	s17 =	sshll.u32 s0, $0xA;
	s2 =	sadd.s32 s3, s2  }
0x8d: {  	s2 =	sadd.s32 s2, s17  }
0x8e: {  	[smem:$0x3FC2] =	sst s2  }
0x8f: {  	_ = 	snop  }
0x90: {  	s2 =	sld [smem:$0x3FD0];
	(tm) =	ssettm $0x1  }
0x91: {  	s18 =	sld [smem:$0x3FFB];
	_ =	sdelay $0x3  }
0x92: {  	_ =	strace s18  }
0x93: {  	s3 =	sld [smem:$0x3FFC];
	_ =	sdelay $0x3  }
0x94: {  	_ =	strace s3  }
0x95: {  	s3 =	sld [smem:$0x3FFD];
	_ =	sdelay $0x3  }
0x96: {  	_ =	strace s3  }
0x97: {  	_ =	strace $0x8FFFFFFF  }
0x98: {  	s19 =	sld [smem:$0x3FDB];
	_ =	sdelay $0x1  }
0x99: {  	s4 =	simm.s32 $_scs_section_size  }
0x9a: {  	s5 =	simm.s32 $_size__tile_overlayer_lowered;
	s6 =	simm.s32 $_tile_overlayer_lowered  }
0x9b: {  	s22 =	simm.s32 $0x1BFF;
	s21 =	sshll.u32 s6, $0x1;
	s3 =	sadd.s32 s4, s19  }
0x9c: {  	s7 =	simm.s32 $0x0;
	s20 =	sshll.u32 s5, $0x1;
	s5 =	sadd.s32 s21, s3  }
0x9d: {  	[timem:s7], [sflag:s22] =	dma.local [hbm:s5], s20  }
0x9e: {  	_ =	swait.ge [sflag:s22], s20  }
0x9f: {  	s4 =	ssub.s32 $0x0, s20;
	[sflag:s22] =	ssyncset.done $0x0  }
0xa0: {  	[sflag:s22] =	ssyncadd.s32 s4;
	_ =	sdelay $0x1  }
0xa1: {  	s23 =	simm.s32 $0x1B8B  }
0xa2: {  	_ =	swait.ge [sflag:s23], $0x1  }
0xa3: {  	[sflag:s23] =	ssyncset.done $0x0  }
0xa4: {  	s25 =	simm.s32 $0x1B8E;
	s24 =	sld [smem:$0x3FFE];
	[sflag:s23] =	ssyncadd.s32 $0xFFFFFFFF  }
0xa5: {  	s26 =	simm.s32 $execute0_lowered;
	[smem:$0x3FD2] =	sst s25  }
0xa6: {  	s5 =	sshll.u32 s26, $0x1;
	_ =	strace $0x80000049;
	[dreg:$0x1] =	wrdreg $0xFFFFFFFF  }
0xa7: {  	s28 =	simm.s32 $_size_execute0_lowered;
	s3 =	sadd.s32 s3, s5;
	[dreg:$0x0] =	wrdreg $0x0  }
0xa8: {  	s5 =	sshll.u32 s28, $0x1;
	[dreg:$0x2] =	wrdreg s3  }
0xa9: {  	[dreg:$0x3] =	wrdreg s5  }
0xaa: {  	[dreg:$0x4] =	wrdreg $0xC0  }
0xab: {  	_ =	task [dreg:s7], $0x5FFFF  }
0xac: {  	[dreg:$0x1] =	wrdreg $0xFFFFFFFF  }
0xad: {  	[dreg:$0x0] =	wrdreg $0x60  }
0xae: {  	[dreg:$0x2] =	wrdreg s2  }
0xaf: {  	[dreg:$0x3] =	wrdreg s24  }
0xb0: {  	[dreg:$0x4] =	wrdreg $0x54000  }
0xb1: {  	[dreg:$0x5] =	wrdreg $0x9  }
0xb2: {  	_ =	task.clear_ibuf [dreg:s7], $0x6FFFF;
	_ =	strace $0x90000049  }
0xb3: {  	s29 =	simm.s32 $0x9;
	_ =	strace $0x8000004B  }
0xb4: {  	_ =	swait.ge [sflag:s29], $0x1  }
0xb5: {  	[sflag:s29] =	ssyncadd.s32 $0xFFFFFFFF  }
0xb6: {  	_ =	strace $0x9000004B  }
0xb7: {  	_ =	sfence  }
0xb8: {  	s30 =	sld [smem:$0x0];
	_ =	sdelay $0x2  }
0xb9: {  	s31 =	sshll.u32 s1, $0xD;
	s1 =	sshrl.u32 s1, $0x2  }
0xba: {  	s3 =	sand.u32 $0x4000, s31;
	s1 =	sadd.s32 s1, s30  }
0xbb: {  	s0 =	sor.u32 s3, s0;
	s1 =	sshll.u32 s1, $0x11  }
0xbc: {  	s0 =	sor.u32 s1, s0  }
0xbd: {  	s0 =	sadd.s32 $0x8F2B, s0  }
0xbe: {  	[sflag:s0] =	ssyncadd.remote.s32 $0x1  }
0xbf: {  	_ =	sfence.sel $0xFFFF  }
0xc0: {  	[dreg:$0x0] =	wrdreg $0xFFFFFFFF;
	(pc) =	sbr.abs _section_cstart, $3  }
0xc1: {  	[dreg:$0x1] =	wrdreg $0xFFFFFFFF  }
0xc2: {  	_ =	task.clear_ibuf [dreg:s7], $0x2FFFF;
	_ =	strace $0x9FFFFFFF  }
0xc3: {  	(tm) =	ssettm $0x7FFFFFFF  }
tec
execute0_lowered:
.L_overlay_start_1:
0x0: {  	(tag) =	ssettag $0x1  }
0x1: {  	s1 =	rddreg [dreg:$0x0]  }
0x2: {  	s0 =	rddreg [dreg:$0x1]  }
0x3: {  	s2 =	rddreg [dreg:$0x2];
	s3 =	simm.s32 $0x0;
	s4 =	srdreg.scid  }
0x4: {  	s26 =	stileid.u32;
	s13 =	simm.s32 $0x2;
	s14 =	simm.s32 $0x400  }
0x5: {  	s15 =	simm.s32 $0x20;
	s16 =	simm.s32 $0x1400;
	s17 =	simm.s32 $0x2400  }
0x6: {  	s18 =	simm.s32 $0x40;
	s19 =	simm.s32 $0x3400;
	s20 =	simm.s32 $0x60  }
0x7: {  	s21 =	simm.s32 $0x4400;
	s22 =	simm.s32 $0x1;
	s23 =	simm.s32 $0x1200  }
0x8: {  	s25 =	simm.s32 $0x1280;
	s28 =	simm.s32 $0x1380;
	[smem:$0x7FF] =	sst s3  }
0x9: {  	s9 =	sand.u32 $0x1, s4;
	s5 =	sadd.s32 $0x7BA00, s0;
	s10 =	smul.u32 $0x4F000, s26  }
0xa: {  	s6 =	sadd.s32 $0x2200, s0;
	s7 =	sadd.s32 $0x2A200, s0;
	s24 =	smul.u32 $0x2780, s26  }
0xb: {  	s30 =	sshll.u32 s26, $0x6;
	s31 =	sshll.u32 s26, $0x5;
	s8 =	smul.u32 $0x27800, s9  }
0xc: {  	_ =	strace $0x8000004A;
	[dreg:$0x4] =	wrdreg s7;
	s11 =	ssub.s32 $0x2, s9  }
.Ltmp0:
0xd: {  	p0 =	seq.s32 s9, $0x1;
	s9 =	sshll.u32 s26, $0x7;
	(pc) =	sbr.rel .LBB2_1-.Ltmp0, $4  }
0xe: {  	s26 =	simm.s32 $0x1300;
	s29 =	sshrl.u32 s11, $0x1;
	s10 =	sshrl.u32 s10, $0x2  }
0xf: {  	s0 =	sadd.s32 s8, s0;
	s11 =	ssub.s32 s11, s29;
	s12 =	sadd.s32 s10, s2  }
0x10: {  	s8 =	sor.u32 $0x1C02, s30;
	s10 =	sor.u32 $0x800, s31;
	s0 =	sadd.s32 $0x85A00, s0  }
0x11: {  	s11 =	smax.u32 s11, $0x1;
	s12 =	sshrl.u32 s12, $0x3;
	s24 =	sadd.s32 s24, s0  }
.LBB2_8:
0x12: {  	s3 =	sadd.s32 $0x1, s3  }
0x13: {  	p1 =	sne.s32 s3, s11  }
.Ltmp1:
0x14: {  	[bflag:$0x0] =	sbarrier.arrive $0xFFFF;
	(pc) =	sbr.rel @!p1 .LBB2_9-.Ltmp1, $4  }
0x15: {  	[hbm:s24], [sflag:s8] =	dma.local [spmem:s12], $0x2780  }
0x16: {  	_ =	swait.ge [sflag:s13], $0x2780  }
0x17: {  	[sflag:s13] =	ssyncset.done $0x0  }
0x18: {  	[sflag:s13] =	ssyncadd.s32 $0xFFFFD880  }
.LBB2_1:
0x19: {  	s0 =	rddreg [dreg:$0x4]  }
0x1a: {  	[spmem:s12], [sflag:s8] =	dma.local [hbm:s0], $0x2780  }
.Ltmp2:
0x1b: {  	_ =	swait.ge [sflag:s13], $0x2780;
	(pc) =	sbr.rel @!p0 .LBB2_2-.Ltmp2, $4  }
0x1c: {  	[sflag:s13] =	ssyncset.done $0x0  }
0x1d: {  	[sflag:s13] =	ssyncadd.s32 $0xFFFFD880  }
0x1e: {  	[bflag:$0x0] =	sbarrier.arrive $0xFFFF  }
0x1f: {  	s29 =	simm.s32 $0x0;
	s30 =	simm.s32 $0x0  }
.LBB2_5:
0x20: {  	s0 =	sshll.u32 s30, $0x3  }
0x21: {  	s0 =	sadd.s32 s10, s0  }
0x22: {  	s4 =	sshll.u32 s0, $0x4  }
0x23: {  	s7 =	simm.s32 $0x0;
	s4 =	sadd.s32 s5, s4  }
0x24: {  	[tilespmem:s7], [sflag:$0x2] =	stream.linear.gather [hbm4b:s4+s7], $0x400, $0x38;
	[tilespmem:$0x19000] =	vst v63  }
0x25: {  	_ =	swait.ge [sflag:s13], $0x400  }
0x26: {  	s0 =	sshll.u32 s0, $0x6;
	[sflag:s13] =	ssyncset.done $0x0  }
0x27: {  	s0 =	sadd.s32 s6, s0;
	[sflag:s13] =	ssyncadd.s32 $0xFFFFFC00  }
0x28: {  	[tilespmem:s14], [sflag:$0x2] =	stream.linear.gather [hbm4b:s0+s7], $0x1000, $0x38;
	[tilespmem:$0x19000] =	vst v63  }
0x29: {  	_ =	swait.ge [sflag:s13], $0x1000  }
0x2a: {  	[sflag:s13] =	ssyncset.done $0x0  }
0x2b: {  	[sflag:s13] =	ssyncadd.s32 $0xFFFFF000  }
0x2c: {  	[tilespmem:s16], [sflag:$0x1] =	stream.indirect.gather [hbm4b:s1+s15], $0x80, s7, s15, $0xb8;
	[tilespmem:$0x19000] =	vst v63  }
0x2d: {  	_ = 	snop  }
0x2e: {  	[tilespmem:s17], [sflag:$0x1] =	stream.indirect.gather [hbm4b:s1+s15], $0x80, s15, s15, $0xb8;
	[tilespmem:$0x19000] =	vst v63  }
0x2f: {  	_ = 	snop  }
0x30: {  	[tilespmem:s19], [sflag:$0x1] =	stream.indirect.gather [hbm4b:s1+s15], $0x80, s18, s15, $0xb8;
	[tilespmem:$0x19000] =	vst v63  }
0x31: {  	_ = 	snop  }
0x32: {  	[tilespmem:s21], [sflag:$0x1] =	stream.indirect.gather [hbm4b:s1+s15], $0x80, s20, s15, $0xb8;
	[tilespmem:$0x19000] =	vst v63  }
0x33: {  	_ =	swait.ge [sflag:s22], $0x1000  }
0x34: {  	[sflag:s22] =	ssyncset.done $0x0  }
0x35: {  	s7 =	simm.s32 $0x400;
	[sflag:s22] =	ssyncadd.s32 $0xFFFFF000  }
0x36: {  	[spmem:s2] =	stream.indirect.scatter.add.f32 [tilespmem:s16], [sflag:$0x2], $0x80, s7, s15, $0xb8;
	[tilespmem:$0x19000] =	vst v63  }
0x37: {  	_ =	swait.ge [sflag:s13], $0x1000  }
0x38: {  	[sflag:s13] =	ssyncset.done $0x0  }
0x39: {  	s4 =	simm.s32 $0x80;
	[sflag:s13] =	ssyncadd.s32 $0xFFFFF000  }
0x3a: {  	[tilespmem:s16], [sflag:$0x1] =	stream.indirect.gather [hbm4b:s1+s15], $0x80, s4, s15, $0xb8;
	[tilespmem:$0x19000] =	vst v63  }
0x3b: {  	_ =	swait.ge [sflag:s22], $0x1000  }
0x3c: {  	[sflag:s22] =	ssyncset.done $0x0  }
0x3d: {  	s7 =	simm.s32 $0x480;
	[sflag:s22] =	ssyncadd.s32 $0xFFFFF000  }
0x3e: {  	[spmem:s2] =	stream.indirect.scatter.add.f32 [tilespmem:s17], [sflag:$0x2], $0x80, s7, s15, $0xb8;
	[tilespmem:$0x19000] =	vst v63  }
0x3f: {  	_ =	swait.ge [sflag:s13], $0x1000  }
0x40: {  	[sflag:s13] =	ssyncset.done $0x0  }
0x41: {  	s4 =	simm.s32 $0xA0;
	[sflag:s13] =	ssyncadd.s32 $0xFFFFF000  }
0x42: {  	[tilespmem:s17], [sflag:$0x1] =	stream.indirect.gather [hbm4b:s1+s15], $0x80, s4, s15, $0xb8;
	[tilespmem:$0x19000] =	vst v63  }
0x43: {  	_ =	swait.ge [sflag:s22], $0x1000  }
0x44: {  	[sflag:s22] =	ssyncset.done $0x0  }
0x45: {  	s7 =	simm.s32 $0x500;
	[sflag:s22] =	ssyncadd.s32 $0xFFFFF000  }
0x46: {  	[spmem:s2] =	stream.indirect.scatter.add.f32 [tilespmem:s19], [sflag:$0x2], $0x80, s7, s15, $0xb8;
	[tilespmem:$0x19000] =	vst v63  }
0x47: {  	_ =	swait.ge [sflag:s13], $0x1000  }
0x48: {  	[sflag:s13] =	ssyncset.done $0x0  }
0x49: {  	s4 =	simm.s32 $0xC0;
	[sflag:s13] =	ssyncadd.s32 $0xFFFFF000  }
0x4a: {  	[tilespmem:s19], [sflag:$0x1] =	stream.indirect.gather [hbm4b:s1+s15], $0x80, s4, s15, $0xb8;
	[tilespmem:$0x19000] =	vst v63  }
0x4b: {  	_ =	swait.ge [sflag:s22], $0x1000  }
0x4c: {  	[sflag:s22] =	ssyncset.done $0x0  }
0x4d: {  	s7 =	simm.s32 $0x580;
	[sflag:s22] =	ssyncadd.s32 $0xFFFFF000  }
0x4e: {  	[spmem:s2] =	stream.indirect.scatter.add.f32 [tilespmem:s21], [sflag:$0x2], $0x80, s7, s15, $0xb8;
	[tilespmem:$0x19000] =	vst v63  }
0x4f: {  	_ =	swait.ge [sflag:s13], $0x1000  }
0x50: {  	s29 =	simm.s32 $0xE0;
	[sflag:s13] =	ssyncset.done $0x0  }
0x51: {  	s31 =	simm.s32 $0x800;
	s0 =	simm.s32 $0x160;
	[sflag:s13] =	ssyncadd.s32 $0xFFFFF000  }
.LBB2_6:
0x52: {  	[tilespmem:s21], [sflag:$0x1] =	stream.indirect.gather [hbm4b:s1+s15], $0x80, s29, s15, $0xb8;
	[tilespmem:$0x19000] =	vst v63  }
0x53: {  	s4 =	smov.u32 s31;
	s29 =	smov.u32 s0  }
0x54: {  	p1 =	sne.s32 s31, $0x3000;
	s31 =	sadd.s32 $0x800, s31;
	_ =	swait.ge [sflag:s22], $0x1000  }
0x55: {  	s4 =	sshra.s32 s4, $0x2;
	[sflag:s22] =	ssyncset.done $0x0  }
0x56: {  	s7 =	sadd.s32 $0x400, s4;
	[sflag:s22] =	ssyncadd.s32 $0xFFFFF000  }
0x57: {  	[spmem:s2] =	stream.indirect.scatter.add.f32 [tilespmem:s16], [sflag:$0x2], $0x80, s7, s15, $0xb8;
	[tilespmem:$0x19000] =	vst v63  }
0x58: {  	_ =	swait.ge [sflag:s13], $0x1000  }
0x59: {  	[sflag:s13] =	ssyncset.done $0x0  }
0x5a: {  	s7 =	sadd.s32 $0xFFFFFFA0, s0;
	[sflag:s13] =	ssyncadd.s32 $0xFFFFF000  }
0x5b: {  	[tilespmem:s16], [sflag:$0x1] =	stream.indirect.gather [hbm4b:s1+s15], $0x80, s7, s15, $0xb8;
	[tilespmem:$0x19000] =	vst v63  }
0x5c: {  	_ =	swait.ge [sflag:s22], $0x1000  }
0x5d: {  	[sflag:s22] =	ssyncset.done $0x0  }
0x5e: {  	s7 =	sadd.s32 $0x480, s4;
	[sflag:s22] =	ssyncadd.s32 $0xFFFFF000  }
0x5f: {  	[spmem:s2] =	stream.indirect.scatter.add.f32 [tilespmem:s17], [sflag:$0x2], $0x80, s7, s15, $0xb8;
	[tilespmem:$0x19000] =	vst v63  }
0x60: {  	_ =	swait.ge [sflag:s13], $0x1000  }
0x61: {  	[sflag:s13] =	ssyncset.done $0x0  }
0x62: {  	s7 =	sadd.s32 $0xFFFFFFC0, s0;
	[sflag:s13] =	ssyncadd.s32 $0xFFFFF000  }
0x63: {  	[tilespmem:s17], [sflag:$0x1] =	stream.indirect.gather [hbm4b:s1+s15], $0x80, s7, s15, $0xb8;
	[tilespmem:$0x19000] =	vst v63  }
0x64: {  	_ =	swait.ge [sflag:s22], $0x1000  }
0x65: {  	[sflag:s22] =	ssyncset.done $0x0  }
0x66: {  	s7 =	sadd.s32 $0x500, s4;
	[sflag:s22] =	ssyncadd.s32 $0xFFFFF000  }
0x67: {  	[spmem:s2] =	stream.indirect.scatter.add.f32 [tilespmem:s19], [sflag:$0x2], $0x80, s7, s15, $0xb8;
	[tilespmem:$0x19000] =	vst v63  }
0x68: {  	_ =	swait.ge [sflag:s13], $0x1000  }
0x69: {  	[sflag:s13] =	ssyncset.done $0x0  }
0x6a: {  	s7 =	sadd.s32 $0xFFFFFFE0, s0;
	[sflag:s13] =	ssyncadd.s32 $0xFFFFF000  }
0x6b: {  	[tilespmem:s19], [sflag:$0x1] =	stream.indirect.gather [hbm4b:s1+s15], $0x80, s7, s15, $0xb8;
	[tilespmem:$0x19000] =	vst v63  }
0x6c: {  	_ =	swait.ge [sflag:s22], $0x1000  }
0x6d: {  	[sflag:s22] =	ssyncset.done $0x0  }
.Ltmp3:
0x6e: {  	s4 =	sadd.s32 $0x580, s4;
	[sflag:s22] =	ssyncadd.s32 $0xFFFFF000;
	(pc) =	sbr.rel @p1 .LBB2_6-.Ltmp3, $4  }
0x6f: {  	[spmem:s2] =	stream.indirect.scatter.add.f32 [tilespmem:s21], [sflag:$0x2], $0x80, s4, s15, $0xb8;
	[tilespmem:$0x19000] =	vst v63  }
0x70: {  	_ =	swait.ge [sflag:s13], $0x1000  }
0x71: {  	[sflag:s13] =	ssyncset.done $0x0  }
0x72: {  	s0 =	sadd.s32 $0x80, s0;
	[sflag:s13] =	ssyncadd.s32 $0xFFFFF000  }
0x73: {  	[tilespmem:s21], [sflag:$0x1] =	stream.indirect.gather [hbm4b:s1+s15], $0x80, s29, s15, $0xb8;
	[tilespmem:$0x19000] =	vst v63  }
0x74: {  	_ =	swait.ge [sflag:s22], $0x1000  }
0x75: {  	[sflag:s22] =	ssyncset.done $0x0  }
0x76: {  	[sflag:s22] =	ssyncadd.s32 $0xFFFFF000  }
0x77: {  	[spmem:s2] =	stream.indirect.scatter.add.f32 [tilespmem:s16], [sflag:$0x2], $0x80, s23, s15, $0xb8;
	[tilespmem:$0x19000] =	vst v63  }
0x78: {  	_ =	swait.ge [sflag:s13], $0x1000  }
0x79: {  	[sflag:s13] =	ssyncset.done $0x0  }
0x7a: {  	[sflag:s13] =	ssyncadd.s32 $0xFFFFF000  }
0x7b: {  	_ =	swait.ge [sflag:s22], $0x1000  }
0x7c: {  	[sflag:s22] =	ssyncset.done $0x0  }
0x7d: {  	[sflag:s22] =	ssyncadd.s32 $0xFFFFF000  }
0x7e: {  	[spmem:s2] =	stream.indirect.scatter.add.f32 [tilespmem:s17], [sflag:$0x2], $0x80, s25, s15, $0xb8;
	[tilespmem:$0x19000] =	vst v63  }
0x7f: {  	_ =	swait.ge [sflag:s13], $0x1000  }
0x80: {  	[sflag:s13] =	ssyncset.done $0x0  }
0x81: {  	[sflag:s13] =	ssyncadd.s32 $0xFFFFF000  }
0x82: {  	_ =	swait.ge [sflag:s22], $0x1000  }
0x83: {  	[sflag:s22] =	ssyncset.done $0x0  }
0x84: {  	[sflag:s22] =	ssyncadd.s32 $0xFFFFF000  }
0x85: {  	[spmem:s2] =	stream.indirect.scatter.add.f32 [tilespmem:s19], [sflag:$0x2], $0x80, s26, s15, $0xb8;
	[tilespmem:$0x19000] =	vst v63  }
0x86: {  	_ =	swait.ge [sflag:s13], $0x1000  }
0x87: {  	[sflag:s13] =	ssyncset.done $0x0  }
0x88: {  	[sflag:s13] =	ssyncadd.s32 $0xFFFFF000  }
0x89: {  	_ =	swait.ge [sflag:s22], $0x1000  }
0x8a: {  	s30 =	sadd.s32 $0x1, s30;
	[sflag:s22] =	ssyncset.done $0x0  }
0x8b: {  	p1 =	sne.s32 s30, $0x4;
	[sflag:s22] =	ssyncadd.s32 $0xFFFFF000  }
0x8c: {  	[spmem:s2] =	stream.indirect.scatter.add.f32 [tilespmem:s21], [sflag:$0x2], $0x80, s28, s15, $0xb8;
	[tilespmem:$0x19000] =	vst v63  }
.Ltmp4:
0x8d: {  	_ = 	snop;
	(pc) =	sbr.rel @p1 .LBB2_5-.Ltmp4, $4  }
.Ltmp5:
0x8e: {  	_ = 	snop;
	(pc) =	sbr.rel @!p1 .LBB2_8-.Ltmp5, $4  }
0x8f: {  	_ =	swait.ge [sflag:s13], $0x1000  }
0x90: {  	[sflag:s13] =	ssyncset.done $0x0  }
0x91: {  	[sflag:s13] =	ssyncadd.s32 $0xFFFFF000  }
0x92: {  	_ = 	snop  }
.LBB2_2:
0x93: {  	s0 =	sshll.u32 s29, $0x3  }
0x94: {  	s0 =	sadd.s32 s9, s0  }
0x95: {  	s30 =	sshll.u32 s0, $0x4  }
0x96: {  	s31 =	simm.s32 $0x0;
	s30 =	sadd.s32 s5, s30  }
0x97: {  	[tilespmem:s31], [sflag:$0x2] =	stream.linear.gather [hbm4b:s30+s31], $0x400, $0x38;
	[tilespmem:$0x19000] =	vst v63  }
0x98: {  	_ =	swait.ge [sflag:s13], $0x400  }
0x99: {  	s0 =	sshll.u32 s0, $0x6;
	[sflag:s13] =	ssyncset.done $0x0  }
0x9a: {  	s0 =	sadd.s32 s6, s0;
	[sflag:s13] =	ssyncadd.s32 $0xFFFFFC00  }
0x9b: {  	[tilespmem:s14], [sflag:$0x2] =	stream.linear.gather [hbm4b:s0+s31], $0x1000, $0x38;
	[tilespmem:$0x19000] =	vst v63  }
0x9c: {  	_ =	swait.ge [sflag:s13], $0x1000  }
0x9d: {  	[sflag:s13] =	ssyncset.done $0x0  }
0x9e: {  	[sflag:s13] =	ssyncadd.s32 $0xFFFFF000  }
0x9f: {  	[tilespmem:s16], [sflag:$0x1] =	stream.indirect.gather [hbm4b:s1+s15], $0x80, s31, s15, $0xb8;
	[tilespmem:$0x19000] =	vst v63  }
0xa0: {  	_ = 	snop  }
0xa1: {  	[tilespmem:s17], [sflag:$0x1] =	stream.indirect.gather [hbm4b:s1+s15], $0x80, s15, s15, $0xb8;
	[tilespmem:$0x19000] =	vst v63  }
0xa2: {  	_ = 	snop  }
0xa3: {  	[tilespmem:s19], [sflag:$0x1] =	stream.indirect.gather [hbm4b:s1+s15], $0x80, s18, s15, $0xb8;
	[tilespmem:$0x19000] =	vst v63  }
0xa4: {  	_ = 	snop  }
0xa5: {  	[tilespmem:s21], [sflag:$0x1] =	stream.indirect.gather [hbm4b:s1+s15], $0x80, s20, s15, $0xb8;
	[tilespmem:$0x19000] =	vst v63  }
0xa6: {  	_ =	swait.ge [sflag:s22], $0x1000  }
0xa7: {  	[sflag:s22] =	ssyncset.done $0x0  }
0xa8: {  	s7 =	simm.s32 $0x400;
	[sflag:s22] =	ssyncadd.s32 $0xFFFFF000  }
0xa9: {  	[spmem:s2] =	stream.indirect.scatter.add.f32 [tilespmem:s16], [sflag:$0x2], $0x80, s7, s15, $0xb8;
	[tilespmem:$0x19000] =	vst v63  }
0xaa: {  	_ =	swait.ge [sflag:s13], $0x1000  }
0xab: {  	[sflag:s13] =	ssyncset.done $0x0  }
0xac: {  	s4 =	simm.s32 $0x80;
	[sflag:s13] =	ssyncadd.s32 $0xFFFFF000  }
0xad: {  	[tilespmem:s16], [sflag:$0x1] =	stream.indirect.gather [hbm4b:s1+s15], $0x80, s4, s15, $0xb8;
	[tilespmem:$0x19000] =	vst v63  }
0xae: {  	_ =	swait.ge [sflag:s22], $0x1000  }
0xaf: {  	[sflag:s22] =	ssyncset.done $0x0  }
0xb0: {  	s7 =	simm.s32 $0x480;
	[sflag:s22] =	ssyncadd.s32 $0xFFFFF000  }
0xb1: {  	[spmem:s2] =	stream.indirect.scatter.add.f32 [tilespmem:s17], [sflag:$0x2], $0x80, s7, s15, $0xb8;
	[tilespmem:$0x19000] =	vst v63  }
0xb2: {  	_ =	swait.ge [sflag:s13], $0x1000  }
0xb3: {  	[sflag:s13] =	ssyncset.done $0x0  }
0xb4: {  	s4 =	simm.s32 $0xA0;
	[sflag:s13] =	ssyncadd.s32 $0xFFFFF000  }
0xb5: {  	[tilespmem:s17], [sflag:$0x1] =	stream.indirect.gather [hbm4b:s1+s15], $0x80, s4, s15, $0xb8;
	[tilespmem:$0x19000] =	vst v63  }
0xb6: {  	_ =	swait.ge [sflag:s22], $0x1000  }
0xb7: {  	[sflag:s22] =	ssyncset.done $0x0  }
0xb8: {  	s7 =	simm.s32 $0x500;
	[sflag:s22] =	ssyncadd.s32 $0xFFFFF000  }
0xb9: {  	[spmem:s2] =	stream.indirect.scatter.add.f32 [tilespmem:s19], [sflag:$0x2], $0x80, s7, s15, $0xb8;
	[tilespmem:$0x19000] =	vst v63  }
0xba: {  	_ =	swait.ge [sflag:s13], $0x1000  }
0xbb: {  	[sflag:s13] =	ssyncset.done $0x0  }
0xbc: {  	s4 =	simm.s32 $0xC0;
	[sflag:s13] =	ssyncadd.s32 $0xFFFFF000  }
0xbd: {  	[tilespmem:s19], [sflag:$0x1] =	stream.indirect.gather [hbm4b:s1+s15], $0x80, s4, s15, $0xb8;
	[tilespmem:$0x19000] =	vst v63  }
0xbe: {  	_ =	swait.ge [sflag:s22], $0x1000  }
0xbf: {  	[sflag:s22] =	ssyncset.done $0x0  }
0xc0: {  	s7 =	simm.s32 $0x580;
	[sflag:s22] =	ssyncadd.s32 $0xFFFFF000  }
0xc1: {  	[spmem:s2] =	stream.indirect.scatter.add.f32 [tilespmem:s21], [sflag:$0x2], $0x80, s7, s15, $0xb8;
	[tilespmem:$0x19000] =	vst v63  }
0xc2: {  	_ =	swait.ge [sflag:s13], $0x1000  }
0xc3: {  	s30 =	simm.s32 $0xE0;
	[sflag:s13] =	ssyncset.done $0x0  }
0xc4: {  	s0 =	simm.s32 $0x160;
	s31 =	simm.s32 $0x800;
	[sflag:s13] =	ssyncadd.s32 $0xFFFFF000  }
.LBB2_3:
0xc5: {  	[tilespmem:s21], [sflag:$0x1] =	stream.indirect.gather [hbm4b:s1+s15], $0x80, s30, s15, $0xb8;
	[tilespmem:$0x19000] =	vst v63  }
0xc6: {  	s4 =	smov.u32 s31;
	s30 =	smov.u32 s0  }
0xc7: {  	p1 =	sne.s32 s31, $0x3000;
	s31 =	sadd.s32 $0x800, s31;
	_ =	swait.ge [sflag:s22], $0x1000  }
0xc8: {  	s4 =	sshra.s32 s4, $0x2;
	[sflag:s22] =	ssyncset.done $0x0  }
0xc9: {  	s7 =	sadd.s32 $0x400, s4;
	[sflag:s22] =	ssyncadd.s32 $0xFFFFF000  }
0xca: {  	[spmem:s2] =	stream.indirect.scatter.add.f32 [tilespmem:s16], [sflag:$0x2], $0x80, s7, s15, $0xb8;
	[tilespmem:$0x19000] =	vst v63  }
0xcb: {  	_ =	swait.ge [sflag:s13], $0x1000  }
0xcc: {  	[sflag:s13] =	ssyncset.done $0x0  }
0xcd: {  	s7 =	sadd.s32 $0xFFFFFFA0, s0;
	[sflag:s13] =	ssyncadd.s32 $0xFFFFF000  }
0xce: {  	[tilespmem:s16], [sflag:$0x1] =	stream.indirect.gather [hbm4b:s1+s15], $0x80, s7, s15, $0xb8;
	[tilespmem:$0x19000] =	vst v63  }
0xcf: {  	_ =	swait.ge [sflag:s22], $0x1000  }
0xd0: {  	[sflag:s22] =	ssyncset.done $0x0  }
0xd1: {  	s7 =	sadd.s32 $0x480, s4;
	[sflag:s22] =	ssyncadd.s32 $0xFFFFF000  }
0xd2: {  	[spmem:s2] =	stream.indirect.scatter.add.f32 [tilespmem:s17], [sflag:$0x2], $0x80, s7, s15, $0xb8;
	[tilespmem:$0x19000] =	vst v63  }
0xd3: {  	_ =	swait.ge [sflag:s13], $0x1000  }
0xd4: {  	[sflag:s13] =	ssyncset.done $0x0  }
0xd5: {  	s7 =	sadd.s32 $0xFFFFFFC0, s0;
	[sflag:s13] =	ssyncadd.s32 $0xFFFFF000  }
0xd6: {  	[tilespmem:s17], [sflag:$0x1] =	stream.indirect.gather [hbm4b:s1+s15], $0x80, s7, s15, $0xb8;
	[tilespmem:$0x19000] =	vst v63  }
0xd7: {  	_ =	swait.ge [sflag:s22], $0x1000  }
0xd8: {  	[sflag:s22] =	ssyncset.done $0x0  }
0xd9: {  	s7 =	sadd.s32 $0x500, s4;
	[sflag:s22] =	ssyncadd.s32 $0xFFFFF000  }
0xda: {  	[spmem:s2] =	stream.indirect.scatter.add.f32 [tilespmem:s19], [sflag:$0x2], $0x80, s7, s15, $0xb8;
	[tilespmem:$0x19000] =	vst v63  }
0xdb: {  	_ =	swait.ge [sflag:s13], $0x1000  }
0xdc: {  	[sflag:s13] =	ssyncset.done $0x0  }
0xdd: {  	s7 =	sadd.s32 $0xFFFFFFE0, s0;
	[sflag:s13] =	ssyncadd.s32 $0xFFFFF000  }
0xde: {  	[tilespmem:s19], [sflag:$0x1] =	stream.indirect.gather [hbm4b:s1+s15], $0x80, s7, s15, $0xb8;
	[tilespmem:$0x19000] =	vst v63  }
0xdf: {  	_ =	swait.ge [sflag:s22], $0x1000  }
0xe0: {  	[sflag:s22] =	ssyncset.done $0x0  }
.Ltmp6:
0xe1: {  	s4 =	sadd.s32 $0x580, s4;
	[sflag:s22] =	ssyncadd.s32 $0xFFFFF000;
	(pc) =	sbr.rel @p1 .LBB2_3-.Ltmp6, $4  }
0xe2: {  	[spmem:s2] =	stream.indirect.scatter.add.f32 [tilespmem:s21], [sflag:$0x2], $0x80, s4, s15, $0xb8;
	[tilespmem:$0x19000] =	vst v63  }
0xe3: {  	_ =	swait.ge [sflag:s13], $0x1000  }
0xe4: {  	[sflag:s13] =	ssyncset.done $0x0  }
0xe5: {  	s0 =	sadd.s32 $0x80, s0;
	[sflag:s13] =	ssyncadd.s32 $0xFFFFF000  }
0xe6: {  	[tilespmem:s21], [sflag:$0x1] =	stream.indirect.gather [hbm4b:s1+s15], $0x80, s30, s15, $0xb8;
	[tilespmem:$0x19000] =	vst v63  }
0xe7: {  	_ =	swait.ge [sflag:s22], $0x1000  }
0xe8: {  	[sflag:s22] =	ssyncset.done $0x0  }
0xe9: {  	[sflag:s22] =	ssyncadd.s32 $0xFFFFF000  }
0xea: {  	[spmem:s2] =	stream.indirect.scatter.add.f32 [tilespmem:s16], [sflag:$0x2], $0x80, s23, s15, $0xb8;
	[tilespmem:$0x19000] =	vst v63  }
0xeb: {  	_ =	swait.ge [sflag:s13], $0x1000  }
0xec: {  	[sflag:s13] =	ssyncset.done $0x0  }
0xed: {  	[sflag:s13] =	ssyncadd.s32 $0xFFFFF000  }
0xee: {  	_ =	swait.ge [sflag:s22], $0x1000  }
0xef: {  	[sflag:s22] =	ssyncset.done $0x0  }
0xf0: {  	[sflag:s22] =	ssyncadd.s32 $0xFFFFF000  }
0xf1: {  	[spmem:s2] =	stream.indirect.scatter.add.f32 [tilespmem:s17], [sflag:$0x2], $0x80, s25, s15, $0xb8;
	[tilespmem:$0x19000] =	vst v63  }
0xf2: {  	_ =	swait.ge [sflag:s13], $0x1000  }
0xf3: {  	[sflag:s13] =	ssyncset.done $0x0  }
0xf4: {  	[sflag:s13] =	ssyncadd.s32 $0xFFFFF000  }
0xf5: {  	_ =	swait.ge [sflag:s22], $0x1000  }
0xf6: {  	[sflag:s22] =	ssyncset.done $0x0  }
0xf7: {  	[sflag:s22] =	ssyncadd.s32 $0xFFFFF000  }
0xf8: {  	[spmem:s2] =	stream.indirect.scatter.add.f32 [tilespmem:s19], [sflag:$0x2], $0x80, s26, s15, $0xb8;
	[tilespmem:$0x19000] =	vst v63  }
0xf9: {  	_ =	swait.ge [sflag:s13], $0x1000  }
0xfa: {  	[sflag:s13] =	ssyncset.done $0x0  }
0xfb: {  	[sflag:s13] =	ssyncadd.s32 $0xFFFFF000  }
0xfc: {  	_ =	swait.ge [sflag:s22], $0x1000  }
0xfd: {  	s29 =	sadd.s32 $0x1, s29;
	[sflag:s22] =	ssyncset.done $0x0  }
0xfe: {  	p1 =	seq.s32 s29, $0x10;
	[sflag:s22] =	ssyncadd.s32 $0xFFFFF000  }
0xff: {  	[spmem:s2] =	stream.indirect.scatter.add.f32 [tilespmem:s21], [sflag:$0x2], $0x80, s28, s15, $0xb8;
	[tilespmem:$0x19000] =	vst v63  }
.Ltmp7:
0x100: {  	_ = 	snop;
	(pc) =	sbr.rel @!p1 .LBB2_2-.Ltmp7, $4  }
.Ltmp8:
0x101: {  	_ = 	snop;
	(pc) =	sbr.rel @p1 .LBB2_8-.Ltmp8, $4  }
0x102: {  	_ =	swait.ge [sflag:s13], $0x1000  }
0x103: {  	[sflag:s13] =	ssyncset.done $0x0  }
0x104: {  	[sflag:s13] =	ssyncadd.s32 $0xFFFFF000  }
0x105: {  	_ = 	snop  }
.LBB2_9:
0x106: {  	_ =	sfence.sel $0x180000  }
0x107: {  	[bflag:$0x0] =	sbarrier.arrive $0xFFFF  }
0x108: {  	_ =	strace $0x9000004A  }
0x109: {  	s0 =	stileid.u32;
	[bflag:$0x2] =	sbarrier.arrive $0xFFFF  }
0x10a: {  	p0 =	sne.s32 s0, $0x0;
	s0 =	rddreg [dreg:$0x3]  }
0x10b: {  	s0 =	sadd.s32 @!p0 $0x100000, s0  }
0x10c: {  	[sflag:s0] =	ssyncadd.tile.s32 @!p0 $0x1;
	_ =	shalt  }
.Lfunc_end2:
_tile_overlayer_lowered:
.L_overlay_start_2:
0x10d: {  	(tag) =	ssettag $0x2  }
0x10e: {  	s0 =	rddreg [dreg:$0x0];
	s2 =	stileid.u32  }
0x10f: {  	s1 =	rddreg [dreg:$0x1];
	p0 =	sne.s32 s2, $0x0  }
0x110: {  	s3 =	rddreg [dreg:$0x2];
	[bflag:$0x3] =	sbarrier.arrive $0xFFFF;
	s2 =	simm.s32 @!p0 $0x1C02  }
0x111: {  	[timem:s3], [sflag:s2] =	dma.local @!p0 [hbm:s0], s1  }
0x112: {  	s0 =	simm.s32 @!p0 $0x2  }
0x113: {  	_ =	swait.ge @!p0 [sflag:s0], s1  }
0x114: {  	s1 =	ssub.s32 @!p0 $0x0, s1;
	[sflag:s0] =	ssyncset.done @!p0 $0x0  }
0x115: {  	[sflag:s0] =	ssyncadd.s32 @!p0 s1  }
0x116: {  	[bflag:$0x3] =	sbarrier.arrive $0xFFFF  }
0x117: {  	_ =	shalt  }

// kernel: kernel.15.cloned.1.call-start
scs
__scs_entry_jumppad:
0x0: {  	(pc) =	sbr.rel $0x88, $3  }
0x1: {  	(tag) =	ssettag $0x0;
	lr =	simm.s32 $0x1  }
0x2: {  	[smem:$0x3F9B] =	sst lr;
	_ =	strace $0xD0000000  }
0x3: {  	_ = 	snop  }
0x4: {  	_ = 	snop  }
0x5: {  	_ = 	snop  }
0x6: {  	_ = 	snop  }
0x7: {  	_ = 	snop  }
__scs_overlays_trampoline_lowered:
0x8: {  	[smem:$0x3FAA] =	sst s0  }
0x9: {  	[smem:$0x3FAB] =	sst s1  }
0xa: {  	[smem:$0x3FAC] =	sst s2  }
0xb: {  	[smem:$0x3FAD] =	sst s3  }
0xc: {  	[smem:$0x3FAE] =	sst s4  }
0xd: {  	[smem:$0x3FAF] =	sst s5  }
0xe: {  	[smem:$0x3FB0] =	sst s6  }
0xf: {  	[smem:$0x3FB1] =	sst s7  }
0x10: {  	[smem:$0x3FB2] =	sst s8  }
0x11: {  	[smem:$0x3FB3] =	sst s9;
	s0 =	simm.s32 @!p0 $0x0  }
0x12: {  	s1 =	sld [smem:$0x3F99];
	s0 =	simm.s32 @p0 $0x1  }
0x13: {  	[smem:$0x3FB4] =	sst s0;
	s0 =	simm.s32 @!p1 $0x0  }
0x14: {  	s2 =	sld [smem:$0x3F98];
	s0 =	simm.s32 @p1 $0x1  }
0x15: {  	[smem:$0x3FB5] =	sst s0;
	s0 =	simm.s32 @!p2 $0x0  }
0x16: {  	s3 =	sld [smem:$0x3FDB];
	s0 =	simm.s32 @p2 $0x1  }
0x17: {  	s4 =	simm.s32 $0x1BF5;
	[smem:$0x3FB7] =	sst s0  }
0x18: {  	s0 =	sld [smem:$0x3F9A];
	_ =	swait.ge [sflag:s4], $0x0  }
0x19: {  	s7 =	sld [smem:$0x3F9B]  }
0x1a: {  	s8 =	sadd.s32 $0xFFFFE003, lr  }
0x1b: {  	s9 =	sadd.s32 $0xFFFFFEF7, lr;
	s5 =	simm.s32 $0xFFFFFFFF;
	p2 =	slt.u32 s8, $0xFFFFF086  }
0x1c: {  	p1 =	slt.u32 s9, $0xF7A;
	s5 =	simm.s32 @!p2 $0x0  }
0x1d: {  	s5 =	simm.s32 @p1 $0x1;
	p0 =	seq.s32 s7, s2  }
0x1e: {  	s7 =	smul.u32 @!p0 $0xF7A, s2;
	p2 =	seq.s32 @!p0 s5, $0x0  }
0x1f: {  	s9 =	smul.u32 $0xF7A, s1;
	s8 =	simm.s32 @!p0 $0x1BF5;
	p2 =	por !p2, p0  }
0x20: {  	[sflag:s8] =	ssyncset.s32 @!p0 $0xFFFFF086;
	s6 =	sadd.s32 @!p0 s3, s7;
	s7 =	simm.s32 @!p0 $0x108  }
0x21: {  	s3 =	sadd.s32 s3, s9;
	s6 =	sadd.s32 @!p0 $0x88, s6;
	s7 =	simm.s32 @p2 $0x1082  }
0x22: {  	[simem:s7], [sflag:s8] =	dma.local @!p0 [hbm:s6], $0xF7A  }
0x23: {  	s9 =	sor.u32 $0xD0000000, s2;
	s6 =	simm.s32 $0x108;
	_ =	swait.ge @!p0 [sflag:s8], $0x0  }
0x24: {  	s3 =	sadd.s32 $0x88, s3;
	s6 =	simm.s32 @!p1 $0x1082;
	[sflag:s4] =	ssyncset.s32 $0xFFFFF086  }
0x25: {  	[simem:s6], [sflag:s4] =	dma.local [hbm:s3], $0xF7A  }
0x26: {  	[smem:$0x3F9B] =	sst s1;
	(tag) =	ssettag s2;
	_ =	strace s9  }
0x27: {  	s1 =	sld [smem:$0x3FAB]  }
0x28: {  	s2 =	sld [smem:$0x3FAC]  }
0x29: {  	s4 =	sld [smem:$0x3FAE]  }
0x2a: {  	p0 =	seq.s32 s5, $0x0;
	s5 =	sld [smem:$0x3FAF]  }
0x2b: {  	s6 =	sld [smem:$0x3FB0]  }
0x2c: {  	s7 =	sld [smem:$0x3FB1]  }
0x2d: {  	s3 =	simm.s32 $0x108;
	s8 =	sld [smem:$0x3FB2]  }
0x2e: {  	s3 =	simm.s32 @!p0 $0x1082;
	s9 =	sld [smem:$0x3FB3]  }
0x2f: {  	lr =	sadd.s32 s0, s3;
	s0 =	sld [smem:$0x3FAA]  }
0x30: {  	s3 =	sld [smem:$0x3FAD]  }
0x31: {  	[smem:$0x3FB6] =	sst s10  }
0x32: {  	s10 =	sld [smem:$0x3FB4];
	_ =	sdelay $0x3  }
0x33: {  	p0 =	seq.s32 s10, $0x1;
	s10 =	sld [smem:$0x3FB6];
	_ =	sdelay $0x3  }
0x34: {  	[smem:$0x3FB6] =	sst s10  }
0x35: {  	s10 =	sld [smem:$0x3FB5];
	_ =	sdelay $0x3  }
0x36: {  	p1 =	seq.s32 s10, $0x1;
	s10 =	sld [smem:$0x3FB6];
	_ =	sdelay $0x3  }
0x37: {  	[smem:$0x3FB6] =	sst s10  }
0x38: {  	s10 =	sld [smem:$0x3FB7]  }
0x39: {  	_ = 	snop;
	(pc) =	sbr.ind lr, $3  }
0x3a: {  	_ = 	snop  }
0x3b: {  	_ = 	snop  }
0x3c: {  	p2 =	seq.s32 s10, $0x1;
	s10 =	sld [smem:$0x3FB6]  }
0x3d: {  	_ =	shalt  }
0x3e: {  	_ =	shalt  }
0x3f: {  	_ =	shalt  }
0x40: {  	_ =	shalt  }
0x41: {  	_ =	shalt  }
0x42: {  	_ =	shalt  }
0x43: {  	_ =	shalt  }
0x44: {  	_ =	shalt  }
0x45: {  	_ =	shalt  }
0x46: {  	_ =	shalt  }
0x47: {  	_ =	shalt  }
0x48: {  	_ =	shalt  }
0x49: {  	_ =	shalt  }
0x4a: {  	_ =	shalt  }
0x4b: {  	_ =	shalt  }
0x4c: {  	_ =	shalt  }
0x4d: {  	_ =	shalt  }
0x4e: {  	_ =	shalt  }
0x4f: {  	_ =	shalt  }
0x50: {  	_ =	shalt  }
0x51: {  	_ =	shalt  }
0x52: {  	_ =	shalt  }
0x53: {  	_ =	shalt  }
0x54: {  	_ =	shalt  }
0x55: {  	_ =	shalt  }
0x56: {  	_ =	shalt  }
0x57: {  	_ =	shalt  }
0x58: {  	_ =	shalt  }
0x59: {  	_ =	shalt  }
0x5a: {  	_ =	shalt  }
0x5b: {  	_ =	shalt  }
0x5c: {  	_ =	shalt  }
0x5d: {  	_ =	shalt  }
0x5e: {  	_ =	shalt  }
0x5f: {  	_ =	shalt  }
0x60: {  	_ =	shalt  }
0x61: {  	_ =	shalt  }
0x62: {  	_ =	shalt  }
0x63: {  	_ =	shalt  }
0x64: {  	_ =	shalt  }
0x65: {  	_ =	shalt  }
0x66: {  	_ =	shalt  }
0x67: {  	_ =	shalt  }
0x68: {  	_ =	shalt  }
0x69: {  	_ =	shalt  }
0x6a: {  	_ =	shalt  }
0x6b: {  	_ =	shalt  }
0x6c: {  	_ =	shalt  }
0x6d: {  	_ =	shalt  }
0x6e: {  	_ =	shalt  }
0x6f: {  	_ =	shalt  }
0x70: {  	_ =	shalt  }
0x71: {  	_ =	shalt  }
0x72: {  	_ =	shalt  }
0x73: {  	_ =	shalt  }
0x74: {  	_ =	shalt  }
0x75: {  	_ =	shalt  }
0x76: {  	_ =	shalt  }
0x77: {  	_ =	shalt  }
0x78: {  	_ =	shalt  }
0x79: {  	_ =	shalt  }
0x7a: {  	_ =	shalt  }
0x7b: {  	_ =	shalt  }
0x7c: {  	_ =	shalt  }
0x7d: {  	_ =	shalt  }
0x7e: {  	_ =	shalt  }
0x7f: {  	_ =	shalt  }
0x80: {  	_ =	shalt  }
0x81: {  	_ =	shalt  }
0x82: {  	_ =	shalt  }
0x83: {  	_ =	shalt  }
0x84: {  	_ =	shalt  }
0x85: {  	_ =	shalt  }
0x86: {  	_ =	shalt  }
0x87: {  	_ =	shalt  }
.Lfunc_end0:
.L_simem_size_0:
called_computation.2_lowered:
.L_overlay_start_0:
0x88: {  	s2 =	sld [smem:$0x3FD9]  }
0x89: {  	s3 =	sld [smem:$0x3FFE];
	_ =	sdelay $0x1  }
0x8a: {  	s1 =	srdreg.scid  }
0x8b: {  	s0 =	sand.u32 $0x1, s1  }
0x8c: {  	s17 =	sshll.u32 s0, $0xA;
	s2 =	sadd.s32 s3, s2  }
0x8d: {  	s2 =	sadd.s32 s2, s17  }
0x8e: {  	[smem:$0x3FC2] =	sst s2  }
0x8f: {  	_ = 	snop  }
0x90: {  	s2 =	sld [smem:$0x3FD0];
	(tm) =	ssettm $0x1  }
0x91: {  	s18 =	sld [smem:$0x3FFB];
	_ =	sdelay $0x3  }
0x92: {  	_ =	strace s18  }
0x93: {  	s3 =	sld [smem:$0x3FFC];
	_ =	sdelay $0x3  }
0x94: {  	_ =	strace s3  }
0x95: {  	s3 =	sld [smem:$0x3FFD];
	_ =	sdelay $0x3  }
0x96: {  	_ =	strace s3  }
0x97: {  	_ =	strace $0x8FFFFFFF  }
0x98: {  	s19 =	sld [smem:$0x3FDB];
	_ =	sdelay $0x1  }
0x99: {  	s4 =	simm.s32 $_scs_section_size  }
0x9a: {  	s5 =	simm.s32 $_size__tile_overlayer_lowered;
	s6 =	simm.s32 $_tile_overlayer_lowered  }
0x9b: {  	s22 =	simm.s32 $0x1BFF;
	s21 =	sshll.u32 s6, $0x1;
	s3 =	sadd.s32 s4, s19  }
0x9c: {  	s7 =	simm.s32 $0x0;
	s20 =	sshll.u32 s5, $0x1;
	s5 =	sadd.s32 s21, s3  }
0x9d: {  	[timem:s7], [sflag:s22] =	dma.local [hbm:s5], s20  }
0x9e: {  	_ =	swait.ge [sflag:s22], s20  }
0x9f: {  	s4 =	ssub.s32 $0x0, s20;
	[sflag:s22] =	ssyncset.done $0x0  }
0xa0: {  	[sflag:s22] =	ssyncadd.s32 s4;
	_ =	sdelay $0x1  }
0xa1: {  	s23 =	simm.s32 $0x1B8B  }
0xa2: {  	_ =	swait.ge [sflag:s23], $0x1  }
0xa3: {  	[sflag:s23] =	ssyncset.done $0x0  }
0xa4: {  	s25 =	simm.s32 $0x1B8E;
	s24 =	sld [smem:$0x3FFE];
	[sflag:s23] =	ssyncadd.s32 $0xFFFFFFFF  }
0xa5: {  	s26 =	simm.s32 $execute0_lowered;
	[smem:$0x3FD2] =	sst s25  }
0xa6: {  	s5 =	sshll.u32 s26, $0x1;
	_ =	strace $0x8000004C;
	[dreg:$0x1] =	wrdreg $0xFFFFFFFF  }
0xa7: {  	s28 =	simm.s32 $_size_execute0_lowered;
	s3 =	sadd.s32 s3, s5;
	[dreg:$0x0] =	wrdreg $0x0  }
0xa8: {  	s5 =	sshll.u32 s28, $0x1;
	[dreg:$0x2] =	wrdreg s3  }
0xa9: {  	[dreg:$0x3] =	wrdreg s5  }
0xaa: {  	[dreg:$0x4] =	wrdreg $0xC0  }
0xab: {  	_ =	task [dreg:s7], $0x5FFFF  }
0xac: {  	[dreg:$0x1] =	wrdreg $0xFFFFFFFF  }
0xad: {  	[dreg:$0x0] =	wrdreg $0x60  }
0xae: {  	[dreg:$0x2] =	wrdreg s2  }
0xaf: {  	[dreg:$0x3] =	wrdreg s24  }
0xb0: {  	[dreg:$0x4] =	wrdreg $0x54000  }
0xb1: {  	[dreg:$0x5] =	wrdreg $0x9  }
0xb2: {  	_ =	task.clear_ibuf [dreg:s7], $0x6FFFF;
	_ =	strace $0x9000004C  }
0xb3: {  	s29 =	simm.s32 $0x9;
	_ =	strace $0x8000004E  }
0xb4: {  	_ =	swait.ge [sflag:s29], $0x1  }
0xb5: {  	[sflag:s29] =	ssyncadd.s32 $0xFFFFFFFF  }
0xb6: {  	_ =	strace $0x9000004E  }
0xb7: {  	_ =	sfence  }
0xb8: {  	s30 =	sld [smem:$0x0];
	_ =	sdelay $0x2  }
0xb9: {  	s31 =	sshll.u32 s1, $0xD;
	s1 =	sshrl.u32 s1, $0x2  }
0xba: {  	s3 =	sand.u32 $0x4000, s31;
	s1 =	sadd.s32 s1, s30  }
0xbb: {  	s0 =	sor.u32 s3, s0;
	s1 =	sshll.u32 s1, $0x11  }
0xbc: {  	s0 =	sor.u32 s1, s0  }
0xbd: {  	s0 =	sadd.s32 $0x8F2B, s0  }
0xbe: {  	[sflag:s0] =	ssyncadd.remote.s32 $0x1  }
0xbf: {  	_ =	sfence.sel $0xFFFF  }
0xc0: {  	[dreg:$0x0] =	wrdreg $0xFFFFFFFF;
	(pc) =	sbr.abs _section_cstart, $3  }
0xc1: {  	[dreg:$0x1] =	wrdreg $0xFFFFFFFF  }
0xc2: {  	_ =	task.clear_ibuf [dreg:s7], $0x2FFFF;
	_ =	strace $0x9FFFFFFF  }
0xc3: {  	(tm) =	ssettm $0x7FFFFFFF  }
tec
execute0_lowered:
.L_overlay_start_1:
0x0: {  	(tag) =	ssettag $0x1  }
0x1: {  	s1 =	rddreg [dreg:$0x0]  }
0x2: {  	s0 =	rddreg [dreg:$0x1]  }
0x3: {  	s2 =	rddreg [dreg:$0x2];
	s3 =	simm.s32 $0x0;
	s4 =	srdreg.scid  }
0x4: {  	s26 =	stileid.u32;
	s13 =	simm.s32 $0x2;
	s14 =	simm.s32 $0x400  }
0x5: {  	s15 =	simm.s32 $0x20;
	s16 =	simm.s32 $0x1400;
	s17 =	simm.s32 $0x2400  }
0x6: {  	s18 =	simm.s32 $0x40;
	s19 =	simm.s32 $0x3400;
	s20 =	simm.s32 $0x60  }
0x7: {  	s21 =	simm.s32 $0x4400;
	s22 =	simm.s32 $0x1;
	s23 =	simm.s32 $0x1200  }
0x8: {  	s25 =	simm.s32 $0x1280;
	s28 =	simm.s32 $0x1380;
	[smem:$0x7FF] =	sst s3  }
0x9: {  	s9 =	sand.u32 $0x1, s4;
	s5 =	sadd.s32 $0x7BA00, s0;
	s10 =	smul.u32 $0x4F000, s26  }
0xa: {  	s6 =	sadd.s32 $0x2200, s0;
	s7 =	sadd.s32 $0x2A200, s0;
	s24 =	smul.u32 $0x2780, s26  }
0xb: {  	s30 =	sshll.u32 s26, $0x6;
	s31 =	sshll.u32 s26, $0x5;
	s8 =	smul.u32 $0x27800, s9  }
0xc: {  	_ =	strace $0x8000004D;
	[dreg:$0x4] =	wrdreg s7;
	s11 =	ssub.s32 $0x2, s9  }
.Ltmp0:
0xd: {  	p0 =	seq.s32 s9, $0x1;
	s9 =	sshll.u32 s26, $0x7;
	(pc) =	sbr.rel .LBB2_1-.Ltmp0, $4  }
0xe: {  	s26 =	simm.s32 $0x1300;
	s29 =	sshrl.u32 s11, $0x1;
	s10 =	sshrl.u32 s10, $0x2  }
0xf: {  	s0 =	sadd.s32 s8, s0;
	s11 =	ssub.s32 s11, s29;
	s12 =	sadd.s32 s10, s2  }
0x10: {  	s8 =	sor.u32 $0x1C02, s30;
	s10 =	sor.u32 $0x800, s31;
	s0 =	sadd.s32 $0x85A00, s0  }
0x11: {  	s11 =	smax.u32 s11, $0x1;
	s12 =	sshrl.u32 s12, $0x3;
	s24 =	sadd.s32 s24, s0  }
.LBB2_8:
0x12: {  	s3 =	sadd.s32 $0x1, s3  }
0x13: {  	p1 =	sne.s32 s3, s11  }
.Ltmp1:
0x14: {  	[bflag:$0x0] =	sbarrier.arrive $0xFFFF;
	(pc) =	sbr.rel @!p1 .LBB2_9-.Ltmp1, $4  }
0x15: {  	[hbm:s24], [sflag:s8] =	dma.local [spmem:s12], $0x2780  }
0x16: {  	_ =	swait.ge [sflag:s13], $0x2780  }
0x17: {  	[sflag:s13] =	ssyncset.done $0x0  }
0x18: {  	[sflag:s13] =	ssyncadd.s32 $0xFFFFD880  }
.LBB2_1:
0x19: {  	s0 =	rddreg [dreg:$0x4]  }
0x1a: {  	[spmem:s12], [sflag:s8] =	dma.local [hbm:s0], $0x2780  }
.Ltmp2:
0x1b: {  	_ =	swait.ge [sflag:s13], $0x2780;
	(pc) =	sbr.rel @!p0 .LBB2_2-.Ltmp2, $4  }
0x1c: {  	[sflag:s13] =	ssyncset.done $0x0  }
0x1d: {  	[sflag:s13] =	ssyncadd.s32 $0xFFFFD880  }
0x1e: {  	[bflag:$0x0] =	sbarrier.arrive $0xFFFF  }
0x1f: {  	s29 =	simm.s32 $0x0;
	s30 =	simm.s32 $0x0  }
.LBB2_5:
0x20: {  	s0 =	sshll.u32 s30, $0x3  }
0x21: {  	s0 =	sadd.s32 s10, s0  }
0x22: {  	s4 =	sshll.u32 s0, $0x4  }
0x23: {  	s7 =	simm.s32 $0x0;
	s4 =	sadd.s32 s5, s4  }
0x24: {  	[tilespmem:s7], [sflag:$0x2] =	stream.linear.gather [hbm4b:s4+s7], $0x400, $0x38;
	[tilespmem:$0x19000] =	vst v63  }
0x25: {  	_ =	swait.ge [sflag:s13], $0x400  }
0x26: {  	s0 =	sshll.u32 s0, $0x6;
	[sflag:s13] =	ssyncset.done $0x0  }
0x27: {  	s0 =	sadd.s32 s6, s0;
	[sflag:s13] =	ssyncadd.s32 $0xFFFFFC00  }
0x28: {  	[tilespmem:s14], [sflag:$0x2] =	stream.linear.gather [hbm4b:s0+s7], $0x1000, $0x38;
	[tilespmem:$0x19000] =	vst v63  }
0x29: {  	_ =	swait.ge [sflag:s13], $0x1000  }
0x2a: {  	[sflag:s13] =	ssyncset.done $0x0  }
0x2b: {  	[sflag:s13] =	ssyncadd.s32 $0xFFFFF000  }
0x2c: {  	[tilespmem:s16], [sflag:$0x1] =	stream.indirect.gather [hbm4b:s1+s15], $0x80, s7, s15, $0xb8;
	[tilespmem:$0x19000] =	vst v63  }
0x2d: {  	_ = 	snop  }
0x2e: {  	[tilespmem:s17], [sflag:$0x1] =	stream.indirect.gather [hbm4b:s1+s15], $0x80, s15, s15, $0xb8;
	[tilespmem:$0x19000] =	vst v63  }
0x2f: {  	_ = 	snop  }
0x30: {  	[tilespmem:s19], [sflag:$0x1] =	stream.indirect.gather [hbm4b:s1+s15], $0x80, s18, s15, $0xb8;
	[tilespmem:$0x19000] =	vst v63  }
0x31: {  	_ = 	snop  }
0x32: {  	[tilespmem:s21], [sflag:$0x1] =	stream.indirect.gather [hbm4b:s1+s15], $0x80, s20, s15, $0xb8;
	[tilespmem:$0x19000] =	vst v63  }
0x33: {  	_ =	swait.ge [sflag:s22], $0x1000  }
0x34: {  	[sflag:s22] =	ssyncset.done $0x0  }
0x35: {  	s7 =	simm.s32 $0x400;
	[sflag:s22] =	ssyncadd.s32 $0xFFFFF000  }
0x36: {  	[spmem:s2] =	stream.indirect.scatter.add.f32 [tilespmem:s16], [sflag:$0x2], $0x80, s7, s15, $0xb8;
	[tilespmem:$0x19000] =	vst v63  }
0x37: {  	_ =	swait.ge [sflag:s13], $0x1000  }
0x38: {  	[sflag:s13] =	ssyncset.done $0x0  }
0x39: {  	s4 =	simm.s32 $0x80;
	[sflag:s13] =	ssyncadd.s32 $0xFFFFF000  }
0x3a: {  	[tilespmem:s16], [sflag:$0x1] =	stream.indirect.gather [hbm4b:s1+s15], $0x80, s4, s15, $0xb8;
	[tilespmem:$0x19000] =	vst v63  }
0x3b: {  	_ =	swait.ge [sflag:s22], $0x1000  }
0x3c: {  	[sflag:s22] =	ssyncset.done $0x0  }
0x3d: {  	s7 =	simm.s32 $0x480;
	[sflag:s22] =	ssyncadd.s32 $0xFFFFF000  }
0x3e: {  	[spmem:s2] =	stream.indirect.scatter.add.f32 [tilespmem:s17], [sflag:$0x2], $0x80, s7, s15, $0xb8;
	[tilespmem:$0x19000] =	vst v63  }
0x3f: {  	_ =	swait.ge [sflag:s13], $0x1000  }
0x40: {  	[sflag:s13] =	ssyncset.done $0x0  }
0x41: {  	s4 =	simm.s32 $0xA0;
	[sflag:s13] =	ssyncadd.s32 $0xFFFFF000  }
0x42: {  	[tilespmem:s17], [sflag:$0x1] =	stream.indirect.gather [hbm4b:s1+s15], $0x80, s4, s15, $0xb8;
	[tilespmem:$0x19000] =	vst v63  }
0x43: {  	_ =	swait.ge [sflag:s22], $0x1000  }
0x44: {  	[sflag:s22] =	ssyncset.done $0x0  }
0x45: {  	s7 =	simm.s32 $0x500;
	[sflag:s22] =	ssyncadd.s32 $0xFFFFF000  }
0x46: {  	[spmem:s2] =	stream.indirect.scatter.add.f32 [tilespmem:s19], [sflag:$0x2], $0x80, s7, s15, $0xb8;
	[tilespmem:$0x19000] =	vst v63  }
0x47: {  	_ =	swait.ge [sflag:s13], $0x1000  }
0x48: {  	[sflag:s13] =	ssyncset.done $0x0  }
0x49: {  	s4 =	simm.s32 $0xC0;
	[sflag:s13] =	ssyncadd.s32 $0xFFFFF000  }
0x4a: {  	[tilespmem:s19], [sflag:$0x1] =	stream.indirect.gather [hbm4b:s1+s15], $0x80, s4, s15, $0xb8;
	[tilespmem:$0x19000] =	vst v63  }
0x4b: {  	_ =	swait.ge [sflag:s22], $0x1000  }
0x4c: {  	[sflag:s22] =	ssyncset.done $0x0  }
0x4d: {  	s7 =	simm.s32 $0x580;
	[sflag:s22] =	ssyncadd.s32 $0xFFFFF000  }
0x4e: {  	[spmem:s2] =	stream.indirect.scatter.add.f32 [tilespmem:s21], [sflag:$0x2], $0x80, s7, s15, $0xb8;
	[tilespmem:$0x19000] =	vst v63  }
0x4f: {  	_ =	swait.ge [sflag:s13], $0x1000  }
0x50: {  	s29 =	simm.s32 $0xE0;
	[sflag:s13] =	ssyncset.done $0x0  }
0x51: {  	s31 =	simm.s32 $0x800;
	s0 =	simm.s32 $0x160;
	[sflag:s13] =	ssyncadd.s32 $0xFFFFF000  }
.LBB2_6:
0x52: {  	[tilespmem:s21], [sflag:$0x1] =	stream.indirect.gather [hbm4b:s1+s15], $0x80, s29, s15, $0xb8;
	[tilespmem:$0x19000] =	vst v63  }
0x53: {  	s4 =	smov.u32 s31;
	s29 =	smov.u32 s0  }
0x54: {  	p1 =	sne.s32 s31, $0x3000;
	s31 =	sadd.s32 $0x800, s31;
	_ =	swait.ge [sflag:s22], $0x1000  }
0x55: {  	s4 =	sshra.s32 s4, $0x2;
	[sflag:s22] =	ssyncset.done $0x0  }
0x56: {  	s7 =	sadd.s32 $0x400, s4;
	[sflag:s22] =	ssyncadd.s32 $0xFFFFF000  }
0x57: {  	[spmem:s2] =	stream.indirect.scatter.add.f32 [tilespmem:s16], [sflag:$0x2], $0x80, s7, s15, $0xb8;
	[tilespmem:$0x19000] =	vst v63  }
0x58: {  	_ =	swait.ge [sflag:s13], $0x1000  }
0x59: {  	[sflag:s13] =	ssyncset.done $0x0  }
0x5a: {  	s7 =	sadd.s32 $0xFFFFFFA0, s0;
	[sflag:s13] =	ssyncadd.s32 $0xFFFFF000  }
0x5b: {  	[tilespmem:s16], [sflag:$0x1] =	stream.indirect.gather [hbm4b:s1+s15], $0x80, s7, s15, $0xb8;
	[tilespmem:$0x19000] =	vst v63  }
0x5c: {  	_ =	swait.ge [sflag:s22], $0x1000  }
0x5d: {  	[sflag:s22] =	ssyncset.done $0x0  }
0x5e: {  	s7 =	sadd.s32 $0x480, s4;
	[sflag:s22] =	ssyncadd.s32 $0xFFFFF000  }
0x5f: {  	[spmem:s2] =	stream.indirect.scatter.add.f32 [tilespmem:s17], [sflag:$0x2], $0x80, s7, s15, $0xb8;
	[tilespmem:$0x19000] =	vst v63  }
0x60: {  	_ =	swait.ge [sflag:s13], $0x1000  }
0x61: {  	[sflag:s13] =	ssyncset.done $0x0  }
0x62: {  	s7 =	sadd.s32 $0xFFFFFFC0, s0;
	[sflag:s13] =	ssyncadd.s32 $0xFFFFF000  }
0x63: {  	[tilespmem:s17], [sflag:$0x1] =	stream.indirect.gather [hbm4b:s1+s15], $0x80, s7, s15, $0xb8;
	[tilespmem:$0x19000] =	vst v63  }
0x64: {  	_ =	swait.ge [sflag:s22], $0x1000  }
0x65: {  	[sflag:s22] =	ssyncset.done $0x0  }
0x66: {  	s7 =	sadd.s32 $0x500, s4;
	[sflag:s22] =	ssyncadd.s32 $0xFFFFF000  }
0x67: {  	[spmem:s2] =	stream.indirect.scatter.add.f32 [tilespmem:s19], [sflag:$0x2], $0x80, s7, s15, $0xb8;
	[tilespmem:$0x19000] =	vst v63  }
0x68: {  	_ =	swait.ge [sflag:s13], $0x1000  }
0x69: {  	[sflag:s13] =	ssyncset.done $0x0  }
0x6a: {  	s7 =	sadd.s32 $0xFFFFFFE0, s0;
	[sflag:s13] =	ssyncadd.s32 $0xFFFFF000  }
0x6b: {  	[tilespmem:s19], [sflag:$0x1] =	stream.indirect.gather [hbm4b:s1+s15], $0x80, s7, s15, $0xb8;
	[tilespmem:$0x19000] =	vst v63  }
0x6c: {  	_ =	swait.ge [sflag:s22], $0x1000  }
0x6d: {  	[sflag:s22] =	ssyncset.done $0x0  }
.Ltmp3:
0x6e: {  	s4 =	sadd.s32 $0x580, s4;
	[sflag:s22] =	ssyncadd.s32 $0xFFFFF000;
	(pc) =	sbr.rel @p1 .LBB2_6-.Ltmp3, $4  }
0x6f: {  	[spmem:s2] =	stream.indirect.scatter.add.f32 [tilespmem:s21], [sflag:$0x2], $0x80, s4, s15, $0xb8;
	[tilespmem:$0x19000] =	vst v63  }
0x70: {  	_ =	swait.ge [sflag:s13], $0x1000  }
0x71: {  	[sflag:s13] =	ssyncset.done $0x0  }
0x72: {  	s0 =	sadd.s32 $0x80, s0;
	[sflag:s13] =	ssyncadd.s32 $0xFFFFF000  }
0x73: {  	[tilespmem:s21], [sflag:$0x1] =	stream.indirect.gather [hbm4b:s1+s15], $0x80, s29, s15, $0xb8;
	[tilespmem:$0x19000] =	vst v63  }
0x74: {  	_ =	swait.ge [sflag:s22], $0x1000  }
0x75: {  	[sflag:s22] =	ssyncset.done $0x0  }
0x76: {  	[sflag:s22] =	ssyncadd.s32 $0xFFFFF000  }
0x77: {  	[spmem:s2] =	stream.indirect.scatter.add.f32 [tilespmem:s16], [sflag:$0x2], $0x80, s23, s15, $0xb8;
	[tilespmem:$0x19000] =	vst v63  }
0x78: {  	_ =	swait.ge [sflag:s13], $0x1000  }
0x79: {  	[sflag:s13] =	ssyncset.done $0x0  }
0x7a: {  	[sflag:s13] =	ssyncadd.s32 $0xFFFFF000  }
0x7b: {  	_ =	swait.ge [sflag:s22], $0x1000  }
0x7c: {  	[sflag:s22] =	ssyncset.done $0x0  }
0x7d: {  	[sflag:s22] =	ssyncadd.s32 $0xFFFFF000  }
0x7e: {  	[spmem:s2] =	stream.indirect.scatter.add.f32 [tilespmem:s17], [sflag:$0x2], $0x80, s25, s15, $0xb8;
	[tilespmem:$0x19000] =	vst v63  }
0x7f: {  	_ =	swait.ge [sflag:s13], $0x1000  }
0x80: {  	[sflag:s13] =	ssyncset.done $0x0  }
0x81: {  	[sflag:s13] =	ssyncadd.s32 $0xFFFFF000  }
0x82: {  	_ =	swait.ge [sflag:s22], $0x1000  }
0x83: {  	[sflag:s22] =	ssyncset.done $0x0  }
0x84: {  	[sflag:s22] =	ssyncadd.s32 $0xFFFFF000  }
0x85: {  	[spmem:s2] =	stream.indirect.scatter.add.f32 [tilespmem:s19], [sflag:$0x2], $0x80, s26, s15, $0xb8;
	[tilespmem:$0x19000] =	vst v63  }
0x86: {  	_ =	swait.ge [sflag:s13], $0x1000  }
0x87: {  	[sflag:s13] =	ssyncset.done $0x0  }
0x88: {  	[sflag:s13] =	ssyncadd.s32 $0xFFFFF000  }
0x89: {  	_ =	swait.ge [sflag:s22], $0x1000  }
0x8a: {  	s30 =	sadd.s32 $0x1, s30;
	[sflag:s22] =	ssyncset.done $0x0  }
0x8b: {  	p1 =	sne.s32 s30, $0x4;
	[sflag:s22] =	ssyncadd.s32 $0xFFFFF000  }
0x8c: {  	[spmem:s2] =	stream.indirect.scatter.add.f32 [tilespmem:s21], [sflag:$0x2], $0x80, s28, s15, $0xb8;
	[tilespmem:$0x19000] =	vst v63  }
.Ltmp4:
0x8d: {  	_ = 	snop;
	(pc) =	sbr.rel @p1 .LBB2_5-.Ltmp4, $4  }
.Ltmp5:
0x8e: {  	_ = 	snop;
	(pc) =	sbr.rel @!p1 .LBB2_8-.Ltmp5, $4  }
0x8f: {  	_ =	swait.ge [sflag:s13], $0x1000  }
0x90: {  	[sflag:s13] =	ssyncset.done $0x0  }
0x91: {  	[sflag:s13] =	ssyncadd.s32 $0xFFFFF000  }
0x92: {  	_ = 	snop  }
.LBB2_2:
0x93: {  	s0 =	sshll.u32 s29, $0x3  }
0x94: {  	s0 =	sadd.s32 s9, s0  }
0x95: {  	s30 =	sshll.u32 s0, $0x4  }
0x96: {  	s31 =	simm.s32 $0x0;
	s30 =	sadd.s32 s5, s30  }
0x97: {  	[tilespmem:s31], [sflag:$0x2] =	stream.linear.gather [hbm4b:s30+s31], $0x400, $0x38;
	[tilespmem:$0x19000] =	vst v63  }
0x98: {  	_ =	swait.ge [sflag:s13], $0x400  }
0x99: {  	s0 =	sshll.u32 s0, $0x6;
	[sflag:s13] =	ssyncset.done $0x0  }
0x9a: {  	s0 =	sadd.s32 s6, s0;
	[sflag:s13] =	ssyncadd.s32 $0xFFFFFC00  }
0x9b: {  	[tilespmem:s14], [sflag:$0x2] =	stream.linear.gather [hbm4b:s0+s31], $0x1000, $0x38;
	[tilespmem:$0x19000] =	vst v63  }
0x9c: {  	_ =	swait.ge [sflag:s13], $0x1000  }
0x9d: {  	[sflag:s13] =	ssyncset.done $0x0  }
0x9e: {  	[sflag:s13] =	ssyncadd.s32 $0xFFFFF000  }
0x9f: {  	[tilespmem:s16], [sflag:$0x1] =	stream.indirect.gather [hbm4b:s1+s15], $0x80, s31, s15, $0xb8;
	[tilespmem:$0x19000] =	vst v63  }
0xa0: {  	_ = 	snop  }
0xa1: {  	[tilespmem:s17], [sflag:$0x1] =	stream.indirect.gather [hbm4b:s1+s15], $0x80, s15, s15, $0xb8;
	[tilespmem:$0x19000] =	vst v63  }
0xa2: {  	_ = 	snop  }
0xa3: {  	[tilespmem:s19], [sflag:$0x1] =	stream.indirect.gather [hbm4b:s1+s15], $0x80, s18, s15, $0xb8;
	[tilespmem:$0x19000] =	vst v63  }
0xa4: {  	_ = 	snop  }
0xa5: {  	[tilespmem:s21], [sflag:$0x1] =	stream.indirect.gather [hbm4b:s1+s15], $0x80, s20, s15, $0xb8;
	[tilespmem:$0x19000] =	vst v63  }
0xa6: {  	_ =	swait.ge [sflag:s22], $0x1000  }
0xa7: {  	[sflag:s22] =	ssyncset.done $0x0  }
0xa8: {  	s7 =	simm.s32 $0x400;
	[sflag:s22] =	ssyncadd.s32 $0xFFFFF000  }
0xa9: {  	[spmem:s2] =	stream.indirect.scatter.add.f32 [tilespmem:s16], [sflag:$0x2], $0x80, s7, s15, $0xb8;
	[tilespmem:$0x19000] =	vst v63  }
0xaa: {  	_ =	swait.ge [sflag:s13], $0x1000  }
0xab: {  	[sflag:s13] =	ssyncset.done $0x0  }
0xac: {  	s4 =	simm.s32 $0x80;
	[sflag:s13] =	ssyncadd.s32 $0xFFFFF000  }
0xad: {  	[tilespmem:s16], [sflag:$0x1] =	stream.indirect.gather [hbm4b:s1+s15], $0x80, s4, s15, $0xb8;
	[tilespmem:$0x19000] =	vst v63  }
0xae: {  	_ =	swait.ge [sflag:s22], $0x1000  }
0xaf: {  	[sflag:s22] =	ssyncset.done $0x0  }
0xb0: {  	s7 =	simm.s32 $0x480;
	[sflag:s22] =	ssyncadd.s32 $0xFFFFF000  }
0xb1: {  	[spmem:s2] =	stream.indirect.scatter.add.f32 [tilespmem:s17], [sflag:$0x2], $0x80, s7, s15, $0xb8;
	[tilespmem:$0x19000] =	vst v63  }
0xb2: {  	_ =	swait.ge [sflag:s13], $0x1000  }
0xb3: {  	[sflag:s13] =	ssyncset.done $0x0  }
0xb4: {  	s4 =	simm.s32 $0xA0;
	[sflag:s13] =	ssyncadd.s32 $0xFFFFF000  }
0xb5: {  	[tilespmem:s17], [sflag:$0x1] =	stream.indirect.gather [hbm4b:s1+s15], $0x80, s4, s15, $0xb8;
	[tilespmem:$0x19000] =	vst v63  }
0xb6: {  	_ =	swait.ge [sflag:s22], $0x1000  }
0xb7: {  	[sflag:s22] =	ssyncset.done $0x0  }
0xb8: {  	s7 =	simm.s32 $0x500;
	[sflag:s22] =	ssyncadd.s32 $0xFFFFF000  }
0xb9: {  	[spmem:s2] =	stream.indirect.scatter.add.f32 [tilespmem:s19], [sflag:$0x2], $0x80, s7, s15, $0xb8;
	[tilespmem:$0x19000] =	vst v63  }
0xba: {  	_ =	swait.ge [sflag:s13], $0x1000  }
0xbb: {  	[sflag:s13] =	ssyncset.done $0x0  }
0xbc: {  	s4 =	simm.s32 $0xC0;
	[sflag:s13] =	ssyncadd.s32 $0xFFFFF000  }
0xbd: {  	[tilespmem:s19], [sflag:$0x1] =	stream.indirect.gather [hbm4b:s1+s15], $0x80, s4, s15, $0xb8;
	[tilespmem:$0x19000] =	vst v63  }
0xbe: {  	_ =	swait.ge [sflag:s22], $0x1000  }
0xbf: {  	[sflag:s22] =	ssyncset.done $0x0  }
0xc0: {  	s7 =	simm.s32 $0x580;
	[sflag:s22] =	ssyncadd.s32 $0xFFFFF000  }
0xc1: {  	[spmem:s2] =	stream.indirect.scatter.add.f32 [tilespmem:s21], [sflag:$0x2], $0x80, s7, s15, $0xb8;
	[tilespmem:$0x19000] =	vst v63  }
0xc2: {  	_ =	swait.ge [sflag:s13], $0x1000  }
0xc3: {  	s30 =	simm.s32 $0xE0;
	[sflag:s13] =	ssyncset.done $0x0  }
0xc4: {  	s0 =	simm.s32 $0x160;
	s31 =	simm.s32 $0x800;
	[sflag:s13] =	ssyncadd.s32 $0xFFFFF000  }
.LBB2_3:
0xc5: {  	[tilespmem:s21], [sflag:$0x1] =	stream.indirect.gather [hbm4b:s1+s15], $0x80, s30, s15, $0xb8;
	[tilespmem:$0x19000] =	vst v63  }
0xc6: {  	s4 =	smov.u32 s31;
	s30 =	smov.u32 s0  }
0xc7: {  	p1 =	sne.s32 s31, $0x3000;
	s31 =	sadd.s32 $0x800, s31;
	_ =	swait.ge [sflag:s22], $0x1000  }
0xc8: {  	s4 =	sshra.s32 s4, $0x2;
	[sflag:s22] =	ssyncset.done $0x0  }
0xc9: {  	s7 =	sadd.s32 $0x400, s4;
	[sflag:s22] =	ssyncadd.s32 $0xFFFFF000  }
0xca: {  	[spmem:s2] =	stream.indirect.scatter.add.f32 [tilespmem:s16], [sflag:$0x2], $0x80, s7, s15, $0xb8;
	[tilespmem:$0x19000] =	vst v63  }
0xcb: {  	_ =	swait.ge [sflag:s13], $0x1000  }
0xcc: {  	[sflag:s13] =	ssyncset.done $0x0  }
0xcd: {  	s7 =	sadd.s32 $0xFFFFFFA0, s0;
	[sflag:s13] =	ssyncadd.s32 $0xFFFFF000  }
0xce: {  	[tilespmem:s16], [sflag:$0x1] =	stream.indirect.gather [hbm4b:s1+s15], $0x80, s7, s15, $0xb8;
	[tilespmem:$0x19000] =	vst v63  }
0xcf: {  	_ =	swait.ge [sflag:s22], $0x1000  }
0xd0: {  	[sflag:s22] =	ssyncset.done $0x0  }
0xd1: {  	s7 =	sadd.s32 $0x480, s4;
	[sflag:s22] =	ssyncadd.s32 $0xFFFFF000  }
0xd2: {  	[spmem:s2] =	stream.indirect.scatter.add.f32 [tilespmem:s17], [sflag:$0x2], $0x80, s7, s15, $0xb8;
	[tilespmem:$0x19000] =	vst v63  }
0xd3: {  	_ =	swait.ge [sflag:s13], $0x1000  }
0xd4: {  	[sflag:s13] =	ssyncset.done $0x0  }
0xd5: {  	s7 =	sadd.s32 $0xFFFFFFC0, s0;
	[sflag:s13] =	ssyncadd.s32 $0xFFFFF000  }
0xd6: {  	[tilespmem:s17], [sflag:$0x1] =	stream.indirect.gather [hbm4b:s1+s15], $0x80, s7, s15, $0xb8;
	[tilespmem:$0x19000] =	vst v63  }
0xd7: {  	_ =	swait.ge [sflag:s22], $0x1000  }
0xd8: {  	[sflag:s22] =	ssyncset.done $0x0  }
0xd9: {  	s7 =	sadd.s32 $0x500, s4;
	[sflag:s22] =	ssyncadd.s32 $0xFFFFF000  }
0xda: {  	[spmem:s2] =	stream.indirect.scatter.add.f32 [tilespmem:s19], [sflag:$0x2], $0x80, s7, s15, $0xb8;
	[tilespmem:$0x19000] =	vst v63  }
0xdb: {  	_ =	swait.ge [sflag:s13], $0x1000  }
0xdc: {  	[sflag:s13] =	ssyncset.done $0x0  }
0xdd: {  	s7 =	sadd.s32 $0xFFFFFFE0, s0;
	[sflag:s13] =	ssyncadd.s32 $0xFFFFF000  }
0xde: {  	[tilespmem:s19], [sflag:$0x1] =	stream.indirect.gather [hbm4b:s1+s15], $0x80, s7, s15, $0xb8;
	[tilespmem:$0x19000] =	vst v63  }
0xdf: {  	_ =	swait.ge [sflag:s22], $0x1000  }
0xe0: {  	[sflag:s22] =	ssyncset.done $0x0  }
.Ltmp6:
0xe1: {  	s4 =	sadd.s32 $0x580, s4;
	[sflag:s22] =	ssyncadd.s32 $0xFFFFF000;
	(pc) =	sbr.rel @p1 .LBB2_3-.Ltmp6, $4  }
0xe2: {  	[spmem:s2] =	stream.indirect.scatter.add.f32 [tilespmem:s21], [sflag:$0x2], $0x80, s4, s15, $0xb8;
	[tilespmem:$0x19000] =	vst v63  }
0xe3: {  	_ =	swait.ge [sflag:s13], $0x1000  }
0xe4: {  	[sflag:s13] =	ssyncset.done $0x0  }
0xe5: {  	s0 =	sadd.s32 $0x80, s0;
	[sflag:s13] =	ssyncadd.s32 $0xFFFFF000  }
0xe6: {  	[tilespmem:s21], [sflag:$0x1] =	stream.indirect.gather [hbm4b:s1+s15], $0x80, s30, s15, $0xb8;
	[tilespmem:$0x19000] =	vst v63  }
0xe7: {  	_ =	swait.ge [sflag:s22], $0x1000  }
0xe8: {  	[sflag:s22] =	ssyncset.done $0x0  }
0xe9: {  	[sflag:s22] =	ssyncadd.s32 $0xFFFFF000  }
0xea: {  	[spmem:s2] =	stream.indirect.scatter.add.f32 [tilespmem:s16], [sflag:$0x2], $0x80, s23, s15, $0xb8;
	[tilespmem:$0x19000] =	vst v63  }
0xeb: {  	_ =	swait.ge [sflag:s13], $0x1000  }
0xec: {  	[sflag:s13] =	ssyncset.done $0x0  }
0xed: {  	[sflag:s13] =	ssyncadd.s32 $0xFFFFF000  }
0xee: {  	_ =	swait.ge [sflag:s22], $0x1000  }
0xef: {  	[sflag:s22] =	ssyncset.done $0x0  }
0xf0: {  	[sflag:s22] =	ssyncadd.s32 $0xFFFFF000  }
0xf1: {  	[spmem:s2] =	stream.indirect.scatter.add.f32 [tilespmem:s17], [sflag:$0x2], $0x80, s25, s15, $0xb8;
	[tilespmem:$0x19000] =	vst v63  }
0xf2: {  	_ =	swait.ge [sflag:s13], $0x1000  }
0xf3: {  	[sflag:s13] =	ssyncset.done $0x0  }
0xf4: {  	[sflag:s13] =	ssyncadd.s32 $0xFFFFF000  }
0xf5: {  	_ =	swait.ge [sflag:s22], $0x1000  }
0xf6: {  	[sflag:s22] =	ssyncset.done $0x0  }
0xf7: {  	[sflag:s22] =	ssyncadd.s32 $0xFFFFF000  }
0xf8: {  	[spmem:s2] =	stream.indirect.scatter.add.f32 [tilespmem:s19], [sflag:$0x2], $0x80, s26, s15, $0xb8;
	[tilespmem:$0x19000] =	vst v63  }
0xf9: {  	_ =	swait.ge [sflag:s13], $0x1000  }
0xfa: {  	[sflag:s13] =	ssyncset.done $0x0  }
0xfb: {  	[sflag:s13] =	ssyncadd.s32 $0xFFFFF000  }
0xfc: {  	_ =	swait.ge [sflag:s22], $0x1000  }
0xfd: {  	s29 =	sadd.s32 $0x1, s29;
	[sflag:s22] =	ssyncset.done $0x0  }
0xfe: {  	p1 =	seq.s32 s29, $0x10;
	[sflag:s22] =	ssyncadd.s32 $0xFFFFF000  }
0xff: {  	[spmem:s2] =	stream.indirect.scatter.add.f32 [tilespmem:s21], [sflag:$0x2], $0x80, s28, s15, $0xb8;
	[tilespmem:$0x19000] =	vst v63  }
.Ltmp7:
0x100: {  	_ = 	snop;
	(pc) =	sbr.rel @!p1 .LBB2_2-.Ltmp7, $4  }
.Ltmp8:
0x101: {  	_ = 	snop;
	(pc) =	sbr.rel @p1 .LBB2_8-.Ltmp8, $4  }
0x102: {  	_ =	swait.ge [sflag:s13], $0x1000  }
0x103: {  	[sflag:s13] =	ssyncset.done $0x0  }
0x104: {  	[sflag:s13] =	ssyncadd.s32 $0xFFFFF000  }
0x105: {  	_ = 	snop  }
.LBB2_9:
0x106: {  	_ =	sfence.sel $0x180000  }
0x107: {  	[bflag:$0x0] =	sbarrier.arrive $0xFFFF  }
0x108: {  	_ =	strace $0x9000004D  }
0x109: {  	s0 =	stileid.u32;
	[bflag:$0x2] =	sbarrier.arrive $0xFFFF  }
0x10a: {  	p0 =	sne.s32 s0, $0x0;
	s0 =	rddreg [dreg:$0x3]  }
0x10b: {  	s0 =	sadd.s32 @!p0 $0x100000, s0  }
0x10c: {  	[sflag:s0] =	ssyncadd.tile.s32 @!p0 $0x1;
	_ =	shalt  }
.Lfunc_end2:
_tile_overlayer_lowered:
.L_overlay_start_2:
0x10d: {  	(tag) =	ssettag $0x2  }
0x10e: {  	s0 =	rddreg [dreg:$0x0];
	s2 =	stileid.u32  }
0x10f: {  	s1 =	rddreg [dreg:$0x1];
	p0 =	sne.s32 s2, $0x0  }
0x110: {  	s3 =	rddreg [dreg:$0x2];
	[bflag:$0x3] =	sbarrier.arrive $0xFFFF;
	s2 =	simm.s32 @!p0 $0x1C02  }
0x111: {  	[timem:s3], [sflag:s2] =	dma.local @!p0 [hbm:s0], s1  }
0x112: {  	s0 =	simm.s32 @!p0 $0x2  }
0x113: {  	_ =	swait.ge @!p0 [sflag:s0], s1  }
0x114: {  	s1 =	ssub.s32 @!p0 $0x0, s1;
	[sflag:s0] =	ssyncset.done @!p0 $0x0  }
0x115: {  	[sflag:s0] =	ssyncadd.s32 @!p0 s1  }
0x116: {  	[bflag:$0x3] =	sbarrier.arrive $0xFFFF  }
0x117: {  	_ =	shalt  }

// kernel: kernel.9.cloned.1.call-start
scs
__scs_entry_jumppad:
0x0: {  	(pc) =	sbr.rel $0x88, $3  }
0x1: {  	(tag) =	ssettag $0x0;
	lr =	simm.s32 $0x1  }
0x2: {  	[smem:$0x3F9B] =	sst lr;
	_ =	strace $0xD0000000  }
0x3: {  	_ = 	snop  }
0x4: {  	_ = 	snop  }
0x5: {  	_ = 	snop  }
0x6: {  	_ = 	snop  }
0x7: {  	_ = 	snop  }
__scs_overlays_trampoline_lowered:
0x8: {  	[smem:$0x3FAA] =	sst s0  }
0x9: {  	[smem:$0x3FAB] =	sst s1  }
0xa: {  	[smem:$0x3FAC] =	sst s2  }
0xb: {  	[smem:$0x3FAD] =	sst s3  }
0xc: {  	[smem:$0x3FAE] =	sst s4  }
0xd: {  	[smem:$0x3FAF] =	sst s5  }
0xe: {  	[smem:$0x3FB0] =	sst s6  }
0xf: {  	[smem:$0x3FB1] =	sst s7  }
0x10: {  	[smem:$0x3FB2] =	sst s8  }
0x11: {  	[smem:$0x3FB3] =	sst s9;
	s0 =	simm.s32 @!p0 $0x0  }
0x12: {  	s1 =	sld [smem:$0x3F99];
	s0 =	simm.s32 @p0 $0x1  }
0x13: {  	[smem:$0x3FB4] =	sst s0;
	s0 =	simm.s32 @!p1 $0x0  }
0x14: {  	s2 =	sld [smem:$0x3F98];
	s0 =	simm.s32 @p1 $0x1  }
0x15: {  	[smem:$0x3FB5] =	sst s0;
	s0 =	simm.s32 @!p2 $0x0  }
0x16: {  	s3 =	sld [smem:$0x3FDB];
	s0 =	simm.s32 @p2 $0x1  }
0x17: {  	s4 =	simm.s32 $0x1BF5;
	[smem:$0x3FB7] =	sst s0  }
0x18: {  	s0 =	sld [smem:$0x3F9A];
	_ =	swait.ge [sflag:s4], $0x0  }
0x19: {  	s7 =	sld [smem:$0x3F9B]  }
0x1a: {  	s8 =	sadd.s32 $0xFFFFE003, lr  }
0x1b: {  	s9 =	sadd.s32 $0xFFFFFEF7, lr;
	s5 =	simm.s32 $0xFFFFFFFF;
	p2 =	slt.u32 s8, $0xFFFFF086  }
0x1c: {  	p1 =	slt.u32 s9, $0xF7A;
	s5 =	simm.s32 @!p2 $0x0  }
0x1d: {  	s5 =	simm.s32 @p1 $0x1;
	p0 =	seq.s32 s7, s2  }
0x1e: {  	s7 =	smul.u32 @!p0 $0xF7A, s2;
	p2 =	seq.s32 @!p0 s5, $0x0  }
0x1f: {  	s9 =	smul.u32 $0xF7A, s1;
	s8 =	simm.s32 @!p0 $0x1BF5;
	p2 =	por !p2, p0  }
0x20: {  	[sflag:s8] =	ssyncset.s32 @!p0 $0xFFFFF086;
	s6 =	sadd.s32 @!p0 s3, s7;
	s7 =	simm.s32 @!p0 $0x108  }
0x21: {  	s3 =	sadd.s32 s3, s9;
	s6 =	sadd.s32 @!p0 $0x88, s6;
	s7 =	simm.s32 @p2 $0x1082  }
0x22: {  	[simem:s7], [sflag:s8] =	dma.local @!p0 [hbm:s6], $0xF7A  }
0x23: {  	s9 =	sor.u32 $0xD0000000, s2;
	s6 =	simm.s32 $0x108;
	_ =	swait.ge @!p0 [sflag:s8], $0x0  }
0x24: {  	s3 =	sadd.s32 $0x88, s3;
	s6 =	simm.s32 @!p1 $0x1082;
	[sflag:s4] =	ssyncset.s32 $0xFFFFF086  }
0x25: {  	[simem:s6], [sflag:s4] =	dma.local [hbm:s3], $0xF7A  }
0x26: {  	[smem:$0x3F9B] =	sst s1;
	(tag) =	ssettag s2;
	_ =	strace s9  }
0x27: {  	s1 =	sld [smem:$0x3FAB]  }
0x28: {  	s2 =	sld [smem:$0x3FAC]  }
0x29: {  	s4 =	sld [smem:$0x3FAE]  }
0x2a: {  	p0 =	seq.s32 s5, $0x0;
	s5 =	sld [smem:$0x3FAF]  }
0x2b: {  	s6 =	sld [smem:$0x3FB0]  }
0x2c: {  	s7 =	sld [smem:$0x3FB1]  }
0x2d: {  	s3 =	simm.s32 $0x108;
	s8 =	sld [smem:$0x3FB2]  }
0x2e: {  	s3 =	simm.s32 @!p0 $0x1082;
	s9 =	sld [smem:$0x3FB3]  }
0x2f: {  	lr =	sadd.s32 s0, s3;
	s0 =	sld [smem:$0x3FAA]  }
0x30: {  	s3 =	sld [smem:$0x3FAD]  }
0x31: {  	[smem:$0x3FB6] =	sst s10  }
0x32: {  	s10 =	sld [smem:$0x3FB4];
	_ =	sdelay $0x3  }
0x33: {  	p0 =	seq.s32 s10, $0x1;
	s10 =	sld [smem:$0x3FB6];
	_ =	sdelay $0x3  }
0x34: {  	[smem:$0x3FB6] =	sst s10  }
0x35: {  	s10 =	sld [smem:$0x3FB5];
	_ =	sdelay $0x3  }
0x36: {  	p1 =	seq.s32 s10, $0x1;
	s10 =	sld [smem:$0x3FB6];
	_ =	sdelay $0x3  }
0x37: {  	[smem:$0x3FB6] =	sst s10  }
0x38: {  	s10 =	sld [smem:$0x3FB7]  }
0x39: {  	_ = 	snop;
	(pc) =	sbr.ind lr, $3  }
0x3a: {  	_ = 	snop  }
0x3b: {  	_ = 	snop  }
0x3c: {  	p2 =	seq.s32 s10, $0x1;
	s10 =	sld [smem:$0x3FB6]  }
0x3d: {  	_ =	shalt  }
0x3e: {  	_ =	shalt  }
0x3f: {  	_ =	shalt  }
0x40: {  	_ =	shalt  }
0x41: {  	_ =	shalt  }
0x42: {  	_ =	shalt  }
0x43: {  	_ =	shalt  }
0x44: {  	_ =	shalt  }
0x45: {  	_ =	shalt  }
0x46: {  	_ =	shalt  }
0x47: {  	_ =	shalt  }
0x48: {  	_ =	shalt  }
0x49: {  	_ =	shalt  }
0x4a: {  	_ =	shalt  }
0x4b: {  	_ =	shalt  }
0x4c: {  	_ =	shalt  }
0x4d: {  	_ =	shalt  }
0x4e: {  	_ =	shalt  }
0x4f: {  	_ =	shalt  }
0x50: {  	_ =	shalt  }
0x51: {  	_ =	shalt  }
0x52: {  	_ =	shalt  }
0x53: {  	_ =	shalt  }
0x54: {  	_ =	shalt  }
0x55: {  	_ =	shalt  }
0x56: {  	_ =	shalt  }
0x57: {  	_ =	shalt  }
0x58: {  	_ =	shalt  }
0x59: {  	_ =	shalt  }
0x5a: {  	_ =	shalt  }
0x5b: {  	_ =	shalt  }
0x5c: {  	_ =	shalt  }
0x5d: {  	_ =	shalt  }
0x5e: {  	_ =	shalt  }
0x5f: {  	_ =	shalt  }
0x60: {  	_ =	shalt  }
0x61: {  	_ =	shalt  }
0x62: {  	_ =	shalt  }
0x63: {  	_ =	shalt  }
0x64: {  	_ =	shalt  }
0x65: {  	_ =	shalt  }
0x66: {  	_ =	shalt  }
0x67: {  	_ =	shalt  }
0x68: {  	_ =	shalt  }
0x69: {  	_ =	shalt  }
0x6a: {  	_ =	shalt  }
0x6b: {  	_ =	shalt  }
0x6c: {  	_ =	shalt  }
0x6d: {  	_ =	shalt  }
0x6e: {  	_ =	shalt  }
0x6f: {  	_ =	shalt  }
0x70: {  	_ =	shalt  }
0x71: {  	_ =	shalt  }
0x72: {  	_ =	shalt  }
0x73: {  	_ =	shalt  }
0x74: {  	_ =	shalt  }
0x75: {  	_ =	shalt  }
0x76: {  	_ =	shalt  }
0x77: {  	_ =	shalt  }
0x78: {  	_ =	shalt  }
0x79: {  	_ =	shalt  }
0x7a: {  	_ =	shalt  }
0x7b: {  	_ =	shalt  }
0x7c: {  	_ =	shalt  }
0x7d: {  	_ =	shalt  }
0x7e: {  	_ =	shalt  }
0x7f: {  	_ =	shalt  }
0x80: {  	_ =	shalt  }
0x81: {  	_ =	shalt  }
0x82: {  	_ =	shalt  }
0x83: {  	_ =	shalt  }
0x84: {  	_ =	shalt  }
0x85: {  	_ =	shalt  }
0x86: {  	_ =	shalt  }
0x87: {  	_ =	shalt  }
.Lfunc_end0:
.L_simem_size_0:
called_computation_lowered:
.L_overlay_start_0:
0x88: {  	s2 =	sld [smem:$0x3FD9]  }
0x89: {  	s3 =	sld [smem:$0x3FFE];
	_ =	sdelay $0x1  }
0x8a: {  	s1 =	srdreg.scid  }
0x8b: {  	s0 =	sand.u32 $0x1, s1  }
0x8c: {  	s17 =	sshll.u32 s0, $0xA;
	s2 =	sadd.s32 s3, s2  }
0x8d: {  	s2 =	sadd.s32 s2, s17  }
0x8e: {  	[smem:$0x3FC2] =	sst s2  }
0x8f: {  	_ = 	snop  }
0x90: {  	s2 =	sld [smem:$0x3FD0];
	(tm) =	ssettm $0x1  }
0x91: {  	s18 =	sld [smem:$0x3FFB];
	_ =	sdelay $0x3  }
0x92: {  	_ =	strace s18  }
0x93: {  	s3 =	sld [smem:$0x3FFC];
	_ =	sdelay $0x3  }
0x94: {  	_ =	strace s3  }
0x95: {  	s3 =	sld [smem:$0x3FFD];
	_ =	sdelay $0x3  }
0x96: {  	_ =	strace s3  }
0x97: {  	_ =	strace $0x8FFFFFFF  }
0x98: {  	s19 =	sld [smem:$0x3FDB];
	_ =	sdelay $0x1  }
0x99: {  	s4 =	simm.s32 $_scs_section_size  }
0x9a: {  	s5 =	simm.s32 $_size__tile_overlayer_lowered;
	s6 =	simm.s32 $_tile_overlayer_lowered  }
0x9b: {  	s22 =	simm.s32 $0x1BFF;
	s21 =	sshll.u32 s6, $0x1;
	s3 =	sadd.s32 s4, s19  }
0x9c: {  	s7 =	simm.s32 $0x0;
	s20 =	sshll.u32 s5, $0x1;
	s5 =	sadd.s32 s21, s3  }
0x9d: {  	[timem:s7], [sflag:s22] =	dma.local [hbm:s5], s20  }
0x9e: {  	_ =	swait.ge [sflag:s22], s20  }
0x9f: {  	s4 =	ssub.s32 $0x0, s20;
	[sflag:s22] =	ssyncset.done $0x0  }
0xa0: {  	[sflag:s22] =	ssyncadd.s32 s4;
	_ =	sdelay $0x1  }
0xa1: {  	s23 =	simm.s32 $0x1B8B  }
0xa2: {  	_ =	swait.ge [sflag:s23], $0x1  }
0xa3: {  	[sflag:s23] =	ssyncset.done $0x0  }
0xa4: {  	s25 =	simm.s32 $0x1B8E;
	s24 =	sld [smem:$0x3FFE];
	[sflag:s23] =	ssyncadd.s32 $0xFFFFFFFF  }
0xa5: {  	s26 =	simm.s32 $execute0_lowered;
	[smem:$0x3FD2] =	sst s25  }
0xa6: {  	s5 =	sshll.u32 s26, $0x1;
	_ =	strace $0x80000046;
	[dreg:$0x1] =	wrdreg $0xFFFFFFFF  }
0xa7: {  	s28 =	simm.s32 $_size_execute0_lowered;
	s3 =	sadd.s32 s3, s5;
	[dreg:$0x0] =	wrdreg $0x0  }
0xa8: {  	s5 =	sshll.u32 s28, $0x1;
	[dreg:$0x2] =	wrdreg s3  }
0xa9: {  	[dreg:$0x3] =	wrdreg s5  }
0xaa: {  	[dreg:$0x4] =	wrdreg $0xC0  }
0xab: {  	_ =	task [dreg:s7], $0x5FFFF  }
0xac: {  	[dreg:$0x1] =	wrdreg $0xFFFFFFFF  }
0xad: {  	[dreg:$0x0] =	wrdreg $0x60  }
0xae: {  	[dreg:$0x2] =	wrdreg s24  }
0xaf: {  	[dreg:$0x3] =	wrdreg s2  }
0xb0: {  	[dreg:$0x4] =	wrdreg $0xB0000  }
0xb1: {  	[dreg:$0x5] =	wrdreg $0x9  }
0xb2: {  	_ =	task.clear_ibuf [dreg:s7], $0x6FFFF;
	_ =	strace $0x90000046  }
0xb3: {  	s29 =	simm.s32 $0x9;
	_ =	strace $0x80000048  }
0xb4: {  	_ =	swait.ge [sflag:s29], $0x1  }
0xb5: {  	[sflag:s29] =	ssyncadd.s32 $0xFFFFFFFF  }
0xb6: {  	_ =	strace $0x90000048  }
0xb7: {  	_ =	sfence  }
0xb8: {  	s30 =	sld [smem:$0x0];
	_ =	sdelay $0x2  }
0xb9: {  	s31 =	sshll.u32 s1, $0xD;
	s1 =	sshrl.u32 s1, $0x2  }
0xba: {  	s3 =	sand.u32 $0x4000, s31;
	s1 =	sadd.s32 s1, s30  }
0xbb: {  	s0 =	sor.u32 s3, s0;
	s1 =	sshll.u32 s1, $0x11  }
0xbc: {  	s0 =	sor.u32 s1, s0  }
0xbd: {  	s0 =	sadd.s32 $0x8F2B, s0  }
0xbe: {  	[sflag:s0] =	ssyncadd.remote.s32 $0x1  }
0xbf: {  	_ =	sfence.sel $0xFFFF  }
0xc0: {  	[dreg:$0x0] =	wrdreg $0xFFFFFFFF;
	(pc) =	sbr.abs _section_cstart, $3  }
0xc1: {  	[dreg:$0x1] =	wrdreg $0xFFFFFFFF  }
0xc2: {  	_ =	task.clear_ibuf [dreg:s7], $0x2FFFF;
	_ =	strace $0x9FFFFFFF  }
0xc3: {  	(tm) =	ssettm $0x7FFFFFFF  }
tec
execute0_lowered:
.L_overlay_start_1:
0x0: {  	(tag) =	ssettag $0x1  }
0x1: {  	s6 =	rddreg [dreg:$0x0]  }
0x2: {  	s0 =	srdreg.scid;
	s2 =	rddreg [dreg:$0x1]  }
0x3: {  	s3 =	rddreg [dreg:$0x2];
	s1 =	stileid.u32  }
0x4: {  	s4 =	simm.s32 $0x0;
	s5 =	sand.u32 $0x1, s0;
	s0 =	rddreg [dreg:$0x3]  }
0x5: {  	s12 =	simm.s32 $0x20;
	[smem:$0x7FF] =	sst s4;
	s10 =	smul.u32 $0x4F000, s1  }
0x6: {  	s31 =	sshll.u32 s1, $0x6;
	s14 =	smul.u32 $0x2780, s1;
	s7 =	sshll.u32 s5, $0x4  }
0x7: {  	_ =	strace $0x80000047;
	s8 =	smul.u32 $0x27800, s5;
	s9 =	ssub.s32 $0x2, s5  }
0x8: {  	s5 =	sadd.s32 $0x2A200, s6;
	s7 =	sor.u32 s1, s7;
	s29 =	sshrl.u32 s9, $0x1  }
0x9: {  	s30 =	sshrl.u32 s10, $0x2;
	s10 =	simm.s32 $0x1;
	s7 =	smul.u32 $0x1400, s7  }
0xa: {  	s8 =	sadd.s32 s8, s6;
	s9 =	ssub.s32 s9, s29;
	s11 =	sadd.s32 s30, s3  }
0xb: {  	s13 =	sadd.s32 $0x2CA00, s8;
	s8 =	smax.u32 s9, $0x1;
	s9 =	sshrl.u32 s11, $0x3  }
0xc: {  	s11 =	simm.s32 $0xA000;
	s7 =	sadd.s32 s7, s6;
	s6 =	sor.u32 $0x1C01, s31  }
0xd: {  	s13 =	sadd.s32 s14, s13;
	s14 =	simm.s32 $0x0;
	s7 =	sadd.s32 $0x2200, s7  }
.LBB2_1:
0xe: {  	[spmem:s9], [sflag:s6] =	dma.local [hbm:s5], $0x2780  }
0xf: {  	_ =	swait.ge [sflag:s10], $0x2780  }
0x10: {  	[sflag:s10] =	ssyncset.done $0x0  }
0x11: {  	[sflag:s10] =	ssyncadd.s32 $0xFFFFD880  }
0x12: {  	[tilespmem:s11], [sflag:$0x1] =	stream.linear.gather [hbm4b:s2+s4], $0x1000, $0x38;
	[tilespmem:$0x1EC00] =	vst v63  }
0x13: {  	_ =	swait.ge [sflag:s10], $0x1000  }
0x14: {  	[sflag:s10] =	ssyncset.done $0x0  }
0x15: {  	[sflag:s10] =	ssyncadd.s32 $0xFFFFF000  }
0x16: {  	[tilespmem:s4], [sflag:$0x1] =	stream.linear.gather [hbm4b:s7+s4], $0xA000, $0x38;
	[tilespmem:$0x1EC00] =	vst v63  }
0x17: {  	_ =	swait.ge [sflag:s10], $0xA000  }
0x18: {  	s15 =	sand.u32 $0x3F800, s4;
	[sflag:s10] =	ssyncset.done $0x0  }
0x19: {  	s16 =	sand.u32 $0x180, s4;
	s15 =	sshrl.u32 s15, $0x2;
	[sflag:s10] =	ssyncadd.s32 $0xFFFF6000  }
0x1a: {  	s15 =	sor.u32 s16, s15;
	[bflag:$0x0] =	sbarrier.arrive $0xFFFF  }
0x1b: {  	[spmem:s3] =	stream.indirect.scatter.add.f32 [tilespmem:s11], [sflag:$0x1], $0x80, s15, s12, $0xb8;
	[tilespmem:$0x1EC00] =	vst v63  }
0x1c: {  	s16 =	simm.s32 $0x0;
	s15 =	simm.s32 $0x200;
	_ =	swait.ge [sflag:s10], $0x1000  }
.LBB2_2:
0x1d: {  	s17 =	sand.u32 $0x3F800, s15;
	s16 =	sadd.s32 $0x80, s16  }
0x1e: {  	[sflag:s10] =	ssyncset.done $0x0;
	p0 =	sne.s32 s15, $0x27E00;
	s18 =	sand.u32 $0x180, s16  }
.Ltmp0:
0x1f: {  	s17 =	sshrl.u32 s17, $0x2;
	[sflag:s10] =	ssyncadd.s32 $0xFFFFF000;
	(pc) =	sbr.rel @p0 .LBB2_2-.Ltmp0, $4  }
0x20: {  	s15 =	sadd.s32 $0x200, s15;
	s17 =	sor.u32 s18, s17  }
0x21: {  	[spmem:s3] =	stream.indirect.scatter.add.f32 [tilespmem:s11], [sflag:$0x1], $0x80, s17, s12, $0xb8;
	[tilespmem:$0x1EC00] =	vst v63  }
0x22: {  	_ = 	snop  }
0x23: {  	_ =	swait.ge [sflag:s10], $0x1000  }
0x24: {  	[sflag:s10] =	ssyncset.done $0x0;
	s14 =	sadd.s32 $0x1, s14  }
0x25: {  	[sflag:s10] =	ssyncadd.s32 $0xFFFFF000;
	p0 =	sne.s32 s14, s8  }
.Ltmp1:
0x26: {  	[bflag:$0x0] =	sbarrier.arrive $0xFFFF;
	(pc) =	sbr.rel @p0 .LBB2_1-.Ltmp1, $4  }
0x27: {  	[hbm:s13], [sflag:s6] =	dma.local [spmem:s9], $0x2780  }
0x28: {  	_ =	swait.ge [sflag:s10], $0x2780  }
0x29: {  	[sflag:s10] =	ssyncset.done $0x0  }
0x2a: {  	[sflag:s10] =	ssyncadd.s32 $0xFFFFD880  }
0x2b: {  	_ =	sfence.sel $0x180000  }
0x2c: {  	[bflag:$0x0] =	sbarrier.arrive $0xFFFF  }
0x2d: {  	p0 =	sne.s32 s1, $0x0;
	_ =	strace $0x90000047  }
0x2e: {  	s0 =	sadd.s32 @!p0 $0x100000, s0;
	[bflag:$0x2] =	sbarrier.arrive $0xFFFF  }
0x2f: {  	[sflag:s0] =	ssyncadd.tile.s32 @!p0 $0x1;
	_ =	shalt  }
.Lfunc_end2:
_tile_overlayer_lowered:
.L_overlay_start_2:
0x30: {  	(tag) =	ssettag $0x2  }
0x31: {  	s0 =	rddreg [dreg:$0x0];
	s2 =	stileid.u32  }
0x32: {  	s1 =	rddreg [dreg:$0x1];
	p0 =	sne.s32 s2, $0x0  }
0x33: {  	s3 =	rddreg [dreg:$0x2];
	[bflag:$0x3] =	sbarrier.arrive $0xFFFF;
	s2 =	simm.s32 @!p0 $0x1C01  }
0x34: {  	[timem:s3], [sflag:s2] =	dma.local @!p0 [hbm:s0], s1  }
0x35: {  	s0 =	simm.s32 @!p0 $0x1  }
0x36: {  	_ =	swait.ge @!p0 [sflag:s0], s1  }
0x37: {  	s1 =	ssub.s32 @!p0 $0x0, s1;
	[sflag:s0] =	ssyncset.done @!p0 $0x0  }
0x38: {  	[sflag:s0] =	ssyncadd.s32 @!p0 s1  }
0x39: {  	[bflag:$0x3] =	sbarrier.arrive $0xFFFF  }
0x3a: {  	_ =	shalt  }

</sc_bundles>
